<compile_context>
chip_gen: v7x
topology: tpu7x:2x2x1
jax: 0.10.2.dev20260603
libtpu: 0.0.44.dev20260713+nightly
codegen_flags: <defaults>
</compile_context>

<pallas_src>
import functools

import jax
import jax.numpy as jnp
from jax import lax
from jax.experimental import pallas as pl
from jax.experimental.pallas import tpu as pltpu
from jax.experimental.pallas import tpu_sc as plsc

N = 10000
NP = 10240
E = 320000
M = 128
LANES = 16
NC = 2
NS = 16
NW = NC * NS
EW = E // NW
CHUNK = 80
NCH = EW // CHUNK
ROWS_T = NP // NS
ZR = 128

_f32 = jnp.float32



def _dense_body(x_ref, s_ref, w_ref, a_ref, feat_ref, t_ref, *, first):
    x = x_ref[...]
    if not first:
        t = (x[0] + x[1]) / (s_ref[0] + s_ref[1] + 1e-9)
        x = jnp.where(t > 0, t, jnp.exp(t) - 1.0)
    feat = jnp.dot(x, w_ref[...], preferred_element_type=_f32)
    feat_ref[...] = feat
    t_ref[...] = jnp.dot(feat, a_ref[...], preferred_element_type=_f32)


def _dense_stage(x, s_part, w, a_comb, *, first):
    bn = 512
    grid = (NP // bn,)
    if first:
        x_spec = pl.BlockSpec((bn, M), lambda i: (i, 0))
    else:
        x_spec = pl.BlockSpec((2, bn, M), lambda i: (0, i, 0))
    return pl.pallas_call(
        functools.partial(_dense_body, first=first),
        grid=grid,
        in_specs=[
            x_spec,
            pl.BlockSpec((2, bn, M), lambda i: (0, i, 0)),
            pl.BlockSpec((M, M), lambda i: (0, 0)),
            pl.BlockSpec((M, M), lambda i: (0, 0)),
        ],
        out_specs=[
            pl.BlockSpec((bn, M), lambda i: (i, 0)),
            pl.BlockSpec((bn, M), lambda i: (i, 0)),
        ],
        out_shape=[
            jax.ShapeDtypeStruct((NP, M), _f32),
            jax.ShapeDtypeStruct((NP, M), _f32),
        ],
    )(x, s_part, w, a_comb)


def _combine_body(p_ref, s_ref, o_ref):
    o_ref[...] = (p_ref[0] + p_ref[1]) / (s_ref[0] + s_ref[1] + 1e-9)


def _combine_stage(p, s_part):
    bn = 512
    return pl.pallas_call(
        _combine_body,
        grid=(NP // bn,),
        in_specs=[
            pl.BlockSpec((2, bn, M), lambda i: (0, i, 0)),
            pl.BlockSpec((2, bn, M), lambda i: (0, i, 0)),
        ],
        out_specs=pl.BlockSpec((bn, M), lambda i: (i, 0)),
        out_shape=jax.ShapeDtypeStruct((NP, M), _f32),
    )(p, s_part)



def _zero_shared_slice(zrow, shared, sid):

    @plsc.parallel_loop(0, ZR * (M // LANES), unroll=8)
    def _(i):
        r = i // (M // LANES)
        g = i % (M // LANES)
        zrow[r, pl.ds(g * LANES, LANES)] = jnp.zeros((LANES,), _f32)
    row0 = sid * ROWS_T
    for j in range(ROWS_T // ZR):
        pltpu.sync_copy(zrow, shared.at[pl.ds(row0 + j * ZR, ZR)])


def _sc_logits_body(t_hbm, src_hbm, dst_hbm, ee_hbm, spart_hbm,
                    sidx, didx, ts_v, td_v, ee1, eew, zrow, sacc,
                    *, heads):
    cid = lax.axis_index("c")
    sid = lax.axis_index("s")
    base0 = (cid * NS + sid) * EW

    _zero_shared_slice(zrow, sacc, sid)
    plsc.subcore_barrier()

    lane = lax.broadcasted_iota(jnp.int32, (LANES,), 0)

    def chunk_loop(c, _):
        eb = base0 + c * CHUNK
        pltpu.sync_copy(src_hbm.at[pl.ds(eb, CHUNK)], sidx)
        pltpu.sync_copy(dst_hbm.at[pl.ds(eb, CHUNK)], didx)
        pltpu.sync_copy(t_hbm.at[sidx], ts_v)
        pltpu.sync_copy(t_hbm.at[didx], td_v)

        @plsc.parallel_loop(0, CHUNK, unroll=4)
        def _(e):
            x = ts_v[e, pl.ds(0, LANES)] + td_v[e, pl.ds(LANES, LANES)]
            y = jnp.maximum(x, 0.2 * x)
            z = jnp.where(lane < heads, jnp.exp(y), 0.0)
            ee1[pl.ds(e * LANES, LANES)] = z
            if heads == 8:
                for g in range(8):
                    sp = jnp.full((LANES,), z[g], _f32)
                    eew[e, pl.ds(g * LANES, LANES)] = sp
            else:
                sp = jnp.full((LANES,), z[0], _f32)
                for g in range(8):
                    eew[e, pl.ds(g * LANES, LANES)] = sp
        pltpu.sync_copy(ee1, ee_hbm.at[pl.ds(eb * LANES, CHUNK * LANES)])
        pltpu.sync_copy(eew, sacc.at[didx], add=True)
        return 0

    lax.fori_loop(0, NCH, chunk_loop, 0)

    plsc.subcore_barrier()
    row0 = sid * ROWS_T
    pltpu.sync_copy(sacc.at[pl.ds(row0, ROWS_T)],
                    spart_hbm.at[cid, pl.ds(row0, ROWS_T)])


def _sc_logits_stage(t_comb, src, dst, *, heads):
    mesh = plsc.VectorSubcoreMesh(core_axis_name="c", subcore_axis_name="s",
                                  num_cores=NC, num_subcores=NS)
    return pl.kernel(
        functools.partial(_sc_logits_body, heads=heads),
        out_type=(
            jax.ShapeDtypeStruct((E * LANES,), _f32),
            jax.ShapeDtypeStruct((NC, NP, M), _f32),
        ),
        mesh=mesh,
        scratch_types=[
            pltpu.VMEM((CHUNK,), jnp.int32),
            pltpu.VMEM((CHUNK,), jnp.int32),
            pltpu.VMEM((CHUNK, M), _f32),
            pltpu.VMEM((CHUNK, M), _f32),
            pltpu.VMEM((CHUNK * LANES,), _f32),
            pltpu.VMEM((CHUNK, M), _f32),
            pltpu.VMEM((ZR, M), _f32),
            pltpu.VMEM_SHARED((NP, M), _f32),
        ],
    )(t_comb, src, dst)


def _sc_aggregate_body(feat_hbm, ee_hbm, src_hbm, dst_hbm, out_hbm,
                       sidx, didx, rows_v, ee1, zrow, acc,
                       *, heads, d16):
    cid = lax.axis_index("c")
    sid = lax.axis_index("s")
    base0 = (cid * NS + sid) * EW

    _zero_shared_slice(zrow, acc, sid)
    plsc.subcore_barrier()

    def chunk_loop(c, _):
        eb = base0 + c * CHUNK
        pltpu.sync_copy(src_hbm.at[pl.ds(eb, CHUNK)], sidx)
        pltpu.sync_copy(dst_hbm.at[pl.ds(eb, CHUNK)], didx)
        pltpu.sync_copy(feat_hbm.at[sidx], rows_v)
        pltpu.sync_copy(ee_hbm.at[pl.ds(eb * LANES, CHUNK * LANES)], ee1)

        @plsc.parallel_loop(0, CHUNK, unroll=4)
        def _(e):
            grp = ee1[pl.ds(e * LANES, LANES)]
            for h in range(heads):
                sp = jnp.full((LANES,), grp[h], _f32)
                for j in range(d16):
                    sl = pl.ds((h * d16 + j) * LANES, LANES)
                    rows_v[e, sl] = rows_v[e, sl] * sp
        pltpu.sync_copy(rows_v, acc.at[didx], add=True)
        return 0

    lax.fori_loop(0, NCH, chunk_loop, 0)

    plsc.subcore_barrier()
    row0 = sid * ROWS_T
    pltpu.sync_copy(acc.at[pl.ds(row0, ROWS_T)],
                    out_hbm.at[cid, pl.ds(row0, ROWS_T)])


def _sc_aggregate_stage(feat, ee, src, dst, *, heads, d16):
    mesh = plsc.VectorSubcoreMesh(core_axis_name="c", subcore_axis_name="s",
                                  num_cores=NC, num_subcores=NS)
    return pl.kernel(
        functools.partial(_sc_aggregate_body, heads=heads, d16=d16),
        out_type=jax.ShapeDtypeStruct((NC, NP, M), _f32),
        mesh=mesh,
        scratch_types=[
            pltpu.VMEM((CHUNK,), jnp.int32),
            pltpu.VMEM((CHUNK,), jnp.int32),
            pltpu.VMEM((CHUNK, M), _f32),
            pltpu.VMEM((CHUNK * LANES,), _f32),
            pltpu.VMEM((ZR, M), _f32),
            pltpu.VMEM_SHARED((NP, M), _f32),
        ],
    )(feat, ee, src, dst)



def _pack_att(al, ar):
    h, d = al.shape
    a = jnp.zeros((M, M), _f32)
    rows = jnp.arange(h * d)
    cols = jnp.repeat(jnp.arange(h), d)
    a = a.at[rows, cols].set(al.reshape(-1))
    a = a.at[rows, LANES + cols].set(ar.reshape(-1))
    return a


def _layer(x, s_prev, src, dst, w, a_comb, *, heads, d16, first):
    feat, t_comb = _dense_stage(x, s_prev, w, a_comb, first=first)
    ee, s_part = _sc_logits_stage(t_comb, src, dst, heads=heads)
    p = _sc_aggregate_stage(feat, ee, src, dst, heads=heads, d16=d16)
    return p, s_part


def kernel(inputs, edge_index, W0, al0, ar0, W1, al1, ar1, W2, al2, ar2):
    src = edge_index[0]
    dst = edge_index[1]
    x0 = jnp.pad(inputs, ((0, NP - N), (0, 0)))
    w2p = jnp.pad(W2, ((0, 0), (0, M - W2.shape[1])))
    s0 = jnp.zeros((2, NP, M), _f32)
    p, s = _layer(x0, s0, src, dst, W0, _pack_att(al0, ar0),
                  heads=8, d16=1, first=True)
    p, s = _layer(p, s, src, dst, W1, _pack_att(al1, ar1),
                  heads=8, d16=1, first=False)
    p, s = _layer(p, s, src, dst, w2p, _pack_att(al2, ar2),
                  heads=1, d16=2, first=False)
    return _combine_stage(p, s)[:N, :32]

# --- scband reference (transcript-rebuilt; emitter-appended) ---
"""Pipeline reference for scband-agnn-55087250539118 (READ-ONLY COPY).

The authoritative reference and input builder live on the scoring server;
editing this copy changes nothing except your own understanding.
"""

import jax, jax.numpy as jnp
import numpy as np

N = 10000
E = 320000
IN_DIM = 128
HID = 16
HEADS = 8
CLASSES = 32


def _glorot(k, shape):
    lim = float(np.sqrt(6.0 / (shape[0] + shape[-1])))
    return jax.random.uniform(k, shape, jnp.float32, -lim, lim)


def setup_inputs(seed: int = 0) -> dict:
    key = jax.random.key(seed)
    ks = jax.random.split(key, 16)
    inputs = jax.random.normal(ks[0], (N, IN_DIM), dtype=jnp.float32)
    edge_index = jax.random.randint(ks[1], (2, E), 0, N, dtype=jnp.int32)
    W0 = _glorot(ks[2], (IN_DIM, HEADS * HID))
    al0 = _glorot(ks[3], (HEADS, HID))
    ar0 = _glorot(ks[4], (HEADS, HID))
    W1 = _glorot(ks[5], (HEADS * HID, HEADS * HID))
    al1 = _glorot(ks[6], (HEADS, HID))
    ar1 = _glorot(ks[7], (HEADS, HID))
    W2 = _glorot(ks[8], (HEADS * HID, 1 * CLASSES))
    al2 = _glorot(ks[9], (1, CLASSES))
    ar2 = _glorot(ks[10], (1, CLASSES))
    return {"inputs": inputs, "edge_index": edge_index, "W0": W0, "al0": al0, "ar0": ar0, "W1": W1, "al1": al1, "ar1": ar1, "W2": W2, "al2": al2, "ar2": ar2}


def _gat_layer(h, src, dst, W, al, ar, heads, out_dim, apply_act):
    # GAT-style attention conv (matches DGL GATConv used by the AGNN_layers list)
    feat = (h @ W).reshape(-1, heads, out_dim)
    el = (feat * al[None, :, :]).sum(-1)  # [N, H]
    er = (feat * ar[None, :, :]).sum(-1)  # [N, H]
    e = jax.nn.leaky_relu(el[src] + er[dst], negative_slope=0.2)  # [E, H]
    m = jax.ops.segment_max(e, dst, num_segments=N)
    m = jnp.where(jnp.isfinite(m), m, 0.0)
    ee = jnp.exp(e - m[dst])
    s = jax.ops.segment_sum(ee, dst, num_segments=N)
    alpha = ee / (s[dst] + 1e-9)  # edge softmax over incoming edges
    msg = feat[src] * alpha[:, :, None]
    rst = jax.ops.segment_sum(msg, dst, num_segments=N)  # [N, H, out]
    if apply_act:
        rst = jax.nn.elu(rst)
    return rst


def reference(inputs, edge_index, W0, al0, ar0, W1, al1, ar1, W2, al2, ar2):
    src = edge_index[0]
    dst = edge_index[1]
    h = _gat_layer(inputs, src, dst, W0, al0, ar0, HEADS, HID, True).reshape(N, -1)
    h = _gat_layer(h, src, dst, W1, al1, ar1, HEADS, HID, True).reshape(N, -1)
    logits = _gat_layer(h, src, dst, W2, al2, ar2, 1, CLASSES, False).mean(axis=1)
    return logits

if __name__ == "__main__":
    import jax
    _d = setup_inputs()
    print(jax.jit(kernel)(*tuple(_d.values())))

</pallas_src>

<mosaic_0001>
#map = affine_map<(d0, d1) -> (0, 0)>
#map1 = affine_map<(d0, d1) -> (0)>
#map2 = affine_map<(d0, d1) -> (0, 0, 0)>
module attributes {stable_mosaic.version = 14 : i64} {
  func.func @_sc_logits_body(%arg0: i32, %arg1: i32, %arg2: memref<10240x128xf32, #tpu.memory_space<hbm>>, %arg3: memref<320000xi32, #tpu.memory_space<hbm>>, %arg4: memref<320000xi32, #tpu.memory_space<hbm>>, %arg5: memref<5120000xf32, #tpu.memory_space<hbm>>, %arg6: memref<2x10240x128xf32, #tpu.memory_space<hbm>>, %arg7: memref<80xi32, #tpu.memory_space<vmem>>, %arg8: memref<80xi32, #tpu.memory_space<vmem>>, %arg9: memref<80x128xf32, #tpu.memory_space<vmem>>, %arg10: memref<80x128xf32, #tpu.memory_space<vmem>>, %arg11: memref<1280xf32, #tpu.memory_space<vmem>>, %arg12: memref<80x128xf32, #tpu.memory_space<vmem>>, %arg13: memref<128x128xf32, #tpu.memory_space<vmem>>, %arg14: memref<10240x128xf32, #tpu.memory_space<vmem_shared>>) attributes {dimension_semantics = [#tpu.dimension_semantics<core_parallel>, #tpu.dimension_semantics<subcore_parallel>], iteration_bounds = array<i64: 2, 16>, scalar_prefetch = 0 : i64, scratch_operands = 8 : i64, tpu.core_type = #tpu.core_type<sc_vector_subcore>, window_params = [{transform_indices = #map}, {transform_indices = #map1}, {transform_indices = #map1}, {transform_indices = #map1}, {transform_indices = #map2}]} {
    %mul3A = arith.constant 16 : i32
    %mul3A_0 = arith.muli %arg0, %mul3A : i32
    %add3A = arith.addi %mul3A_0, %arg1 : i32
    %mul3A_1 = arith.constant 10000 : i32
    %mul3A_2 = arith.muli %add3A, %mul3A_1 : i32
    %parallel_loop3A = arith.constant 0 : i32
    %parallel_loop3A_3 = arith.constant 1024 : i32
    %parallel_loop3A_4 = arith.constant 1 : i32
    scf.for %parallel_loop3A_26 = %parallel_loop3A to %parallel_loop3A_3 step %parallel_loop3A_4  : i32 {
      %parallel_loop3A_27 = arith.constant 8 : i32
      %parallel_loop3A_28 = arith.divsi %parallel_loop3A_26, %parallel_loop3A_27 : i32
      %parallel_loop3A_29 = arith.constant 0 : i32
      %parallel_loop3A_30 = arith.cmpi sgt, %parallel_loop3A_26, %parallel_loop3A_29 : i32
      %parallel_loop3A_31 = arith.extui %parallel_loop3A_30 : i1 to i32
      %parallel_loop3A_32 = arith.constant 0 : i32
      %parallel_loop3A_33 = arith.cmpi slt, %parallel_loop3A_26, %parallel_loop3A_32 : i32
      %parallel_loop3A_34 = arith.extui %parallel_loop3A_33 : i1 to i32
      %parallel_loop3A_35 = arith.subi %parallel_loop3A_31, %parallel_loop3A_34 : i32
      %parallel_loop3A_36 = arith.constant 0 : i32
      %parallel_loop3A_37 = arith.cmpi sgt, %parallel_loop3A_27, %parallel_loop3A_36 : i32
      %parallel_loop3A_38 = arith.extui %parallel_loop3A_37 : i1 to i32
      %parallel_loop3A_39 = arith.constant 0 : i32
      %parallel_loop3A_40 = arith.cmpi slt, %parallel_loop3A_27, %parallel_loop3A_39 : i32
      %parallel_loop3A_41 = arith.extui %parallel_loop3A_40 : i1 to i32
      %parallel_loop3A_42 = arith.subi %parallel_loop3A_38, %parallel_loop3A_41 : i32
      %parallel_loop3A_43 = arith.cmpi ne, %parallel_loop3A_35, %parallel_loop3A_42 : i32
      %parallel_loop3A_44 = arith.remsi %parallel_loop3A_26, %parallel_loop3A_27 : i32
      %parallel_loop3A_45 = arith.constant 0 : i32
      %parallel_loop3A_46 = arith.cmpi ne, %parallel_loop3A_44, %parallel_loop3A_45 : i32
      %parallel_loop3A_47 = arith.andi %parallel_loop3A_43, %parallel_loop3A_46 : i1
      %parallel_loop3A_48 = arith.constant 1 : i32
      %parallel_loop3A_49 = arith.subi %parallel_loop3A_28, %parallel_loop3A_48 : i32
      %parallel_loop3A_50 = arith.select %parallel_loop3A_47, %parallel_loop3A_49, %parallel_loop3A_28 : i32
      %parallel_loop3A_51 = arith.constant 8 : i32
      %parallel_loop3A_52 = arith.constant 0 : i32
      %parallel_loop3A_53 = arith.cmpi eq, %parallel_loop3A_51, %parallel_loop3A_52 : i32
      %parallel_loop3A_54 = arith.constant 1 : i32
      %parallel_loop3A_55 = arith.select %parallel_loop3A_53, %parallel_loop3A_54, %parallel_loop3A_51 : i32
      %parallel_loop3A_56 = arith.remsi %parallel_loop3A_26, %parallel_loop3A_55 : i32
      %parallel_loop3A_57 = arith.constant 0 : i32
      %parallel_loop3A_58 = arith.cmpi ne, %parallel_loop3A_56, %parallel_loop3A_57 : i32
      %parallel_loop3A_59 = arith.constant 0 : i32
      %parallel_loop3A_60 = arith.cmpi slt, %parallel_loop3A_56, %parallel_loop3A_59 : i32
      %parallel_loop3A_61 = arith.constant 0 : i32
      %parallel_loop3A_62 = arith.cmpi slt, %parallel_loop3A_55, %parallel_loop3A_61 : i32
      %parallel_loop3A_63 = arith.xori %parallel_loop3A_60, %parallel_loop3A_62 : i1
      %parallel_loop3A_64 = arith.andi %parallel_loop3A_63, %parallel_loop3A_58 : i1
      %parallel_loop3A_65 = arith.addi %parallel_loop3A_56, %parallel_loop3A_55 : i32
      %parallel_loop3A_66 = arith.select %parallel_loop3A_64, %parallel_loop3A_65, %parallel_loop3A_56 : i32
      %parallel_loop3A_67 = arith.constant 0.000000e+00 : f32
      %parallel_loop3A_68 = vector.broadcast %parallel_loop3A_67 : f32 to vector<16xf32>
      %parallel_loop3A_69 = arith.constant 16 : i32
      %parallel_loop3A_70 = arith.muli %parallel_loop3A_66, %parallel_loop3A_69 : i32
      %parallel_loop3A_71 = arith.index_cast %parallel_loop3A_50 : i32 to index
      %parallel_loop3A_72 = arith.index_cast %parallel_loop3A_70 : i32 to index
      %parallel_loop3A_73 = tpu.vector_load %arg13[%parallel_loop3A_71, %parallel_loop3A_72] {strides = array<i32>} : memref<128x128xf32, #tpu.memory_space<vmem>>, vector<1x16xf32>,
      %parallel_loop3A_74 = vector.shape_cast %parallel_loop3A_73 : vector<1x16xf32> to vector<16xf32>
      %parallel_loop3A_75 = vector.shape_cast %parallel_loop3A_68 : vector<16xf32> to vector<1x16xf32>
      tpu.vector_store %arg13[%parallel_loop3A_71, %parallel_loop3A_72], %parallel_loop3A_75 {strides = array<i32>} : memref<128x128xf32, #tpu.memory_space<vmem>>, vector<1x16xf32>,
    } {sc.loop_unroll_factor = 8 : i64, sc.parallel_access}
    %mul3A_5 = arith.constant 640 : i32
    %mul3A_6 = arith.muli %arg1, %mul3A_5 : i32
    %add3A_7 = arith.constant 0 : i32
    %add3A_8 = arith.addi %mul3A_6, %add3A_7 : i32
    "tpu.region"() ({
      %run_scoped3A = tpu.sem_alloc : memref<!tpu.dma_semaphore, #tpu.memory_space<semaphore_mem>>
      %dma_start3A = arith.constant 0 : i32
      %dma_start3A_26 = tpu.memref_slice %arg14[%add3A_8, %dma_start3A] : memref<10240x128xf32, #tpu.memory_space<vmem_shared>> -> memref<128x128xf32, #tpu.memory_space<vmem_shared>>
      %dma_start3A_27 = arith.constant 0 : i32
      %dma_start3A_28 = tpu.memref_slice %arg14[%add3A_8, %dma_start3A_27] : memref<10240x128xf32, #tpu.memory_space<vmem_shared>> -> memref<128x128xf32, #tpu.memory_space<vmem_shared>>
      tpu.enqueue_dma source(%arg13 : memref<128x128xf32, #tpu.memory_space<vmem>>) target(%dma_start3A_28 : memref<128x128xf32, #tpu.memory_space<vmem_shared>>) target_semaphore(%run_scoped3A : memref<!tpu.dma_semaphore, #tpu.memory_space<semaphore_mem>>)
      %dma_wait3A = arith.constant 0 : i32
      %dma_wait3A_29 = tpu.memref_slice %arg14[%add3A_8, %dma_wait3A] : memref<10240x128xf32, #tpu.memory_space<vmem_shared>> -> memref<128x128xf32, #tpu.memory_space<vmem_shared>>
      %dma_wait3A_30 = arith.constant 0 : i32
      %dma_wait3A_31 = tpu.memref_slice %arg14[%add3A_8, %dma_wait3A_30] : memref<10240x128xf32, #tpu.memory_space<vmem_shared>> -> memref<128x128xf32, #tpu.memory_space<vmem_shared>>
      tpu.wait_dma2 semaphore(%run_scoped3A : memref<!tpu.dma_semaphore, #tpu.memory_space<semaphore_mem>>) src(%arg13 : memref<128x128xf32, #tpu.memory_space<vmem>>) dst(%dma_wait3A_31 : memref<128x128xf32, #tpu.memory_space<vmem_shared>>)
      tpu.yield
    }) : () -> ()
    %add3A_9 = arith.constant 128 : i32
    %add3A_10 = arith.addi %mul3A_6, %add3A_9 : i32
    "tpu.region"() ({
      %run_scoped3A = tpu.sem_alloc : memref<!tpu.dma_semaphore, #tpu.memory_space<semaphore_mem>>
      %dma_start3A = arith.constant 0 : i32
      %dma_start3A_26 = tpu.memref_slice %arg14[%add3A_10, %dma_start3A] : memref<10240x128xf32, #tpu.memory_space<vmem_shared>> -> memref<128x128xf32, #tpu.memory_space<vmem_shared>>
      %dma_start3A_27 = arith.constant 0 : i32
      %dma_start3A_28 = tpu.memref_slice %arg14[%add3A_10, %dma_start3A_27] : memref<10240x128xf32, #tpu.memory_space<vmem_shared>> -> memref<128x128xf32, #tpu.memory_space<vmem_shared>>
      tpu.enqueue_dma source(%arg13 : memref<128x128xf32, #tpu.memory_space<vmem>>) target(%dma_start3A_28 : memref<128x128xf32, #tpu.memory_space<vmem_shared>>) target_semaphore(%run_scoped3A : memref<!tpu.dma_semaphore, #tpu.memory_space<semaphore_mem>>)
      %dma_wait3A = arith.constant 0 : i32
      %dma_wait3A_29 = tpu.memref_slice %arg14[%add3A_10, %dma_wait3A] : memref<10240x128xf32, #tpu.memory_space<vmem_shared>> -> memref<128x128xf32, #tpu.memory_space<vmem_shared>>
      %dma_wait3A_30 = arith.constant 0 : i32
      %dma_wait3A_31 = tpu.memref_slice %arg14[%add3A_10, %dma_wait3A_30] : memref<10240x128xf32, #tpu.memory_space<vmem_shared>> -> memref<128x128xf32, #tpu.memory_space<vmem_shared>>
      tpu.wait_dma2 semaphore(%run_scoped3A : memref<!tpu.dma_semaphore, #tpu.memory_space<semaphore_mem>>) src(%arg13 : memref<128x128xf32, #tpu.memory_space<vmem>>) dst(%dma_wait3A_31 : memref<128x128xf32, #tpu.memory_space<vmem_shared>>)
      tpu.yield
    }) : () -> ()
    %add3A_11 = arith.constant 256 : i32
    %add3A_12 = arith.addi %mul3A_6, %add3A_11 : i32
    "tpu.region"() ({
      %run_scoped3A = tpu.sem_alloc : memref<!tpu.dma_semaphore, #tpu.memory_space<semaphore_mem>>
      %dma_start3A = arith.constant 0 : i32
      %dma_start3A_26 = tpu.memref_slice %arg14[%add3A_12, %dma_start3A] : memref<10240x128xf32, #tpu.memory_space<vmem_shared>> -> memref<128x128xf32, #tpu.memory_space<vmem_shared>>
      %dma_start3A_27 = arith.constant 0 : i32
      %dma_start3A_28 = tpu.memref_slice %arg14[%add3A_12, %dma_start3A_27] : memref<10240x128xf32, #tpu.memory_space<vmem_shared>> -> memref<128x128xf32, #tpu.memory_space<vmem_shared>>
      tpu.enqueue_dma source(%arg13 : memref<128x128xf32, #tpu.memory_space<vmem>>) target(%dma_start3A_28 : memref<128x128xf32, #tpu.memory_space<vmem_shared>>) target_semaphore(%run_scoped3A : memref<!tpu.dma_semaphore, #tpu.memory_space<semaphore_mem>>)
      %dma_wait3A = arith.constant 0 : i32
      %dma_wait3A_29 = tpu.memref_slice %arg14[%add3A_12, %dma_wait3A] : memref<10240x128xf32, #tpu.memory_space<vmem_shared>> -> memref<128x128xf32, #tpu.memory_space<vmem_shared>>
      %dma_wait3A_30 = arith.constant 0 : i32
      %dma_wait3A_31 = tpu.memref_slice %arg14[%add3A_12, %dma_wait3A_30] : memref<10240x128xf32, #tpu.memory_space<vmem_shared>> -> memref<128x128xf32, #tpu.memory_space<vmem_shared>>
      tpu.wait_dma2 semaphore(%run_scoped3A : memref<!tpu.dma_semaphore, #tpu.memory_space<semaphore_mem>>) src(%arg13 : memref<128x128xf32, #tpu.memory_space<vmem>>) dst(%dma_wait3A_31 : memref<128x128xf32, #tpu.memory_space<vmem_shared>>)
      tpu.yield
    }) : () -> ()
    %add3A_13 = arith.constant 384 : i32
    %add3A_14 = arith.addi %mul3A_6, %add3A_13 : i32
    "tpu.region"() ({
      %run_scoped3A = tpu.sem_alloc : memref<!tpu.dma_semaphore, #tpu.memory_space<semaphore_mem>>
      %dma_start3A = arith.constant 0 : i32
      %dma_start3A_26 = tpu.memref_slice %arg14[%add3A_14, %dma_start3A] : memref<10240x128xf32, #tpu.memory_space<vmem_shared>> -> memref<128x128xf32, #tpu.memory_space<vmem_shared>>
      %dma_start3A_27 = arith.constant 0 : i32
      %dma_start3A_28 = tpu.memref_slice %arg14[%add3A_14, %dma_start3A_27] : memref<10240x128xf32, #tpu.memory_space<vmem_shared>> -> memref<128x128xf32, #tpu.memory_space<vmem_shared>>
      tpu.enqueue_dma source(%arg13 : memref<128x128xf32, #tpu.memory_space<vmem>>) target(%dma_start3A_28 : memref<128x128xf32, #tpu.memory_space<vmem_shared>>) target_semaphore(%run_scoped3A : memref<!tpu.dma_semaphore, #tpu.memory_space<semaphore_mem>>)
      %dma_wait3A = arith.constant 0 : i32
      %dma_wait3A_29 = tpu.memref_slice %arg14[%add3A_14, %dma_wait3A] : memref<10240x128xf32, #tpu.memory_space<vmem_shared>> -> memref<128x128xf32, #tpu.memory_space<vmem_shared>>
      %dma_wait3A_30 = arith.constant 0 : i32
      %dma_wait3A_31 = tpu.memref_slice %arg14[%add3A_14, %dma_wait3A_30] : memref<10240x128xf32, #tpu.memory_space<vmem_shared>> -> memref<128x128xf32, #tpu.memory_space<vmem_shared>>
      tpu.wait_dma2 semaphore(%run_scoped3A : memref<!tpu.dma_semaphore, #tpu.memory_space<semaphore_mem>>) src(%arg13 : memref<128x128xf32, #tpu.memory_space<vmem>>) dst(%dma_wait3A_31 : memref<128x128xf32, #tpu.memory_space<vmem_shared>>)
      tpu.yield
    }) : () -> ()
    %add3A_15 = arith.constant 512 : i32
    %add3A_16 = arith.addi %mul3A_6, %add3A_15 : i32
    "tpu.region"() ({
      %run_scoped3A = tpu.sem_alloc : memref<!tpu.dma_semaphore, #tpu.memory_space<semaphore_mem>>
      %dma_start3A = arith.constant 0 : i32
      %dma_start3A_26 = tpu.memref_slice %arg14[%add3A_16, %dma_start3A] : memref<10240x128xf32, #tpu.memory_space<vmem_shared>> -> memref<128x128xf32, #tpu.memory_space<vmem_shared>>
      %dma_start3A_27 = arith.constant 0 : i32
      %dma_start3A_28 = tpu.memref_slice %arg14[%add3A_16, %dma_start3A_27] : memref<10240x128xf32, #tpu.memory_space<vmem_shared>> -> memref<128x128xf32, #tpu.memory_space<vmem_shared>>
      tpu.enqueue_dma source(%arg13 : memref<128x128xf32, #tpu.memory_space<vmem>>) target(%dma_start3A_28 : memref<128x128xf32, #tpu.memory_space<vmem_shared>>) target_semaphore(%run_scoped3A : memref<!tpu.dma_semaphore, #tpu.memory_space<semaphore_mem>>)
      %dma_wait3A = arith.constant 0 : i32
      %dma_wait3A_29 = tpu.memref_slice %arg14[%add3A_16, %dma_wait3A] : memref<10240x128xf32, #tpu.memory_space<vmem_shared>> -> memref<128x128xf32, #tpu.memory_space<vmem_shared>>
      %dma_wait3A_30 = arith.constant 0 : i32
      %dma_wait3A_31 = tpu.memref_slice %arg14[%add3A_16, %dma_wait3A_30] : memref<10240x128xf32, #tpu.memory_space<vmem_shared>> -> memref<128x128xf32, #tpu.memory_space<vmem_shared>>
      tpu.wait_dma2 semaphore(%run_scoped3A : memref<!tpu.dma_semaphore, #tpu.memory_space<semaphore_mem>>) src(%arg13 : memref<128x128xf32, #tpu.memory_space<vmem>>) dst(%dma_wait3A_31 : memref<128x128xf32, #tpu.memory_space<vmem_shared>>)
      tpu.yield
    }) : () -> ()
    %barrier3A = arith.constant 0 : index
    tpu.barrier barrier_id(%barrier3A)
    %iota3A = tpu.iota {dimensions = array<i32: 0>} : vector<16xi32>
    %scan3A = arith.constant 0 : i32
    %scan3A_17 = arith.constant 0 : i32
    %scan3A_18 = arith.constant 125 : i32
    %scan3A_19 = arith.addi %scan3A_17, %scan3A_18 : i32
    %scan3A_20 = arith.constant 1 : i32
    %scan3A_21 = scf.for %scan3A_26 = %scan3A_17 to %scan3A_19 step %scan3A_20 iter_args(%scan3A_27 = %scan3A) -> (i32)  : i32 {
      %mul3A_28 = arith.constant 80 : i32
      %mul3A_29 = arith.muli %scan3A_26, %mul3A_28 : i32
      %add3A_30 = arith.addi %mul3A_2, %mul3A_29 : i32
      "tpu.region"() ({
        %run_scoped3A = tpu.sem_alloc : memref<!tpu.dma_semaphore, #tpu.memory_space<semaphore_mem>>
        %dma_start3A = tpu.memref_slice %arg3[%add3A_30] : memref<320000xi32, #tpu.memory_space<hbm>> -> memref<80xi32, #tpu.memory_space<hbm>>
        %dma_start3A_37 = tpu.memref_slice %arg3[%add3A_30] : memref<320000xi32, #tpu.memory_space<hbm>> -> memref<80xi32, #tpu.memory_space<hbm>>
        tpu.enqueue_dma source(%dma_start3A_37 : memref<80xi32, #tpu.memory_space<hbm>>) target(%arg7 : memref<80xi32, #tpu.memory_space<vmem>>) target_semaphore(%run_scoped3A : memref<!tpu.dma_semaphore, #tpu.memory_space<semaphore_mem>>)
        %dma_wait3A = tpu.memref_slice %arg3[%add3A_30] : memref<320000xi32, #tpu.memory_space<hbm>> -> memref<80xi32, #tpu.memory_space<hbm>>
        %dma_wait3A_38 = tpu.memref_slice %arg3[%add3A_30] : memref<320000xi32, #tpu.memory_space<hbm>> -> memref<80xi32, #tpu.memory_space<hbm>>
        tpu.wait_dma2 semaphore(%run_scoped3A : memref<!tpu.dma_semaphore, #tpu.memory_space<semaphore_mem>>) src(%dma_wait3A_38 : memref<80xi32, #tpu.memory_space<hbm>>) dst(%arg7 : memref<80xi32, #tpu.memory_space<vmem>>)
        tpu.yield
      }) : () -> ()
      "tpu.region"() ({
        %run_scoped3A = tpu.sem_alloc : memref<!tpu.dma_semaphore, #tpu.memory_space<semaphore_mem>>
        %dma_start3A = tpu.memref_slice %arg4[%add3A_30] : memref<320000xi32, #tpu.memory_space<hbm>> -> memref<80xi32, #tpu.memory_space<hbm>>
        %dma_start3A_37 = tpu.memref_slice %arg4[%add3A_30] : memref<320000xi32, #tpu.memory_space<hbm>> -> memref<80xi32, #tpu.memory_space<hbm>>
        tpu.enqueue_dma source(%dma_start3A_37 : memref<80xi32, #tpu.memory_space<hbm>>) target(%arg8 : memref<80xi32, #tpu.memory_space<vmem>>) target_semaphore(%run_scoped3A : memref<!tpu.dma_semaphore, #tpu.memory_space<semaphore_mem>>)
        %dma_wait3A = tpu.memref_slice %arg4[%add3A_30] : memref<320000xi32, #tpu.memory_space<hbm>> -> memref<80xi32, #tpu.memory_space<hbm>>
        %dma_wait3A_38 = tpu.memref_slice %arg4[%add3A_30] : memref<320000xi32, #tpu.memory_space<hbm>> -> memref<80xi32, #tpu.memory_space<hbm>>
        tpu.wait_dma2 semaphore(%run_scoped3A : memref<!tpu.dma_semaphore, #tpu.memory_space<semaphore_mem>>) src(%dma_wait3A_38 : memref<80xi32, #tpu.memory_space<hbm>>) dst(%arg8 : memref<80xi32, #tpu.memory_space<vmem>>)
        tpu.yield
      }) : () -> ()
      "tpu.region"() ({
        %run_scoped3A = tpu.sem_alloc : memref<!tpu.dma_semaphore, #tpu.memory_space<semaphore_mem>>
        %dma_start3A = arith.constant 0 : i32
        %dma_start3A_37 = arith.constant 0 : i32
        %dma_start3A_38 = tpu.memref_slice %arg2[%dma_start3A, %dma_start3A_37] : memref<10240x128xf32, #tpu.memory_space<hbm>> -> memref<10240x128xf32, #tpu.memory_space<hbm>>
        tpu.enqueue_indirect_dma source(%dma_start3A_38 : memref<10240x128xf32, #tpu.memory_space<hbm>>) target(%arg9 : memref<80x128xf32, #tpu.memory_space<vmem>>) offsets(%arg7 : memref<80xi32, #tpu.memory_space<vmem>>) semaphore(%run_scoped3A : memref<!tpu.dma_semaphore, #tpu.memory_space<semaphore_mem>>)
        %dma_wait3A = arith.constant 0 : i32
        %dma_wait3A_39 = arith.constant 0 : i32
        %dma_wait3A_40 = tpu.memref_slice %arg2[%dma_wait3A, %dma_wait3A_39] : memref<10240x128xf32, #tpu.memory_space<hbm>> -> memref<10240x128xf32, #tpu.memory_space<hbm>>
        tpu.wait_indirect_dma semaphore(%run_scoped3A : memref<!tpu.dma_semaphore, #tpu.memory_space<semaphore_mem>>) src(%dma_wait3A_40 : memref<10240x128xf32, #tpu.memory_space<hbm>>) dst(%arg9 : memref<80x128xf32, #tpu.memory_space<vmem>>)
        tpu.yield
      }) : () -> ()
      "tpu.region"() ({
        %run_scoped3A = tpu.sem_alloc : memref<!tpu.dma_semaphore, #tpu.memory_space<semaphore_mem>>
        %dma_start3A = arith.constant 0 : i32
        %dma_start3A_37 = arith.constant 0 : i32
        %dma_start3A_38 = tpu.memref_slice %arg2[%dma_start3A, %dma_start3A_37] : memref<10240x128xf32, #tpu.memory_space<hbm>> -> memref<10240x128xf32, #tpu.memory_space<hbm>>
        tpu.enqueue_indirect_dma source(%dma_start3A_38 : memref<10240x128xf32, #tpu.memory_space<hbm>>) target(%arg10 : memref<80x128xf32, #tpu.memory_space<vmem>>) offsets(%arg8 : memref<80xi32, #tpu.memory_space<vmem>>) semaphore(%run_scoped3A : memref<!tpu.dma_semaphore, #tpu.memory_space<semaphore_mem>>)
        %dma_wait3A = arith.constant 0 : i32
        %dma_wait3A_39 = arith.constant 0 : i32
        %dma_wait3A_40 = tpu.memref_slice %arg2[%dma_wait3A, %dma_wait3A_39] : memref<10240x128xf32, #tpu.memory_space<hbm>> -> memref<10240x128xf32, #tpu.memory_space<hbm>>
        tpu.wait_indirect_dma semaphore(%run_scoped3A : memref<!tpu.dma_semaphore, #tpu.memory_space<semaphore_mem>>) src(%dma_wait3A_40 : memref<10240x128xf32, #tpu.memory_space<hbm>>) dst(%arg10 : memref<80x128xf32, #tpu.memory_space<vmem>>)
        tpu.yield
      }) : () -> ()
      %parallel_loop3A_31 = arith.constant 0 : i32
      %parallel_loop3A_32 = arith.constant 80 : i32
      %parallel_loop3A_33 = arith.constant 1 : i32
      scf.for %parallel_loop3A_37 = %parallel_loop3A_31 to %parallel_loop3A_32 step %parallel_loop3A_33  : i32 {
        %parallel_loop3A_38 = arith.index_cast %parallel_loop3A_37 : i32 to index
        %parallel_loop3A_39 = arith.constant 0 : index
        %parallel_loop3A_40 = tpu.vector_load %arg9[%parallel_loop3A_38, %parallel_loop3A_39] {strides = array<i32>} : memref<80x128xf32, #tpu.memory_space<vmem>>, vector<1x16xf32>,
        %parallel_loop3A_41 = vector.shape_cast %parallel_loop3A_40 : vector<1x16xf32> to vector<16xf32>
        %parallel_loop3A_42 = arith.index_cast %parallel_loop3A_37 : i32 to index
        %parallel_loop3A_43 = arith.constant 16 : index
        %parallel_loop3A_44 = tpu.vector_load %arg10[%parallel_loop3A_42, %parallel_loop3A_43] {strides = array<i32>} : memref<80x128xf32, #tpu.memory_space<vmem>>, vector<1x16xf32>,
        %parallel_loop3A_45 = vector.shape_cast %parallel_loop3A_44 : vector<1x16xf32> to vector<16xf32>
        %parallel_loop3A_46 = arith.addf %parallel_loop3A_41, %parallel_loop3A_45 : vector<16xf32>
        %parallel_loop3A_47 = arith.constant 2.000000e-01 : f32
        %parallel_loop3A_48 = vector.broadcast %parallel_loop3A_47 : f32 to vector<16xf32>
        %parallel_loop3A_49 = arith.mulf %parallel_loop3A_48, %parallel_loop3A_46 : vector<16xf32>
        %parallel_loop3A_50 = arith.maximumf %parallel_loop3A_46, %parallel_loop3A_49 : vector<16xf32>
        %parallel_loop3A_51 = arith.constant 8 : i32
        %parallel_loop3A_52 = vector.broadcast %parallel_loop3A_51 : i32 to vector<16xi32>
        %parallel_loop3A_53 = arith.cmpi slt, %iota3A, %parallel_loop3A_52 : vector<16xi32>
        %parallel_loop3A_54 = math.exp %parallel_loop3A_50 : vector<16xf32>
        %parallel_loop3A_55 = arith.constant 0.000000e+00 : f32
        %parallel_loop3A_56 = vector.broadcast %parallel_loop3A_55 : f32 to vector<16xf32>
        %parallel_loop3A_57 = arith.select %parallel_loop3A_53, %parallel_loop3A_54, %parallel_loop3A_56 : vector<16xi1>, vector<16xf32>
        %parallel_loop3A_58 = arith.constant 16 : i32
        %parallel_loop3A_59 = arith.muli %parallel_loop3A_37, %parallel_loop3A_58 : i32
        %parallel_loop3A_60 = arith.index_cast %parallel_loop3A_59 : i32 to index
        %parallel_loop3A_61 = tpu.vector_load %arg11[%parallel_loop3A_60] {strides = array<i32>} : memref<1280xf32, #tpu.memory_space<vmem>>, vector<16xf32>,
        %parallel_loop3A_62 = vector.shape_cast %parallel_loop3A_61 : vector<16xf32> to vector<16xf32>
        %parallel_loop3A_63 = vector.shape_cast %parallel_loop3A_57 : vector<16xf32> to vector<16xf32>
        tpu.vector_store %arg11[%parallel_loop3A_60], %parallel_loop3A_63 {strides = array<i32>} : memref<1280xf32, #tpu.memory_space<vmem>>, vector<16xf32>,
        %parallel_loop3A_64 = vector.extract_strided_slice %parallel_loop3A_57 {offsets = [0], sizes = [1], strides = [1]} : vector<16xf32> to vector<1xf32>
        %parallel_loop3A_65 = vector.extract %parallel_loop3A_64[0] : f32 from vector<1xf32>
        %parallel_loop3A_66 = vector.broadcast %parallel_loop3A_65 : f32 to vector<16xf32>
        %parallel_loop3A_67 = arith.index_cast %parallel_loop3A_37 : i32 to index
        %parallel_loop3A_68 = arith.constant 0 : index
        %parallel_loop3A_69 = tpu.vector_load %arg12[%parallel_loop3A_67, %parallel_loop3A_68] {strides = array<i32>} : memref<80x128xf32, #tpu.memory_space<vmem>>, vector<1x16xf32>,
        %parallel_loop3A_70 = vector.shape_cast %parallel_loop3A_69 : vector<1x16xf32> to vector<16xf32>
        %parallel_loop3A_71 = vector.shape_cast %parallel_loop3A_66 : vector<16xf32> to vector<1x16xf32>
        tpu.vector_store %arg12[%parallel_loop3A_67, %parallel_loop3A_68], %parallel_loop3A_71 {strides = array<i32>} : memref<80x128xf32, #tpu.memory_space<vmem>>, vector<1x16xf32>,
        %parallel_loop3A_72 = vector.extract_strided_slice %parallel_loop3A_57 {offsets = [1], sizes = [1], strides = [1]} : vector<16xf32> to vector<1xf32>
        %parallel_loop3A_73 = vector.extract %parallel_loop3A_72[0] : f32 from vector<1xf32>
        %parallel_loop3A_74 = vector.broadcast %parallel_loop3A_73 : f32 to vector<16xf32>
        %parallel_loop3A_75 = arith.index_cast %parallel_loop3A_37 : i32 to index
        %parallel_loop3A_76 = arith.constant 16 : index
        %parallel_loop3A_77 = tpu.vector_load %arg12[%parallel_loop3A_75, %parallel_loop3A_76] {strides = array<i32>} : memref<80x128xf32, #tpu.memory_space<vmem>>, vector<1x16xf32>,
        %parallel_loop3A_78 = vector.shape_cast %parallel_loop3A_77 : vector<1x16xf32> to vector<16xf32>
        %parallel_loop3A_79 = vector.shape_cast %parallel_loop3A_74 : vector<16xf32> to vector<1x16xf32>
        tpu.vector_store %arg12[%parallel_loop3A_75, %parallel_loop3A_76], %parallel_loop3A_79 {strides = array<i32>} : memref<80x128xf32, #tpu.memory_space<vmem>>, vector<1x16xf32>,
        %parallel_loop3A_80 = vector.extract_strided_slice %parallel_loop3A_57 {offsets = [2], sizes = [1], strides = [1]} : vector<16xf32> to vector<1xf32>
        %parallel_loop3A_81 = vector.extract %parallel_loop3A_80[0] : f32 from vector<1xf32>
        %parallel_loop3A_82 = vector.broadcast %parallel_loop3A_81 : f32 to vector<16xf32>
        %parallel_loop3A_83 = arith.index_cast %parallel_loop3A_37 : i32 to index
        %parallel_loop3A_84 = arith.constant 32 : index
        %parallel_loop3A_85 = tpu.vector_load %arg12[%parallel_loop3A_83, %parallel_loop3A_84] {strides = array<i32>} : memref<80x128xf32, #tpu.memory_space<vmem>>, vector<1x16xf32>,
        %parallel_loop3A_86 = vector.shape_cast %parallel_loop3A_85 : vector<1x16xf32> to vector<16xf32>
        %parallel_loop3A_87 = vector.shape_cast %parallel_loop3A_82 : vector<16xf32> to vector<1x16xf32>
        tpu.vector_store %arg12[%parallel_loop3A_83, %parallel_loop3A_84], %parallel_loop3A_87 {strides = array<i32>} : memref<80x128xf32, #tpu.memory_space<vmem>>, vector<1x16xf32>,
        %parallel_loop3A_88 = vector.extract_strided_slice %parallel_loop3A_57 {offsets = [3], sizes = [1], strides = [1]} : vector<16xf32> to vector<1xf32>
        %parallel_loop3A_89 = vector.extract %parallel_loop3A_88[0] : f32 from vector<1xf32>
        %parallel_loop3A_90 = vector.broadcast %parallel_loop3A_89 : f32 to vector<16xf32>
        %parallel_loop3A_91 = arith.index_cast %parallel_loop3A_37 : i32 to index
        %parallel_loop3A_92 = arith.constant 48 : index
        %parallel_loop3A_93 = tpu.vector_load %arg12[%parallel_loop3A_91, %parallel_loop3A_92] {strides = array<i32>} : memref<80x128xf32, #tpu.memory_space<vmem>>, vector<1x16xf32>,
        %parallel_loop3A_94 = vector.shape_cast %parallel_loop3A_93 : vector<1x16xf32> to vector<16xf32>
        %parallel_loop3A_95 = vector.shape_cast %parallel_loop3A_90 : vector<16xf32> to vector<1x16xf32>
        tpu.vector_store %arg12[%parallel_loop3A_91, %parallel_loop3A_92], %parallel_loop3A_95 {strides = array<i32>} : memref<80x128xf32, #tpu.memory_space<vmem>>, vector<1x16xf32>,
        %parallel_loop3A_96 = vector.extract_strided_slice %parallel_loop3A_57 {offsets = [4], sizes = [1], strides = [1]} : vector<16xf32> to vector<1xf32>
        %parallel_loop3A_97 = vector.extract %parallel_loop3A_96[0] : f32 from vector<1xf32>
        %parallel_loop3A_98 = vector.broadcast %parallel_loop3A_97 : f32 to vector<16xf32>
        %parallel_loop3A_99 = arith.index_cast %parallel_loop3A_37 : i32 to index
        %parallel_loop3A_100 = arith.constant 64 : index
        %parallel_loop3A_101 = tpu.vector_load %arg12[%parallel_loop3A_99, %parallel_loop3A_100] {strides = array<i32>} : memref<80x128xf32, #tpu.memory_space<vmem>>, vector<1x16xf32>,
        %parallel_loop3A_102 = vector.shape_cast %parallel_loop3A_101 : vector<1x16xf32> to vector<16xf32>
        %parallel_loop3A_103 = vector.shape_cast %parallel_loop3A_98 : vector<16xf32> to vector<1x16xf32>
        tpu.vector_store %arg12[%parallel_loop3A_99, %parallel_loop3A_100], %parallel_loop3A_103 {strides = array<i32>} : memref<80x128xf32, #tpu.memory_space<vmem>>, vector<1x16xf32>,
        %parallel_loop3A_104 = vector.extract_strided_slice %parallel_loop3A_57 {offsets = [5], sizes = [1], strides = [1]} : vector<16xf32> to vector<1xf32>
        %parallel_loop3A_105 = vector.extract %parallel_loop3A_104[0] : f32 from vector<1xf32>
        %parallel_loop3A_106 = vector.broadcast %parallel_loop3A_105 : f32 to vector<16xf32>
        %parallel_loop3A_107 = arith.index_cast %parallel_loop3A_37 : i32 to index
        %parallel_loop3A_108 = arith.constant 80 : index
        %parallel_loop3A_109 = tpu.vector_load %arg12[%parallel_loop3A_107, %parallel_loop3A_108] {strides = array<i32>} : memref<80x128xf32, #tpu.memory_space<vmem>>, vector<1x16xf32>,
        %parallel_loop3A_110 = vector.shape_cast %parallel_loop3A_109 : vector<1x16xf32> to vector<16xf32>
        %parallel_loop3A_111 = vector.shape_cast %parallel_loop3A_106 : vector<16xf32> to vector<1x16xf32>
        tpu.vector_store %arg12[%parallel_loop3A_107, %parallel_loop3A_108], %parallel_loop3A_111 {strides = array<i32>} : memref<80x128xf32, #tpu.memory_space<vmem>>, vector<1x16xf32>,
        %parallel_loop3A_112 = vector.extract_strided_slice %parallel_loop3A_57 {offsets = [6], sizes = [1], strides = [1]} : vector<16xf32> to vector<1xf32>
        %parallel_loop3A_113 = vector.extract %parallel_loop3A_112[0] : f32 from vector<1xf32>
        %parallel_loop3A_114 = vector.broadcast %parallel_loop3A_113 : f32 to vector<16xf32>
        %parallel_loop3A_115 = arith.index_cast %parallel_loop3A_37 : i32 to index
        %parallel_loop3A_116 = arith.constant 96 : index
        %parallel_loop3A_117 = tpu.vector_load %arg12[%parallel_loop3A_115, %parallel_loop3A_116] {strides = array<i32>} : memref<80x128xf32, #tpu.memory_space<vmem>>, vector<1x16xf32>,
        %parallel_loop3A_118 = vector.shape_cast %parallel_loop3A_117 : vector<1x16xf32> to vector<16xf32>
        %parallel_loop3A_119 = vector.shape_cast %parallel_loop3A_114 : vector<16xf32> to vector<1x16xf32>
        tpu.vector_store %arg12[%parallel_loop3A_115, %parallel_loop3A_116], %parallel_loop3A_119 {strides = array<i32>} : memref<80x128xf32, #tpu.memory_space<vmem>>, vector<1x16xf32>,
        %parallel_loop3A_120 = vector.extract_strided_slice %parallel_loop3A_57 {offsets = [7], sizes = [1], strides = [1]} : vector<16xf32> to vector<1xf32>
        %parallel_loop3A_121 = vector.extract %parallel_loop3A_120[0] : f32 from vector<1xf32>
        %parallel_loop3A_122 = vector.broadcast %parallel_loop3A_121 : f32 to vector<16xf32>
        %parallel_loop3A_123 = arith.index_cast %parallel_loop3A_37 : i32 to index
        %parallel_loop3A_124 = arith.constant 112 : index
        %parallel_loop3A_125 = tpu.vector_load %arg12[%parallel_loop3A_123, %parallel_loop3A_124] {strides = array<i32>} : memref<80x128xf32, #tpu.memory_space<vmem>>, vector<1x16xf32>,
        %parallel_loop3A_126 = vector.shape_cast %parallel_loop3A_125 : vector<1x16xf32> to vector<16xf32>
        %parallel_loop3A_127 = vector.shape_cast %parallel_loop3A_122 : vector<16xf32> to vector<1x16xf32>
        tpu.vector_store %arg12[%parallel_loop3A_123, %parallel_loop3A_124], %parallel_loop3A_127 {strides = array<i32>} : memref<80x128xf32, #tpu.memory_space<vmem>>, vector<1x16xf32>,
      } {sc.loop_unroll_factor = 4 : i64, sc.parallel_access}
      %mul3A_34 = arith.constant 16 : i32
      %mul3A_35 = arith.muli %add3A_30, %mul3A_34 : i32
      "tpu.region"() ({
        %run_scoped3A = tpu.sem_alloc : memref<!tpu.dma_semaphore, #tpu.memory_space<semaphore_mem>>
        %dma_start3A = tpu.memref_slice %arg5[%mul3A_35] : memref<5120000xf32, #tpu.memory_space<hbm>> -> memref<1280xf32, #tpu.memory_space<hbm>>
        %dma_start3A_37 = tpu.memref_slice %arg5[%mul3A_35] : memref<5120000xf32, #tpu.memory_space<hbm>> -> memref<1280xf32, #tpu.memory_space<hbm>>
        tpu.enqueue_dma source(%arg11 : memref<1280xf32, #tpu.memory_space<vmem>>) target(%dma_start3A_37 : memref<1280xf32, #tpu.memory_space<hbm>>) target_semaphore(%run_scoped3A : memref<!tpu.dma_semaphore, #tpu.memory_space<semaphore_mem>>)
        %dma_wait3A = tpu.memref_slice %arg5[%mul3A_35] : memref<5120000xf32, #tpu.memory_space<hbm>> -> memref<1280xf32, #tpu.memory_space<hbm>>
        %dma_wait3A_38 = tpu.memref_slice %arg5[%mul3A_35] : memref<5120000xf32, #tpu.memory_space<hbm>> -> memref<1280xf32, #tpu.memory_space<hbm>>
        tpu.wait_dma2 semaphore(%run_scoped3A : memref<!tpu.dma_semaphore, #tpu.memory_space<semaphore_mem>>) src(%arg11 : memref<1280xf32, #tpu.memory_space<vmem>>) dst(%dma_wait3A_38 : memref<1280xf32, #tpu.memory_space<hbm>>)
        tpu.yield
      }) : () -> ()
      "tpu.region"() ({
        %run_scoped3A = tpu.sem_alloc : memref<!tpu.dma_semaphore, #tpu.memory_space<semaphore_mem>>
        %dma_start3A = arith.constant 0 : i32
        %dma_start3A_37 = arith.constant 0 : i32
        %dma_start3A_38 = tpu.memref_slice %arg14[%dma_start3A, %dma_start3A_37] : memref<10240x128xf32, #tpu.memory_space<vmem_shared>> -> memref<10240x128xf32, #tpu.memory_space<vmem_shared>>
        tpu.enqueue_indirect_dma source(%arg12 : memref<80x128xf32, #tpu.memory_space<vmem>>) target(%dma_start3A_38 : memref<10240x128xf32, #tpu.memory_space<vmem_shared>>) offsets(%arg8 : memref<80xi32, #tpu.memory_space<vmem>>) semaphore(%run_scoped3A : memref<!tpu.dma_semaphore, #tpu.memory_space<semaphore_mem>>) {add = true}
        %dma_wait3A = arith.constant 0 : i32
        %dma_wait3A_39 = arith.constant 0 : i32
        %dma_wait3A_40 = tpu.memref_slice %arg14[%dma_wait3A, %dma_wait3A_39] : memref<10240x128xf32, #tpu.memory_space<vmem_shared>> -> memref<10240x128xf32, #tpu.memory_space<vmem_shared>>
        tpu.wait_indirect_dma semaphore(%run_scoped3A : memref<!tpu.dma_semaphore, #tpu.memory_space<semaphore_mem>>) src(%arg12 : memref<80x128xf32, #tpu.memory_space<vmem>>) dst(%dma_wait3A_40 : memref<10240x128xf32, #tpu.memory_space<vmem_shared>>)
        tpu.yield
      }) : () -> ()
      %scan3A_36 = arith.constant 0 : i32
      scf.yield %scan3A_36 : i32
    }
    %scan3A_22 = arith.constant 125 : i32
    %barrier3A_23 = arith.constant 0 : index
    tpu.barrier barrier_id(%barrier3A_23)
    %mul3A_24 = arith.constant 640 : i32
    %mul3A_25 = arith.muli %arg1, %mul3A_24 : i32
    "tpu.region"() ({
      %run_scoped3A = tpu.sem_alloc : memref<!tpu.dma_semaphore, #tpu.memory_space<semaphore_mem>>
      %dma_start3A = arith.constant 0 : i32
      %dma_start3A_26 = tpu.memref_slice %arg6[%arg0, %mul3A_25, %dma_start3A] : memref<2x10240x128xf32, #tpu.memory_space<hbm>> -> memref<1x640x128xf32, #tpu.memory_space<hbm>>
      %dma_start3A_27 = tpu.memref_squeeze %dma_start3A_26 : memref<1x640x128xf32, #tpu.memory_space<hbm>> -> memref<640x128xf32, #tpu.memory_space<hbm>>
      %dma_start3A_28 = arith.constant 0 : i32
      %dma_start3A_29 = tpu.memref_slice %arg14[%mul3A_25, %dma_start3A_28] : memref<10240x128xf32, #tpu.memory_space<vmem_shared>> -> memref<640x128xf32, #tpu.memory_space<vmem_shared>>
      tpu.enqueue_dma source(%dma_start3A_29 : memref<640x128xf32, #tpu.memory_space<vmem_shared>>) target(%dma_start3A_27 : memref<640x128xf32, #tpu.memory_space<hbm>>) target_semaphore(%run_scoped3A : memref<!tpu.dma_semaphore, #tpu.memory_space<semaphore_mem>>)
      %dma_wait3A = arith.constant 0 : i32
      %dma_wait3A_30 = tpu.memref_slice %arg6[%arg0, %mul3A_25, %dma_wait3A] : memref<2x10240x128xf32, #tpu.memory_space<hbm>> -> memref<1x640x128xf32, #tpu.memory_space<hbm>>
      %dma_wait3A_31 = tpu.memref_squeeze %dma_wait3A_30 : memref<1x640x128xf32, #tpu.memory_space<hbm>> -> memref<640x128xf32, #tpu.memory_space<hbm>>
      %dma_wait3A_32 = arith.constant 0 : i32
      %dma_wait3A_33 = tpu.memref_slice %arg14[%mul3A_25, %dma_wait3A_32] : memref<10240x128xf32, #tpu.memory_space<vmem_shared>> -> memref<640x128xf32, #tpu.memory_space<vmem_shared>>
      tpu.wait_dma2 semaphore(%run_scoped3A : memref<!tpu.dma_semaphore, #tpu.memory_space<semaphore_mem>>) src(%dma_wait3A_33 : memref<640x128xf32, #tpu.memory_space<vmem_shared>>) dst(%dma_wait3A_31 : memref<640x128xf32, #tpu.memory_space<hbm>>)
      tpu.yield
    }) : () -> ()
    return
  }
}

#map = affine_map<(d0, d1) -> (0, 0)>
#map1 = affine_map<(d0, d1) -> (0)>
#map2 = affine_map<(d0, d1) -> (0, 0, 0)>
module attributes {stable_mosaic.version = 14 : i64} {
  func.func @_sc_logits_body(%arg0: i32, %arg1: i32, %arg2: memref<10240x128xf32, #tpu.memory_space<hbm>>, %arg3: memref<320000xi32, #tpu.memory_space<hbm>>, %arg4: memref<320000xi32, #tpu.memory_space<hbm>>, %arg5: memref<5120000xf32, #tpu.memory_space<hbm>>, %arg6: memref<2x10240x128xf32, #tpu.memory_space<hbm>>, %arg7: memref<80xi32, #tpu.memory_space<vmem>>, %arg8: memref<80xi32, #tpu.memory_space<vmem>>, %arg9: memref<80x128xf32, #tpu.memory_space<vmem>>, %arg10: memref<80x128xf32, #tpu.memory_space<vmem>>, %arg11: memref<1280xf32, #tpu.memory_space<vmem>>, %arg12: memref<80x128xf32, #tpu.memory_space<vmem>>, %arg13: memref<128x128xf32, #tpu.memory_space<vmem>>, %arg14: memref<10240x128xf32, #tpu.memory_space<vmem_shared>>) attributes {dimension_semantics = [#tpu.dimension_semantics<core_parallel>, #tpu.dimension_semantics<subcore_parallel>], iteration_bounds = array<i64: 2, 16>, scalar_prefetch = 0 : i64, scratch_operands = 8 : i64, tpu.core_type = #tpu.core_type<sc_vector_subcore>, window_params = [{transform_indices = #map}, {transform_indices = #map1}, {transform_indices = #map1}, {transform_indices = #map1}, {transform_indices = #map2}]} {
    %mul3A = arith.constant 16 : i32
    %mul3A_0 = arith.muli %arg0, %mul3A : i32
    %add3A = arith.addi %mul3A_0, %arg1 : i32
    %mul3A_1 = arith.constant 10000 : i32
    %mul3A_2 = arith.muli %add3A, %mul3A_1 : i32
    %parallel_loop3A = arith.constant 0 : i32
    %parallel_loop3A_3 = arith.constant 1024 : i32
    %parallel_loop3A_4 = arith.constant 1 : i32
    scf.for %parallel_loop3A_26 = %parallel_loop3A to %parallel_loop3A_3 step %parallel_loop3A_4  : i32 {
      %parallel_loop3A_27 = arith.constant 8 : i32
      %parallel_loop3A_28 = arith.divsi %parallel_loop3A_26, %parallel_loop3A_27 : i32
      %parallel_loop3A_29 = arith.constant 0 : i32
      %parallel_loop3A_30 = arith.cmpi sgt, %parallel_loop3A_26, %parallel_loop3A_29 : i32
      %parallel_loop3A_31 = arith.extui %parallel_loop3A_30 : i1 to i32
      %parallel_loop3A_32 = arith.constant 0 : i32
      %parallel_loop3A_33 = arith.cmpi slt, %parallel_loop3A_26, %parallel_loop3A_32 : i32
      %parallel_loop3A_34 = arith.extui %parallel_loop3A_33 : i1 to i32
      %parallel_loop3A_35 = arith.subi %parallel_loop3A_31, %parallel_loop3A_34 : i32
      %parallel_loop3A_36 = arith.constant 0 : i32
      %parallel_loop3A_37 = arith.cmpi sgt, %parallel_loop3A_27, %parallel_loop3A_36 : i32
      %parallel_loop3A_38 = arith.extui %parallel_loop3A_37 : i1 to i32
      %parallel_loop3A_39 = arith.constant 0 : i32
      %parallel_loop3A_40 = arith.cmpi slt, %parallel_loop3A_27, %parallel_loop3A_39 : i32
      %parallel_loop3A_41 = arith.extui %parallel_loop3A_40 : i1 to i32
      %parallel_loop3A_42 = arith.subi %parallel_loop3A_38, %parallel_loop3A_41 : i32
      %parallel_loop3A_43 = arith.cmpi ne, %parallel_loop3A_35, %parallel_loop3A_42 : i32
      %parallel_loop3A_44 = arith.remsi %parallel_loop3A_26, %parallel_loop3A_27 : i32
      %parallel_loop3A_45 = arith.constant 0 : i32
      %parallel_loop3A_46 = arith.cmpi ne, %parallel_loop3A_44, %parallel_loop3A_45 : i32
      %parallel_loop3A_47 = arith.andi %parallel_loop3A_43, %parallel_loop3A_46 : i1
      %parallel_loop3A_48 = arith.constant 1 : i32
      %parallel_loop3A_49 = arith.subi %parallel_loop3A_28, %parallel_loop3A_48 : i32
      %parallel_loop3A_50 = arith.select %parallel_loop3A_47, %parallel_loop3A_49, %parallel_loop3A_28 : i32
      %parallel_loop3A_51 = arith.constant 8 : i32
      %parallel_loop3A_52 = arith.constant 0 : i32
      %parallel_loop3A_53 = arith.cmpi eq, %parallel_loop3A_51, %parallel_loop3A_52 : i32
      %parallel_loop3A_54 = arith.constant 1 : i32
      %parallel_loop3A_55 = arith.select %parallel_loop3A_53, %parallel_loop3A_54, %parallel_loop3A_51 : i32
      %parallel_loop3A_56 = arith.remsi %parallel_loop3A_26, %parallel_loop3A_55 : i32
      %parallel_loop3A_57 = arith.constant 0 : i32
      %parallel_loop3A_58 = arith.cmpi ne, %parallel_loop3A_56, %parallel_loop3A_57 : i32
      %parallel_loop3A_59 = arith.constant 0 : i32
      %parallel_loop3A_60 = arith.cmpi slt, %parallel_loop3A_56, %parallel_loop3A_59 : i32
      %parallel_loop3A_61 = arith.constant 0 : i32
      %parallel_loop3A_62 = arith.cmpi slt, %parallel_loop3A_55, %parallel_loop3A_61 : i32
      %parallel_loop3A_63 = arith.xori %parallel_loop3A_60, %parallel_loop3A_62 : i1
      %parallel_loop3A_64 = arith.andi %parallel_loop3A_63, %parallel_loop3A_58 : i1
      %parallel_loop3A_65 = arith.addi %parallel_loop3A_56, %parallel_loop3A_55 : i32
      %parallel_loop3A_66 = arith.select %parallel_loop3A_64, %parallel_loop3A_65, %parallel_loop3A_56 : i32
      %parallel_loop3A_67 = arith.constant 0.000000e+00 : f32
      %parallel_loop3A_68 = vector.broadcast %parallel_loop3A_67 : f32 to vector<16xf32>
      %parallel_loop3A_69 = arith.constant 16 : i32
      %parallel_loop3A_70 = arith.muli %parallel_loop3A_66, %parallel_loop3A_69 : i32
      %parallel_loop3A_71 = arith.index_cast %parallel_loop3A_50 : i32 to index
      %parallel_loop3A_72 = arith.index_cast %parallel_loop3A_70 : i32 to index
      %parallel_loop3A_73 = tpu.vector_load %arg13[%parallel_loop3A_71, %parallel_loop3A_72] {strides = array<i32>} : memref<128x128xf32, #tpu.memory_space<vmem>>, vector<1x16xf32>,
      %parallel_loop3A_74 = vector.shape_cast %parallel_loop3A_73 : vector<1x16xf32> to vector<16xf32>
      %parallel_loop3A_75 = vector.shape_cast %parallel_loop3A_68 : vector<16xf32> to vector<1x16xf32>
      tpu.vector_store %arg13[%parallel_loop3A_71, %parallel_loop3A_72], %parallel_loop3A_75 {strides = array<i32>} : memref<128x128xf32, #tpu.memory_space<vmem>>, vector<1x16xf32>,
    } {sc.loop_unroll_factor = 8 : i64, sc.parallel_access}
    %mul3A_5 = arith.constant 640 : i32
    %mul3A_6 = arith.muli %arg1, %mul3A_5 : i32
    %add3A_7 = arith.constant 0 : i32
    %add3A_8 = arith.addi %mul3A_6, %add3A_7 : i32
    "tpu.region"() ({
      %run_scoped3A = tpu.sem_alloc : memref<!tpu.dma_semaphore, #tpu.memory_space<semaphore_mem>>
      %dma_start3A = arith.constant 0 : i32
      %dma_start3A_26 = tpu.memref_slice %arg14[%add3A_8, %dma_start3A] : memref<10240x128xf32, #tpu.memory_space<vmem_shared>> -> memref<128x128xf32, #tpu.memory_space<vmem_shared>>
      %dma_start3A_27 = arith.constant 0 : i32
      %dma_start3A_28 = tpu.memref_slice %arg14[%add3A_8, %dma_start3A_27] : memref<10240x128xf32, #tpu.memory_space<vmem_shared>> -> memref<128x128xf32, #tpu.memory_space<vmem_shared>>
      tpu.enqueue_dma source(%arg13 : memref<128x128xf32, #tpu.memory_space<vmem>>) target(%dma_start3A_28 : memref<128x128xf32, #tpu.memory_space<vmem_shared>>) target_semaphore(%run_scoped3A : memref<!tpu.dma_semaphore, #tpu.memory_space<semaphore_mem>>)
      %dma_wait3A = arith.constant 0 : i32
      %dma_wait3A_29 = tpu.memref_slice %arg14[%add3A_8, %dma_wait3A] : memref<10240x128xf32, #tpu.memory_space<vmem_shared>> -> memref<128x128xf32, #tpu.memory_space<vmem_shared>>
      %dma_wait3A_30 = arith.constant 0 : i32
      %dma_wait3A_31 = tpu.memref_slice %arg14[%add3A_8, %dma_wait3A_30] : memref<10240x128xf32, #tpu.memory_space<vmem_shared>> -> memref<128x128xf32, #tpu.memory_space<vmem_shared>>
      tpu.wait_dma2 semaphore(%run_scoped3A : memref<!tpu.dma_semaphore, #tpu.memory_space<semaphore_mem>>) src(%arg13 : memref<128x128xf32, #tpu.memory_space<vmem>>) dst(%dma_wait3A_31 : memref<128x128xf32, #tpu.memory_space<vmem_shared>>)
      tpu.yield
    }) : () -> ()
    %add3A_9 = arith.constant 128 : i32
    %add3A_10 = arith.addi %mul3A_6, %add3A_9 : i32
    "tpu.region"() ({
      %run_scoped3A = tpu.sem_alloc : memref<!tpu.dma_semaphore, #tpu.memory_space<semaphore_mem>>
      %dma_start3A = arith.constant 0 : i32
      %dma_start3A_26 = tpu.memref_slice %arg14[%add3A_10, %dma_start3A] : memref<10240x128xf32, #tpu.memory_space<vmem_shared>> -> memref<128x128xf32, #tpu.memory_space<vmem_shared>>
      %dma_start3A_27 = arith.constant 0 : i32
      %dma_start3A_28 = tpu.memref_slice %arg14[%add3A_10, %dma_start3A_27] : memref<10240x128xf32, #tpu.memory_space<vmem_shared>> -> memref<128x128xf32, #tpu.memory_space<vmem_shared>>
      tpu.enqueue_dma source(%arg13 : memref<128x128xf32, #tpu.memory_space<vmem>>) target(%dma_start3A_28 : memref<128x128xf32, #tpu.memory_space<vmem_shared>>) target_semaphore(%run_scoped3A : memref<!tpu.dma_semaphore, #tpu.memory_space<semaphore_mem>>)
      %dma_wait3A = arith.constant 0 : i32
      %dma_wait3A_29 = tpu.memref_slice %arg14[%add3A_10, %dma_wait3A] : memref<10240x128xf32, #tpu.memory_space<vmem_shared>> -> memref<128x128xf32, #tpu.memory_space<vmem_shared>>
      %dma_wait3A_30 = arith.constant 0 : i32
      %dma_wait3A_31 = tpu.memref_slice %arg14[%add3A_10, %dma_wait3A_30] : memref<10240x128xf32, #tpu.memory_space<vmem_shared>> -> memref<128x128xf32, #tpu.memory_space<vmem_shared>>
      tpu.wait_dma2 semaphore(%run_scoped3A : memref<!tpu.dma_semaphore, #tpu.memory_space<semaphore_mem>>) src(%arg13 : memref<128x128xf32, #tpu.memory_space<vmem>>) dst(%dma_wait3A_31 : memref<128x128xf32, #tpu.memory_space<vmem_shared>>)
      tpu.yield
    }) : () -> ()
    %add3A_11 = arith.constant 256 : i32
    %add3A_12 = arith.addi %mul3A_6, %add3A_11 : i32
    "tpu.region"() ({
      %run_scoped3A = tpu.sem_alloc : memref<!tpu.dma_semaphore, #tpu.memory_space<semaphore_mem>>
      %dma_start3A = arith.constant 0 : i32
      %dma_start3A_26 = tpu.memref_slice %arg14[%add3A_12, %dma_start3A] : memref<10240x128xf32, #tpu.memory_space<vmem_shared>> -> memref<128x128xf32, #tpu.memory_space<vmem_shared>>
      %dma_start3A_27 = arith.constant 0 : i32
      %dma_start3A_28 = tpu.memref_slice %arg14[%add3A_12, %dma_start3A_27] : memref<10240x128xf32, #tpu.memory_space<vmem_shared>> -> memref<128x128xf32, #tpu.memory_space<vmem_shared>>
      tpu.enqueue_dma source(%arg13 : memref<128x128xf32, #tpu.memory_space<vmem>>) target(%dma_start3A_28 : memref<128x128xf32, #tpu.memory_space<vmem_shared>>) target_semaphore(%run_scoped3A : memref<!tpu.dma_semaphore, #tpu.memory_space<semaphore_mem>>)
      %dma_wait3A = arith.constant 0 : i32
      %dma_wait3A_29 = tpu.memref_slice %arg14[%add3A_12, %dma_wait3A] : memref<10240x128xf32, #tpu.memory_space<vmem_shared>> -> memref<128x128xf32, #tpu.memory_space<vmem_shared>>
      %dma_wait3A_30 = arith.constant 0 : i32
      %dma_wait3A_31 = tpu.memref_slice %arg14[%add3A_12, %dma_wait3A_30] : memref<10240x128xf32, #tpu.memory_space<vmem_shared>> -> memref<128x128xf32, #tpu.memory_space<vmem_shared>>
      tpu.wait_dma2 semaphore(%run_scoped3A : memref<!tpu.dma_semaphore, #tpu.memory_space<semaphore_mem>>) src(%arg13 : memref<128x128xf32, #tpu.memory_space<vmem>>) dst(%dma_wait3A_31 : memref<128x128xf32, #tpu.memory_space<vmem_shared>>)
      tpu.yield
    }) : () -> ()
    %add3A_13 = arith.constant 384 : i32
    %add3A_14 = arith.addi %mul3A_6, %add3A_13 : i32
    "tpu.region"() ({
      %run_scoped3A = tpu.sem_alloc : memref<!tpu.dma_semaphore, #tpu.memory_space<semaphore_mem>>
      %dma_start3A = arith.constant 0 : i32
      %dma_start3A_26 = tpu.memref_slice %arg14[%add3A_14, %dma_start3A] : memref<10240x128xf32, #tpu.memory_space<vmem_shared>> -> memref<128x128xf32, #tpu.memory_space<vmem_shared>>
      %dma_start3A_27 = arith.constant 0 : i32
      %dma_start3A_28 = tpu.memref_slice %arg14[%add3A_14, %dma_start3A_27] : memref<10240x128xf32, #tpu.memory_space<vmem_shared>> -> memref<128x128xf32, #tpu.memory_space<vmem_shared>>
      tpu.enqueue_dma source(%arg13 : memref<128x128xf32, #tpu.memory_space<vmem>>) target(%dma_start3A_28 : memref<128x128xf32, #tpu.memory_space<vmem_shared>>) target_semaphore(%run_scoped3A : memref<!tpu.dma_semaphore, #tpu.memory_space<semaphore_mem>>)
      %dma_wait3A = arith.constant 0 : i32
      %dma_wait3A_29 = tpu.memref_slice %arg14[%add3A_14, %dma_wait3A] : memref<10240x128xf32, #tpu.memory_space<vmem_shared>> -> memref<128x128xf32, #tpu.memory_space<vmem_shared>>
      %dma_wait3A_30 = arith.constant 0 : i32
      %dma_wait3A_31 = tpu.memref_slice %arg14[%add3A_14, %dma_wait3A_30] : memref<10240x128xf32, #tpu.memory_space<vmem_shared>> -> memref<128x128xf32, #tpu.memory_space<vmem_shared>>
      tpu.wait_dma2 semaphore(%run_scoped3A : memref<!tpu.dma_semaphore, #tpu.memory_space<semaphore_mem>>) src(%arg13 : memref<128x128xf32, #tpu.memory_space<vmem>>) dst(%dma_wait3A_31 : memref<128x128xf32, #tpu.memory_space<vmem_shared>>)
      tpu.yield
    }) : () -> ()
    %add3A_15 = arith.constant 512 : i32
    %add3A_16 = arith.addi %mul3A_6, %add3A_15 : i32
    "tpu.region"() ({
      %run_scoped3A = tpu.sem_alloc : memref<!tpu.dma_semaphore, #tpu.memory_space<semaphore_mem>>
      %dma_start3A = arith.constant 0 : i32
      %dma_start3A_26 = tpu.memref_slice %arg14[%add3A_16, %dma_start3A] : memref<10240x128xf32, #tpu.memory_space<vmem_shared>> -> memref<128x128xf32, #tpu.memory_space<vmem_shared>>
      %dma_start3A_27 = arith.constant 0 : i32
      %dma_start3A_28 = tpu.memref_slice %arg14[%add3A_16, %dma_start3A_27] : memref<10240x128xf32, #tpu.memory_space<vmem_shared>> -> memref<128x128xf32, #tpu.memory_space<vmem_shared>>
      tpu.enqueue_dma source(%arg13 : memref<128x128xf32, #tpu.memory_space<vmem>>) target(%dma_start3A_28 : memref<128x128xf32, #tpu.memory_space<vmem_shared>>) target_semaphore(%run_scoped3A : memref<!tpu.dma_semaphore, #tpu.memory_space<semaphore_mem>>)
      %dma_wait3A = arith.constant 0 : i32
      %dma_wait3A_29 = tpu.memref_slice %arg14[%add3A_16, %dma_wait3A] : memref<10240x128xf32, #tpu.memory_space<vmem_shared>> -> memref<128x128xf32, #tpu.memory_space<vmem_shared>>
      %dma_wait3A_30 = arith.constant 0 : i32
      %dma_wait3A_31 = tpu.memref_slice %arg14[%add3A_16, %dma_wait3A_30] : memref<10240x128xf32, #tpu.memory_space<vmem_shared>> -> memref<128x128xf32, #tpu.memory_space<vmem_shared>>
      tpu.wait_dma2 semaphore(%run_scoped3A : memref<!tpu.dma_semaphore, #tpu.memory_space<semaphore_mem>>) src(%arg13 : memref<128x128xf32, #tpu.memory_space<vmem>>) dst(%dma_wait3A_31 : memref<128x128xf32, #tpu.memory_space<vmem_shared>>)
      tpu.yield
    }) : () -> ()
    %barrier3A = arith.constant 0 : index
    tpu.barrier barrier_id(%barrier3A)
    %iota3A = tpu.iota {dimensions = array<i32: 0>} : vector<16xi32>
    %scan3A = arith.constant 0 : i32
    %scan3A_17 = arith.constant 0 : i32
    %scan3A_18 = arith.constant 125 : i32
    %scan3A_19 = arith.addi %scan3A_17, %scan3A_18 : i32
    %scan3A_20 = arith.constant 1 : i32
    %scan3A_21 = scf.for %scan3A_26 = %scan3A_17 to %scan3A_19 step %scan3A_20 iter_args(%scan3A_27 = %scan3A) -> (i32)  : i32 {
      %mul3A_28 = arith.constant 80 : i32
      %mul3A_29 = arith.muli %scan3A_26, %mul3A_28 : i32
      %add3A_30 = arith.addi %mul3A_2, %mul3A_29 : i32
      "tpu.region"() ({
        %run_scoped3A = tpu.sem_alloc : memref<!tpu.dma_semaphore, #tpu.memory_space<semaphore_mem>>
        %dma_start3A = tpu.memref_slice %arg3[%add3A_30] : memref<320000xi32, #tpu.memory_space<hbm>> -> memref<80xi32, #tpu.memory_space<hbm>>
        %dma_start3A_37 = tpu.memref_slice %arg3[%add3A_30] : memref<320000xi32, #tpu.memory_space<hbm>> -> memref<80xi32, #tpu.memory_space<hbm>>
        tpu.enqueue_dma source(%dma_start3A_37 : memref<80xi32, #tpu.memory_space<hbm>>) target(%arg7 : memref<80xi32, #tpu.memory_space<vmem>>) target_semaphore(%run_scoped3A : memref<!tpu.dma_semaphore, #tpu.memory_space<semaphore_mem>>)
        %dma_wait3A = tpu.memref_slice %arg3[%add3A_30] : memref<320000xi32, #tpu.memory_space<hbm>> -> memref<80xi32, #tpu.memory_space<hbm>>
        %dma_wait3A_38 = tpu.memref_slice %arg3[%add3A_30] : memref<320000xi32, #tpu.memory_space<hbm>> -> memref<80xi32, #tpu.memory_space<hbm>>
        tpu.wait_dma2 semaphore(%run_scoped3A : memref<!tpu.dma_semaphore, #tpu.memory_space<semaphore_mem>>) src(%dma_wait3A_38 : memref<80xi32, #tpu.memory_space<hbm>>) dst(%arg7 : memref<80xi32, #tpu.memory_space<vmem>>)
        tpu.yield
      }) : () -> ()
      "tpu.region"() ({
        %run_scoped3A = tpu.sem_alloc : memref<!tpu.dma_semaphore, #tpu.memory_space<semaphore_mem>>
        %dma_start3A = tpu.memref_slice %arg4[%add3A_30] : memref<320000xi32, #tpu.memory_space<hbm>> -> memref<80xi32, #tpu.memory_space<hbm>>
        %dma_start3A_37 = tpu.memref_slice %arg4[%add3A_30] : memref<320000xi32, #tpu.memory_space<hbm>> -> memref<80xi32, #tpu.memory_space<hbm>>
        tpu.enqueue_dma source(%dma_start3A_37 : memref<80xi32, #tpu.memory_space<hbm>>) target(%arg8 : memref<80xi32, #tpu.memory_space<vmem>>) target_semaphore(%run_scoped3A : memref<!tpu.dma_semaphore, #tpu.memory_space<semaphore_mem>>)
        %dma_wait3A = tpu.memref_slice %arg4[%add3A_30] : memref<320000xi32, #tpu.memory_space<hbm>> -> memref<80xi32, #tpu.memory_space<hbm>>
        %dma_wait3A_38 = tpu.memref_slice %arg4[%add3A_30] : memref<320000xi32, #tpu.memory_space<hbm>> -> memref<80xi32, #tpu.memory_space<hbm>>
        tpu.wait_dma2 semaphore(%run_scoped3A : memref<!tpu.dma_semaphore, #tpu.memory_space<semaphore_mem>>) src(%dma_wait3A_38 : memref<80xi32, #tpu.memory_space<hbm>>) dst(%arg8 : memref<80xi32, #tpu.memory_space<vmem>>)
        tpu.yield
      }) : () -> ()
      "tpu.region"() ({
        %run_scoped3A = tpu.sem_alloc : memref<!tpu.dma_semaphore, #tpu.memory_space<semaphore_mem>>
        %dma_start3A = arith.constant 0 : i32
        %dma_start3A_37 = arith.constant 0 : i32
        %dma_start3A_38 = tpu.memref_slice %arg2[%dma_start3A, %dma_start3A_37] : memref<10240x128xf32, #tpu.memory_space<hbm>> -> memref<10240x128xf32, #tpu.memory_space<hbm>>
        tpu.enqueue_indirect_dma source(%dma_start3A_38 : memref<10240x128xf32, #tpu.memory_space<hbm>>) target(%arg9 : memref<80x128xf32, #tpu.memory_space<vmem>>) offsets(%arg7 : memref<80xi32, #tpu.memory_space<vmem>>) semaphore(%run_scoped3A : memref<!tpu.dma_semaphore, #tpu.memory_space<semaphore_mem>>)
        %dma_wait3A = arith.constant 0 : i32
        %dma_wait3A_39 = arith.constant 0 : i32
        %dma_wait3A_40 = tpu.memref_slice %arg2[%dma_wait3A, %dma_wait3A_39] : memref<10240x128xf32, #tpu.memory_space<hbm>> -> memref<10240x128xf32, #tpu.memory_space<hbm>>
        tpu.wait_indirect_dma semaphore(%run_scoped3A : memref<!tpu.dma_semaphore, #tpu.memory_space<semaphore_mem>>) src(%dma_wait3A_40 : memref<10240x128xf32, #tpu.memory_space<hbm>>) dst(%arg9 : memref<80x128xf32, #tpu.memory_space<vmem>>)
        tpu.yield
      }) : () -> ()
      "tpu.region"() ({
        %run_scoped3A = tpu.sem_alloc : memref<!tpu.dma_semaphore, #tpu.memory_space<semaphore_mem>>
        %dma_start3A = arith.constant 0 : i32
        %dma_start3A_37 = arith.constant 0 : i32
        %dma_start3A_38 = tpu.memref_slice %arg2[%dma_start3A, %dma_start3A_37] : memref<10240x128xf32, #tpu.memory_space<hbm>> -> memref<10240x128xf32, #tpu.memory_space<hbm>>
        tpu.enqueue_indirect_dma source(%dma_start3A_38 : memref<10240x128xf32, #tpu.memory_space<hbm>>) target(%arg10 : memref<80x128xf32, #tpu.memory_space<vmem>>) offsets(%arg8 : memref<80xi32, #tpu.memory_space<vmem>>) semaphore(%run_scoped3A : memref<!tpu.dma_semaphore, #tpu.memory_space<semaphore_mem>>)
        %dma_wait3A = arith.constant 0 : i32
        %dma_wait3A_39 = arith.constant 0 : i32
        %dma_wait3A_40 = tpu.memref_slice %arg2[%dma_wait3A, %dma_wait3A_39] : memref<10240x128xf32, #tpu.memory_space<hbm>> -> memref<10240x128xf32, #tpu.memory_space<hbm>>
        tpu.wait_indirect_dma semaphore(%run_scoped3A : memref<!tpu.dma_semaphore, #tpu.memory_space<semaphore_mem>>) src(%dma_wait3A_40 : memref<10240x128xf32, #tpu.memory_space<hbm>>) dst(%arg10 : memref<80x128xf32, #tpu.memory_space<vmem>>)
        tpu.yield
      }) : () -> ()
      %parallel_loop3A_31 = arith.constant 0 : i32
      %parallel_loop3A_32 = arith.constant 80 : i32
      %parallel_loop3A_33 = arith.constant 1 : i32
      scf.for %parallel_loop3A_37 = %parallel_loop3A_31 to %parallel_loop3A_32 step %parallel_loop3A_33  : i32 {
        %parallel_loop3A_38 = arith.index_cast %parallel_loop3A_37 : i32 to index
        %parallel_loop3A_39 = arith.constant 0 : index
        %parallel_loop3A_40 = tpu.vector_load %arg9[%parallel_loop3A_38, %parallel_loop3A_39] {strides = array<i32>} : memref<80x128xf32, #tpu.memory_space<vmem>>, vector<1x16xf32>,
        %parallel_loop3A_41 = vector.shape_cast %parallel_loop3A_40 : vector<1x16xf32> to vector<16xf32>
        %parallel_loop3A_42 = arith.index_cast %parallel_loop3A_37 : i32 to index
        %parallel_loop3A_43 = arith.constant 16 : index
        %parallel_loop3A_44 = tpu.vector_load %arg10[%parallel_loop3A_42, %parallel_loop3A_43] {strides = array<i32>} : memref<80x128xf32, #tpu.memory_space<vmem>>, vector<1x16xf32>,
        %parallel_loop3A_45 = vector.shape_cast %parallel_loop3A_44 : vector<1x16xf32> to vector<16xf32>
        %parallel_loop3A_46 = arith.addf %parallel_loop3A_41, %parallel_loop3A_45 : vector<16xf32>
        %parallel_loop3A_47 = arith.constant 2.000000e-01 : f32
        %parallel_loop3A_48 = vector.broadcast %parallel_loop3A_47 : f32 to vector<16xf32>
        %parallel_loop3A_49 = arith.mulf %parallel_loop3A_48, %parallel_loop3A_46 : vector<16xf32>
        %parallel_loop3A_50 = arith.maximumf %parallel_loop3A_46, %parallel_loop3A_49 : vector<16xf32>
        %parallel_loop3A_51 = arith.constant 8 : i32
        %parallel_loop3A_52 = vector.broadcast %parallel_loop3A_51 : i32 to vector<16xi32>
        %parallel_loop3A_53 = arith.cmpi slt, %iota3A, %parallel_loop3A_52 : vector<16xi32>
        %parallel_loop3A_54 = math.exp %parallel_loop3A_50 : vector<16xf32>
        %parallel_loop3A_55 = arith.constant 0.000000e+00 : f32
        %parallel_loop3A_56 = vector.broadcast %parallel_loop3A_55 : f32 to vector<16xf32>
        %parallel_loop3A_57 = arith.select %parallel_loop3A_53, %parallel_loop3A_54, %parallel_loop3A_56 : vector<16xi1>, vector<16xf32>
        %parallel_loop3A_58 = arith.constant 16 : i32
        %parallel_loop3A_59 = arith.muli %parallel_loop3A_37, %parallel_loop3A_58 : i32
        %parallel_loop3A_60 = arith.index_cast %parallel_loop3A_59 : i32 to index
        %parallel_loop3A_61 = tpu.vector_load %arg11[%parallel_loop3A_60] {strides = array<i32>} : memref<1280xf32, #tpu.memory_space<vmem>>, vector<16xf32>,
        %parallel_loop3A_62 = vector.shape_cast %parallel_loop3A_61 : vector<16xf32> to vector<16xf32>
        %parallel_loop3A_63 = vector.shape_cast %parallel_loop3A_57 : vector<16xf32> to vector<16xf32>
        tpu.vector_store %arg11[%parallel_loop3A_60], %parallel_loop3A_63 {strides = array<i32>} : memref<1280xf32, #tpu.memory_space<vmem>>, vector<16xf32>,
        %parallel_loop3A_64 = vector.extract_strided_slice %parallel_loop3A_57 {offsets = [0], sizes = [1], strides = [1]} : vector<16xf32> to vector<1xf32>
        %parallel_loop3A_65 = vector.extract %parallel_loop3A_64[0] : f32 from vector<1xf32>
        %parallel_loop3A_66 = vector.broadcast %parallel_loop3A_65 : f32 to vector<16xf32>
        %parallel_loop3A_67 = arith.index_cast %parallel_loop3A_37 : i32 to index
        %parallel_loop3A_68 = arith.constant 0 : index
        %parallel_loop3A_69 = tpu.vector_load %arg12[%parallel_loop3A_67, %parallel_loop3A_68] {strides = array<i32>} : memref<80x128xf32, #tpu.memory_space<vmem>>, vector<1x16xf32>,
        %parallel_loop3A_70 = vector.shape_cast %parallel_loop3A_69 : vector<1x16xf32> to vector<16xf32>
        %parallel_loop3A_71 = vector.shape_cast %parallel_loop3A_66 : vector<16xf32> to vector<1x16xf32>
        tpu.vector_store %arg12[%parallel_loop3A_67, %parallel_loop3A_68], %parallel_loop3A_71 {strides = array<i32>} : memref<80x128xf32, #tpu.memory_space<vmem>>, vector<1x16xf32>,
        %parallel_loop3A_72 = vector.extract_strided_slice %parallel_loop3A_57 {offsets = [1], sizes = [1], strides = [1]} : vector<16xf32> to vector<1xf32>
        %parallel_loop3A_73 = vector.extract %parallel_loop3A_72[0] : f32 from vector<1xf32>
        %parallel_loop3A_74 = vector.broadcast %parallel_loop3A_73 : f32 to vector<16xf32>
        %parallel_loop3A_75 = arith.index_cast %parallel_loop3A_37 : i32 to index
        %parallel_loop3A_76 = arith.constant 16 : index
        %parallel_loop3A_77 = tpu.vector_load %arg12[%parallel_loop3A_75, %parallel_loop3A_76] {strides = array<i32>} : memref<80x128xf32, #tpu.memory_space<vmem>>, vector<1x16xf32>,
        %parallel_loop3A_78 = vector.shape_cast %parallel_loop3A_77 : vector<1x16xf32> to vector<16xf32>
        %parallel_loop3A_79 = vector.shape_cast %parallel_loop3A_74 : vector<16xf32> to vector<1x16xf32>
        tpu.vector_store %arg12[%parallel_loop3A_75, %parallel_loop3A_76], %parallel_loop3A_79 {strides = array<i32>} : memref<80x128xf32, #tpu.memory_space<vmem>>, vector<1x16xf32>,
        %parallel_loop3A_80 = vector.extract_strided_slice %parallel_loop3A_57 {offsets = [2], sizes = [1], strides = [1]} : vector<16xf32> to vector<1xf32>
        %parallel_loop3A_81 = vector.extract %parallel_loop3A_80[0] : f32 from vector<1xf32>
        %parallel_loop3A_82 = vector.broadcast %parallel_loop3A_81 : f32 to vector<16xf32>
        %parallel_loop3A_83 = arith.index_cast %parallel_loop3A_37 : i32 to index
        %parallel_loop3A_84 = arith.constant 32 : index
        %parallel_loop3A_85 = tpu.vector_load %arg12[%parallel_loop3A_83, %parallel_loop3A_84] {strides = array<i32>} : memref<80x128xf32, #tpu.memory_space<vmem>>, vector<1x16xf32>,
        %parallel_loop3A_86 = vector.shape_cast %parallel_loop3A_85 : vector<1x16xf32> to vector<16xf32>
        %parallel_loop3A_87 = vector.shape_cast %parallel_loop3A_82 : vector<16xf32> to vector<1x16xf32>
        tpu.vector_store %arg12[%parallel_loop3A_83, %parallel_loop3A_84], %parallel_loop3A_87 {strides = array<i32>} : memref<80x128xf32, #tpu.memory_space<vmem>>, vector<1x16xf32>,
        %parallel_loop3A_88 = vector.extract_strided_slice %parallel_loop3A_57 {offsets = [3], sizes = [1], strides = [1]} : vector<16xf32> to vector<1xf32>
        %parallel_loop3A_89 = vector.extract %parallel_loop3A_88[0] : f32 from vector<1xf32>
        %parallel_loop3A_90 = vector.broadcast %parallel_loop3A_89 : f32 to vector<16xf32>
        %parallel_loop3A_91 = arith.index_cast %parallel_loop3A_37 : i32 to index
        %parallel_loop3A_92 = arith.constant 48 : index
        %parallel_loop3A_93 = tpu.vector_load %arg12[%parallel_loop3A_91, %parallel_loop3A_92] {strides = array<i32>} : memref<80x128xf32, #tpu.memory_space<vmem>>, vector<1x16xf32>,
        %parallel_loop3A_94 = vector.shape_cast %parallel_loop3A_93 : vector<1x16xf32> to vector<16xf32>
        %parallel_loop3A_95 = vector.shape_cast %parallel_loop3A_90 : vector<16xf32> to vector<1x16xf32>
        tpu.vector_store %arg12[%parallel_loop3A_91, %parallel_loop3A_92], %parallel_loop3A_95 {strides = array<i32>} : memref<80x128xf32, #tpu.memory_space<vmem>>, vector<1x16xf32>,
        %parallel_loop3A_96 = vector.extract_strided_slice %parallel_loop3A_57 {offsets = [4], sizes = [1], strides = [1]} : vector<16xf32> to vector<1xf32>
        %parallel_loop3A_97 = vector.extract %parallel_loop3A_96[0] : f32 from vector<1xf32>
        %parallel_loop3A_98 = vector.broadcast %parallel_loop3A_97 : f32 to vector<16xf32>
        %parallel_loop3A_99 = arith.index_cast %parallel_loop3A_37 : i32 to index
        %parallel_loop3A_100 = arith.constant 64 : index
        %parallel_loop3A_101 = tpu.vector_load %arg12[%parallel_loop3A_99, %parallel_loop3A_100] {strides = array<i32>} : memref<80x128xf32, #tpu.memory_space<vmem>>, vector<1x16xf32>,
        %parallel_loop3A_102 = vector.shape_cast %parallel_loop3A_101 : vector<1x16xf32> to vector<16xf32>
        %parallel_loop3A_103 = vector.shape_cast %parallel_loop3A_98 : vector<16xf32> to vector<1x16xf32>
        tpu.vector_store %arg12[%parallel_loop3A_99, %parallel_loop3A_100], %parallel_loop3A_103 {strides = array<i32>} : memref<80x128xf32, #tpu.memory_space<vmem>>, vector<1x16xf32>,
        %parallel_loop3A_104 = vector.extract_strided_slice %parallel_loop3A_57 {offsets = [5], sizes = [1], strides = [1]} : vector<16xf32> to vector<1xf32>
        %parallel_loop3A_105 = vector.extract %parallel_loop3A_104[0] : f32 from vector<1xf32>
        %parallel_loop3A_106 = vector.broadcast %parallel_loop3A_105 : f32 to vector<16xf32>
        %parallel_loop3A_107 = arith.index_cast %parallel_loop3A_37 : i32 to index
        %parallel_loop3A_108 = arith.constant 80 : index
        %parallel_loop3A_109 = tpu.vector_load %arg12[%parallel_loop3A_107, %parallel_loop3A_108] {strides = array<i32>} : memref<80x128xf32, #tpu.memory_space<vmem>>, vector<1x16xf32>,
        %parallel_loop3A_110 = vector.shape_cast %parallel_loop3A_109 : vector<1x16xf32> to vector<16xf32>
        %parallel_loop3A_111 = vector.shape_cast %parallel_loop3A_106 : vector<16xf32> to vector<1x16xf32>
        tpu.vector_store %arg12[%parallel_loop3A_107, %parallel_loop3A_108], %parallel_loop3A_111 {strides = array<i32>} : memref<80x128xf32, #tpu.memory_space<vmem>>, vector<1x16xf32>,
        %parallel_loop3A_112 = vector.extract_strided_slice %parallel_loop3A_57 {offsets = [6], sizes = [1], strides = [1]} : vector<16xf32> to vector<1xf32>
        %parallel_loop3A_113 = vector.extract %parallel_loop3A_112[0] : f32 from vector<1xf32>
        %parallel_loop3A_114 = vector.broadcast %parallel_loop3A_113 : f32 to vector<16xf32>
        %parallel_loop3A_115 = arith.index_cast %parallel_loop3A_37 : i32 to index
        %parallel_loop3A_116 = arith.constant 96 : index
        %parallel_loop3A_117 = tpu.vector_load %arg12[%parallel_loop3A_115, %parallel_loop3A_116] {strides = array<i32>} : memref<80x128xf32, #tpu.memory_space<vmem>>, vector<1x16xf32>,
        %parallel_loop3A_118 = vector.shape_cast %parallel_loop3A_117 : vector<1x16xf32> to vector<16xf32>
        %parallel_loop3A_119 = vector.shape_cast %parallel_loop3A_114 : vector<16xf32> to vector<1x16xf32>
        tpu.vector_store %arg12[%parallel_loop3A_115, %parallel_loop3A_116], %parallel_loop3A_119 {strides = array<i32>} : memref<80x128xf32, #tpu.memory_space<vmem>>, vector<1x16xf32>,
        %parallel_loop3A_120 = vector.extract_strided_slice %parallel_loop3A_57 {offsets = [7], sizes = [1], strides = [1]} : vector<16xf32> to vector<1xf32>
        %parallel_loop3A_121 = vector.extract %parallel_loop3A_120[0] : f32 from vector<1xf32>
        %parallel_loop3A_122 = vector.broadcast %parallel_loop3A_121 : f32 to vector<16xf32>
        %parallel_loop3A_123 = arith.index_cast %parallel_loop3A_37 : i32 to index
        %parallel_loop3A_124 = arith.constant 112 : index
        %parallel_loop3A_125 = tpu.vector_load %arg12[%parallel_loop3A_123, %parallel_loop3A_124] {strides = array<i32>} : memref<80x128xf32, #tpu.memory_space<vmem>>, vector<1x16xf32>,
        %parallel_loop3A_126 = vector.shape_cast %parallel_loop3A_125 : vector<1x16xf32> to vector<16xf32>
        %parallel_loop3A_127 = vector.shape_cast %parallel_loop3A_122 : vector<16xf32> to vector<1x16xf32>
        tpu.vector_store %arg12[%parallel_loop3A_123, %parallel_loop3A_124], %parallel_loop3A_127 {strides = array<i32>} : memref<80x128xf32, #tpu.memory_space<vmem>>, vector<1x16xf32>,
      } {sc.loop_unroll_factor = 4 : i64, sc.parallel_access}
      %mul3A_34 = arith.constant 16 : i32
      %mul3A_35 = arith.muli %add3A_30, %mul3A_34 : i32
      "tpu.region"() ({
        %run_scoped3A = tpu.sem_alloc : memref<!tpu.dma_semaphore, #tpu.memory_space<semaphore_mem>>
        %dma_start3A = tpu.memref_slice %arg5[%mul3A_35] : memref<5120000xf32, #tpu.memory_space<hbm>> -> memref<1280xf32, #tpu.memory_space<hbm>>
        %dma_start3A_37 = tpu.memref_slice %arg5[%mul3A_35] : memref<5120000xf32, #tpu.memory_space<hbm>> -> memref<1280xf32, #tpu.memory_space<hbm>>
        tpu.enqueue_dma source(%arg11 : memref<1280xf32, #tpu.memory_space<vmem>>) target(%dma_start3A_37 : memref<1280xf32, #tpu.memory_space<hbm>>) target_semaphore(%run_scoped3A : memref<!tpu.dma_semaphore, #tpu.memory_space<semaphore_mem>>)
        %dma_wait3A = tpu.memref_slice %arg5[%mul3A_35] : memref<5120000xf32, #tpu.memory_space<hbm>> -> memref<1280xf32, #tpu.memory_space<hbm>>
        %dma_wait3A_38 = tpu.memref_slice %arg5[%mul3A_35] : memref<5120000xf32, #tpu.memory_space<hbm>> -> memref<1280xf32, #tpu.memory_space<hbm>>
        tpu.wait_dma2 semaphore(%run_scoped3A : memref<!tpu.dma_semaphore, #tpu.memory_space<semaphore_mem>>) src(%arg11 : memref<1280xf32, #tpu.memory_space<vmem>>) dst(%dma_wait3A_38 : memref<1280xf32, #tpu.memory_space<hbm>>)
        tpu.yield
      }) : () -> ()
      "tpu.region"() ({
        %run_scoped3A = tpu.sem_alloc : memref<!tpu.dma_semaphore, #tpu.memory_space<semaphore_mem>>
        %dma_start3A = arith.constant 0 : i32
        %dma_start3A_37 = arith.constant 0 : i32
        %dma_start3A_38 = tpu.memref_slice %arg14[%dma_start3A, %dma_start3A_37] : memref<10240x128xf32, #tpu.memory_space<vmem_shared>> -> memref<10240x128xf32, #tpu.memory_space<vmem_shared>>
        tpu.enqueue_indirect_dma source(%arg12 : memref<80x128xf32, #tpu.memory_space<vmem>>) target(%dma_start3A_38 : memref<10240x128xf32, #tpu.memory_space<vmem_shared>>) offsets(%arg8 : memref<80xi32, #tpu.memory_space<vmem>>) semaphore(%run_scoped3A : memref<!tpu.dma_semaphore, #tpu.memory_space<semaphore_mem>>) {add = true}
        %dma_wait3A = arith.constant 0 : i32
        %dma_wait3A_39 = arith.constant 0 : i32
        %dma_wait3A_40 = tpu.memref_slice %arg14[%dma_wait3A, %dma_wait3A_39] : memref<10240x128xf32, #tpu.memory_space<vmem_shared>> -> memref<10240x128xf32, #tpu.memory_space<vmem_shared>>
        tpu.wait_indirect_dma semaphore(%run_scoped3A : memref<!tpu.dma_semaphore, #tpu.memory_space<semaphore_mem>>) src(%arg12 : memref<80x128xf32, #tpu.memory_space<vmem>>) dst(%dma_wait3A_40 : memref<10240x128xf32, #tpu.memory_space<vmem_shared>>)
        tpu.yield
      }) : () -> ()
      %scan3A_36 = arith.constant 0 : i32
      scf.yield %scan3A_36 : i32
    }
    %scan3A_22 = arith.constant 125 : i32
    %barrier3A_23 = arith.constant 0 : index
    tpu.barrier barrier_id(%barrier3A_23)
    %mul3A_24 = arith.constant 640 : i32
    %mul3A_25 = arith.muli %arg1, %mul3A_24 : i32
    "tpu.region"() ({
      %run_scoped3A = tpu.sem_alloc : memref<!tpu.dma_semaphore, #tpu.memory_space<semaphore_mem>>
      %dma_start3A = arith.constant 0 : i32
      %dma_start3A_26 = tpu.memref_slice %arg6[%arg0, %mul3A_25, %dma_start3A] : memref<2x10240x128xf32, #tpu.memory_space<hbm>> -> memref<1x640x128xf32, #tpu.memory_space<hbm>>
      %dma_start3A_27 = tpu.memref_squeeze %dma_start3A_26 : memref<1x640x128xf32, #tpu.memory_space<hbm>> -> memref<640x128xf32, #tpu.memory_space<hbm>>
      %dma_start3A_28 = arith.constant 0 : i32
      %dma_start3A_29 = tpu.memref_slice %arg14[%mul3A_25, %dma_start3A_28] : memref<10240x128xf32, #tpu.memory_space<vmem_shared>> -> memref<640x128xf32, #tpu.memory_space<vmem_shared>>
      tpu.enqueue_dma source(%dma_start3A_29 : memref<640x128xf32, #tpu.memory_space<vmem_shared>>) target(%dma_start3A_27 : memref<640x128xf32, #tpu.memory_space<hbm>>) target_semaphore(%run_scoped3A : memref<!tpu.dma_semaphore, #tpu.memory_space<semaphore_mem>>)
      %dma_wait3A = arith.constant 0 : i32
      %dma_wait3A_30 = tpu.memref_slice %arg6[%arg0, %mul3A_25, %dma_wait3A] : memref<2x10240x128xf32, #tpu.memory_space<hbm>> -> memref<1x640x128xf32, #tpu.memory_space<hbm>>
      %dma_wait3A_31 = tpu.memref_squeeze %dma_wait3A_30 : memref<1x640x128xf32, #tpu.memory_space<hbm>> -> memref<640x128xf32, #tpu.memory_space<hbm>>
      %dma_wait3A_32 = arith.constant 0 : i32
      %dma_wait3A_33 = tpu.memref_slice %arg14[%mul3A_25, %dma_wait3A_32] : memref<10240x128xf32, #tpu.memory_space<vmem_shared>> -> memref<640x128xf32, #tpu.memory_space<vmem_shared>>
      tpu.wait_dma2 semaphore(%run_scoped3A : memref<!tpu.dma_semaphore, #tpu.memory_space<semaphore_mem>>) src(%dma_wait3A_33 : memref<640x128xf32, #tpu.memory_space<vmem_shared>>) dst(%dma_wait3A_31 : memref<640x128xf32, #tpu.memory_space<hbm>>)
      tpu.yield
    }) : () -> ()
    return
  }
}

#map = affine_map<(d0, d1) -> (0, 0)>
#map1 = affine_map<(d0, d1) -> (0)>
#map2 = affine_map<(d0, d1) -> (0, 0, 0)>
module attributes {stable_mosaic.version = 14 : i64} {
  func.func @_sc_aggregate_body(%arg0: i32, %arg1: i32, %arg2: memref<10240x128xf32, #tpu.memory_space<hbm>>, %arg3: memref<5120000xf32, #tpu.memory_space<hbm>>, %arg4: memref<320000xi32, #tpu.memory_space<hbm>>, %arg5: memref<320000xi32, #tpu.memory_space<hbm>>, %arg6: memref<2x10240x128xf32, #tpu.memory_space<hbm>>, %arg7: memref<80xi32, #tpu.memory_space<vmem>>, %arg8: memref<80xi32, #tpu.memory_space<vmem>>, %arg9: memref<80x128xf32, #tpu.memory_space<vmem>>, %arg10: memref<1280xf32, #tpu.memory_space<vmem>>, %arg11: memref<128x128xf32, #tpu.memory_space<vmem>>, %arg12: memref<10240x128xf32, #tpu.memory_space<vmem_shared>>) attributes {dimension_semantics = [#tpu.dimension_semantics<core_parallel>, #tpu.dimension_semantics<subcore_parallel>], iteration_bounds = array<i64: 2, 16>, scalar_prefetch = 0 : i64, scratch_operands = 6 : i64, tpu.core_type = #tpu.core_type<sc_vector_subcore>, window_params = [{transform_indices = #map}, {transform_indices = #map1}, {transform_indices = #map1}, {transform_indices = #map1}, {transform_indices = #map2}]} {
    %mul3A = arith.constant 16 : i32
    %mul3A_0 = arith.muli %arg0, %mul3A : i32
    %add3A = arith.addi %mul3A_0, %arg1 : i32
    %mul3A_1 = arith.constant 10000 : i32
    %mul3A_2 = arith.muli %add3A, %mul3A_1 : i32
    %parallel_loop3A = arith.constant 0 : i32
    %parallel_loop3A_3 = arith.constant 1024 : i32
    %parallel_loop3A_4 = arith.constant 1 : i32
    scf.for %parallel_loop3A_26 = %parallel_loop3A to %parallel_loop3A_3 step %parallel_loop3A_4  : i32 {
      %parallel_loop3A_27 = arith.constant 8 : i32
      %parallel_loop3A_28 = arith.divsi %parallel_loop3A_26, %parallel_loop3A_27 : i32
      %parallel_loop3A_29 = arith.constant 0 : i32
      %parallel_loop3A_30 = arith.cmpi sgt, %parallel_loop3A_26, %parallel_loop3A_29 : i32
      %parallel_loop3A_31 = arith.extui %parallel_loop3A_30 : i1 to i32
      %parallel_loop3A_32 = arith.constant 0 : i32
      %parallel_loop3A_33 = arith.cmpi slt, %parallel_loop3A_26, %parallel_loop3A_32 : i32
      %parallel_loop3A_34 = arith.extui %parallel_loop3A_33 : i1 to i32
      %parallel_loop3A_35 = arith.subi %parallel_loop3A_31, %parallel_loop3A_34 : i32
      %parallel_loop3A_36 = arith.constant 0 : i32
      %parallel_loop3A_37 = arith.cmpi sgt, %parallel_loop3A_27, %parallel_loop3A_36 : i32
      %parallel_loop3A_38 = arith.extui %parallel_loop3A_37 : i1 to i32
      %parallel_loop3A_39 = arith.constant 0 : i32
      %parallel_loop3A_40 = arith.cmpi slt, %parallel_loop3A_27, %parallel_loop3A_39 : i32
      %parallel_loop3A_41 = arith.extui %parallel_loop3A_40 : i1 to i32
      %parallel_loop3A_42 = arith.subi %parallel_loop3A_38, %parallel_loop3A_41 : i32
      %parallel_loop3A_43 = arith.cmpi ne, %parallel_loop3A_35, %parallel_loop3A_42 : i32
      %parallel_loop3A_44 = arith.remsi %parallel_loop3A_26, %parallel_loop3A_27 : i32
      %parallel_loop3A_45 = arith.constant 0 : i32
      %parallel_loop3A_46 = arith.cmpi ne, %parallel_loop3A_44, %parallel_loop3A_45 : i32
      %parallel_loop3A_47 = arith.andi %parallel_loop3A_43, %parallel_loop3A_46 : i1
      %parallel_loop3A_48 = arith.constant 1 : i32
      %parallel_loop3A_49 = arith.subi %parallel_loop3A_28, %parallel_loop3A_48 : i32
      %parallel_loop3A_50 = arith.select %parallel_loop3A_47, %parallel_loop3A_49, %parallel_loop3A_28 : i32
      %parallel_loop3A_51 = arith.constant 8 : i32
      %parallel_loop3A_52 = arith.constant 0 : i32
      %parallel_loop3A_53 = arith.cmpi eq, %parallel_loop3A_51, %parallel_loop3A_52 : i32
      %parallel_loop3A_54 = arith.constant 1 : i32
      %parallel_loop3A_55 = arith.select %parallel_loop3A_53, %parallel_loop3A_54, %parallel_loop3A_51 : i32
      %parallel_loop3A_56 = arith.remsi %parallel_loop3A_26, %parallel_loop3A_55 : i32
      %parallel_loop3A_57 = arith.constant 0 : i32
      %parallel_loop3A_58 = arith.cmpi ne, %parallel_loop3A_56, %parallel_loop3A_57 : i32
      %parallel_loop3A_59 = arith.constant 0 : i32
      %parallel_loop3A_60 = arith.cmpi slt, %parallel_loop3A_56, %parallel_loop3A_59 : i32
      %parallel_loop3A_61 = arith.constant 0 : i32
      %parallel_loop3A_62 = arith.cmpi slt, %parallel_loop3A_55, %parallel_loop3A_61 : i32
      %parallel_loop3A_63 = arith.xori %parallel_loop3A_60, %parallel_loop3A_62 : i1
      %parallel_loop3A_64 = arith.andi %parallel_loop3A_63, %parallel_loop3A_58 : i1
      %parallel_loop3A_65 = arith.addi %parallel_loop3A_56, %parallel_loop3A_55 : i32
      %parallel_loop3A_66 = arith.select %parallel_loop3A_64, %parallel_loop3A_65, %parallel_loop3A_56 : i32
      %parallel_loop3A_67 = arith.constant 0.000000e+00 : f32
      %parallel_loop3A_68 = vector.broadcast %parallel_loop3A_67 : f32 to vector<16xf32>
      %parallel_loop3A_69 = arith.constant 16 : i32
      %parallel_loop3A_70 = arith.muli %parallel_loop3A_66, %parallel_loop3A_69 : i32
      %parallel_loop3A_71 = arith.index_cast %parallel_loop3A_50 : i32 to index
      %parallel_loop3A_72 = arith.index_cast %parallel_loop3A_70 : i32 to index
      %parallel_loop3A_73 = tpu.vector_load %arg11[%parallel_loop3A_71, %parallel_loop3A_72] {strides = array<i32>} : memref<128x128xf32, #tpu.memory_space<vmem>>, vector<1x16xf32>,
      %parallel_loop3A_74 = vector.shape_cast %parallel_loop3A_73 : vector<1x16xf32> to vector<16xf32>
      %parallel_loop3A_75 = vector.shape_cast %parallel_loop3A_68 : vector<16xf32> to vector<1x16xf32>
      tpu.vector_store %arg11[%parallel_loop3A_71, %parallel_loop3A_72], %parallel_loop3A_75 {strides = array<i32>} : memref<128x128xf32, #tpu.memory_space<vmem>>, vector<1x16xf32>,
    } {sc.loop_unroll_factor = 8 : i64, sc.parallel_access}
    %mul3A_5 = arith.constant 640 : i32
    %mul3A_6 = arith.muli %arg1, %mul3A_5 : i32
    %add3A_7 = arith.constant 0 : i32
    %add3A_8 = arith.addi %mul3A_6, %add3A_7 : i32
    "tpu.region"() ({
      %run_scoped3A = tpu.sem_alloc : memref<!tpu.dma_semaphore, #tpu.memory_space<semaphore_mem>>
      %dma_start3A = arith.constant 0 : i32
      %dma_start3A_26 = tpu.memref_slice %arg12[%add3A_8, %dma_start3A] : memref<10240x128xf32, #tpu.memory_space<vmem_shared>> -> memref<128x128xf32, #tpu.memory_space<vmem_shared>>
      %dma_start3A_27 = arith.constant 0 : i32
      %dma_start3A_28 = tpu.memref_slice %arg12[%add3A_8, %dma_start3A_27] : memref<10240x128xf32, #tpu.memory_space<vmem_shared>> -> memref<128x128xf32, #tpu.memory_space<vmem_shared>>
      tpu.enqueue_dma source(%arg11 : memref<128x128xf32, #tpu.memory_space<vmem>>) target(%dma_start3A_28 : memref<128x128xf32, #tpu.memory_space<vmem_shared>>) target_semaphore(%run_scoped3A : memref<!tpu.dma_semaphore, #tpu.memory_space<semaphore_mem>>)
      %dma_wait3A = arith.constant 0 : i32
      %dma_wait3A_29 = tpu.memref_slice %arg12[%add3A_8, %dma_wait3A] : memref<10240x128xf32, #tpu.memory_space<vmem_shared>> -> memref<128x128xf32, #tpu.memory_space<vmem_shared>>
      %dma_wait3A_30 = arith.constant 0 : i32
      %dma_wait3A_31 = tpu.memref_slice %arg12[%add3A_8, %dma_wait3A_30] : memref<10240x128xf32, #tpu.memory_space<vmem_shared>> -> memref<128x128xf32, #tpu.memory_space<vmem_shared>>
      tpu.wait_dma2 semaphore(%run_scoped3A : memref<!tpu.dma_semaphore, #tpu.memory_space<semaphore_mem>>) src(%arg11 : memref<128x128xf32, #tpu.memory_space<vmem>>) dst(%dma_wait3A_31 : memref<128x128xf32, #tpu.memory_space<vmem_shared>>)
      tpu.yield
    }) : () -> ()
    %add3A_9 = arith.constant 128 : i32
    %add3A_10 = arith.addi %mul3A_6, %add3A_9 : i32
    "tpu.region"() ({
      %run_scoped3A = tpu.sem_alloc : memref<!tpu.dma_semaphore, #tpu.memory_space<semaphore_mem>>
      %dma_start3A = arith.constant 0 : i32
      %dma_start3A_26 = tpu.memref_slice %arg12[%add3A_10, %dma_start3A] : memref<10240x128xf32, #tpu.memory_space<vmem_shared>> -> memref<128x128xf32, #tpu.memory_space<vmem_shared>>
      %dma_start3A_27 = arith.constant 0 : i32
      %dma_start3A_28 = tpu.memref_slice %arg12[%add3A_10, %dma_start3A_27] : memref<10240x128xf32, #tpu.memory_space<vmem_shared>> -> memref<128x128xf32, #tpu.memory_space<vmem_shared>>
      tpu.enqueue_dma source(%arg11 : memref<128x128xf32, #tpu.memory_space<vmem>>) target(%dma_start3A_28 : memref<128x128xf32, #tpu.memory_space<vmem_shared>>) target_semaphore(%run_scoped3A : memref<!tpu.dma_semaphore, #tpu.memory_space<semaphore_mem>>)
      %dma_wait3A = arith.constant 0 : i32
      %dma_wait3A_29 = tpu.memref_slice %arg12[%add3A_10, %dma_wait3A] : memref<10240x128xf32, #tpu.memory_space<vmem_shared>> -> memref<128x128xf32, #tpu.memory_space<vmem_shared>>
      %dma_wait3A_30 = arith.constant 0 : i32
      %dma_wait3A_31 = tpu.memref_slice %arg12[%add3A_10, %dma_wait3A_30] : memref<10240x128xf32, #tpu.memory_space<vmem_shared>> -> memref<128x128xf32, #tpu.memory_space<vmem_shared>>
      tpu.wait_dma2 semaphore(%run_scoped3A : memref<!tpu.dma_semaphore, #tpu.memory_space<semaphore_mem>>) src(%arg11 : memref<128x128xf32, #tpu.memory_space<vmem>>) dst(%dma_wait3A_31 : memref<128x128xf32, #tpu.memory_space<vmem_shared>>)
      tpu.yield
    }) : () -> ()
    %add3A_11 = arith.constant 256 : i32
    %add3A_12 = arith.addi %mul3A_6, %add3A_11 : i32
    "tpu.region"() ({
      %run_scoped3A = tpu.sem_alloc : memref<!tpu.dma_semaphore, #tpu.memory_space<semaphore_mem>>
      %dma_start3A = arith.constant 0 : i32
      %dma_start3A_26 = tpu.memref_slice %arg12[%add3A_12, %dma_start3A] : memref<10240x128xf32, #tpu.memory_space<vmem_shared>> -> memref<128x128xf32, #tpu.memory_space<vmem_shared>>
      %dma_start3A_27 = arith.constant 0 : i32
      %dma_start3A_28 = tpu.memref_slice %arg12[%add3A_12, %dma_start3A_27] : memref<10240x128xf32, #tpu.memory_space<vmem_shared>> -> memref<128x128xf32, #tpu.memory_space<vmem_shared>>
      tpu.enqueue_dma source(%arg11 : memref<128x128xf32, #tpu.memory_space<vmem>>) target(%dma_start3A_28 : memref<128x128xf32, #tpu.memory_space<vmem_shared>>) target_semaphore(%run_scoped3A : memref<!tpu.dma_semaphore, #tpu.memory_space<semaphore_mem>>)
      %dma_wait3A = arith.constant 0 : i32
      %dma_wait3A_29 = tpu.memref_slice %arg12[%add3A_12, %dma_wait3A] : memref<10240x128xf32, #tpu.memory_space<vmem_shared>> -> memref<128x128xf32, #tpu.memory_space<vmem_shared>>
      %dma_wait3A_30 = arith.constant 0 : i32
      %dma_wait3A_31 = tpu.memref_slice %arg12[%add3A_12, %dma_wait3A_30] : memref<10240x128xf32, #tpu.memory_space<vmem_shared>> -> memref<128x128xf32, #tpu.memory_space<vmem_shared>>
      tpu.wait_dma2 semaphore(%run_scoped3A : memref<!tpu.dma_semaphore, #tpu.memory_space<semaphore_mem>>) src(%arg11 : memref<128x128xf32, #tpu.memory_space<vmem>>) dst(%dma_wait3A_31 : memref<128x128xf32, #tpu.memory_space<vmem_shared>>)
      tpu.yield
    }) : () -> ()
    %add3A_13 = arith.constant 384 : i32
    %add3A_14 = arith.addi %mul3A_6, %add3A_13 : i32
    "tpu.region"() ({
      %run_scoped3A = tpu.sem_alloc : memref<!tpu.dma_semaphore, #tpu.memory_space<semaphore_mem>>
      %dma_start3A = arith.constant 0 : i32
      %dma_start3A_26 = tpu.memref_slice %arg12[%add3A_14, %dma_start3A] : memref<10240x128xf32, #tpu.memory_space<vmem_shared>> -> memref<128x128xf32, #tpu.memory_space<vmem_shared>>
      %dma_start3A_27 = arith.constant 0 : i32
      %dma_start3A_28 = tpu.memref_slice %arg12[%add3A_14, %dma_start3A_27] : memref<10240x128xf32, #tpu.memory_space<vmem_shared>> -> memref<128x128xf32, #tpu.memory_space<vmem_shared>>
      tpu.enqueue_dma source(%arg11 : memref<128x128xf32, #tpu.memory_space<vmem>>) target(%dma_start3A_28 : memref<128x128xf32, #tpu.memory_space<vmem_shared>>) target_semaphore(%run_scoped3A : memref<!tpu.dma_semaphore, #tpu.memory_space<semaphore_mem>>)
      %dma_wait3A = arith.constant 0 : i32
      %dma_wait3A_29 = tpu.memref_slice %arg12[%add3A_14, %dma_wait3A] : memref<10240x128xf32, #tpu.memory_space<vmem_shared>> -> memref<128x128xf32, #tpu.memory_space<vmem_shared>>
      %dma_wait3A_30 = arith.constant 0 : i32
      %dma_wait3A_31 = tpu.memref_slice %arg12[%add3A_14, %dma_wait3A_30] : memref<10240x128xf32, #tpu.memory_space<vmem_shared>> -> memref<128x128xf32, #tpu.memory_space<vmem_shared>>
      tpu.wait_dma2 semaphore(%run_scoped3A : memref<!tpu.dma_semaphore, #tpu.memory_space<semaphore_mem>>) src(%arg11 : memref<128x128xf32, #tpu.memory_space<vmem>>) dst(%dma_wait3A_31 : memref<128x128xf32, #tpu.memory_space<vmem_shared>>)
      tpu.yield
    }) : () -> ()
    %add3A_15 = arith.constant 512 : i32
    %add3A_16 = arith.addi %mul3A_6, %add3A_15 : i32
    "tpu.region"() ({
      %run_scoped3A = tpu.sem_alloc : memref<!tpu.dma_semaphore, #tpu.memory_space<semaphore_mem>>
      %dma_start3A = arith.constant 0 : i32
      %dma_start3A_26 = tpu.memref_slice %arg12[%add3A_16, %dma_start3A] : memref<10240x128xf32, #tpu.memory_space<vmem_shared>> -> memref<128x128xf32, #tpu.memory_space<vmem_shared>>
      %dma_start3A_27 = arith.constant 0 : i32
      %dma_start3A_28 = tpu.memref_slice %arg12[%add3A_16, %dma_start3A_27] : memref<10240x128xf32, #tpu.memory_space<vmem_shared>> -> memref<128x128xf32, #tpu.memory_space<vmem_shared>>
      tpu.enqueue_dma source(%arg11 : memref<128x128xf32, #tpu.memory_space<vmem>>) target(%dma_start3A_28 : memref<128x128xf32, #tpu.memory_space<vmem_shared>>) target_semaphore(%run_scoped3A : memref<!tpu.dma_semaphore, #tpu.memory_space<semaphore_mem>>)
      %dma_wait3A = arith.constant 0 : i32
      %dma_wait3A_29 = tpu.memref_slice %arg12[%add3A_16, %dma_wait3A] : memref<10240x128xf32, #tpu.memory_space<vmem_shared>> -> memref<128x128xf32, #tpu.memory_space<vmem_shared>>
      %dma_wait3A_30 = arith.constant 0 : i32
      %dma_wait3A_31 = tpu.memref_slice %arg12[%add3A_16, %dma_wait3A_30] : memref<10240x128xf32, #tpu.memory_space<vmem_shared>> -> memref<128x128xf32, #tpu.memory_space<vmem_shared>>
      tpu.wait_dma2 semaphore(%run_scoped3A : memref<!tpu.dma_semaphore, #tpu.memory_space<semaphore_mem>>) src(%arg11 : memref<128x128xf32, #tpu.memory_space<vmem>>) dst(%dma_wait3A_31 : memref<128x128xf32, #tpu.memory_space<vmem_shared>>)
      tpu.yield
    }) : () -> ()
    %barrier3A = arith.constant 0 : index
    tpu.barrier barrier_id(%barrier3A)
    %scan3A = arith.constant 0 : i32
    %scan3A_17 = arith.constant 0 : i32
    %scan3A_18 = arith.constant 125 : i32
    %scan3A_19 = arith.addi %scan3A_17, %scan3A_18 : i32
    %scan3A_20 = arith.constant 1 : i32
    %scan3A_21 = scf.for %scan3A_26 = %scan3A_17 to %scan3A_19 step %scan3A_20 iter_args(%scan3A_27 = %scan3A) -> (i32)  : i32 {
      %mul3A_28 = arith.constant 80 : i32
      %mul3A_29 = arith.muli %scan3A_26, %mul3A_28 : i32
      %add3A_30 = arith.addi %mul3A_2, %mul3A_29 : i32
      "tpu.region"() ({
        %run_scoped3A = tpu.sem_alloc : memref<!tpu.dma_semaphore, #tpu.memory_space<semaphore_mem>>
        %dma_start3A = tpu.memref_slice %arg4[%add3A_30] : memref<320000xi32, #tpu.memory_space<hbm>> -> memref<80xi32, #tpu.memory_space<hbm>>
        %dma_start3A_37 = tpu.memref_slice %arg4[%add3A_30] : memref<320000xi32, #tpu.memory_space<hbm>> -> memref<80xi32, #tpu.memory_space<hbm>>
        tpu.enqueue_dma source(%dma_start3A_37 : memref<80xi32, #tpu.memory_space<hbm>>) target(%arg7 : memref<80xi32, #tpu.memory_space<vmem>>) target_semaphore(%run_scoped3A : memref<!tpu.dma_semaphore, #tpu.memory_space<semaphore_mem>>)
        %dma_wait3A = tpu.memref_slice %arg4[%add3A_30] : memref<320000xi32, #tpu.memory_space<hbm>> -> memref<80xi32, #tpu.memory_space<hbm>>
        %dma_wait3A_38 = tpu.memref_slice %arg4[%add3A_30] : memref<320000xi32, #tpu.memory_space<hbm>> -> memref<80xi32, #tpu.memory_space<hbm>>
        tpu.wait_dma2 semaphore(%run_scoped3A : memref<!tpu.dma_semaphore, #tpu.memory_space<semaphore_mem>>) src(%dma_wait3A_38 : memref<80xi32, #tpu.memory_space<hbm>>) dst(%arg7 : memref<80xi32, #tpu.memory_space<vmem>>)
        tpu.yield
      }) : () -> ()
      "tpu.region"() ({
        %run_scoped3A = tpu.sem_alloc : memref<!tpu.dma_semaphore, #tpu.memory_space<semaphore_mem>>
        %dma_start3A = tpu.memref_slice %arg5[%add3A_30] : memref<320000xi32, #tpu.memory_space<hbm>> -> memref<80xi32, #tpu.memory_space<hbm>>
        %dma_start3A_37 = tpu.memref_slice %arg5[%add3A_30] : memref<320000xi32, #tpu.memory_space<hbm>> -> memref<80xi32, #tpu.memory_space<hbm>>
        tpu.enqueue_dma source(%dma_start3A_37 : memref<80xi32, #tpu.memory_space<hbm>>) target(%arg8 : memref<80xi32, #tpu.memory_space<vmem>>) target_semaphore(%run_scoped3A : memref<!tpu.dma_semaphore, #tpu.memory_space<semaphore_mem>>)
        %dma_wait3A = tpu.memref_slice %arg5[%add3A_30] : memref<320000xi32, #tpu.memory_space<hbm>> -> memref<80xi32, #tpu.memory_space<hbm>>
        %dma_wait3A_38 = tpu.memref_slice %arg5[%add3A_30] : memref<320000xi32, #tpu.memory_space<hbm>> -> memref<80xi32, #tpu.memory_space<hbm>>
        tpu.wait_dma2 semaphore(%run_scoped3A : memref<!tpu.dma_semaphore, #tpu.memory_space<semaphore_mem>>) src(%dma_wait3A_38 : memref<80xi32, #tpu.memory_space<hbm>>) dst(%arg8 : memref<80xi32, #tpu.memory_space<vmem>>)
        tpu.yield
      }) : () -> ()
      "tpu.region"() ({
        %run_scoped3A = tpu.sem_alloc : memref<!tpu.dma_semaphore, #tpu.memory_space<semaphore_mem>>
        %dma_start3A = arith.constant 0 : i32
        %dma_start3A_37 = arith.constant 0 : i32
        %dma_start3A_38 = tpu.memref_slice %arg2[%dma_start3A, %dma_start3A_37] : memref<10240x128xf32, #tpu.memory_space<hbm>> -> memref<10240x128xf32, #tpu.memory_space<hbm>>
        tpu.enqueue_indirect_dma source(%dma_start3A_38 : memref<10240x128xf32, #tpu.memory_space<hbm>>) target(%arg9 : memref<80x128xf32, #tpu.memory_space<vmem>>) offsets(%arg7 : memref<80xi32, #tpu.memory_space<vmem>>) semaphore(%run_scoped3A : memref<!tpu.dma_semaphore, #tpu.memory_space<semaphore_mem>>)
        %dma_wait3A = arith.constant 0 : i32
        %dma_wait3A_39 = arith.constant 0 : i32
        %dma_wait3A_40 = tpu.memref_slice %arg2[%dma_wait3A, %dma_wait3A_39] : memref<10240x128xf32, #tpu.memory_space<hbm>> -> memref<10240x128xf32, #tpu.memory_space<hbm>>
        tpu.wait_indirect_dma semaphore(%run_scoped3A : memref<!tpu.dma_semaphore, #tpu.memory_space<semaphore_mem>>) src(%dma_wait3A_40 : memref<10240x128xf32, #tpu.memory_space<hbm>>) dst(%arg9 : memref<80x128xf32, #tpu.memory_space<vmem>>)
        tpu.yield
      }) : () -> ()
      %mul3A_31 = arith.constant 16 : i32
      %mul3A_32 = arith.muli %add3A_30, %mul3A_31 : i32
      "tpu.region"() ({
        %run_scoped3A = tpu.sem_alloc : memref<!tpu.dma_semaphore, #tpu.memory_space<semaphore_mem>>
        %dma_start3A = tpu.memref_slice %arg3[%mul3A_32] : memref<5120000xf32, #tpu.memory_space<hbm>> -> memref<1280xf32, #tpu.memory_space<hbm>>
        %dma_start3A_37 = tpu.memref_slice %arg3[%mul3A_32] : memref<5120000xf32, #tpu.memory_space<hbm>> -> memref<1280xf32, #tpu.memory_space<hbm>>
        tpu.enqueue_dma source(%dma_start3A_37 : memref<1280xf32, #tpu.memory_space<hbm>>) target(%arg10 : memref<1280xf32, #tpu.memory_space<vmem>>) target_semaphore(%run_scoped3A : memref<!tpu.dma_semaphore, #tpu.memory_space<semaphore_mem>>)
        %dma_wait3A = tpu.memref_slice %arg3[%mul3A_32] : memref<5120000xf32, #tpu.memory_space<hbm>> -> memref<1280xf32, #tpu.memory_space<hbm>>
        %dma_wait3A_38 = tpu.memref_slice %arg3[%mul3A_32] : memref<5120000xf32, #tpu.memory_space<hbm>> -> memref<1280xf32, #tpu.memory_space<hbm>>
        tpu.wait_dma2 semaphore(%run_scoped3A : memref<!tpu.dma_semaphore, #tpu.memory_space<semaphore_mem>>) src(%dma_wait3A_38 : memref<1280xf32, #tpu.memory_space<hbm>>) dst(%arg10 : memref<1280xf32, #tpu.memory_space<vmem>>)
        tpu.yield
      }) : () -> ()
      %parallel_loop3A_33 = arith.constant 0 : i32
      %parallel_loop3A_34 = arith.constant 80 : i32
      %parallel_loop3A_35 = arith.constant 1 : i32
      scf.for %parallel_loop3A_37 = %parallel_loop3A_33 to %parallel_loop3A_34 step %parallel_loop3A_35  : i32 {
        %parallel_loop3A_38 = arith.constant 16 : i32
        %parallel_loop3A_39 = arith.muli %parallel_loop3A_37, %parallel_loop3A_38 : i32
        %parallel_loop3A_40 = arith.index_cast %parallel_loop3A_39 : i32 to index
        %parallel_loop3A_41 = tpu.vector_load %arg10[%parallel_loop3A_40] {strides = array<i32>} : memref<1280xf32, #tpu.memory_space<vmem>>, vector<16xf32>,
        %parallel_loop3A_42 = vector.shape_cast %parallel_loop3A_41 : vector<16xf32> to vector<16xf32>
        %parallel_loop3A_43 = vector.extract_strided_slice %parallel_loop3A_42 {offsets = [0], sizes = [1], strides = [1]} : vector<16xf32> to vector<1xf32>
        %parallel_loop3A_44 = vector.extract %parallel_loop3A_43[0] : f32 from vector<1xf32>
        %parallel_loop3A_45 = vector.broadcast %parallel_loop3A_44 : f32 to vector<16xf32>
        %parallel_loop3A_46 = arith.index_cast %parallel_loop3A_37 : i32 to index
        %parallel_loop3A_47 = arith.constant 0 : index
        %parallel_loop3A_48 = tpu.vector_load %arg9[%parallel_loop3A_46, %parallel_loop3A_47] {strides = array<i32>} : memref<80x128xf32, #tpu.memory_space<vmem>>, vector<1x16xf32>,
        %parallel_loop3A_49 = vector.shape_cast %parallel_loop3A_48 : vector<1x16xf32> to vector<16xf32>
        %parallel_loop3A_50 = arith.mulf %parallel_loop3A_49, %parallel_loop3A_45 : vector<16xf32>
        %parallel_loop3A_51 = arith.index_cast %parallel_loop3A_37 : i32 to index
        %parallel_loop3A_52 = arith.constant 0 : index
        %parallel_loop3A_53 = tpu.vector_load %arg9[%parallel_loop3A_51, %parallel_loop3A_52] {strides = array<i32>} : memref<80x128xf32, #tpu.memory_space<vmem>>, vector<1x16xf32>,
        %parallel_loop3A_54 = vector.shape_cast %parallel_loop3A_53 : vector<1x16xf32> to vector<16xf32>
        %parallel_loop3A_55 = vector.shape_cast %parallel_loop3A_50 : vector<16xf32> to vector<1x16xf32>
        tpu.vector_store %arg9[%parallel_loop3A_51, %parallel_loop3A_52], %parallel_loop3A_55 {strides = array<i32>} : memref<80x128xf32, #tpu.memory_space<vmem>>, vector<1x16xf32>,
        %parallel_loop3A_56 = vector.extract_strided_slice %parallel_loop3A_42 {offsets = [1], sizes = [1], strides = [1]} : vector<16xf32> to vector<1xf32>
        %parallel_loop3A_57 = vector.extract %parallel_loop3A_56[0] : f32 from vector<1xf32>
        %parallel_loop3A_58 = vector.broadcast %parallel_loop3A_57 : f32 to vector<16xf32>
        %parallel_loop3A_59 = arith.index_cast %parallel_loop3A_37 : i32 to index
        %parallel_loop3A_60 = arith.constant 16 : index
        %parallel_loop3A_61 = tpu.vector_load %arg9[%parallel_loop3A_59, %parallel_loop3A_60] {strides = array<i32>} : memref<80x128xf32, #tpu.memory_space<vmem>>, vector<1x16xf32>,
        %parallel_loop3A_62 = vector.shape_cast %parallel_loop3A_61 : vector<1x16xf32> to vector<16xf32>
        %parallel_loop3A_63 = arith.mulf %parallel_loop3A_62, %parallel_loop3A_58 : vector<16xf32>
        %parallel_loop3A_64 = arith.index_cast %parallel_loop3A_37 : i32 to index
        %parallel_loop3A_65 = arith.constant 16 : index
        %parallel_loop3A_66 = tpu.vector_load %arg9[%parallel_loop3A_64, %parallel_loop3A_65] {strides = array<i32>} : memref<80x128xf32, #tpu.memory_space<vmem>>, vector<1x16xf32>,
        %parallel_loop3A_67 = vector.shape_cast %parallel_loop3A_66 : vector<1x16xf32> to vector<16xf32>
        %parallel_loop3A_68 = vector.shape_cast %parallel_loop3A_63 : vector<16xf32> to vector<1x16xf32>
        tpu.vector_store %arg9[%parallel_loop3A_64, %parallel_loop3A_65], %parallel_loop3A_68 {strides = array<i32>} : memref<80x128xf32, #tpu.memory_space<vmem>>, vector<1x16xf32>,
        %parallel_loop3A_69 = vector.extract_strided_slice %parallel_loop3A_42 {offsets = [2], sizes = [1], strides = [1]} : vector<16xf32> to vector<1xf32>
        %parallel_loop3A_70 = vector.extract %parallel_loop3A_69[0] : f32 from vector<1xf32>
        %parallel_loop3A_71 = vector.broadcast %parallel_loop3A_70 : f32 to vector<16xf32>
        %parallel_loop3A_72 = arith.index_cast %parallel_loop3A_37 : i32 to index
        %parallel_loop3A_73 = arith.constant 32 : index
        %parallel_loop3A_74 = tpu.vector_load %arg9[%parallel_loop3A_72, %parallel_loop3A_73] {strides = array<i32>} : memref<80x128xf32, #tpu.memory_space<vmem>>, vector<1x16xf32>,
        %parallel_loop3A_75 = vector.shape_cast %parallel_loop3A_74 : vector<1x16xf32> to vector<16xf32>
        %parallel_loop3A_76 = arith.mulf %parallel_loop3A_75, %parallel_loop3A_71 : vector<16xf32>
        %parallel_loop3A_77 = arith.index_cast %parallel_loop3A_37 : i32 to index
        %parallel_loop3A_78 = arith.constant 32 : index
        %parallel_loop3A_79 = tpu.vector_load %arg9[%parallel_loop3A_77, %parallel_loop3A_78] {strides = array<i32>} : memref<80x128xf32, #tpu.memory_space<vmem>>, vector<1x16xf32>,
        %parallel_loop3A_80 = vector.shape_cast %parallel_loop3A_79 : vector<1x16xf32> to vector<16xf32>
        %parallel_loop3A_81 = vector.shape_cast %parallel_loop3A_76 : vector<16xf32> to vector<1x16xf32>
        tpu.vector_store %arg9[%parallel_loop3A_77, %parallel_loop3A_78], %parallel_loop3A_81 {strides = array<i32>} : memref<80x128xf32, #tpu.memory_space<vmem>>, vector<1x16xf32>,
        %parallel_loop3A_82 = vector.extract_strided_slice %parallel_loop3A_42 {offsets = [3], sizes = [1], strides = [1]} : vector<16xf32> to vector<1xf32>
        %parallel_loop3A_83 = vector.extract %parallel_loop3A_82[0] : f32 from vector<1xf32>
        %parallel_loop3A_84 = vector.broadcast %parallel_loop3A_83 : f32 to vector<16xf32>
        %parallel_loop3A_85 = arith.index_cast %parallel_loop3A_37 : i32 to index
        %parallel_loop3A_86 = arith.constant 48 : index
        %parallel_loop3A_87 = tpu.vector_load %arg9[%parallel_loop3A_85, %parallel_loop3A_86] {strides = array<i32>} : memref<80x128xf32, #tpu.memory_space<vmem>>, vector<1x16xf32>,
        %parallel_loop3A_88 = vector.shape_cast %parallel_loop3A_87 : vector<1x16xf32> to vector<16xf32>
        %parallel_loop3A_89 = arith.mulf %parallel_loop3A_88, %parallel_loop3A_84 : vector<16xf32>
        %parallel_loop3A_90 = arith.index_cast %parallel_loop3A_37 : i32 to index
        %parallel_loop3A_91 = arith.constant 48 : index
        %parallel_loop3A_92 = tpu.vector_load %arg9[%parallel_loop3A_90, %parallel_loop3A_91] {strides = array<i32>} : memref<80x128xf32, #tpu.memory_space<vmem>>, vector<1x16xf32>,
        %parallel_loop3A_93 = vector.shape_cast %parallel_loop3A_92 : vector<1x16xf32> to vector<16xf32>
        %parallel_loop3A_94 = vector.shape_cast %parallel_loop3A_89 : vector<16xf32> to vector<1x16xf32>
        tpu.vector_store %arg9[%parallel_loop3A_90, %parallel_loop3A_91], %parallel_loop3A_94 {strides = array<i32>} : memref<80x128xf32, #tpu.memory_space<vmem>>, vector<1x16xf32>,
        %parallel_loop3A_95 = vector.extract_strided_slice %parallel_loop3A_42 {offsets = [4], sizes = [1], strides = [1]} : vector<16xf32> to vector<1xf32>
        %parallel_loop3A_96 = vector.extract %parallel_loop3A_95[0] : f32 from vector<1xf32>
        %parallel_loop3A_97 = vector.broadcast %parallel_loop3A_96 : f32 to vector<16xf32>
        %parallel_loop3A_98 = arith.index_cast %parallel_loop3A_37 : i32 to index
        %parallel_loop3A_99 = arith.constant 64 : index
        %parallel_loop3A_100 = tpu.vector_load %arg9[%parallel_loop3A_98, %parallel_loop3A_99] {strides = array<i32>} : memref<80x128xf32, #tpu.memory_space<vmem>>, vector<1x16xf32>,
        %parallel_loop3A_101 = vector.shape_cast %parallel_loop3A_100 : vector<1x16xf32> to vector<16xf32>
        %parallel_loop3A_102 = arith.mulf %parallel_loop3A_101, %parallel_loop3A_97 : vector<16xf32>
        %parallel_loop3A_103 = arith.index_cast %parallel_loop3A_37 : i32 to index
        %parallel_loop3A_104 = arith.constant 64 : index
        %parallel_loop3A_105 = tpu.vector_load %arg9[%parallel_loop3A_103, %parallel_loop3A_104] {strides = array<i32>} : memref<80x128xf32, #tpu.memory_space<vmem>>, vector<1x16xf32>,
        %parallel_loop3A_106 = vector.shape_cast %parallel_loop3A_105 : vector<1x16xf32> to vector<16xf32>
        %parallel_loop3A_107 = vector.shape_cast %parallel_loop3A_102 : vector<16xf32> to vector<1x16xf32>
        tpu.vector_store %arg9[%parallel_loop3A_103, %parallel_loop3A_104], %parallel_loop3A_107 {strides = array<i32>} : memref<80x128xf32, #tpu.memory_space<vmem>>, vector<1x16xf32>,
        %parallel_loop3A_108 = vector.extract_strided_slice %parallel_loop3A_42 {offsets = [5], sizes = [1], strides = [1]} : vector<16xf32> to vector<1xf32>
        %parallel_loop3A_109 = vector.extract %parallel_loop3A_108[0] : f32 from vector<1xf32>
        %parallel_loop3A_110 = vector.broadcast %parallel_loop3A_109 : f32 to vector<16xf32>
        %parallel_loop3A_111 = arith.index_cast %parallel_loop3A_37 : i32 to index
        %parallel_loop3A_112 = arith.constant 80 : index
        %parallel_loop3A_113 = tpu.vector_load %arg9[%parallel_loop3A_111, %parallel_loop3A_112] {strides = array<i32>} : memref<80x128xf32, #tpu.memory_space<vmem>>, vector<1x16xf32>,
        %parallel_loop3A_114 = vector.shape_cast %parallel_loop3A_113 : vector<1x16xf32> to vector<16xf32>
        %parallel_loop3A_115 = arith.mulf %parallel_loop3A_114, %parallel_loop3A_110 : vector<16xf32>
        %parallel_loop3A_116 = arith.index_cast %parallel_loop3A_37 : i32 to index
        %parallel_loop3A_117 = arith.constant 80 : index
        %parallel_loop3A_118 = tpu.vector_load %arg9[%parallel_loop3A_116, %parallel_loop3A_117] {strides = array<i32>} : memref<80x128xf32, #tpu.memory_space<vmem>>, vector<1x16xf32>,
        %parallel_loop3A_119 = vector.shape_cast %parallel_loop3A_118 : vector<1x16xf32> to vector<16xf32>
        %parallel_loop3A_120 = vector.shape_cast %parallel_loop3A_115 : vector<16xf32> to vector<1x16xf32>
        tpu.vector_store %arg9[%parallel_loop3A_116, %parallel_loop3A_117], %parallel_loop3A_120 {strides = array<i32>} : memref<80x128xf32, #tpu.memory_space<vmem>>, vector<1x16xf32>,
        %parallel_loop3A_121 = vector.extract_strided_slice %parallel_loop3A_42 {offsets = [6], sizes = [1], strides = [1]} : vector<16xf32> to vector<1xf32>
        %parallel_loop3A_122 = vector.extract %parallel_loop3A_121[0] : f32 from vector<1xf32>
        %parallel_loop3A_123 = vector.broadcast %parallel_loop3A_122 : f32 to vector<16xf32>
        %parallel_loop3A_124 = arith.index_cast %parallel_loop3A_37 : i32 to index
        %parallel_loop3A_125 = arith.constant 96 : index
        %parallel_loop3A_126 = tpu.vector_load %arg9[%parallel_loop3A_124, %parallel_loop3A_125] {strides = array<i32>} : memref<80x128xf32, #tpu.memory_space<vmem>>, vector<1x16xf32>,
        %parallel_loop3A_127 = vector.shape_cast %parallel_loop3A_126 : vector<1x16xf32> to vector<16xf32>
        %parallel_loop3A_128 = arith.mulf %parallel_loop3A_127, %parallel_loop3A_123 : vector<16xf32>
        %parallel_loop3A_129 = arith.index_cast %parallel_loop3A_37 : i32 to index
        %parallel_loop3A_130 = arith.constant 96 : index
        %parallel_loop3A_131 = tpu.vector_load %arg9[%parallel_loop3A_129, %parallel_loop3A_130] {strides = array<i32>} : memref<80x128xf32, #tpu.memory_space<vmem>>, vector<1x16xf32>,
        %parallel_loop3A_132 = vector.shape_cast %parallel_loop3A_131 : vector<1x16xf32> to vector<16xf32>
        %parallel_loop3A_133 = vector.shape_cast %parallel_loop3A_128 : vector<16xf32> to vector<1x16xf32>
        tpu.vector_store %arg9[%parallel_loop3A_129, %parallel_loop3A_130], %parallel_loop3A_133 {strides = array<i32>} : memref<80x128xf32, #tpu.memory_space<vmem>>, vector<1x16xf32>,
        %parallel_loop3A_134 = vector.extract_strided_slice %parallel_loop3A_42 {offsets = [7], sizes = [1], strides = [1]} : vector<16xf32> to vector<1xf32>
        %parallel_loop3A_135 = vector.extract %parallel_loop3A_134[0] : f32 from vector<1xf32>
        %parallel_loop3A_136 = vector.broadcast %parallel_loop3A_135 : f32 to vector<16xf32>
        %parallel_loop3A_137 = arith.index_cast %parallel_loop3A_37 : i32 to index
        %parallel_loop3A_138 = arith.constant 112 : index
        %parallel_loop3A_139 = tpu.vector_load %arg9[%parallel_loop3A_137, %parallel_loop3A_138] {strides = array<i32>} : memref<80x128xf32, #tpu.memory_space<vmem>>, vector<1x16xf32>,
        %parallel_loop3A_140 = vector.shape_cast %parallel_loop3A_139 : vector<1x16xf32> to vector<16xf32>
        %parallel_loop3A_141 = arith.mulf %parallel_loop3A_140, %parallel_loop3A_136 : vector<16xf32>
        %parallel_loop3A_142 = arith.index_cast %parallel_loop3A_37 : i32 to index
        %parallel_loop3A_143 = arith.constant 112 : index
        %parallel_loop3A_144 = tpu.vector_load %arg9[%parallel_loop3A_142, %parallel_loop3A_143] {strides = array<i32>} : memref<80x128xf32, #tpu.memory_space<vmem>>, vector<1x16xf32>,
        %parallel_loop3A_145 = vector.shape_cast %parallel_loop3A_144 : vector<1x16xf32> to vector<16xf32>
        %parallel_loop3A_146 = vector.shape_cast %parallel_loop3A_141 : vector<16xf32> to vector<1x16xf32>
        tpu.vector_store %arg9[%parallel_loop3A_142, %parallel_loop3A_143], %parallel_loop3A_146 {strides = array<i32>} : memref<80x128xf32, #tpu.memory_space<vmem>>, vector<1x16xf32>,
      } {sc.loop_unroll_factor = 4 : i64, sc.parallel_access}
      "tpu.region"() ({
        %run_scoped3A = tpu.sem_alloc : memref<!tpu.dma_semaphore, #tpu.memory_space<semaphore_mem>>
        %dma_start3A = arith.constant 0 : i32
        %dma_start3A_37 = arith.constant 0 : i32
        %dma_start3A_38 = tpu.memref_slice %arg12[%dma_start3A, %dma_start3A_37] : memref<10240x128xf32, #tpu.memory_space<vmem_shared>> -> memref<10240x128xf32, #tpu.memory_space<vmem_shared>>
        tpu.enqueue_indirect_dma source(%arg9 : memref<80x128xf32, #tpu.memory_space<vmem>>) target(%dma_start3A_38 : memref<10240x128xf32, #tpu.memory_space<vmem_shared>>) offsets(%arg8 : memref<80xi32, #tpu.memory_space<vmem>>) semaphore(%run_scoped3A : memref<!tpu.dma_semaphore, #tpu.memory_space<semaphore_mem>>) {add = true}
        %dma_wait3A = arith.constant 0 : i32
        %dma_wait3A_39 = arith.constant 0 : i32
        %dma_wait3A_40 = tpu.memref_slice %arg12[%dma_wait3A, %dma_wait3A_39] : memref<10240x128xf32, #tpu.memory_space<vmem_shared>> -> memref<10240x128xf32, #tpu.memory_space<vmem_shared>>
        tpu.wait_indirect_dma semaphore(%run_scoped3A : memref<!tpu.dma_semaphore, #tpu.memory_space<semaphore_mem>>) src(%arg9 : memref<80x128xf32, #tpu.memory_space<vmem>>) dst(%dma_wait3A_40 : memref<10240x128xf32, #tpu.memory_space<vmem_shared>>)
        tpu.yield
      }) : () -> ()
      %scan3A_36 = arith.constant 0 : i32
      scf.yield %scan3A_36 : i32
    }
    %scan3A_22 = arith.constant 125 : i32
    %barrier3A_23 = arith.constant 0 : index
    tpu.barrier barrier_id(%barrier3A_23)
    %mul3A_24 = arith.constant 640 : i32
    %mul3A_25 = arith.muli %arg1, %mul3A_24 : i32
    "tpu.region"() ({
      %run_scoped3A = tpu.sem_alloc : memref<!tpu.dma_semaphore, #tpu.memory_space<semaphore_mem>>
      %dma_start3A = arith.constant 0 : i32
      %dma_start3A_26 = tpu.memref_slice %arg6[%arg0, %mul3A_25, %dma_start3A] : memref<2x10240x128xf32, #tpu.memory_space<hbm>> -> memref<1x640x128xf32, #tpu.memory_space<hbm>>
      %dma_start3A_27 = tpu.memref_squeeze %dma_start3A_26 : memref<1x640x128xf32, #tpu.memory_space<hbm>> -> memref<640x128xf32, #tpu.memory_space<hbm>>
      %dma_start3A_28 = arith.constant 0 : i32
      %dma_start3A_29 = tpu.memref_slice %arg12[%mul3A_25, %dma_start3A_28] : memref<10240x128xf32, #tpu.memory_space<vmem_shared>> -> memref<640x128xf32, #tpu.memory_space<vmem_shared>>
      tpu.enqueue_dma source(%dma_start3A_29 : memref<640x128xf32, #tpu.memory_space<vmem_shared>>) target(%dma_start3A_27 : memref<640x128xf32, #tpu.memory_space<hbm>>) target_semaphore(%run_scoped3A : memref<!tpu.dma_semaphore, #tpu.memory_space<semaphore_mem>>)
      %dma_wait3A = arith.constant 0 : i32
      %dma_wait3A_30 = tpu.memref_slice %arg6[%arg0, %mul3A_25, %dma_wait3A] : memref<2x10240x128xf32, #tpu.memory_space<hbm>> -> memref<1x640x128xf32, #tpu.memory_space<hbm>>
      %dma_wait3A_31 = tpu.memref_squeeze %dma_wait3A_30 : memref<1x640x128xf32, #tpu.memory_space<hbm>> -> memref<640x128xf32, #tpu.memory_space<hbm>>
      %dma_wait3A_32 = arith.constant 0 : i32
      %dma_wait3A_33 = tpu.memref_slice %arg12[%mul3A_25, %dma_wait3A_32] : memref<10240x128xf32, #tpu.memory_space<vmem_shared>> -> memref<640x128xf32, #tpu.memory_space<vmem_shared>>
      tpu.wait_dma2 semaphore(%run_scoped3A : memref<!tpu.dma_semaphore, #tpu.memory_space<semaphore_mem>>) src(%dma_wait3A_33 : memref<640x128xf32, #tpu.memory_space<vmem_shared>>) dst(%dma_wait3A_31 : memref<640x128xf32, #tpu.memory_space<hbm>>)
      tpu.yield
    }) : () -> ()
    return
  }
}

#map = affine_map<(d0, d1) -> (0, 0)>
#map1 = affine_map<(d0, d1) -> (0)>
#map2 = affine_map<(d0, d1) -> (0, 0, 0)>
module attributes {stable_mosaic.version = 14 : i64} {
  func.func @_sc_aggregate_body(%arg0: i32, %arg1: i32, %arg2: memref<10240x128xf32, #tpu.memory_space<hbm>>, %arg3: memref<5120000xf32, #tpu.memory_space<hbm>>, %arg4: memref<320000xi32, #tpu.memory_space<hbm>>, %arg5: memref<320000xi32, #tpu.memory_space<hbm>>, %arg6: memref<2x10240x128xf32, #tpu.memory_space<hbm>>, %arg7: memref<80xi32, #tpu.memory_space<vmem>>, %arg8: memref<80xi32, #tpu.memory_space<vmem>>, %arg9: memref<80x128xf32, #tpu.memory_space<vmem>>, %arg10: memref<1280xf32, #tpu.memory_space<vmem>>, %arg11: memref<128x128xf32, #tpu.memory_space<vmem>>, %arg12: memref<10240x128xf32, #tpu.memory_space<vmem_shared>>) attributes {dimension_semantics = [#tpu.dimension_semantics<core_parallel>, #tpu.dimension_semantics<subcore_parallel>], iteration_bounds = array<i64: 2, 16>, scalar_prefetch = 0 : i64, scratch_operands = 6 : i64, tpu.core_type = #tpu.core_type<sc_vector_subcore>, window_params = [{transform_indices = #map}, {transform_indices = #map1}, {transform_indices = #map1}, {transform_indices = #map1}, {transform_indices = #map2}]} {
    %mul3A = arith.constant 16 : i32
    %mul3A_0 = arith.muli %arg0, %mul3A : i32
    %add3A = arith.addi %mul3A_0, %arg1 : i32
    %mul3A_1 = arith.constant 10000 : i32
    %mul3A_2 = arith.muli %add3A, %mul3A_1 : i32
    %parallel_loop3A = arith.constant 0 : i32
    %parallel_loop3A_3 = arith.constant 1024 : i32
    %parallel_loop3A_4 = arith.constant 1 : i32
    scf.for %parallel_loop3A_26 = %parallel_loop3A to %parallel_loop3A_3 step %parallel_loop3A_4  : i32 {
      %parallel_loop3A_27 = arith.constant 8 : i32
      %parallel_loop3A_28 = arith.divsi %parallel_loop3A_26, %parallel_loop3A_27 : i32
      %parallel_loop3A_29 = arith.constant 0 : i32
      %parallel_loop3A_30 = arith.cmpi sgt, %parallel_loop3A_26, %parallel_loop3A_29 : i32
      %parallel_loop3A_31 = arith.extui %parallel_loop3A_30 : i1 to i32
      %parallel_loop3A_32 = arith.constant 0 : i32
      %parallel_loop3A_33 = arith.cmpi slt, %parallel_loop3A_26, %parallel_loop3A_32 : i32
      %parallel_loop3A_34 = arith.extui %parallel_loop3A_33 : i1 to i32
      %parallel_loop3A_35 = arith.subi %parallel_loop3A_31, %parallel_loop3A_34 : i32
      %parallel_loop3A_36 = arith.constant 0 : i32
      %parallel_loop3A_37 = arith.cmpi sgt, %parallel_loop3A_27, %parallel_loop3A_36 : i32
      %parallel_loop3A_38 = arith.extui %parallel_loop3A_37 : i1 to i32
      %parallel_loop3A_39 = arith.constant 0 : i32
      %parallel_loop3A_40 = arith.cmpi slt, %parallel_loop3A_27, %parallel_loop3A_39 : i32
      %parallel_loop3A_41 = arith.extui %parallel_loop3A_40 : i1 to i32
      %parallel_loop3A_42 = arith.subi %parallel_loop3A_38, %parallel_loop3A_41 : i32
      %parallel_loop3A_43 = arith.cmpi ne, %parallel_loop3A_35, %parallel_loop3A_42 : i32
      %parallel_loop3A_44 = arith.remsi %parallel_loop3A_26, %parallel_loop3A_27 : i32
      %parallel_loop3A_45 = arith.constant 0 : i32
      %parallel_loop3A_46 = arith.cmpi ne, %parallel_loop3A_44, %parallel_loop3A_45 : i32
      %parallel_loop3A_47 = arith.andi %parallel_loop3A_43, %parallel_loop3A_46 : i1
      %parallel_loop3A_48 = arith.constant 1 : i32
      %parallel_loop3A_49 = arith.subi %parallel_loop3A_28, %parallel_loop3A_48 : i32
      %parallel_loop3A_50 = arith.select %parallel_loop3A_47, %parallel_loop3A_49, %parallel_loop3A_28 : i32
      %parallel_loop3A_51 = arith.constant 8 : i32
      %parallel_loop3A_52 = arith.constant 0 : i32
      %parallel_loop3A_53 = arith.cmpi eq, %parallel_loop3A_51, %parallel_loop3A_52 : i32
      %parallel_loop3A_54 = arith.constant 1 : i32
      %parallel_loop3A_55 = arith.select %parallel_loop3A_53, %parallel_loop3A_54, %parallel_loop3A_51 : i32
      %parallel_loop3A_56 = arith.remsi %parallel_loop3A_26, %parallel_loop3A_55 : i32
      %parallel_loop3A_57 = arith.constant 0 : i32
      %parallel_loop3A_58 = arith.cmpi ne, %parallel_loop3A_56, %parallel_loop3A_57 : i32
      %parallel_loop3A_59 = arith.constant 0 : i32
      %parallel_loop3A_60 = arith.cmpi slt, %parallel_loop3A_56, %parallel_loop3A_59 : i32
      %parallel_loop3A_61 = arith.constant 0 : i32
      %parallel_loop3A_62 = arith.cmpi slt, %parallel_loop3A_55, %parallel_loop3A_61 : i32
      %parallel_loop3A_63 = arith.xori %parallel_loop3A_60, %parallel_loop3A_62 : i1
      %parallel_loop3A_64 = arith.andi %parallel_loop3A_63, %parallel_loop3A_58 : i1
      %parallel_loop3A_65 = arith.addi %parallel_loop3A_56, %parallel_loop3A_55 : i32
      %parallel_loop3A_66 = arith.select %parallel_loop3A_64, %parallel_loop3A_65, %parallel_loop3A_56 : i32
      %parallel_loop3A_67 = arith.constant 0.000000e+00 : f32
      %parallel_loop3A_68 = vector.broadcast %parallel_loop3A_67 : f32 to vector<16xf32>
      %parallel_loop3A_69 = arith.constant 16 : i32
      %parallel_loop3A_70 = arith.muli %parallel_loop3A_66, %parallel_loop3A_69 : i32
      %parallel_loop3A_71 = arith.index_cast %parallel_loop3A_50 : i32 to index
      %parallel_loop3A_72 = arith.index_cast %parallel_loop3A_70 : i32 to index
      %parallel_loop3A_73 = tpu.vector_load %arg11[%parallel_loop3A_71, %parallel_loop3A_72] {strides = array<i32>} : memref<128x128xf32, #tpu.memory_space<vmem>>, vector<1x16xf32>,
      %parallel_loop3A_74 = vector.shape_cast %parallel_loop3A_73 : vector<1x16xf32> to vector<16xf32>
      %parallel_loop3A_75 = vector.shape_cast %parallel_loop3A_68 : vector<16xf32> to vector<1x16xf32>
      tpu.vector_store %arg11[%parallel_loop3A_71, %parallel_loop3A_72], %parallel_loop3A_75 {strides = array<i32>} : memref<128x128xf32, #tpu.memory_space<vmem>>, vector<1x16xf32>,
    } {sc.loop_unroll_factor = 8 : i64, sc.parallel_access}
    %mul3A_5 = arith.constant 640 : i32
    %mul3A_6 = arith.muli %arg1, %mul3A_5 : i32
    %add3A_7 = arith.constant 0 : i32
    %add3A_8 = arith.addi %mul3A_6, %add3A_7 : i32
    "tpu.region"() ({
      %run_scoped3A = tpu.sem_alloc : memref<!tpu.dma_semaphore, #tpu.memory_space<semaphore_mem>>
      %dma_start3A = arith.constant 0 : i32
      %dma_start3A_26 = tpu.memref_slice %arg12[%add3A_8, %dma_start3A] : memref<10240x128xf32, #tpu.memory_space<vmem_shared>> -> memref<128x128xf32, #tpu.memory_space<vmem_shared>>
      %dma_start3A_27 = arith.constant 0 : i32
      %dma_start3A_28 = tpu.memref_slice %arg12[%add3A_8, %dma_start3A_27] : memref<10240x128xf32, #tpu.memory_space<vmem_shared>> -> memref<128x128xf32, #tpu.memory_space<vmem_shared>>
      tpu.enqueue_dma source(%arg11 : memref<128x128xf32, #tpu.memory_space<vmem>>) target(%dma_start3A_28 : memref<128x128xf32, #tpu.memory_space<vmem_shared>>) target_semaphore(%run_scoped3A : memref<!tpu.dma_semaphore, #tpu.memory_space<semaphore_mem>>)
      %dma_wait3A = arith.constant 0 : i32
      %dma_wait3A_29 = tpu.memref_slice %arg12[%add3A_8, %dma_wait3A] : memref<10240x128xf32, #tpu.memory_space<vmem_shared>> -> memref<128x128xf32, #tpu.memory_space<vmem_shared>>
      %dma_wait3A_30 = arith.constant 0 : i32
      %dma_wait3A_31 = tpu.memref_slice %arg12[%add3A_8, %dma_wait3A_30] : memref<10240x128xf32, #tpu.memory_space<vmem_shared>> -> memref<128x128xf32, #tpu.memory_space<vmem_shared>>
      tpu.wait_dma2 semaphore(%run_scoped3A : memref<!tpu.dma_semaphore, #tpu.memory_space<semaphore_mem>>) src(%arg11 : memref<128x128xf32, #tpu.memory_space<vmem>>) dst(%dma_wait3A_31 : memref<128x128xf32, #tpu.memory_space<vmem_shared>>)
      tpu.yield
    }) : () -> ()
    %add3A_9 = arith.constant 128 : i32
    %add3A_10 = arith.addi %mul3A_6, %add3A_9 : i32
    "tpu.region"() ({
      %run_scoped3A = tpu.sem_alloc : memref<!tpu.dma_semaphore, #tpu.memory_space<semaphore_mem>>
      %dma_start3A = arith.constant 0 : i32
      %dma_start3A_26 = tpu.memref_slice %arg12[%add3A_10, %dma_start3A] : memref<10240x128xf32, #tpu.memory_space<vmem_shared>> -> memref<128x128xf32, #tpu.memory_space<vmem_shared>>
      %dma_start3A_27 = arith.constant 0 : i32
      %dma_start3A_28 = tpu.memref_slice %arg12[%add3A_10, %dma_start3A_27] : memref<10240x128xf32, #tpu.memory_space<vmem_shared>> -> memref<128x128xf32, #tpu.memory_space<vmem_shared>>
      tpu.enqueue_dma source(%arg11 : memref<128x128xf32, #tpu.memory_space<vmem>>) target(%dma_start3A_28 : memref<128x128xf32, #tpu.memory_space<vmem_shared>>) target_semaphore(%run_scoped3A : memref<!tpu.dma_semaphore, #tpu.memory_space<semaphore_mem>>)
      %dma_wait3A = arith.constant 0 : i32
      %dma_wait3A_29 = tpu.memref_slice %arg12[%add3A_10, %dma_wait3A] : memref<10240x128xf32, #tpu.memory_space<vmem_shared>> -> memref<128x128xf32, #tpu.memory_space<vmem_shared>>
      %dma_wait3A_30 = arith.constant 0 : i32
      %dma_wait3A_31 = tpu.memref_slice %arg12[%add3A_10, %dma_wait3A_30] : memref<10240x128xf32, #tpu.memory_space<vmem_shared>> -> memref<128x128xf32, #tpu.memory_space<vmem_shared>>
      tpu.wait_dma2 semaphore(%run_scoped3A : memref<!tpu.dma_semaphore, #tpu.memory_space<semaphore_mem>>) src(%arg11 : memref<128x128xf32, #tpu.memory_space<vmem>>) dst(%dma_wait3A_31 : memref<128x128xf32, #tpu.memory_space<vmem_shared>>)
      tpu.yield
    }) : () -> ()
    %add3A_11 = arith.constant 256 : i32
    %add3A_12 = arith.addi %mul3A_6, %add3A_11 : i32
    "tpu.region"() ({
      %run_scoped3A = tpu.sem_alloc : memref<!tpu.dma_semaphore, #tpu.memory_space<semaphore_mem>>
      %dma_start3A = arith.constant 0 : i32
      %dma_start3A_26 = tpu.memref_slice %arg12[%add3A_12, %dma_start3A] : memref<10240x128xf32, #tpu.memory_space<vmem_shared>> -> memref<128x128xf32, #tpu.memory_space<vmem_shared>>
      %dma_start3A_27 = arith.constant 0 : i32
      %dma_start3A_28 = tpu.memref_slice %arg12[%add3A_12, %dma_start3A_27] : memref<10240x128xf32, #tpu.memory_space<vmem_shared>> -> memref<128x128xf32, #tpu.memory_space<vmem_shared>>
      tpu.enqueue_dma source(%arg11 : memref<128x128xf32, #tpu.memory_space<vmem>>) target(%dma_start3A_28 : memref<128x128xf32, #tpu.memory_space<vmem_shared>>) target_semaphore(%run_scoped3A : memref<!tpu.dma_semaphore, #tpu.memory_space<semaphore_mem>>)
      %dma_wait3A = arith.constant 0 : i32
      %dma_wait3A_29 = tpu.memref_slice %arg12[%add3A_12, %dma_wait3A] : memref<10240x128xf32, #tpu.memory_space<vmem_shared>> -> memref<128x128xf32, #tpu.memory_space<vmem_shared>>
      %dma_wait3A_30 = arith.constant 0 : i32
      %dma_wait3A_31 = tpu.memref_slice %arg12[%add3A_12, %dma_wait3A_30] : memref<10240x128xf32, #tpu.memory_space<vmem_shared>> -> memref<128x128xf32, #tpu.memory_space<vmem_shared>>
      tpu.wait_dma2 semaphore(%run_scoped3A : memref<!tpu.dma_semaphore, #tpu.memory_space<semaphore_mem>>) src(%arg11 : memref<128x128xf32, #tpu.memory_space<vmem>>) dst(%dma_wait3A_31 : memref<128x128xf32, #tpu.memory_space<vmem_shared>>)
      tpu.yield
    }) : () -> ()
    %add3A_13 = arith.constant 384 : i32
    %add3A_14 = arith.addi %mul3A_6, %add3A_13 : i32
    "tpu.region"() ({
      %run_scoped3A = tpu.sem_alloc : memref<!tpu.dma_semaphore, #tpu.memory_space<semaphore_mem>>
      %dma_start3A = arith.constant 0 : i32
      %dma_start3A_26 = tpu.memref_slice %arg12[%add3A_14, %dma_start3A] : memref<10240x128xf32, #tpu.memory_space<vmem_shared>> -> memref<128x128xf32, #tpu.memory_space<vmem_shared>>
      %dma_start3A_27 = arith.constant 0 : i32
      %dma_start3A_28 = tpu.memref_slice %arg12[%add3A_14, %dma_start3A_27] : memref<10240x128xf32, #tpu.memory_space<vmem_shared>> -> memref<128x128xf32, #tpu.memory_space<vmem_shared>>
      tpu.enqueue_dma source(%arg11 : memref<128x128xf32, #tpu.memory_space<vmem>>) target(%dma_start3A_28 : memref<128x128xf32, #tpu.memory_space<vmem_shared>>) target_semaphore(%run_scoped3A : memref<!tpu.dma_semaphore, #tpu.memory_space<semaphore_mem>>)
      %dma_wait3A = arith.constant 0 : i32
      %dma_wait3A_29 = tpu.memref_slice %arg12[%add3A_14, %dma_wait3A] : memref<10240x128xf32, #tpu.memory_space<vmem_shared>> -> memref<128x128xf32, #tpu.memory_space<vmem_shared>>
      %dma_wait3A_30 = arith.constant 0 : i32
      %dma_wait3A_31 = tpu.memref_slice %arg12[%add3A_14, %dma_wait3A_30] : memref<10240x128xf32, #tpu.memory_space<vmem_shared>> -> memref<128x128xf32, #tpu.memory_space<vmem_shared>>
      tpu.wait_dma2 semaphore(%run_scoped3A : memref<!tpu.dma_semaphore, #tpu.memory_space<semaphore_mem>>) src(%arg11 : memref<128x128xf32, #tpu.memory_space<vmem>>) dst(%dma_wait3A_31 : memref<128x128xf32, #tpu.memory_space<vmem_shared>>)
      tpu.yield
    }) : () -> ()
    %add3A_15 = arith.constant 512 : i32
    %add3A_16 = arith.addi %mul3A_6, %add3A_15 : i32
    "tpu.region"() ({
      %run_scoped3A = tpu.sem_alloc : memref<!tpu.dma_semaphore, #tpu.memory_space<semaphore_mem>>
      %dma_start3A = arith.constant 0 : i32
      %dma_start3A_26 = tpu.memref_slice %arg12[%add3A_16, %dma_start3A] : memref<10240x128xf32, #tpu.memory_space<vmem_shared>> -> memref<128x128xf32, #tpu.memory_space<vmem_shared>>
      %dma_start3A_27 = arith.constant 0 : i32
      %dma_start3A_28 = tpu.memref_slice %arg12[%add3A_16, %dma_start3A_27] : memref<10240x128xf32, #tpu.memory_space<vmem_shared>> -> memref<128x128xf32, #tpu.memory_space<vmem_shared>>
      tpu.enqueue_dma source(%arg11 : memref<128x128xf32, #tpu.memory_space<vmem>>) target(%dma_start3A_28 : memref<128x128xf32, #tpu.memory_space<vmem_shared>>) target_semaphore(%run_scoped3A : memref<!tpu.dma_semaphore, #tpu.memory_space<semaphore_mem>>)
      %dma_wait3A = arith.constant 0 : i32
      %dma_wait3A_29 = tpu.memref_slice %arg12[%add3A_16, %dma_wait3A] : memref<10240x128xf32, #tpu.memory_space<vmem_shared>> -> memref<128x128xf32, #tpu.memory_space<vmem_shared>>
      %dma_wait3A_30 = arith.constant 0 : i32
      %dma_wait3A_31 = tpu.memref_slice %arg12[%add3A_16, %dma_wait3A_30] : memref<10240x128xf32, #tpu.memory_space<vmem_shared>> -> memref<128x128xf32, #tpu.memory_space<vmem_shared>>
      tpu.wait_dma2 semaphore(%run_scoped3A : memref<!tpu.dma_semaphore, #tpu.memory_space<semaphore_mem>>) src(%arg11 : memref<128x128xf32, #tpu.memory_space<vmem>>) dst(%dma_wait3A_31 : memref<128x128xf32, #tpu.memory_space<vmem_shared>>)
      tpu.yield
    }) : () -> ()
    %barrier3A = arith.constant 0 : index
    tpu.barrier barrier_id(%barrier3A)
    %scan3A = arith.constant 0 : i32
    %scan3A_17 = arith.constant 0 : i32
    %scan3A_18 = arith.constant 125 : i32
    %scan3A_19 = arith.addi %scan3A_17, %scan3A_18 : i32
    %scan3A_20 = arith.constant 1 : i32
    %scan3A_21 = scf.for %scan3A_26 = %scan3A_17 to %scan3A_19 step %scan3A_20 iter_args(%scan3A_27 = %scan3A) -> (i32)  : i32 {
      %mul3A_28 = arith.constant 80 : i32
      %mul3A_29 = arith.muli %scan3A_26, %mul3A_28 : i32
      %add3A_30 = arith.addi %mul3A_2, %mul3A_29 : i32
      "tpu.region"() ({
        %run_scoped3A = tpu.sem_alloc : memref<!tpu.dma_semaphore, #tpu.memory_space<semaphore_mem>>
        %dma_start3A = tpu.memref_slice %arg4[%add3A_30] : memref<320000xi32, #tpu.memory_space<hbm>> -> memref<80xi32, #tpu.memory_space<hbm>>
        %dma_start3A_37 = tpu.memref_slice %arg4[%add3A_30] : memref<320000xi32, #tpu.memory_space<hbm>> -> memref<80xi32, #tpu.memory_space<hbm>>
        tpu.enqueue_dma source(%dma_start3A_37 : memref<80xi32, #tpu.memory_space<hbm>>) target(%arg7 : memref<80xi32, #tpu.memory_space<vmem>>) target_semaphore(%run_scoped3A : memref<!tpu.dma_semaphore, #tpu.memory_space<semaphore_mem>>)
        %dma_wait3A = tpu.memref_slice %arg4[%add3A_30] : memref<320000xi32, #tpu.memory_space<hbm>> -> memref<80xi32, #tpu.memory_space<hbm>>
        %dma_wait3A_38 = tpu.memref_slice %arg4[%add3A_30] : memref<320000xi32, #tpu.memory_space<hbm>> -> memref<80xi32, #tpu.memory_space<hbm>>
        tpu.wait_dma2 semaphore(%run_scoped3A : memref<!tpu.dma_semaphore, #tpu.memory_space<semaphore_mem>>) src(%dma_wait3A_38 : memref<80xi32, #tpu.memory_space<hbm>>) dst(%arg7 : memref<80xi32, #tpu.memory_space<vmem>>)
        tpu.yield
      }) : () -> ()
      "tpu.region"() ({
        %run_scoped3A = tpu.sem_alloc : memref<!tpu.dma_semaphore, #tpu.memory_space<semaphore_mem>>
        %dma_start3A = tpu.memref_slice %arg5[%add3A_30] : memref<320000xi32, #tpu.memory_space<hbm>> -> memref<80xi32, #tpu.memory_space<hbm>>
        %dma_start3A_37 = tpu.memref_slice %arg5[%add3A_30] : memref<320000xi32, #tpu.memory_space<hbm>> -> memref<80xi32, #tpu.memory_space<hbm>>
        tpu.enqueue_dma source(%dma_start3A_37 : memref<80xi32, #tpu.memory_space<hbm>>) target(%arg8 : memref<80xi32, #tpu.memory_space<vmem>>) target_semaphore(%run_scoped3A : memref<!tpu.dma_semaphore, #tpu.memory_space<semaphore_mem>>)
        %dma_wait3A = tpu.memref_slice %arg5[%add3A_30] : memref<320000xi32, #tpu.memory_space<hbm>> -> memref<80xi32, #tpu.memory_space<hbm>>
        %dma_wait3A_38 = tpu.memref_slice %arg5[%add3A_30] : memref<320000xi32, #tpu.memory_space<hbm>> -> memref<80xi32, #tpu.memory_space<hbm>>
        tpu.wait_dma2 semaphore(%run_scoped3A : memref<!tpu.dma_semaphore, #tpu.memory_space<semaphore_mem>>) src(%dma_wait3A_38 : memref<80xi32, #tpu.memory_space<hbm>>) dst(%arg8 : memref<80xi32, #tpu.memory_space<vmem>>)
        tpu.yield
      }) : () -> ()
      "tpu.region"() ({
        %run_scoped3A = tpu.sem_alloc : memref<!tpu.dma_semaphore, #tpu.memory_space<semaphore_mem>>
        %dma_start3A = arith.constant 0 : i32
        %dma_start3A_37 = arith.constant 0 : i32
        %dma_start3A_38 = tpu.memref_slice %arg2[%dma_start3A, %dma_start3A_37] : memref<10240x128xf32, #tpu.memory_space<hbm>> -> memref<10240x128xf32, #tpu.memory_space<hbm>>
        tpu.enqueue_indirect_dma source(%dma_start3A_38 : memref<10240x128xf32, #tpu.memory_space<hbm>>) target(%arg9 : memref<80x128xf32, #tpu.memory_space<vmem>>) offsets(%arg7 : memref<80xi32, #tpu.memory_space<vmem>>) semaphore(%run_scoped3A : memref<!tpu.dma_semaphore, #tpu.memory_space<semaphore_mem>>)
        %dma_wait3A = arith.constant 0 : i32
        %dma_wait3A_39 = arith.constant 0 : i32
        %dma_wait3A_40 = tpu.memref_slice %arg2[%dma_wait3A, %dma_wait3A_39] : memref<10240x128xf32, #tpu.memory_space<hbm>> -> memref<10240x128xf32, #tpu.memory_space<hbm>>
        tpu.wait_indirect_dma semaphore(%run_scoped3A : memref<!tpu.dma_semaphore, #tpu.memory_space<semaphore_mem>>) src(%dma_wait3A_40 : memref<10240x128xf32, #tpu.memory_space<hbm>>) dst(%arg9 : memref<80x128xf32, #tpu.memory_space<vmem>>)
        tpu.yield
      }) : () -> ()
      %mul3A_31 = arith.constant 16 : i32
      %mul3A_32 = arith.muli %add3A_30, %mul3A_31 : i32
      "tpu.region"() ({
        %run_scoped3A = tpu.sem_alloc : memref<!tpu.dma_semaphore, #tpu.memory_space<semaphore_mem>>
        %dma_start3A = tpu.memref_slice %arg3[%mul3A_32] : memref<5120000xf32, #tpu.memory_space<hbm>> -> memref<1280xf32, #tpu.memory_space<hbm>>
        %dma_start3A_37 = tpu.memref_slice %arg3[%mul3A_32] : memref<5120000xf32, #tpu.memory_space<hbm>> -> memref<1280xf32, #tpu.memory_space<hbm>>
        tpu.enqueue_dma source(%dma_start3A_37 : memref<1280xf32, #tpu.memory_space<hbm>>) target(%arg10 : memref<1280xf32, #tpu.memory_space<vmem>>) target_semaphore(%run_scoped3A : memref<!tpu.dma_semaphore, #tpu.memory_space<semaphore_mem>>)
        %dma_wait3A = tpu.memref_slice %arg3[%mul3A_32] : memref<5120000xf32, #tpu.memory_space<hbm>> -> memref<1280xf32, #tpu.memory_space<hbm>>
        %dma_wait3A_38 = tpu.memref_slice %arg3[%mul3A_32] : memref<5120000xf32, #tpu.memory_space<hbm>> -> memref<1280xf32, #tpu.memory_space<hbm>>
        tpu.wait_dma2 semaphore(%run_scoped3A : memref<!tpu.dma_semaphore, #tpu.memory_space<semaphore_mem>>) src(%dma_wait3A_38 : memref<1280xf32, #tpu.memory_space<hbm>>) dst(%arg10 : memref<1280xf32, #tpu.memory_space<vmem>>)
        tpu.yield
      }) : () -> ()
      %parallel_loop3A_33 = arith.constant 0 : i32
      %parallel_loop3A_34 = arith.constant 80 : i32
      %parallel_loop3A_35 = arith.constant 1 : i32
      scf.for %parallel_loop3A_37 = %parallel_loop3A_33 to %parallel_loop3A_34 step %parallel_loop3A_35  : i32 {
        %parallel_loop3A_38 = arith.constant 16 : i32
        %parallel_loop3A_39 = arith.muli %parallel_loop3A_37, %parallel_loop3A_38 : i32
        %parallel_loop3A_40 = arith.index_cast %parallel_loop3A_39 : i32 to index
        %parallel_loop3A_41 = tpu.vector_load %arg10[%parallel_loop3A_40] {strides = array<i32>} : memref<1280xf32, #tpu.memory_space<vmem>>, vector<16xf32>,
        %parallel_loop3A_42 = vector.shape_cast %parallel_loop3A_41 : vector<16xf32> to vector<16xf32>
        %parallel_loop3A_43 = vector.extract_strided_slice %parallel_loop3A_42 {offsets = [0], sizes = [1], strides = [1]} : vector<16xf32> to vector<1xf32>
        %parallel_loop3A_44 = vector.extract %parallel_loop3A_43[0] : f32 from vector<1xf32>
        %parallel_loop3A_45 = vector.broadcast %parallel_loop3A_44 : f32 to vector<16xf32>
        %parallel_loop3A_46 = arith.index_cast %parallel_loop3A_37 : i32 to index
        %parallel_loop3A_47 = arith.constant 0 : index
        %parallel_loop3A_48 = tpu.vector_load %arg9[%parallel_loop3A_46, %parallel_loop3A_47] {strides = array<i32>} : memref<80x128xf32, #tpu.memory_space<vmem>>, vector<1x16xf32>,
        %parallel_loop3A_49 = vector.shape_cast %parallel_loop3A_48 : vector<1x16xf32> to vector<16xf32>
        %parallel_loop3A_50 = arith.mulf %parallel_loop3A_49, %parallel_loop3A_45 : vector<16xf32>
        %parallel_loop3A_51 = arith.index_cast %parallel_loop3A_37 : i32 to index
        %parallel_loop3A_52 = arith.constant 0 : index
        %parallel_loop3A_53 = tpu.vector_load %arg9[%parallel_loop3A_51, %parallel_loop3A_52] {strides = array<i32>} : memref<80x128xf32, #tpu.memory_space<vmem>>, vector<1x16xf32>,
        %parallel_loop3A_54 = vector.shape_cast %parallel_loop3A_53 : vector<1x16xf32> to vector<16xf32>
        %parallel_loop3A_55 = vector.shape_cast %parallel_loop3A_50 : vector<16xf32> to vector<1x16xf32>
        tpu.vector_store %arg9[%parallel_loop3A_51, %parallel_loop3A_52], %parallel_loop3A_55 {strides = array<i32>} : memref<80x128xf32, #tpu.memory_space<vmem>>, vector<1x16xf32>,
        %parallel_loop3A_56 = vector.extract_strided_slice %parallel_loop3A_42 {offsets = [1], sizes = [1], strides = [1]} : vector<16xf32> to vector<1xf32>
        %parallel_loop3A_57 = vector.extract %parallel_loop3A_56[0] : f32 from vector<1xf32>
        %parallel_loop3A_58 = vector.broadcast %parallel_loop3A_57 : f32 to vector<16xf32>
        %parallel_loop3A_59 = arith.index_cast %parallel_loop3A_37 : i32 to index
        %parallel_loop3A_60 = arith.constant 16 : index
        %parallel_loop3A_61 = tpu.vector_load %arg9[%parallel_loop3A_59, %parallel_loop3A_60] {strides = array<i32>} : memref<80x128xf32, #tpu.memory_space<vmem>>, vector<1x16xf32>,
        %parallel_loop3A_62 = vector.shape_cast %parallel_loop3A_61 : vector<1x16xf32> to vector<16xf32>
        %parallel_loop3A_63 = arith.mulf %parallel_loop3A_62, %parallel_loop3A_58 : vector<16xf32>
        %parallel_loop3A_64 = arith.index_cast %parallel_loop3A_37 : i32 to index
        %parallel_loop3A_65 = arith.constant 16 : index
        %parallel_loop3A_66 = tpu.vector_load %arg9[%parallel_loop3A_64, %parallel_loop3A_65] {strides = array<i32>} : memref<80x128xf32, #tpu.memory_space<vmem>>, vector<1x16xf32>,
        %parallel_loop3A_67 = vector.shape_cast %parallel_loop3A_66 : vector<1x16xf32> to vector<16xf32>
        %parallel_loop3A_68 = vector.shape_cast %parallel_loop3A_63 : vector<16xf32> to vector<1x16xf32>
        tpu.vector_store %arg9[%parallel_loop3A_64, %parallel_loop3A_65], %parallel_loop3A_68 {strides = array<i32>} : memref<80x128xf32, #tpu.memory_space<vmem>>, vector<1x16xf32>,
        %parallel_loop3A_69 = vector.extract_strided_slice %parallel_loop3A_42 {offsets = [2], sizes = [1], strides = [1]} : vector<16xf32> to vector<1xf32>
        %parallel_loop3A_70 = vector.extract %parallel_loop3A_69[0] : f32 from vector<1xf32>
        %parallel_loop3A_71 = vector.broadcast %parallel_loop3A_70 : f32 to vector<16xf32>
        %parallel_loop3A_72 = arith.index_cast %parallel_loop3A_37 : i32 to index
        %parallel_loop3A_73 = arith.constant 32 : index
        %parallel_loop3A_74 = tpu.vector_load %arg9[%parallel_loop3A_72, %parallel_loop3A_73] {strides = array<i32>} : memref<80x128xf32, #tpu.memory_space<vmem>>, vector<1x16xf32>,
        %parallel_loop3A_75 = vector.shape_cast %parallel_loop3A_74 : vector<1x16xf32> to vector<16xf32>
        %parallel_loop3A_76 = arith.mulf %parallel_loop3A_75, %parallel_loop3A_71 : vector<16xf32>
        %parallel_loop3A_77 = arith.index_cast %parallel_loop3A_37 : i32 to index
        %parallel_loop3A_78 = arith.constant 32 : index
        %parallel_loop3A_79 = tpu.vector_load %arg9[%parallel_loop3A_77, %parallel_loop3A_78] {strides = array<i32>} : memref<80x128xf32, #tpu.memory_space<vmem>>, vector<1x16xf32>,
        %parallel_loop3A_80 = vector.shape_cast %parallel_loop3A_79 : vector<1x16xf32> to vector<16xf32>
        %parallel_loop3A_81 = vector.shape_cast %parallel_loop3A_76 : vector<16xf32> to vector<1x16xf32>
        tpu.vector_store %arg9[%parallel_loop3A_77, %parallel_loop3A_78], %parallel_loop3A_81 {strides = array<i32>} : memref<80x128xf32, #tpu.memory_space<vmem>>, vector<1x16xf32>,
        %parallel_loop3A_82 = vector.extract_strided_slice %parallel_loop3A_42 {offsets = [3], sizes = [1], strides = [1]} : vector<16xf32> to vector<1xf32>
        %parallel_loop3A_83 = vector.extract %parallel_loop3A_82[0] : f32 from vector<1xf32>
        %parallel_loop3A_84 = vector.broadcast %parallel_loop3A_83 : f32 to vector<16xf32>
        %parallel_loop3A_85 = arith.index_cast %parallel_loop3A_37 : i32 to index
        %parallel_loop3A_86 = arith.constant 48 : index
        %parallel_loop3A_87 = tpu.vector_load %arg9[%parallel_loop3A_85, %parallel_loop3A_86] {strides = array<i32>} : memref<80x128xf32, #tpu.memory_space<vmem>>, vector<1x16xf32>,
        %parallel_loop3A_88 = vector.shape_cast %parallel_loop3A_87 : vector<1x16xf32> to vector<16xf32>
        %parallel_loop3A_89 = arith.mulf %parallel_loop3A_88, %parallel_loop3A_84 : vector<16xf32>
        %parallel_loop3A_90 = arith.index_cast %parallel_loop3A_37 : i32 to index
        %parallel_loop3A_91 = arith.constant 48 : index
        %parallel_loop3A_92 = tpu.vector_load %arg9[%parallel_loop3A_90, %parallel_loop3A_91] {strides = array<i32>} : memref<80x128xf32, #tpu.memory_space<vmem>>, vector<1x16xf32>,
        %parallel_loop3A_93 = vector.shape_cast %parallel_loop3A_92 : vector<1x16xf32> to vector<16xf32>
        %parallel_loop3A_94 = vector.shape_cast %parallel_loop3A_89 : vector<16xf32> to vector<1x16xf32>
        tpu.vector_store %arg9[%parallel_loop3A_90, %parallel_loop3A_91], %parallel_loop3A_94 {strides = array<i32>} : memref<80x128xf32, #tpu.memory_space<vmem>>, vector<1x16xf32>,
        %parallel_loop3A_95 = vector.extract_strided_slice %parallel_loop3A_42 {offsets = [4], sizes = [1], strides = [1]} : vector<16xf32> to vector<1xf32>
        %parallel_loop3A_96 = vector.extract %parallel_loop3A_95[0] : f32 from vector<1xf32>
        %parallel_loop3A_97 = vector.broadcast %parallel_loop3A_96 : f32 to vector<16xf32>
        %parallel_loop3A_98 = arith.index_cast %parallel_loop3A_37 : i32 to index
        %parallel_loop3A_99 = arith.constant 64 : index
        %parallel_loop3A_100 = tpu.vector_load %arg9[%parallel_loop3A_98, %parallel_loop3A_99] {strides = array<i32>} : memref<80x128xf32, #tpu.memory_space<vmem>>, vector<1x16xf32>,
        %parallel_loop3A_101 = vector.shape_cast %parallel_loop3A_100 : vector<1x16xf32> to vector<16xf32>
        %parallel_loop3A_102 = arith.mulf %parallel_loop3A_101, %parallel_loop3A_97 : vector<16xf32>
        %parallel_loop3A_103 = arith.index_cast %parallel_loop3A_37 : i32 to index
        %parallel_loop3A_104 = arith.constant 64 : index
        %parallel_loop3A_105 = tpu.vector_load %arg9[%parallel_loop3A_103, %parallel_loop3A_104] {strides = array<i32>} : memref<80x128xf32, #tpu.memory_space<vmem>>, vector<1x16xf32>,
        %parallel_loop3A_106 = vector.shape_cast %parallel_loop3A_105 : vector<1x16xf32> to vector<16xf32>
        %parallel_loop3A_107 = vector.shape_cast %parallel_loop3A_102 : vector<16xf32> to vector<1x16xf32>
        tpu.vector_store %arg9[%parallel_loop3A_103, %parallel_loop3A_104], %parallel_loop3A_107 {strides = array<i32>} : memref<80x128xf32, #tpu.memory_space<vmem>>, vector<1x16xf32>,
        %parallel_loop3A_108 = vector.extract_strided_slice %parallel_loop3A_42 {offsets = [5], sizes = [1], strides = [1]} : vector<16xf32> to vector<1xf32>
        %parallel_loop3A_109 = vector.extract %parallel_loop3A_108[0] : f32 from vector<1xf32>
        %parallel_loop3A_110 = vector.broadcast %parallel_loop3A_109 : f32 to vector<16xf32>
        %parallel_loop3A_111 = arith.index_cast %parallel_loop3A_37 : i32 to index
        %parallel_loop3A_112 = arith.constant 80 : index
        %parallel_loop3A_113 = tpu.vector_load %arg9[%parallel_loop3A_111, %parallel_loop3A_112] {strides = array<i32>} : memref<80x128xf32, #tpu.memory_space<vmem>>, vector<1x16xf32>,
        %parallel_loop3A_114 = vector.shape_cast %parallel_loop3A_113 : vector<1x16xf32> to vector<16xf32>
        %parallel_loop3A_115 = arith.mulf %parallel_loop3A_114, %parallel_loop3A_110 : vector<16xf32>
        %parallel_loop3A_116 = arith.index_cast %parallel_loop3A_37 : i32 to index
        %parallel_loop3A_117 = arith.constant 80 : index
        %parallel_loop3A_118 = tpu.vector_load %arg9[%parallel_loop3A_116, %parallel_loop3A_117] {strides = array<i32>} : memref<80x128xf32, #tpu.memory_space<vmem>>, vector<1x16xf32>,
        %parallel_loop3A_119 = vector.shape_cast %parallel_loop3A_118 : vector<1x16xf32> to vector<16xf32>
        %parallel_loop3A_120 = vector.shape_cast %parallel_loop3A_115 : vector<16xf32> to vector<1x16xf32>
        tpu.vector_store %arg9[%parallel_loop3A_116, %parallel_loop3A_117], %parallel_loop3A_120 {strides = array<i32>} : memref<80x128xf32, #tpu.memory_space<vmem>>, vector<1x16xf32>,
        %parallel_loop3A_121 = vector.extract_strided_slice %parallel_loop3A_42 {offsets = [6], sizes = [1], strides = [1]} : vector<16xf32> to vector<1xf32>
        %parallel_loop3A_122 = vector.extract %parallel_loop3A_121[0] : f32 from vector<1xf32>
        %parallel_loop3A_123 = vector.broadcast %parallel_loop3A_122 : f32 to vector<16xf32>
        %parallel_loop3A_124 = arith.index_cast %parallel_loop3A_37 : i32 to index
        %parallel_loop3A_125 = arith.constant 96 : index
        %parallel_loop3A_126 = tpu.vector_load %arg9[%parallel_loop3A_124, %parallel_loop3A_125] {strides = array<i32>} : memref<80x128xf32, #tpu.memory_space<vmem>>, vector<1x16xf32>,
        %parallel_loop3A_127 = vector.shape_cast %parallel_loop3A_126 : vector<1x16xf32> to vector<16xf32>
        %parallel_loop3A_128 = arith.mulf %parallel_loop3A_127, %parallel_loop3A_123 : vector<16xf32>
        %parallel_loop3A_129 = arith.index_cast %parallel_loop3A_37 : i32 to index
        %parallel_loop3A_130 = arith.constant 96 : index
        %parallel_loop3A_131 = tpu.vector_load %arg9[%parallel_loop3A_129, %parallel_loop3A_130] {strides = array<i32>} : memref<80x128xf32, #tpu.memory_space<vmem>>, vector<1x16xf32>,
        %parallel_loop3A_132 = vector.shape_cast %parallel_loop3A_131 : vector<1x16xf32> to vector<16xf32>
        %parallel_loop3A_133 = vector.shape_cast %parallel_loop3A_128 : vector<16xf32> to vector<1x16xf32>
        tpu.vector_store %arg9[%parallel_loop3A_129, %parallel_loop3A_130], %parallel_loop3A_133 {strides = array<i32>} : memref<80x128xf32, #tpu.memory_space<vmem>>, vector<1x16xf32>,
        %parallel_loop3A_134 = vector.extract_strided_slice %parallel_loop3A_42 {offsets = [7], sizes = [1], strides = [1]} : vector<16xf32> to vector<1xf32>
        %parallel_loop3A_135 = vector.extract %parallel_loop3A_134[0] : f32 from vector<1xf32>
        %parallel_loop3A_136 = vector.broadcast %parallel_loop3A_135 : f32 to vector<16xf32>
        %parallel_loop3A_137 = arith.index_cast %parallel_loop3A_37 : i32 to index
        %parallel_loop3A_138 = arith.constant 112 : index
        %parallel_loop3A_139 = tpu.vector_load %arg9[%parallel_loop3A_137, %parallel_loop3A_138] {strides = array<i32>} : memref<80x128xf32, #tpu.memory_space<vmem>>, vector<1x16xf32>,
        %parallel_loop3A_140 = vector.shape_cast %parallel_loop3A_139 : vector<1x16xf32> to vector<16xf32>
        %parallel_loop3A_141 = arith.mulf %parallel_loop3A_140, %parallel_loop3A_136 : vector<16xf32>
        %parallel_loop3A_142 = arith.index_cast %parallel_loop3A_37 : i32 to index
        %parallel_loop3A_143 = arith.constant 112 : index
        %parallel_loop3A_144 = tpu.vector_load %arg9[%parallel_loop3A_142, %parallel_loop3A_143] {strides = array<i32>} : memref<80x128xf32, #tpu.memory_space<vmem>>, vector<1x16xf32>,
        %parallel_loop3A_145 = vector.shape_cast %parallel_loop3A_144 : vector<1x16xf32> to vector<16xf32>
        %parallel_loop3A_146 = vector.shape_cast %parallel_loop3A_141 : vector<16xf32> to vector<1x16xf32>
        tpu.vector_store %arg9[%parallel_loop3A_142, %parallel_loop3A_143], %parallel_loop3A_146 {strides = array<i32>} : memref<80x128xf32, #tpu.memory_space<vmem>>, vector<1x16xf32>,
      } {sc.loop_unroll_factor = 4 : i64, sc.parallel_access}
      "tpu.region"() ({
        %run_scoped3A = tpu.sem_alloc : memref<!tpu.dma_semaphore, #tpu.memory_space<semaphore_mem>>
        %dma_start3A = arith.constant 0 : i32
        %dma_start3A_37 = arith.constant 0 : i32
        %dma_start3A_38 = tpu.memref_slice %arg12[%dma_start3A, %dma_start3A_37] : memref<10240x128xf32, #tpu.memory_space<vmem_shared>> -> memref<10240x128xf32, #tpu.memory_space<vmem_shared>>
        tpu.enqueue_indirect_dma source(%arg9 : memref<80x128xf32, #tpu.memory_space<vmem>>) target(%dma_start3A_38 : memref<10240x128xf32, #tpu.memory_space<vmem_shared>>) offsets(%arg8 : memref<80xi32, #tpu.memory_space<vmem>>) semaphore(%run_scoped3A : memref<!tpu.dma_semaphore, #tpu.memory_space<semaphore_mem>>) {add = true}
        %dma_wait3A = arith.constant 0 : i32
        %dma_wait3A_39 = arith.constant 0 : i32
        %dma_wait3A_40 = tpu.memref_slice %arg12[%dma_wait3A, %dma_wait3A_39] : memref<10240x128xf32, #tpu.memory_space<vmem_shared>> -> memref<10240x128xf32, #tpu.memory_space<vmem_shared>>
        tpu.wait_indirect_dma semaphore(%run_scoped3A : memref<!tpu.dma_semaphore, #tpu.memory_space<semaphore_mem>>) src(%arg9 : memref<80x128xf32, #tpu.memory_space<vmem>>) dst(%dma_wait3A_40 : memref<10240x128xf32, #tpu.memory_space<vmem_shared>>)
        tpu.yield
      }) : () -> ()
      %scan3A_36 = arith.constant 0 : i32
      scf.yield %scan3A_36 : i32
    }
    %scan3A_22 = arith.constant 125 : i32
    %barrier3A_23 = arith.constant 0 : index
    tpu.barrier barrier_id(%barrier3A_23)
    %mul3A_24 = arith.constant 640 : i32
    %mul3A_25 = arith.muli %arg1, %mul3A_24 : i32
    "tpu.region"() ({
      %run_scoped3A = tpu.sem_alloc : memref<!tpu.dma_semaphore, #tpu.memory_space<semaphore_mem>>
      %dma_start3A = arith.constant 0 : i32
      %dma_start3A_26 = tpu.memref_slice %arg6[%arg0, %mul3A_25, %dma_start3A] : memref<2x10240x128xf32, #tpu.memory_space<hbm>> -> memref<1x640x128xf32, #tpu.memory_space<hbm>>
      %dma_start3A_27 = tpu.memref_squeeze %dma_start3A_26 : memref<1x640x128xf32, #tpu.memory_space<hbm>> -> memref<640x128xf32, #tpu.memory_space<hbm>>
      %dma_start3A_28 = arith.constant 0 : i32
      %dma_start3A_29 = tpu.memref_slice %arg12[%mul3A_25, %dma_start3A_28] : memref<10240x128xf32, #tpu.memory_space<vmem_shared>> -> memref<640x128xf32, #tpu.memory_space<vmem_shared>>
      tpu.enqueue_dma source(%dma_start3A_29 : memref<640x128xf32, #tpu.memory_space<vmem_shared>>) target(%dma_start3A_27 : memref<640x128xf32, #tpu.memory_space<hbm>>) target_semaphore(%run_scoped3A : memref<!tpu.dma_semaphore, #tpu.memory_space<semaphore_mem>>)
      %dma_wait3A = arith.constant 0 : i32
      %dma_wait3A_30 = tpu.memref_slice %arg6[%arg0, %mul3A_25, %dma_wait3A] : memref<2x10240x128xf32, #tpu.memory_space<hbm>> -> memref<1x640x128xf32, #tpu.memory_space<hbm>>
      %dma_wait3A_31 = tpu.memref_squeeze %dma_wait3A_30 : memref<1x640x128xf32, #tpu.memory_space<hbm>> -> memref<640x128xf32, #tpu.memory_space<hbm>>
      %dma_wait3A_32 = arith.constant 0 : i32
      %dma_wait3A_33 = tpu.memref_slice %arg12[%mul3A_25, %dma_wait3A_32] : memref<10240x128xf32, #tpu.memory_space<vmem_shared>> -> memref<640x128xf32, #tpu.memory_space<vmem_shared>>
      tpu.wait_dma2 semaphore(%run_scoped3A : memref<!tpu.dma_semaphore, #tpu.memory_space<semaphore_mem>>) src(%dma_wait3A_33 : memref<640x128xf32, #tpu.memory_space<vmem_shared>>) dst(%dma_wait3A_31 : memref<640x128xf32, #tpu.memory_space<hbm>>)
      tpu.yield
    }) : () -> ()
    return
  }
}

#map = affine_map<(d0, d1) -> (0, 0)>
#map1 = affine_map<(d0, d1) -> (0)>
#map2 = affine_map<(d0, d1) -> (0, 0, 0)>
module attributes {stable_mosaic.version = 14 : i64} {
  func.func @_sc_logits_body(%arg0: i32, %arg1: i32, %arg2: memref<10240x128xf32, #tpu.memory_space<hbm>>, %arg3: memref<320000xi32, #tpu.memory_space<hbm>>, %arg4: memref<320000xi32, #tpu.memory_space<hbm>>, %arg5: memref<5120000xf32, #tpu.memory_space<hbm>>, %arg6: memref<2x10240x128xf32, #tpu.memory_space<hbm>>, %arg7: memref<80xi32, #tpu.memory_space<vmem>>, %arg8: memref<80xi32, #tpu.memory_space<vmem>>, %arg9: memref<80x128xf32, #tpu.memory_space<vmem>>, %arg10: memref<80x128xf32, #tpu.memory_space<vmem>>, %arg11: memref<1280xf32, #tpu.memory_space<vmem>>, %arg12: memref<80x128xf32, #tpu.memory_space<vmem>>, %arg13: memref<128x128xf32, #tpu.memory_space<vmem>>, %arg14: memref<10240x128xf32, #tpu.memory_space<vmem_shared>>) attributes {dimension_semantics = [#tpu.dimension_semantics<core_parallel>, #tpu.dimension_semantics<subcore_parallel>], iteration_bounds = array<i64: 2, 16>, scalar_prefetch = 0 : i64, scratch_operands = 8 : i64, tpu.core_type = #tpu.core_type<sc_vector_subcore>, window_params = [{transform_indices = #map}, {transform_indices = #map1}, {transform_indices = #map1}, {transform_indices = #map1}, {transform_indices = #map2}]} {
    %mul3A = arith.constant 16 : i32
    %mul3A_0 = arith.muli %arg0, %mul3A : i32
    %add3A = arith.addi %mul3A_0, %arg1 : i32
    %mul3A_1 = arith.constant 10000 : i32
    %mul3A_2 = arith.muli %add3A, %mul3A_1 : i32
    %parallel_loop3A = arith.constant 0 : i32
    %parallel_loop3A_3 = arith.constant 1024 : i32
    %parallel_loop3A_4 = arith.constant 1 : i32
    scf.for %parallel_loop3A_26 = %parallel_loop3A to %parallel_loop3A_3 step %parallel_loop3A_4  : i32 {
      %parallel_loop3A_27 = arith.constant 8 : i32
      %parallel_loop3A_28 = arith.divsi %parallel_loop3A_26, %parallel_loop3A_27 : i32
      %parallel_loop3A_29 = arith.constant 0 : i32
      %parallel_loop3A_30 = arith.cmpi sgt, %parallel_loop3A_26, %parallel_loop3A_29 : i32
      %parallel_loop3A_31 = arith.extui %parallel_loop3A_30 : i1 to i32
      %parallel_loop3A_32 = arith.constant 0 : i32
      %parallel_loop3A_33 = arith.cmpi slt, %parallel_loop3A_26, %parallel_loop3A_32 : i32
      %parallel_loop3A_34 = arith.extui %parallel_loop3A_33 : i1 to i32
      %parallel_loop3A_35 = arith.subi %parallel_loop3A_31, %parallel_loop3A_34 : i32
      %parallel_loop3A_36 = arith.constant 0 : i32
      %parallel_loop3A_37 = arith.cmpi sgt, %parallel_loop3A_27, %parallel_loop3A_36 : i32
      %parallel_loop3A_38 = arith.extui %parallel_loop3A_37 : i1 to i32
      %parallel_loop3A_39 = arith.constant 0 : i32
      %parallel_loop3A_40 = arith.cmpi slt, %parallel_loop3A_27, %parallel_loop3A_39 : i32
      %parallel_loop3A_41 = arith.extui %parallel_loop3A_40 : i1 to i32
      %parallel_loop3A_42 = arith.subi %parallel_loop3A_38, %parallel_loop3A_41 : i32
      %parallel_loop3A_43 = arith.cmpi ne, %parallel_loop3A_35, %parallel_loop3A_42 : i32
      %parallel_loop3A_44 = arith.remsi %parallel_loop3A_26, %parallel_loop3A_27 : i32
      %parallel_loop3A_45 = arith.constant 0 : i32
      %parallel_loop3A_46 = arith.cmpi ne, %parallel_loop3A_44, %parallel_loop3A_45 : i32
      %parallel_loop3A_47 = arith.andi %parallel_loop3A_43, %parallel_loop3A_46 : i1
      %parallel_loop3A_48 = arith.constant 1 : i32
      %parallel_loop3A_49 = arith.subi %parallel_loop3A_28, %parallel_loop3A_48 : i32
      %parallel_loop3A_50 = arith.select %parallel_loop3A_47, %parallel_loop3A_49, %parallel_loop3A_28 : i32
      %parallel_loop3A_51 = arith.constant 8 : i32
      %parallel_loop3A_52 = arith.constant 0 : i32
      %parallel_loop3A_53 = arith.cmpi eq, %parallel_loop3A_51, %parallel_loop3A_52 : i32
      %parallel_loop3A_54 = arith.constant 1 : i32
      %parallel_loop3A_55 = arith.select %parallel_loop3A_53, %parallel_loop3A_54, %parallel_loop3A_51 : i32
      %parallel_loop3A_56 = arith.remsi %parallel_loop3A_26, %parallel_loop3A_55 : i32
      %parallel_loop3A_57 = arith.constant 0 : i32
      %parallel_loop3A_58 = arith.cmpi ne, %parallel_loop3A_56, %parallel_loop3A_57 : i32
      %parallel_loop3A_59 = arith.constant 0 : i32
      %parallel_loop3A_60 = arith.cmpi slt, %parallel_loop3A_56, %parallel_loop3A_59 : i32
      %parallel_loop3A_61 = arith.constant 0 : i32
      %parallel_loop3A_62 = arith.cmpi slt, %parallel_loop3A_55, %parallel_loop3A_61 : i32
      %parallel_loop3A_63 = arith.xori %parallel_loop3A_60, %parallel_loop3A_62 : i1
      %parallel_loop3A_64 = arith.andi %parallel_loop3A_63, %parallel_loop3A_58 : i1
      %parallel_loop3A_65 = arith.addi %parallel_loop3A_56, %parallel_loop3A_55 : i32
      %parallel_loop3A_66 = arith.select %parallel_loop3A_64, %parallel_loop3A_65, %parallel_loop3A_56 : i32
      %parallel_loop3A_67 = arith.constant 0.000000e+00 : f32
      %parallel_loop3A_68 = vector.broadcast %parallel_loop3A_67 : f32 to vector<16xf32>
      %parallel_loop3A_69 = arith.constant 16 : i32
      %parallel_loop3A_70 = arith.muli %parallel_loop3A_66, %parallel_loop3A_69 : i32
      %parallel_loop3A_71 = arith.index_cast %parallel_loop3A_50 : i32 to index
      %parallel_loop3A_72 = arith.index_cast %parallel_loop3A_70 : i32 to index
      %parallel_loop3A_73 = tpu.vector_load %arg13[%parallel_loop3A_71, %parallel_loop3A_72] {strides = array<i32>} : memref<128x128xf32, #tpu.memory_space<vmem>>, vector<1x16xf32>,
      %parallel_loop3A_74 = vector.shape_cast %parallel_loop3A_73 : vector<1x16xf32> to vector<16xf32>
      %parallel_loop3A_75 = vector.shape_cast %parallel_loop3A_68 : vector<16xf32> to vector<1x16xf32>
      tpu.vector_store %arg13[%parallel_loop3A_71, %parallel_loop3A_72], %parallel_loop3A_75 {strides = array<i32>} : memref<128x128xf32, #tpu.memory_space<vmem>>, vector<1x16xf32>,
    } {sc.loop_unroll_factor = 8 : i64, sc.parallel_access}
    %mul3A_5 = arith.constant 640 : i32
    %mul3A_6 = arith.muli %arg1, %mul3A_5 : i32
    %add3A_7 = arith.constant 0 : i32
    %add3A_8 = arith.addi %mul3A_6, %add3A_7 : i32
    "tpu.region"() ({
      %run_scoped3A = tpu.sem_alloc : memref<!tpu.dma_semaphore, #tpu.memory_space<semaphore_mem>>
      %dma_start3A = arith.constant 0 : i32
      %dma_start3A_26 = tpu.memref_slice %arg14[%add3A_8, %dma_start3A] : memref<10240x128xf32, #tpu.memory_space<vmem_shared>> -> memref<128x128xf32, #tpu.memory_space<vmem_shared>>
      %dma_start3A_27 = arith.constant 0 : i32
      %dma_start3A_28 = tpu.memref_slice %arg14[%add3A_8, %dma_start3A_27] : memref<10240x128xf32, #tpu.memory_space<vmem_shared>> -> memref<128x128xf32, #tpu.memory_space<vmem_shared>>
      tpu.enqueue_dma source(%arg13 : memref<128x128xf32, #tpu.memory_space<vmem>>) target(%dma_start3A_28 : memref<128x128xf32, #tpu.memory_space<vmem_shared>>) target_semaphore(%run_scoped3A : memref<!tpu.dma_semaphore, #tpu.memory_space<semaphore_mem>>)
      %dma_wait3A = arith.constant 0 : i32
      %dma_wait3A_29 = tpu.memref_slice %arg14[%add3A_8, %dma_wait3A] : memref<10240x128xf32, #tpu.memory_space<vmem_shared>> -> memref<128x128xf32, #tpu.memory_space<vmem_shared>>
      %dma_wait3A_30 = arith.constant 0 : i32
      %dma_wait3A_31 = tpu.memref_slice %arg14[%add3A_8, %dma_wait3A_30] : memref<10240x128xf32, #tpu.memory_space<vmem_shared>> -> memref<128x128xf32, #tpu.memory_space<vmem_shared>>
      tpu.wait_dma2 semaphore(%run_scoped3A : memref<!tpu.dma_semaphore, #tpu.memory_space<semaphore_mem>>) src(%arg13 : memref<128x128xf32, #tpu.memory_space<vmem>>) dst(%dma_wait3A_31 : memref<128x128xf32, #tpu.memory_space<vmem_shared>>)
      tpu.yield
    }) : () -> ()
    %add3A_9 = arith.constant 128 : i32
    %add3A_10 = arith.addi %mul3A_6, %add3A_9 : i32
    "tpu.region"() ({
      %run_scoped3A = tpu.sem_alloc : memref<!tpu.dma_semaphore, #tpu.memory_space<semaphore_mem>>
      %dma_start3A = arith.constant 0 : i32
      %dma_start3A_26 = tpu.memref_slice %arg14[%add3A_10, %dma_start3A] : memref<10240x128xf32, #tpu.memory_space<vmem_shared>> -> memref<128x128xf32, #tpu.memory_space<vmem_shared>>
      %dma_start3A_27 = arith.constant 0 : i32
      %dma_start3A_28 = tpu.memref_slice %arg14[%add3A_10, %dma_start3A_27] : memref<10240x128xf32, #tpu.memory_space<vmem_shared>> -> memref<128x128xf32, #tpu.memory_space<vmem_shared>>
      tpu.enqueue_dma source(%arg13 : memref<128x128xf32, #tpu.memory_space<vmem>>) target(%dma_start3A_28 : memref<128x128xf32, #tpu.memory_space<vmem_shared>>) target_semaphore(%run_scoped3A : memref<!tpu.dma_semaphore, #tpu.memory_space<semaphore_mem>>)
      %dma_wait3A = arith.constant 0 : i32
      %dma_wait3A_29 = tpu.memref_slice %arg14[%add3A_10, %dma_wait3A] : memref<10240x128xf32, #tpu.memory_space<vmem_shared>> -> memref<128x128xf32, #tpu.memory_space<vmem_shared>>
      %dma_wait3A_30 = arith.constant 0 : i32
      %dma_wait3A_31 = tpu.memref_slice %arg14[%add3A_10, %dma_wait3A_30] : memref<10240x128xf32, #tpu.memory_space<vmem_shared>> -> memref<128x128xf32, #tpu.memory_space<vmem_shared>>
      tpu.wait_dma2 semaphore(%run_scoped3A : memref<!tpu.dma_semaphore, #tpu.memory_space<semaphore_mem>>) src(%arg13 : memref<128x128xf32, #tpu.memory_space<vmem>>) dst(%dma_wait3A_31 : memref<128x128xf32, #tpu.memory_space<vmem_shared>>)
      tpu.yield
    }) : () -> ()
    %add3A_11 = arith.constant 256 : i32
    %add3A_12 = arith.addi %mul3A_6, %add3A_11 : i32
    "tpu.region"() ({
      %run_scoped3A = tpu.sem_alloc : memref<!tpu.dma_semaphore, #tpu.memory_space<semaphore_mem>>
      %dma_start3A = arith.constant 0 : i32
      %dma_start3A_26 = tpu.memref_slice %arg14[%add3A_12, %dma_start3A] : memref<10240x128xf32, #tpu.memory_space<vmem_shared>> -> memref<128x128xf32, #tpu.memory_space<vmem_shared>>
      %dma_start3A_27 = arith.constant 0 : i32
      %dma_start3A_28 = tpu.memref_slice %arg14[%add3A_12, %dma_start3A_27] : memref<10240x128xf32, #tpu.memory_space<vmem_shared>> -> memref<128x128xf32, #tpu.memory_space<vmem_shared>>
      tpu.enqueue_dma source(%arg13 : memref<128x128xf32, #tpu.memory_space<vmem>>) target(%dma_start3A_28 : memref<128x128xf32, #tpu.memory_space<vmem_shared>>) target_semaphore(%run_scoped3A : memref<!tpu.dma_semaphore, #tpu.memory_space<semaphore_mem>>)
      %dma_wait3A = arith.constant 0 : i32
      %dma_wait3A_29 = tpu.memref_slice %arg14[%add3A_12, %dma_wait3A] : memref<10240x128xf32, #tpu.memory_space<vmem_shared>> -> memref<128x128xf32, #tpu.memory_space<vmem_shared>>
      %dma_wait3A_30 = arith.constant 0 : i32
      %dma_wait3A_31 = tpu.memref_slice %arg14[%add3A_12, %dma_wait3A_30] : memref<10240x128xf32, #tpu.memory_space<vmem_shared>> -> memref<128x128xf32, #tpu.memory_space<vmem_shared>>
      tpu.wait_dma2 semaphore(%run_scoped3A : memref<!tpu.dma_semaphore, #tpu.memory_space<semaphore_mem>>) src(%arg13 : memref<128x128xf32, #tpu.memory_space<vmem>>) dst(%dma_wait3A_31 : memref<128x128xf32, #tpu.memory_space<vmem_shared>>)
      tpu.yield
    }) : () -> ()
    %add3A_13 = arith.constant 384 : i32
    %add3A_14 = arith.addi %mul3A_6, %add3A_13 : i32
    "tpu.region"() ({
      %run_scoped3A = tpu.sem_alloc : memref<!tpu.dma_semaphore, #tpu.memory_space<semaphore_mem>>
      %dma_start3A = arith.constant 0 : i32
      %dma_start3A_26 = tpu.memref_slice %arg14[%add3A_14, %dma_start3A] : memref<10240x128xf32, #tpu.memory_space<vmem_shared>> -> memref<128x128xf32, #tpu.memory_space<vmem_shared>>
      %dma_start3A_27 = arith.constant 0 : i32
      %dma_start3A_28 = tpu.memref_slice %arg14[%add3A_14, %dma_start3A_27] : memref<10240x128xf32, #tpu.memory_space<vmem_shared>> -> memref<128x128xf32, #tpu.memory_space<vmem_shared>>
      tpu.enqueue_dma source(%arg13 : memref<128x128xf32, #tpu.memory_space<vmem>>) target(%dma_start3A_28 : memref<128x128xf32, #tpu.memory_space<vmem_shared>>) target_semaphore(%run_scoped3A : memref<!tpu.dma_semaphore, #tpu.memory_space<semaphore_mem>>)
      %dma_wait3A = arith.constant 0 : i32
      %dma_wait3A_29 = tpu.memref_slice %arg14[%add3A_14, %dma_wait3A] : memref<10240x128xf32, #tpu.memory_space<vmem_shared>> -> memref<128x128xf32, #tpu.memory_space<vmem_shared>>
      %dma_wait3A_30 = arith.constant 0 : i32
      %dma_wait3A_31 = tpu.memref_slice %arg14[%add3A_14, %dma_wait3A_30] : memref<10240x128xf32, #tpu.memory_space<vmem_shared>> -> memref<128x128xf32, #tpu.memory_space<vmem_shared>>
      tpu.wait_dma2 semaphore(%run_scoped3A : memref<!tpu.dma_semaphore, #tpu.memory_space<semaphore_mem>>) src(%arg13 : memref<128x128xf32, #tpu.memory_space<vmem>>) dst(%dma_wait3A_31 : memref<128x128xf32, #tpu.memory_space<vmem_shared>>)
      tpu.yield
    }) : () -> ()
    %add3A_15 = arith.constant 512 : i32
    %add3A_16 = arith.addi %mul3A_6, %add3A_15 : i32
    "tpu.region"() ({
      %run_scoped3A = tpu.sem_alloc : memref<!tpu.dma_semaphore, #tpu.memory_space<semaphore_mem>>
      %dma_start3A = arith.constant 0 : i32
      %dma_start3A_26 = tpu.memref_slice %arg14[%add3A_16, %dma_start3A] : memref<10240x128xf32, #tpu.memory_space<vmem_shared>> -> memref<128x128xf32, #tpu.memory_space<vmem_shared>>
      %dma_start3A_27 = arith.constant 0 : i32
      %dma_start3A_28 = tpu.memref_slice %arg14[%add3A_16, %dma_start3A_27] : memref<10240x128xf32, #tpu.memory_space<vmem_shared>> -> memref<128x128xf32, #tpu.memory_space<vmem_shared>>
      tpu.enqueue_dma source(%arg13 : memref<128x128xf32, #tpu.memory_space<vmem>>) target(%dma_start3A_28 : memref<128x128xf32, #tpu.memory_space<vmem_shared>>) target_semaphore(%run_scoped3A : memref<!tpu.dma_semaphore, #tpu.memory_space<semaphore_mem>>)
      %dma_wait3A = arith.constant 0 : i32
      %dma_wait3A_29 = tpu.memref_slice %arg14[%add3A_16, %dma_wait3A] : memref<10240x128xf32, #tpu.memory_space<vmem_shared>> -> memref<128x128xf32, #tpu.memory_space<vmem_shared>>
      %dma_wait3A_30 = arith.constant 0 : i32
      %dma_wait3A_31 = tpu.memref_slice %arg14[%add3A_16, %dma_wait3A_30] : memref<10240x128xf32, #tpu.memory_space<vmem_shared>> -> memref<128x128xf32, #tpu.memory_space<vmem_shared>>
      tpu.wait_dma2 semaphore(%run_scoped3A : memref<!tpu.dma_semaphore, #tpu.memory_space<semaphore_mem>>) src(%arg13 : memref<128x128xf32, #tpu.memory_space<vmem>>) dst(%dma_wait3A_31 : memref<128x128xf32, #tpu.memory_space<vmem_shared>>)
      tpu.yield
    }) : () -> ()
    %barrier3A = arith.constant 0 : index
    tpu.barrier barrier_id(%barrier3A)
    %iota3A = tpu.iota {dimensions = array<i32: 0>} : vector<16xi32>
    %scan3A = arith.constant 0 : i32
    %scan3A_17 = arith.constant 0 : i32
    %scan3A_18 = arith.constant 125 : i32
    %scan3A_19 = arith.addi %scan3A_17, %scan3A_18 : i32
    %scan3A_20 = arith.constant 1 : i32
    %scan3A_21 = scf.for %scan3A_26 = %scan3A_17 to %scan3A_19 step %scan3A_20 iter_args(%scan3A_27 = %scan3A) -> (i32)  : i32 {
      %mul3A_28 = arith.constant 80 : i32
      %mul3A_29 = arith.muli %scan3A_26, %mul3A_28 : i32
      %add3A_30 = arith.addi %mul3A_2, %mul3A_29 : i32
      "tpu.region"() ({
        %run_scoped3A = tpu.sem_alloc : memref<!tpu.dma_semaphore, #tpu.memory_space<semaphore_mem>>
        %dma_start3A = tpu.memref_slice %arg3[%add3A_30] : memref<320000xi32, #tpu.memory_space<hbm>> -> memref<80xi32, #tpu.memory_space<hbm>>
        %dma_start3A_37 = tpu.memref_slice %arg3[%add3A_30] : memref<320000xi32, #tpu.memory_space<hbm>> -> memref<80xi32, #tpu.memory_space<hbm>>
        tpu.enqueue_dma source(%dma_start3A_37 : memref<80xi32, #tpu.memory_space<hbm>>) target(%arg7 : memref<80xi32, #tpu.memory_space<vmem>>) target_semaphore(%run_scoped3A : memref<!tpu.dma_semaphore, #tpu.memory_space<semaphore_mem>>)
        %dma_wait3A = tpu.memref_slice %arg3[%add3A_30] : memref<320000xi32, #tpu.memory_space<hbm>> -> memref<80xi32, #tpu.memory_space<hbm>>
        %dma_wait3A_38 = tpu.memref_slice %arg3[%add3A_30] : memref<320000xi32, #tpu.memory_space<hbm>> -> memref<80xi32, #tpu.memory_space<hbm>>
        tpu.wait_dma2 semaphore(%run_scoped3A : memref<!tpu.dma_semaphore, #tpu.memory_space<semaphore_mem>>) src(%dma_wait3A_38 : memref<80xi32, #tpu.memory_space<hbm>>) dst(%arg7 : memref<80xi32, #tpu.memory_space<vmem>>)
        tpu.yield
      }) : () -> ()
      "tpu.region"() ({
        %run_scoped3A = tpu.sem_alloc : memref<!tpu.dma_semaphore, #tpu.memory_space<semaphore_mem>>
        %dma_start3A = tpu.memref_slice %arg4[%add3A_30] : memref<320000xi32, #tpu.memory_space<hbm>> -> memref<80xi32, #tpu.memory_space<hbm>>
        %dma_start3A_37 = tpu.memref_slice %arg4[%add3A_30] : memref<320000xi32, #tpu.memory_space<hbm>> -> memref<80xi32, #tpu.memory_space<hbm>>
        tpu.enqueue_dma source(%dma_start3A_37 : memref<80xi32, #tpu.memory_space<hbm>>) target(%arg8 : memref<80xi32, #tpu.memory_space<vmem>>) target_semaphore(%run_scoped3A : memref<!tpu.dma_semaphore, #tpu.memory_space<semaphore_mem>>)
        %dma_wait3A = tpu.memref_slice %arg4[%add3A_30] : memref<320000xi32, #tpu.memory_space<hbm>> -> memref<80xi32, #tpu.memory_space<hbm>>
        %dma_wait3A_38 = tpu.memref_slice %arg4[%add3A_30] : memref<320000xi32, #tpu.memory_space<hbm>> -> memref<80xi32, #tpu.memory_space<hbm>>
        tpu.wait_dma2 semaphore(%run_scoped3A : memref<!tpu.dma_semaphore, #tpu.memory_space<semaphore_mem>>) src(%dma_wait3A_38 : memref<80xi32, #tpu.memory_space<hbm>>) dst(%arg8 : memref<80xi32, #tpu.memory_space<vmem>>)
        tpu.yield
      }) : () -> ()
      "tpu.region"() ({
        %run_scoped3A = tpu.sem_alloc : memref<!tpu.dma_semaphore, #tpu.memory_space<semaphore_mem>>
        %dma_start3A = arith.constant 0 : i32
        %dma_start3A_37 = arith.constant 0 : i32
        %dma_start3A_38 = tpu.memref_slice %arg2[%dma_start3A, %dma_start3A_37] : memref<10240x128xf32, #tpu.memory_space<hbm>> -> memref<10240x128xf32, #tpu.memory_space<hbm>>
        tpu.enqueue_indirect_dma source(%dma_start3A_38 : memref<10240x128xf32, #tpu.memory_space<hbm>>) target(%arg9 : memref<80x128xf32, #tpu.memory_space<vmem>>) offsets(%arg7 : memref<80xi32, #tpu.memory_space<vmem>>) semaphore(%run_scoped3A : memref<!tpu.dma_semaphore, #tpu.memory_space<semaphore_mem>>)
        %dma_wait3A = arith.constant 0 : i32
        %dma_wait3A_39 = arith.constant 0 : i32
        %dma_wait3A_40 = tpu.memref_slice %arg2[%dma_wait3A, %dma_wait3A_39] : memref<10240x128xf32, #tpu.memory_space<hbm>> -> memref<10240x128xf32, #tpu.memory_space<hbm>>
        tpu.wait_indirect_dma semaphore(%run_scoped3A : memref<!tpu.dma_semaphore, #tpu.memory_space<semaphore_mem>>) src(%dma_wait3A_40 : memref<10240x128xf32, #tpu.memory_space<hbm>>) dst(%arg9 : memref<80x128xf32, #tpu.memory_space<vmem>>)
        tpu.yield
      }) : () -> ()
      "tpu.region"() ({
        %run_scoped3A = tpu.sem_alloc : memref<!tpu.dma_semaphore, #tpu.memory_space<semaphore_mem>>
        %dma_start3A = arith.constant 0 : i32
        %dma_start3A_37 = arith.constant 0 : i32
        %dma_start3A_38 = tpu.memref_slice %arg2[%dma_start3A, %dma_start3A_37] : memref<10240x128xf32, #tpu.memory_space<hbm>> -> memref<10240x128xf32, #tpu.memory_space<hbm>>
        tpu.enqueue_indirect_dma source(%dma_start3A_38 : memref<10240x128xf32, #tpu.memory_space<hbm>>) target(%arg10 : memref<80x128xf32, #tpu.memory_space<vmem>>) offsets(%arg8 : memref<80xi32, #tpu.memory_space<vmem>>) semaphore(%run_scoped3A : memref<!tpu.dma_semaphore, #tpu.memory_space<semaphore_mem>>)
        %dma_wait3A = arith.constant 0 : i32
        %dma_wait3A_39 = arith.constant 0 : i32
        %dma_wait3A_40 = tpu.memref_slice %arg2[%dma_wait3A, %dma_wait3A_39] : memref<10240x128xf32, #tpu.memory_space<hbm>> -> memref<10240x128xf32, #tpu.memory_space<hbm>>
        tpu.wait_indirect_dma semaphore(%run_scoped3A : memref<!tpu.dma_semaphore, #tpu.memory_space<semaphore_mem>>) src(%dma_wait3A_40 : memref<10240x128xf32, #tpu.memory_space<hbm>>) dst(%arg10 : memref<80x128xf32, #tpu.memory_space<vmem>>)
        tpu.yield
      }) : () -> ()
      %parallel_loop3A_31 = arith.constant 0 : i32
      %parallel_loop3A_32 = arith.constant 80 : i32
      %parallel_loop3A_33 = arith.constant 1 : i32
      scf.for %parallel_loop3A_37 = %parallel_loop3A_31 to %parallel_loop3A_32 step %parallel_loop3A_33  : i32 {
        %parallel_loop3A_38 = arith.index_cast %parallel_loop3A_37 : i32 to index
        %parallel_loop3A_39 = arith.constant 0 : index
        %parallel_loop3A_40 = tpu.vector_load %arg9[%parallel_loop3A_38, %parallel_loop3A_39] {strides = array<i32>} : memref<80x128xf32, #tpu.memory_space<vmem>>, vector<1x16xf32>,
        %parallel_loop3A_41 = vector.shape_cast %parallel_loop3A_40 : vector<1x16xf32> to vector<16xf32>
        %parallel_loop3A_42 = arith.index_cast %parallel_loop3A_37 : i32 to index
        %parallel_loop3A_43 = arith.constant 16 : index
        %parallel_loop3A_44 = tpu.vector_load %arg10[%parallel_loop3A_42, %parallel_loop3A_43] {strides = array<i32>} : memref<80x128xf32, #tpu.memory_space<vmem>>, vector<1x16xf32>,
        %parallel_loop3A_45 = vector.shape_cast %parallel_loop3A_44 : vector<1x16xf32> to vector<16xf32>
        %parallel_loop3A_46 = arith.addf %parallel_loop3A_41, %parallel_loop3A_45 : vector<16xf32>
        %parallel_loop3A_47 = arith.constant 2.000000e-01 : f32
        %parallel_loop3A_48 = vector.broadcast %parallel_loop3A_47 : f32 to vector<16xf32>
        %parallel_loop3A_49 = arith.mulf %parallel_loop3A_48, %parallel_loop3A_46 : vector<16xf32>
        %parallel_loop3A_50 = arith.maximumf %parallel_loop3A_46, %parallel_loop3A_49 : vector<16xf32>
        %parallel_loop3A_51 = arith.constant 1 : i32
        %parallel_loop3A_52 = vector.broadcast %parallel_loop3A_51 : i32 to vector<16xi32>
        %parallel_loop3A_53 = arith.cmpi slt, %iota3A, %parallel_loop3A_52 : vector<16xi32>
        %parallel_loop3A_54 = math.exp %parallel_loop3A_50 : vector<16xf32>
        %parallel_loop3A_55 = arith.constant 0.000000e+00 : f32
        %parallel_loop3A_56 = vector.broadcast %parallel_loop3A_55 : f32 to vector<16xf32>
        %parallel_loop3A_57 = arith.select %parallel_loop3A_53, %parallel_loop3A_54, %parallel_loop3A_56 : vector<16xi1>, vector<16xf32>
        %parallel_loop3A_58 = arith.constant 16 : i32
        %parallel_loop3A_59 = arith.muli %parallel_loop3A_37, %parallel_loop3A_58 : i32
        %parallel_loop3A_60 = arith.index_cast %parallel_loop3A_59 : i32 to index
        %parallel_loop3A_61 = tpu.vector_load %arg11[%parallel_loop3A_60] {strides = array<i32>} : memref<1280xf32, #tpu.memory_space<vmem>>, vector<16xf32>,
        %parallel_loop3A_62 = vector.shape_cast %parallel_loop3A_61 : vector<16xf32> to vector<16xf32>
        %parallel_loop3A_63 = vector.shape_cast %parallel_loop3A_57 : vector<16xf32> to vector<16xf32>
        tpu.vector_store %arg11[%parallel_loop3A_60], %parallel_loop3A_63 {strides = array<i32>} : memref<1280xf32, #tpu.memory_space<vmem>>, vector<16xf32>,
        %parallel_loop3A_64 = vector.extract_strided_slice %parallel_loop3A_57 {offsets = [0], sizes = [1], strides = [1]} : vector<16xf32> to vector<1xf32>
        %parallel_loop3A_65 = vector.extract %parallel_loop3A_64[0] : f32 from vector<1xf32>
        %parallel_loop3A_66 = vector.broadcast %parallel_loop3A_65 : f32 to vector<16xf32>
        %parallel_loop3A_67 = arith.index_cast %parallel_loop3A_37 : i32 to index
        %parallel_loop3A_68 = arith.constant 0 : index
        %parallel_loop3A_69 = tpu.vector_load %arg12[%parallel_loop3A_67, %parallel_loop3A_68] {strides = array<i32>} : memref<80x128xf32, #tpu.memory_space<vmem>>, vector<1x16xf32>,
        %parallel_loop3A_70 = vector.shape_cast %parallel_loop3A_69 : vector<1x16xf32> to vector<16xf32>
        %parallel_loop3A_71 = vector.shape_cast %parallel_loop3A_66 : vector<16xf32> to vector<1x16xf32>
        tpu.vector_store %arg12[%parallel_loop3A_67, %parallel_loop3A_68], %parallel_loop3A_71 {strides = array<i32>} : memref<80x128xf32, #tpu.memory_space<vmem>>, vector<1x16xf32>,
        %parallel_loop3A_72 = arith.index_cast %parallel_loop3A_37 : i32 to index
        %parallel_loop3A_73 = arith.constant 16 : index
        %parallel_loop3A_74 = tpu.vector_load %arg12[%parallel_loop3A_72, %parallel_loop3A_73] {strides = array<i32>} : memref<80x128xf32, #tpu.memory_space<vmem>>, vector<1x16xf32>,
        %parallel_loop3A_75 = vector.shape_cast %parallel_loop3A_74 : vector<1x16xf32> to vector<16xf32>
        %parallel_loop3A_76 = vector.shape_cast %parallel_loop3A_66 : vector<16xf32> to vector<1x16xf32>
        tpu.vector_store %arg12[%parallel_loop3A_72, %parallel_loop3A_73], %parallel_loop3A_76 {strides = array<i32>} : memref<80x128xf32, #tpu.memory_space<vmem>>, vector<1x16xf32>,
        %parallel_loop3A_77 = arith.index_cast %parallel_loop3A_37 : i32 to index
        %parallel_loop3A_78 = arith.constant 32 : index
        %parallel_loop3A_79 = tpu.vector_load %arg12[%parallel_loop3A_77, %parallel_loop3A_78] {strides = array<i32>} : memref<80x128xf32, #tpu.memory_space<vmem>>, vector<1x16xf32>,
        %parallel_loop3A_80 = vector.shape_cast %parallel_loop3A_79 : vector<1x16xf32> to vector<16xf32>
        %parallel_loop3A_81 = vector.shape_cast %parallel_loop3A_66 : vector<16xf32> to vector<1x16xf32>
        tpu.vector_store %arg12[%parallel_loop3A_77, %parallel_loop3A_78], %parallel_loop3A_81 {strides = array<i32>} : memref<80x128xf32, #tpu.memory_space<vmem>>, vector<1x16xf32>,
        %parallel_loop3A_82 = arith.index_cast %parallel_loop3A_37 : i32 to index
        %parallel_loop3A_83 = arith.constant 48 : index
        %parallel_loop3A_84 = tpu.vector_load %arg12[%parallel_loop3A_82, %parallel_loop3A_83] {strides = array<i32>} : memref<80x128xf32, #tpu.memory_space<vmem>>, vector<1x16xf32>,
        %parallel_loop3A_85 = vector.shape_cast %parallel_loop3A_84 : vector<1x16xf32> to vector<16xf32>
        %parallel_loop3A_86 = vector.shape_cast %parallel_loop3A_66 : vector<16xf32> to vector<1x16xf32>
        tpu.vector_store %arg12[%parallel_loop3A_82, %parallel_loop3A_83], %parallel_loop3A_86 {strides = array<i32>} : memref<80x128xf32, #tpu.memory_space<vmem>>, vector<1x16xf32>,
        %parallel_loop3A_87 = arith.index_cast %parallel_loop3A_37 : i32 to index
        %parallel_loop3A_88 = arith.constant 64 : index
        %parallel_loop3A_89 = tpu.vector_load %arg12[%parallel_loop3A_87, %parallel_loop3A_88] {strides = array<i32>} : memref<80x128xf32, #tpu.memory_space<vmem>>, vector<1x16xf32>,
        %parallel_loop3A_90 = vector.shape_cast %parallel_loop3A_89 : vector<1x16xf32> to vector<16xf32>
        %parallel_loop3A_91 = vector.shape_cast %parallel_loop3A_66 : vector<16xf32> to vector<1x16xf32>
        tpu.vector_store %arg12[%parallel_loop3A_87, %parallel_loop3A_88], %parallel_loop3A_91 {strides = array<i32>} : memref<80x128xf32, #tpu.memory_space<vmem>>, vector<1x16xf32>,
        %parallel_loop3A_92 = arith.index_cast %parallel_loop3A_37 : i32 to index
        %parallel_loop3A_93 = arith.constant 80 : index
        %parallel_loop3A_94 = tpu.vector_load %arg12[%parallel_loop3A_92, %parallel_loop3A_93] {strides = array<i32>} : memref<80x128xf32, #tpu.memory_space<vmem>>, vector<1x16xf32>,
        %parallel_loop3A_95 = vector.shape_cast %parallel_loop3A_94 : vector<1x16xf32> to vector<16xf32>
        %parallel_loop3A_96 = vector.shape_cast %parallel_loop3A_66 : vector<16xf32> to vector<1x16xf32>
        tpu.vector_store %arg12[%parallel_loop3A_92, %parallel_loop3A_93], %parallel_loop3A_96 {strides = array<i32>} : memref<80x128xf32, #tpu.memory_space<vmem>>, vector<1x16xf32>,
        %parallel_loop3A_97 = arith.index_cast %parallel_loop3A_37 : i32 to index
        %parallel_loop3A_98 = arith.constant 96 : index
        %parallel_loop3A_99 = tpu.vector_load %arg12[%parallel_loop3A_97, %parallel_loop3A_98] {strides = array<i32>} : memref<80x128xf32, #tpu.memory_space<vmem>>, vector<1x16xf32>,
        %parallel_loop3A_100 = vector.shape_cast %parallel_loop3A_99 : vector<1x16xf32> to vector<16xf32>
        %parallel_loop3A_101 = vector.shape_cast %parallel_loop3A_66 : vector<16xf32> to vector<1x16xf32>
        tpu.vector_store %arg12[%parallel_loop3A_97, %parallel_loop3A_98], %parallel_loop3A_101 {strides = array<i32>} : memref<80x128xf32, #tpu.memory_space<vmem>>, vector<1x16xf32>,
        %parallel_loop3A_102 = arith.index_cast %parallel_loop3A_37 : i32 to index
        %parallel_loop3A_103 = arith.constant 112 : index
        %parallel_loop3A_104 = tpu.vector_load %arg12[%parallel_loop3A_102, %parallel_loop3A_103] {strides = array<i32>} : memref<80x128xf32, #tpu.memory_space<vmem>>, vector<1x16xf32>,
        %parallel_loop3A_105 = vector.shape_cast %parallel_loop3A_104 : vector<1x16xf32> to vector<16xf32>
        %parallel_loop3A_106 = vector.shape_cast %parallel_loop3A_66 : vector<16xf32> to vector<1x16xf32>
        tpu.vector_store %arg12[%parallel_loop3A_102, %parallel_loop3A_103], %parallel_loop3A_106 {strides = array<i32>} : memref<80x128xf32, #tpu.memory_space<vmem>>, vector<1x16xf32>,
      } {sc.loop_unroll_factor = 4 : i64, sc.parallel_access}
      %mul3A_34 = arith.constant 16 : i32
      %mul3A_35 = arith.muli %add3A_30, %mul3A_34 : i32
      "tpu.region"() ({
        %run_scoped3A = tpu.sem_alloc : memref<!tpu.dma_semaphore, #tpu.memory_space<semaphore_mem>>
        %dma_start3A = tpu.memref_slice %arg5[%mul3A_35] : memref<5120000xf32, #tpu.memory_space<hbm>> -> memref<1280xf32, #tpu.memory_space<hbm>>
        %dma_start3A_37 = tpu.memref_slice %arg5[%mul3A_35] : memref<5120000xf32, #tpu.memory_space<hbm>> -> memref<1280xf32, #tpu.memory_space<hbm>>
        tpu.enqueue_dma source(%arg11 : memref<1280xf32, #tpu.memory_space<vmem>>) target(%dma_start3A_37 : memref<1280xf32, #tpu.memory_space<hbm>>) target_semaphore(%run_scoped3A : memref<!tpu.dma_semaphore, #tpu.memory_space<semaphore_mem>>)
        %dma_wait3A = tpu.memref_slice %arg5[%mul3A_35] : memref<5120000xf32, #tpu.memory_space<hbm>> -> memref<1280xf32, #tpu.memory_space<hbm>>
        %dma_wait3A_38 = tpu.memref_slice %arg5[%mul3A_35] : memref<5120000xf32, #tpu.memory_space<hbm>> -> memref<1280xf32, #tpu.memory_space<hbm>>
        tpu.wait_dma2 semaphore(%run_scoped3A : memref<!tpu.dma_semaphore, #tpu.memory_space<semaphore_mem>>) src(%arg11 : memref<1280xf32, #tpu.memory_space<vmem>>) dst(%dma_wait3A_38 : memref<1280xf32, #tpu.memory_space<hbm>>)
        tpu.yield
      }) : () -> ()
      "tpu.region"() ({
        %run_scoped3A = tpu.sem_alloc : memref<!tpu.dma_semaphore, #tpu.memory_space<semaphore_mem>>
        %dma_start3A = arith.constant 0 : i32
        %dma_start3A_37 = arith.constant 0 : i32
        %dma_start3A_38 = tpu.memref_slice %arg14[%dma_start3A, %dma_start3A_37] : memref<10240x128xf32, #tpu.memory_space<vmem_shared>> -> memref<10240x128xf32, #tpu.memory_space<vmem_shared>>
        tpu.enqueue_indirect_dma source(%arg12 : memref<80x128xf32, #tpu.memory_space<vmem>>) target(%dma_start3A_38 : memref<10240x128xf32, #tpu.memory_space<vmem_shared>>) offsets(%arg8 : memref<80xi32, #tpu.memory_space<vmem>>) semaphore(%run_scoped3A : memref<!tpu.dma_semaphore, #tpu.memory_space<semaphore_mem>>) {add = true}
        %dma_wait3A = arith.constant 0 : i32
        %dma_wait3A_39 = arith.constant 0 : i32
        %dma_wait3A_40 = tpu.memref_slice %arg14[%dma_wait3A, %dma_wait3A_39] : memref<10240x128xf32, #tpu.memory_space<vmem_shared>> -> memref<10240x128xf32, #tpu.memory_space<vmem_shared>>
        tpu.wait_indirect_dma semaphore(%run_scoped3A : memref<!tpu.dma_semaphore, #tpu.memory_space<semaphore_mem>>) src(%arg12 : memref<80x128xf32, #tpu.memory_space<vmem>>) dst(%dma_wait3A_40 : memref<10240x128xf32, #tpu.memory_space<vmem_shared>>)
        tpu.yield
      }) : () -> ()
      %scan3A_36 = arith.constant 0 : i32
      scf.yield %scan3A_36 : i32
    }
    %scan3A_22 = arith.constant 125 : i32
    %barrier3A_23 = arith.constant 0 : index
    tpu.barrier barrier_id(%barrier3A_23)
    %mul3A_24 = arith.constant 640 : i32
    %mul3A_25 = arith.muli %arg1, %mul3A_24 : i32
    "tpu.region"() ({
      %run_scoped3A = tpu.sem_alloc : memref<!tpu.dma_semaphore, #tpu.memory_space<semaphore_mem>>
      %dma_start3A = arith.constant 0 : i32
      %dma_start3A_26 = tpu.memref_slice %arg6[%arg0, %mul3A_25, %dma_start3A] : memref<2x10240x128xf32, #tpu.memory_space<hbm>> -> memref<1x640x128xf32, #tpu.memory_space<hbm>>
      %dma_start3A_27 = tpu.memref_squeeze %dma_start3A_26 : memref<1x640x128xf32, #tpu.memory_space<hbm>> -> memref<640x128xf32, #tpu.memory_space<hbm>>
      %dma_start3A_28 = arith.constant 0 : i32
      %dma_start3A_29 = tpu.memref_slice %arg14[%mul3A_25, %dma_start3A_28] : memref<10240x128xf32, #tpu.memory_space<vmem_shared>> -> memref<640x128xf32, #tpu.memory_space<vmem_shared>>
      tpu.enqueue_dma source(%dma_start3A_29 : memref<640x128xf32, #tpu.memory_space<vmem_shared>>) target(%dma_start3A_27 : memref<640x128xf32, #tpu.memory_space<hbm>>) target_semaphore(%run_scoped3A : memref<!tpu.dma_semaphore, #tpu.memory_space<semaphore_mem>>)
      %dma_wait3A = arith.constant 0 : i32
      %dma_wait3A_30 = tpu.memref_slice %arg6[%arg0, %mul3A_25, %dma_wait3A] : memref<2x10240x128xf32, #tpu.memory_space<hbm>> -> memref<1x640x128xf32, #tpu.memory_space<hbm>>
      %dma_wait3A_31 = tpu.memref_squeeze %dma_wait3A_30 : memref<1x640x128xf32, #tpu.memory_space<hbm>> -> memref<640x128xf32, #tpu.memory_space<hbm>>
      %dma_wait3A_32 = arith.constant 0 : i32
      %dma_wait3A_33 = tpu.memref_slice %arg14[%mul3A_25, %dma_wait3A_32] : memref<10240x128xf32, #tpu.memory_space<vmem_shared>> -> memref<640x128xf32, #tpu.memory_space<vmem_shared>>
      tpu.wait_dma2 semaphore(%run_scoped3A : memref<!tpu.dma_semaphore, #tpu.memory_space<semaphore_mem>>) src(%dma_wait3A_33 : memref<640x128xf32, #tpu.memory_space<vmem_shared>>) dst(%dma_wait3A_31 : memref<640x128xf32, #tpu.memory_space<hbm>>)
      tpu.yield
    }) : () -> ()
    return
  }
}

#map = affine_map<(d0, d1) -> (0, 0)>
#map1 = affine_map<(d0, d1) -> (0)>
#map2 = affine_map<(d0, d1) -> (0, 0, 0)>
module attributes {stable_mosaic.version = 14 : i64} {
  func.func @_sc_aggregate_body(%arg0: i32, %arg1: i32, %arg2: memref<10240x128xf32, #tpu.memory_space<hbm>>, %arg3: memref<5120000xf32, #tpu.memory_space<hbm>>, %arg4: memref<320000xi32, #tpu.memory_space<hbm>>, %arg5: memref<320000xi32, #tpu.memory_space<hbm>>, %arg6: memref<2x10240x128xf32, #tpu.memory_space<hbm>>, %arg7: memref<80xi32, #tpu.memory_space<vmem>>, %arg8: memref<80xi32, #tpu.memory_space<vmem>>, %arg9: memref<80x128xf32, #tpu.memory_space<vmem>>, %arg10: memref<1280xf32, #tpu.memory_space<vmem>>, %arg11: memref<128x128xf32, #tpu.memory_space<vmem>>, %arg12: memref<10240x128xf32, #tpu.memory_space<vmem_shared>>) attributes {dimension_semantics = [#tpu.dimension_semantics<core_parallel>, #tpu.dimension_semantics<subcore_parallel>], iteration_bounds = array<i64: 2, 16>, scalar_prefetch = 0 : i64, scratch_operands = 6 : i64, tpu.core_type = #tpu.core_type<sc_vector_subcore>, window_params = [{transform_indices = #map}, {transform_indices = #map1}, {transform_indices = #map1}, {transform_indices = #map1}, {transform_indices = #map2}]} {
    %mul3A = arith.constant 16 : i32
    %mul3A_0 = arith.muli %arg0, %mul3A : i32
    %add3A = arith.addi %mul3A_0, %arg1 : i32
    %mul3A_1 = arith.constant 10000 : i32
    %mul3A_2 = arith.muli %add3A, %mul3A_1 : i32
    %parallel_loop3A = arith.constant 0 : i32
    %parallel_loop3A_3 = arith.constant 1024 : i32
    %parallel_loop3A_4 = arith.constant 1 : i32
    scf.for %parallel_loop3A_26 = %parallel_loop3A to %parallel_loop3A_3 step %parallel_loop3A_4  : i32 {
      %parallel_loop3A_27 = arith.constant 8 : i32
      %parallel_loop3A_28 = arith.divsi %parallel_loop3A_26, %parallel_loop3A_27 : i32
      %parallel_loop3A_29 = arith.constant 0 : i32
      %parallel_loop3A_30 = arith.cmpi sgt, %parallel_loop3A_26, %parallel_loop3A_29 : i32
      %parallel_loop3A_31 = arith.extui %parallel_loop3A_30 : i1 to i32
      %parallel_loop3A_32 = arith.constant 0 : i32
      %parallel_loop3A_33 = arith.cmpi slt, %parallel_loop3A_26, %parallel_loop3A_32 : i32
      %parallel_loop3A_34 = arith.extui %parallel_loop3A_33 : i1 to i32
      %parallel_loop3A_35 = arith.subi %parallel_loop3A_31, %parallel_loop3A_34 : i32
      %parallel_loop3A_36 = arith.constant 0 : i32
      %parallel_loop3A_37 = arith.cmpi sgt, %parallel_loop3A_27, %parallel_loop3A_36 : i32
      %parallel_loop3A_38 = arith.extui %parallel_loop3A_37 : i1 to i32
      %parallel_loop3A_39 = arith.constant 0 : i32
      %parallel_loop3A_40 = arith.cmpi slt, %parallel_loop3A_27, %parallel_loop3A_39 : i32
      %parallel_loop3A_41 = arith.extui %parallel_loop3A_40 : i1 to i32
      %parallel_loop3A_42 = arith.subi %parallel_loop3A_38, %parallel_loop3A_41 : i32
      %parallel_loop3A_43 = arith.cmpi ne, %parallel_loop3A_35, %parallel_loop3A_42 : i32
      %parallel_loop3A_44 = arith.remsi %parallel_loop3A_26, %parallel_loop3A_27 : i32
      %parallel_loop3A_45 = arith.constant 0 : i32
      %parallel_loop3A_46 = arith.cmpi ne, %parallel_loop3A_44, %parallel_loop3A_45 : i32
      %parallel_loop3A_47 = arith.andi %parallel_loop3A_43, %parallel_loop3A_46 : i1
      %parallel_loop3A_48 = arith.constant 1 : i32
      %parallel_loop3A_49 = arith.subi %parallel_loop3A_28, %parallel_loop3A_48 : i32
      %parallel_loop3A_50 = arith.select %parallel_loop3A_47, %parallel_loop3A_49, %parallel_loop3A_28 : i32
      %parallel_loop3A_51 = arith.constant 8 : i32
      %parallel_loop3A_52 = arith.constant 0 : i32
      %parallel_loop3A_53 = arith.cmpi eq, %parallel_loop3A_51, %parallel_loop3A_52 : i32
      %parallel_loop3A_54 = arith.constant 1 : i32
      %parallel_loop3A_55 = arith.select %parallel_loop3A_53, %parallel_loop3A_54, %parallel_loop3A_51 : i32
      %parallel_loop3A_56 = arith.remsi %parallel_loop3A_26, %parallel_loop3A_55 : i32
      %parallel_loop3A_57 = arith.constant 0 : i32
      %parallel_loop3A_58 = arith.cmpi ne, %parallel_loop3A_56, %parallel_loop3A_57 : i32
      %parallel_loop3A_59 = arith.constant 0 : i32
      %parallel_loop3A_60 = arith.cmpi slt, %parallel_loop3A_56, %parallel_loop3A_59 : i32
      %parallel_loop3A_61 = arith.constant 0 : i32
      %parallel_loop3A_62 = arith.cmpi slt, %parallel_loop3A_55, %parallel_loop3A_61 : i32
      %parallel_loop3A_63 = arith.xori %parallel_loop3A_60, %parallel_loop3A_62 : i1
      %parallel_loop3A_64 = arith.andi %parallel_loop3A_63, %parallel_loop3A_58 : i1
      %parallel_loop3A_65 = arith.addi %parallel_loop3A_56, %parallel_loop3A_55 : i32
      %parallel_loop3A_66 = arith.select %parallel_loop3A_64, %parallel_loop3A_65, %parallel_loop3A_56 : i32
      %parallel_loop3A_67 = arith.constant 0.000000e+00 : f32
      %parallel_loop3A_68 = vector.broadcast %parallel_loop3A_67 : f32 to vector<16xf32>
      %parallel_loop3A_69 = arith.constant 16 : i32
      %parallel_loop3A_70 = arith.muli %parallel_loop3A_66, %parallel_loop3A_69 : i32
      %parallel_loop3A_71 = arith.index_cast %parallel_loop3A_50 : i32 to index
      %parallel_loop3A_72 = arith.index_cast %parallel_loop3A_70 : i32 to index
      %parallel_loop3A_73 = tpu.vector_load %arg11[%parallel_loop3A_71, %parallel_loop3A_72] {strides = array<i32>} : memref<128x128xf32, #tpu.memory_space<vmem>>, vector<1x16xf32>,
      %parallel_loop3A_74 = vector.shape_cast %parallel_loop3A_73 : vector<1x16xf32> to vector<16xf32>
      %parallel_loop3A_75 = vector.shape_cast %parallel_loop3A_68 : vector<16xf32> to vector<1x16xf32>
      tpu.vector_store %arg11[%parallel_loop3A_71, %parallel_loop3A_72], %parallel_loop3A_75 {strides = array<i32>} : memref<128x128xf32, #tpu.memory_space<vmem>>, vector<1x16xf32>,
    } {sc.loop_unroll_factor = 8 : i64, sc.parallel_access}
    %mul3A_5 = arith.constant 640 : i32
    %mul3A_6 = arith.muli %arg1, %mul3A_5 : i32
    %add3A_7 = arith.constant 0 : i32
    %add3A_8 = arith.addi %mul3A_6, %add3A_7 : i32
    "tpu.region"() ({
      %run_scoped3A = tpu.sem_alloc : memref<!tpu.dma_semaphore, #tpu.memory_space<semaphore_mem>>
      %dma_start3A = arith.constant 0 : i32
      %dma_start3A_26 = tpu.memref_slice %arg12[%add3A_8, %dma_start3A] : memref<10240x128xf32, #tpu.memory_space<vmem_shared>> -> memref<128x128xf32, #tpu.memory_space<vmem_shared>>
      %dma_start3A_27 = arith.constant 0 : i32
      %dma_start3A_28 = tpu.memref_slice %arg12[%add3A_8, %dma_start3A_27] : memref<10240x128xf32, #tpu.memory_space<vmem_shared>> -> memref<128x128xf32, #tpu.memory_space<vmem_shared>>
      tpu.enqueue_dma source(%arg11 : memref<128x128xf32, #tpu.memory_space<vmem>>) target(%dma_start3A_28 : memref<128x128xf32, #tpu.memory_space<vmem_shared>>) target_semaphore(%run_scoped3A : memref<!tpu.dma_semaphore, #tpu.memory_space<semaphore_mem>>)
      %dma_wait3A = arith.constant 0 : i32
      %dma_wait3A_29 = tpu.memref_slice %arg12[%add3A_8, %dma_wait3A] : memref<10240x128xf32, #tpu.memory_space<vmem_shared>> -> memref<128x128xf32, #tpu.memory_space<vmem_shared>>
      %dma_wait3A_30 = arith.constant 0 : i32
      %dma_wait3A_31 = tpu.memref_slice %arg12[%add3A_8, %dma_wait3A_30] : memref<10240x128xf32, #tpu.memory_space<vmem_shared>> -> memref<128x128xf32, #tpu.memory_space<vmem_shared>>
      tpu.wait_dma2 semaphore(%run_scoped3A : memref<!tpu.dma_semaphore, #tpu.memory_space<semaphore_mem>>) src(%arg11 : memref<128x128xf32, #tpu.memory_space<vmem>>) dst(%dma_wait3A_31 : memref<128x128xf32, #tpu.memory_space<vmem_shared>>)
      tpu.yield
    }) : () -> ()
    %add3A_9 = arith.constant 128 : i32
    %add3A_10 = arith.addi %mul3A_6, %add3A_9 : i32
    "tpu.region"() ({
      %run_scoped3A = tpu.sem_alloc : memref<!tpu.dma_semaphore, #tpu.memory_space<semaphore_mem>>
      %dma_start3A = arith.constant 0 : i32
      %dma_start3A_26 = tpu.memref_slice %arg12[%add3A_10, %dma_start3A] : memref<10240x128xf32, #tpu.memory_space<vmem_shared>> -> memref<128x128xf32, #tpu.memory_space<vmem_shared>>
      %dma_start3A_27 = arith.constant 0 : i32
      %dma_start3A_28 = tpu.memref_slice %arg12[%add3A_10, %dma_start3A_27] : memref<10240x128xf32, #tpu.memory_space<vmem_shared>> -> memref<128x128xf32, #tpu.memory_space<vmem_shared>>
      tpu.enqueue_dma source(%arg11 : memref<128x128xf32, #tpu.memory_space<vmem>>) target(%dma_start3A_28 : memref<128x128xf32, #tpu.memory_space<vmem_shared>>) target_semaphore(%run_scoped3A : memref<!tpu.dma_semaphore, #tpu.memory_space<semaphore_mem>>)
      %dma_wait3A = arith.constant 0 : i32
      %dma_wait3A_29 = tpu.memref_slice %arg12[%add3A_10, %dma_wait3A] : memref<10240x128xf32, #tpu.memory_space<vmem_shared>> -> memref<128x128xf32, #tpu.memory_space<vmem_shared>>
      %dma_wait3A_30 = arith.constant 0 : i32
      %dma_wait3A_31 = tpu.memref_slice %arg12[%add3A_10, %dma_wait3A_30] : memref<10240x128xf32, #tpu.memory_space<vmem_shared>> -> memref<128x128xf32, #tpu.memory_space<vmem_shared>>
      tpu.wait_dma2 semaphore(%run_scoped3A : memref<!tpu.dma_semaphore, #tpu.memory_space<semaphore_mem>>) src(%arg11 : memref<128x128xf32, #tpu.memory_space<vmem>>) dst(%dma_wait3A_31 : memref<128x128xf32, #tpu.memory_space<vmem_shared>>)
      tpu.yield
    }) : () -> ()
    %add3A_11 = arith.constant 256 : i32
    %add3A_12 = arith.addi %mul3A_6, %add3A_11 : i32
    "tpu.region"() ({
      %run_scoped3A = tpu.sem_alloc : memref<!tpu.dma_semaphore, #tpu.memory_space<semaphore_mem>>
      %dma_start3A = arith.constant 0 : i32
      %dma_start3A_26 = tpu.memref_slice %arg12[%add3A_12, %dma_start3A] : memref<10240x128xf32, #tpu.memory_space<vmem_shared>> -> memref<128x128xf32, #tpu.memory_space<vmem_shared>>
      %dma_start3A_27 = arith.constant 0 : i32
      %dma_start3A_28 = tpu.memref_slice %arg12[%add3A_12, %dma_start3A_27] : memref<10240x128xf32, #tpu.memory_space<vmem_shared>> -> memref<128x128xf32, #tpu.memory_space<vmem_shared>>
      tpu.enqueue_dma source(%arg11 : memref<128x128xf32, #tpu.memory_space<vmem>>) target(%dma_start3A_28 : memref<128x128xf32, #tpu.memory_space<vmem_shared>>) target_semaphore(%run_scoped3A : memref<!tpu.dma_semaphore, #tpu.memory_space<semaphore_mem>>)
      %dma_wait3A = arith.constant 0 : i32
      %dma_wait3A_29 = tpu.memref_slice %arg12[%add3A_12, %dma_wait3A] : memref<10240x128xf32, #tpu.memory_space<vmem_shared>> -> memref<128x128xf32, #tpu.memory_space<vmem_shared>>
      %dma_wait3A_30 = arith.constant 0 : i32
      %dma_wait3A_31 = tpu.memref_slice %arg12[%add3A_12, %dma_wait3A_30] : memref<10240x128xf32, #tpu.memory_space<vmem_shared>> -> memref<128x128xf32, #tpu.memory_space<vmem_shared>>
      tpu.wait_dma2 semaphore(%run_scoped3A : memref<!tpu.dma_semaphore, #tpu.memory_space<semaphore_mem>>) src(%arg11 : memref<128x128xf32, #tpu.memory_space<vmem>>) dst(%dma_wait3A_31 : memref<128x128xf32, #tpu.memory_space<vmem_shared>>)
      tpu.yield
    }) : () -> ()
    %add3A_13 = arith.constant 384 : i32
    %add3A_14 = arith.addi %mul3A_6, %add3A_13 : i32
    "tpu.region"() ({
      %run_scoped3A = tpu.sem_alloc : memref<!tpu.dma_semaphore, #tpu.memory_space<semaphore_mem>>
      %dma_start3A = arith.constant 0 : i32
      %dma_start3A_26 = tpu.memref_slice %arg12[%add3A_14, %dma_start3A] : memref<10240x128xf32, #tpu.memory_space<vmem_shared>> -> memref<128x128xf32, #tpu.memory_space<vmem_shared>>
      %dma_start3A_27 = arith.constant 0 : i32
      %dma_start3A_28 = tpu.memref_slice %arg12[%add3A_14, %dma_start3A_27] : memref<10240x128xf32, #tpu.memory_space<vmem_shared>> -> memref<128x128xf32, #tpu.memory_space<vmem_shared>>
      tpu.enqueue_dma source(%arg11 : memref<128x128xf32, #tpu.memory_space<vmem>>) target(%dma_start3A_28 : memref<128x128xf32, #tpu.memory_space<vmem_shared>>) target_semaphore(%run_scoped3A : memref<!tpu.dma_semaphore, #tpu.memory_space<semaphore_mem>>)
      %dma_wait3A = arith.constant 0 : i32
      %dma_wait3A_29 = tpu.memref_slice %arg12[%add3A_14, %dma_wait3A] : memref<10240x128xf32, #tpu.memory_space<vmem_shared>> -> memref<128x128xf32, #tpu.memory_space<vmem_shared>>
      %dma_wait3A_30 = arith.constant 0 : i32
      %dma_wait3A_31 = tpu.memref_slice %arg12[%add3A_14, %dma_wait3A_30] : memref<10240x128xf32, #tpu.memory_space<vmem_shared>> -> memref<128x128xf32, #tpu.memory_space<vmem_shared>>
      tpu.wait_dma2 semaphore(%run_scoped3A : memref<!tpu.dma_semaphore, #tpu.memory_space<semaphore_mem>>) src(%arg11 : memref<128x128xf32, #tpu.memory_space<vmem>>) dst(%dma_wait3A_31 : memref<128x128xf32, #tpu.memory_space<vmem_shared>>)
      tpu.yield
    }) : () -> ()
    %add3A_15 = arith.constant 512 : i32
    %add3A_16 = arith.addi %mul3A_6, %add3A_15 : i32
    "tpu.region"() ({
      %run_scoped3A = tpu.sem_alloc : memref<!tpu.dma_semaphore, #tpu.memory_space<semaphore_mem>>
      %dma_start3A = arith.constant 0 : i32
      %dma_start3A_26 = tpu.memref_slice %arg12[%add3A_16, %dma_start3A] : memref<10240x128xf32, #tpu.memory_space<vmem_shared>> -> memref<128x128xf32, #tpu.memory_space<vmem_shared>>
      %dma_start3A_27 = arith.constant 0 : i32
      %dma_start3A_28 = tpu.memref_slice %arg12[%add3A_16, %dma_start3A_27] : memref<10240x128xf32, #tpu.memory_space<vmem_shared>> -> memref<128x128xf32, #tpu.memory_space<vmem_shared>>
      tpu.enqueue_dma source(%arg11 : memref<128x128xf32, #tpu.memory_space<vmem>>) target(%dma_start3A_28 : memref<128x128xf32, #tpu.memory_space<vmem_shared>>) target_semaphore(%run_scoped3A : memref<!tpu.dma_semaphore, #tpu.memory_space<semaphore_mem>>)
      %dma_wait3A = arith.constant 0 : i32
      %dma_wait3A_29 = tpu.memref_slice %arg12[%add3A_16, %dma_wait3A] : memref<10240x128xf32, #tpu.memory_space<vmem_shared>> -> memref<128x128xf32, #tpu.memory_space<vmem_shared>>
      %dma_wait3A_30 = arith.constant 0 : i32
      %dma_wait3A_31 = tpu.memref_slice %arg12[%add3A_16, %dma_wait3A_30] : memref<10240x128xf32, #tpu.memory_space<vmem_shared>> -> memref<128x128xf32, #tpu.memory_space<vmem_shared>>
      tpu.wait_dma2 semaphore(%run_scoped3A : memref<!tpu.dma_semaphore, #tpu.memory_space<semaphore_mem>>) src(%arg11 : memref<128x128xf32, #tpu.memory_space<vmem>>) dst(%dma_wait3A_31 : memref<128x128xf32, #tpu.memory_space<vmem_shared>>)
      tpu.yield
    }) : () -> ()
    %barrier3A = arith.constant 0 : index
    tpu.barrier barrier_id(%barrier3A)
    %scan3A = arith.constant 0 : i32
    %scan3A_17 = arith.constant 0 : i32
    %scan3A_18 = arith.constant 125 : i32
    %scan3A_19 = arith.addi %scan3A_17, %scan3A_18 : i32
    %scan3A_20 = arith.constant 1 : i32
    %scan3A_21 = scf.for %scan3A_26 = %scan3A_17 to %scan3A_19 step %scan3A_20 iter_args(%scan3A_27 = %scan3A) -> (i32)  : i32 {
      %mul3A_28 = arith.constant 80 : i32
      %mul3A_29 = arith.muli %scan3A_26, %mul3A_28 : i32
      %add3A_30 = arith.addi %mul3A_2, %mul3A_29 : i32
      "tpu.region"() ({
        %run_scoped3A = tpu.sem_alloc : memref<!tpu.dma_semaphore, #tpu.memory_space<semaphore_mem>>
        %dma_start3A = tpu.memref_slice %arg4[%add3A_30] : memref<320000xi32, #tpu.memory_space<hbm>> -> memref<80xi32, #tpu.memory_space<hbm>>
        %dma_start3A_37 = tpu.memref_slice %arg4[%add3A_30] : memref<320000xi32, #tpu.memory_space<hbm>> -> memref<80xi32, #tpu.memory_space<hbm>>
        tpu.enqueue_dma source(%dma_start3A_37 : memref<80xi32, #tpu.memory_space<hbm>>) target(%arg7 : memref<80xi32, #tpu.memory_space<vmem>>) target_semaphore(%run_scoped3A : memref<!tpu.dma_semaphore, #tpu.memory_space<semaphore_mem>>)
        %dma_wait3A = tpu.memref_slice %arg4[%add3A_30] : memref<320000xi32, #tpu.memory_space<hbm>> -> memref<80xi32, #tpu.memory_space<hbm>>
        %dma_wait3A_38 = tpu.memref_slice %arg4[%add3A_30] : memref<320000xi32, #tpu.memory_space<hbm>> -> memref<80xi32, #tpu.memory_space<hbm>>
        tpu.wait_dma2 semaphore(%run_scoped3A : memref<!tpu.dma_semaphore, #tpu.memory_space<semaphore_mem>>) src(%dma_wait3A_38 : memref<80xi32, #tpu.memory_space<hbm>>) dst(%arg7 : memref<80xi32, #tpu.memory_space<vmem>>)
        tpu.yield
      }) : () -> ()
      "tpu.region"() ({
        %run_scoped3A = tpu.sem_alloc : memref<!tpu.dma_semaphore, #tpu.memory_space<semaphore_mem>>
        %dma_start3A = tpu.memref_slice %arg5[%add3A_30] : memref<320000xi32, #tpu.memory_space<hbm>> -> memref<80xi32, #tpu.memory_space<hbm>>
        %dma_start3A_37 = tpu.memref_slice %arg5[%add3A_30] : memref<320000xi32, #tpu.memory_space<hbm>> -> memref<80xi32, #tpu.memory_space<hbm>>
        tpu.enqueue_dma source(%dma_start3A_37 : memref<80xi32, #tpu.memory_space<hbm>>) target(%arg8 : memref<80xi32, #tpu.memory_space<vmem>>) target_semaphore(%run_scoped3A : memref<!tpu.dma_semaphore, #tpu.memory_space<semaphore_mem>>)
        %dma_wait3A = tpu.memref_slice %arg5[%add3A_30] : memref<320000xi32, #tpu.memory_space<hbm>> -> memref<80xi32, #tpu.memory_space<hbm>>
        %dma_wait3A_38 = tpu.memref_slice %arg5[%add3A_30] : memref<320000xi32, #tpu.memory_space<hbm>> -> memref<80xi32, #tpu.memory_space<hbm>>
        tpu.wait_dma2 semaphore(%run_scoped3A : memref<!tpu.dma_semaphore, #tpu.memory_space<semaphore_mem>>) src(%dma_wait3A_38 : memref<80xi32, #tpu.memory_space<hbm>>) dst(%arg8 : memref<80xi32, #tpu.memory_space<vmem>>)
        tpu.yield
      }) : () -> ()
      "tpu.region"() ({
        %run_scoped3A = tpu.sem_alloc : memref<!tpu.dma_semaphore, #tpu.memory_space<semaphore_mem>>
        %dma_start3A = arith.constant 0 : i32
        %dma_start3A_37 = arith.constant 0 : i32
        %dma_start3A_38 = tpu.memref_slice %arg2[%dma_start3A, %dma_start3A_37] : memref<10240x128xf32, #tpu.memory_space<hbm>> -> memref<10240x128xf32, #tpu.memory_space<hbm>>
        tpu.enqueue_indirect_dma source(%dma_start3A_38 : memref<10240x128xf32, #tpu.memory_space<hbm>>) target(%arg9 : memref<80x128xf32, #tpu.memory_space<vmem>>) offsets(%arg7 : memref<80xi32, #tpu.memory_space<vmem>>) semaphore(%run_scoped3A : memref<!tpu.dma_semaphore, #tpu.memory_space<semaphore_mem>>)
        %dma_wait3A = arith.constant 0 : i32
        %dma_wait3A_39 = arith.constant 0 : i32
        %dma_wait3A_40 = tpu.memref_slice %arg2[%dma_wait3A, %dma_wait3A_39] : memref<10240x128xf32, #tpu.memory_space<hbm>> -> memref<10240x128xf32, #tpu.memory_space<hbm>>
        tpu.wait_indirect_dma semaphore(%run_scoped3A : memref<!tpu.dma_semaphore, #tpu.memory_space<semaphore_mem>>) src(%dma_wait3A_40 : memref<10240x128xf32, #tpu.memory_space<hbm>>) dst(%arg9 : memref<80x128xf32, #tpu.memory_space<vmem>>)
        tpu.yield
      }) : () -> ()
      %mul3A_31 = arith.constant 16 : i32
      %mul3A_32 = arith.muli %add3A_30, %mul3A_31 : i32
      "tpu.region"() ({
        %run_scoped3A = tpu.sem_alloc : memref<!tpu.dma_semaphore, #tpu.memory_space<semaphore_mem>>
        %dma_start3A = tpu.memref_slice %arg3[%mul3A_32] : memref<5120000xf32, #tpu.memory_space<hbm>> -> memref<1280xf32, #tpu.memory_space<hbm>>
        %dma_start3A_37 = tpu.memref_slice %arg3[%mul3A_32] : memref<5120000xf32, #tpu.memory_space<hbm>> -> memref<1280xf32, #tpu.memory_space<hbm>>
        tpu.enqueue_dma source(%dma_start3A_37 : memref<1280xf32, #tpu.memory_space<hbm>>) target(%arg10 : memref<1280xf32, #tpu.memory_space<vmem>>) target_semaphore(%run_scoped3A : memref<!tpu.dma_semaphore, #tpu.memory_space<semaphore_mem>>)
        %dma_wait3A = tpu.memref_slice %arg3[%mul3A_32] : memref<5120000xf32, #tpu.memory_space<hbm>> -> memref<1280xf32, #tpu.memory_space<hbm>>
        %dma_wait3A_38 = tpu.memref_slice %arg3[%mul3A_32] : memref<5120000xf32, #tpu.memory_space<hbm>> -> memref<1280xf32, #tpu.memory_space<hbm>>
        tpu.wait_dma2 semaphore(%run_scoped3A : memref<!tpu.dma_semaphore, #tpu.memory_space<semaphore_mem>>) src(%dma_wait3A_38 : memref<1280xf32, #tpu.memory_space<hbm>>) dst(%arg10 : memref<1280xf32, #tpu.memory_space<vmem>>)
        tpu.yield
      }) : () -> ()
      %parallel_loop3A_33 = arith.constant 0 : i32
      %parallel_loop3A_34 = arith.constant 80 : i32
      %parallel_loop3A_35 = arith.constant 1 : i32
      scf.for %parallel_loop3A_37 = %parallel_loop3A_33 to %parallel_loop3A_34 step %parallel_loop3A_35  : i32 {
        %parallel_loop3A_38 = arith.constant 16 : i32
        %parallel_loop3A_39 = arith.muli %parallel_loop3A_37, %parallel_loop3A_38 : i32
        %parallel_loop3A_40 = arith.index_cast %parallel_loop3A_39 : i32 to index
        %parallel_loop3A_41 = tpu.vector_load %arg10[%parallel_loop3A_40] {strides = array<i32>} : memref<1280xf32, #tpu.memory_space<vmem>>, vector<16xf32>,
        %parallel_loop3A_42 = vector.shape_cast %parallel_loop3A_41 : vector<16xf32> to vector<16xf32>
        %parallel_loop3A_43 = vector.extract_strided_slice %parallel_loop3A_42 {offsets = [0], sizes = [1], strides = [1]} : vector<16xf32> to vector<1xf32>
        %parallel_loop3A_44 = vector.extract %parallel_loop3A_43[0] : f32 from vector<1xf32>
        %parallel_loop3A_45 = vector.broadcast %parallel_loop3A_44 : f32 to vector<16xf32>
        %parallel_loop3A_46 = arith.index_cast %parallel_loop3A_37 : i32 to index
        %parallel_loop3A_47 = arith.constant 0 : index
        %parallel_loop3A_48 = tpu.vector_load %arg9[%parallel_loop3A_46, %parallel_loop3A_47] {strides = array<i32>} : memref<80x128xf32, #tpu.memory_space<vmem>>, vector<1x16xf32>,
        %parallel_loop3A_49 = vector.shape_cast %parallel_loop3A_48 : vector<1x16xf32> to vector<16xf32>
        %parallel_loop3A_50 = arith.mulf %parallel_loop3A_49, %parallel_loop3A_45 : vector<16xf32>
        %parallel_loop3A_51 = arith.index_cast %parallel_loop3A_37 : i32 to index
        %parallel_loop3A_52 = arith.constant 0 : index
        %parallel_loop3A_53 = tpu.vector_load %arg9[%parallel_loop3A_51, %parallel_loop3A_52] {strides = array<i32>} : memref<80x128xf32, #tpu.memory_space<vmem>>, vector<1x16xf32>,
        %parallel_loop3A_54 = vector.shape_cast %parallel_loop3A_53 : vector<1x16xf32> to vector<16xf32>
        %parallel_loop3A_55 = vector.shape_cast %parallel_loop3A_50 : vector<16xf32> to vector<1x16xf32>
        tpu.vector_store %arg9[%parallel_loop3A_51, %parallel_loop3A_52], %parallel_loop3A_55 {strides = array<i32>} : memref<80x128xf32, #tpu.memory_space<vmem>>, vector<1x16xf32>,
        %parallel_loop3A_56 = arith.index_cast %parallel_loop3A_37 : i32 to index
        %parallel_loop3A_57 = arith.constant 16 : index
        %parallel_loop3A_58 = tpu.vector_load %arg9[%parallel_loop3A_56, %parallel_loop3A_57] {strides = array<i32>} : memref<80x128xf32, #tpu.memory_space<vmem>>, vector<1x16xf32>,
        %parallel_loop3A_59 = vector.shape_cast %parallel_loop3A_58 : vector<1x16xf32> to vector<16xf32>
        %parallel_loop3A_60 = arith.mulf %parallel_loop3A_59, %parallel_loop3A_45 : vector<16xf32>
        %parallel_loop3A_61 = arith.index_cast %parallel_loop3A_37 : i32 to index
        %parallel_loop3A_62 = arith.constant 16 : index
        %parallel_loop3A_63 = tpu.vector_load %arg9[%parallel_loop3A_61, %parallel_loop3A_62] {strides = array<i32>} : memref<80x128xf32, #tpu.memory_space<vmem>>, vector<1x16xf32>,
        %parallel_loop3A_64 = vector.shape_cast %parallel_loop3A_63 : vector<1x16xf32> to vector<16xf32>
        %parallel_loop3A_65 = vector.shape_cast %parallel_loop3A_60 : vector<16xf32> to vector<1x16xf32>
        tpu.vector_store %arg9[%parallel_loop3A_61, %parallel_loop3A_62], %parallel_loop3A_65 {strides = array<i32>} : memref<80x128xf32, #tpu.memory_space<vmem>>, vector<1x16xf32>,
      } {sc.loop_unroll_factor = 4 : i64, sc.parallel_access}
      "tpu.region"() ({
        %run_scoped3A = tpu.sem_alloc : memref<!tpu.dma_semaphore, #tpu.memory_space<semaphore_mem>>
        %dma_start3A = arith.constant 0 : i32
        %dma_start3A_37 = arith.constant 0 : i32
        %dma_start3A_38 = tpu.memref_slice %arg12[%dma_start3A, %dma_start3A_37] : memref<10240x128xf32, #tpu.memory_space<vmem_shared>> -> memref<10240x128xf32, #tpu.memory_space<vmem_shared>>
        tpu.enqueue_indirect_dma source(%arg9 : memref<80x128xf32, #tpu.memory_space<vmem>>) target(%dma_start3A_38 : memref<10240x128xf32, #tpu.memory_space<vmem_shared>>) offsets(%arg8 : memref<80xi32, #tpu.memory_space<vmem>>) semaphore(%run_scoped3A : memref<!tpu.dma_semaphore, #tpu.memory_space<semaphore_mem>>) {add = true}
        %dma_wait3A = arith.constant 0 : i32
        %dma_wait3A_39 = arith.constant 0 : i32
        %dma_wait3A_40 = tpu.memref_slice %arg12[%dma_wait3A, %dma_wait3A_39] : memref<10240x128xf32, #tpu.memory_space<vmem_shared>> -> memref<10240x128xf32, #tpu.memory_space<vmem_shared>>
        tpu.wait_indirect_dma semaphore(%run_scoped3A : memref<!tpu.dma_semaphore, #tpu.memory_space<semaphore_mem>>) src(%arg9 : memref<80x128xf32, #tpu.memory_space<vmem>>) dst(%dma_wait3A_40 : memref<10240x128xf32, #tpu.memory_space<vmem_shared>>)
        tpu.yield
      }) : () -> ()
      %scan3A_36 = arith.constant 0 : i32
      scf.yield %scan3A_36 : i32
    }
    %scan3A_22 = arith.constant 125 : i32
    %barrier3A_23 = arith.constant 0 : index
    tpu.barrier barrier_id(%barrier3A_23)
    %mul3A_24 = arith.constant 640 : i32
    %mul3A_25 = arith.muli %arg1, %mul3A_24 : i32
    "tpu.region"() ({
      %run_scoped3A = tpu.sem_alloc : memref<!tpu.dma_semaphore, #tpu.memory_space<semaphore_mem>>
      %dma_start3A = arith.constant 0 : i32
      %dma_start3A_26 = tpu.memref_slice %arg6[%arg0, %mul3A_25, %dma_start3A] : memref<2x10240x128xf32, #tpu.memory_space<hbm>> -> memref<1x640x128xf32, #tpu.memory_space<hbm>>
      %dma_start3A_27 = tpu.memref_squeeze %dma_start3A_26 : memref<1x640x128xf32, #tpu.memory_space<hbm>> -> memref<640x128xf32, #tpu.memory_space<hbm>>
      %dma_start3A_28 = arith.constant 0 : i32
      %dma_start3A_29 = tpu.memref_slice %arg12[%mul3A_25, %dma_start3A_28] : memref<10240x128xf32, #tpu.memory_space<vmem_shared>> -> memref<640x128xf32, #tpu.memory_space<vmem_shared>>
      tpu.enqueue_dma source(%dma_start3A_29 : memref<640x128xf32, #tpu.memory_space<vmem_shared>>) target(%dma_start3A_27 : memref<640x128xf32, #tpu.memory_space<hbm>>) target_semaphore(%run_scoped3A : memref<!tpu.dma_semaphore, #tpu.memory_space<semaphore_mem>>)
      %dma_wait3A = arith.constant 0 : i32
      %dma_wait3A_30 = tpu.memref_slice %arg6[%arg0, %mul3A_25, %dma_wait3A] : memref<2x10240x128xf32, #tpu.memory_space<hbm>> -> memref<1x640x128xf32, #tpu.memory_space<hbm>>
      %dma_wait3A_31 = tpu.memref_squeeze %dma_wait3A_30 : memref<1x640x128xf32, #tpu.memory_space<hbm>> -> memref<640x128xf32, #tpu.memory_space<hbm>>
      %dma_wait3A_32 = arith.constant 0 : i32
      %dma_wait3A_33 = tpu.memref_slice %arg12[%mul3A_25, %dma_wait3A_32] : memref<10240x128xf32, #tpu.memory_space<vmem_shared>> -> memref<640x128xf32, #tpu.memory_space<vmem_shared>>
      tpu.wait_dma2 semaphore(%run_scoped3A : memref<!tpu.dma_semaphore, #tpu.memory_space<semaphore_mem>>) src(%dma_wait3A_33 : memref<640x128xf32, #tpu.memory_space<vmem_shared>>) dst(%dma_wait3A_31 : memref<640x128xf32, #tpu.memory_space<hbm>>)
      tpu.yield
    }) : () -> ()
    return
  }
}

module attributes {stable_mosaic.version = 14 : i64} {
  func.func @_dense_body(%arg0: i32, %arg1: memref<512x128xf32, #tpu.memory_space<vmem>>, %arg2: memref<2x512x128xf32, #tpu.memory_space<vmem>>, %arg3: memref<128x128xf32, #tpu.memory_space<vmem>>, %arg4: memref<128x128xf32, #tpu.memory_space<vmem>>, %arg5: memref<512x128xf32, #tpu.memory_space<vmem>>, %arg6: memref<512x128xf32, #tpu.memory_space<vmem>>) attributes {dimension_semantics = [#tpu.dimension_semantics<arbitrary>], iteration_bounds = array<i64: 20>, scalar_prefetch = 0 : i64, scratch_operands = 0 : i64, tpu.core_type = #tpu.core_type<tc>, window_params = [{transform_indices = @transform_0, window_bounds = array<i64: 512, 128>}, {transform_indices = @transform_1, window_bounds = array<i64: 2, 512, 128>}, {pipeline_mode = #tpu.pipeline_mode<synchronous>, transform_indices = @transform_2, window_bounds = array<i64: 128, 128>}, {pipeline_mode = #tpu.pipeline_mode<synchronous>, transform_indices = @transform_3, window_bounds = array<i64: 128, 128>}, {transform_indices = @transform_4, window_bounds = array<i64: 512, 128>}, {transform_indices = @transform_5, window_bounds = array<i64: 512, 128>}]} {
    %get3A = arith.constant 0 : index
    %get3A_0 = arith.constant 0 : index
    %get3A_1 = vector.load %arg1[%get3A, %get3A_0] : memref<512x128xf32, #tpu.memory_space<vmem>>, vector<512x128xf32>
    %get3A_2 = arith.constant 0 : index
    %get3A_3 = arith.constant 0 : index
    %get3A_4 = vector.load %arg3[%get3A_2, %get3A_3] : memref<128x128xf32, #tpu.memory_space<vmem>>, vector<128x128xf32>
    %dot_general3A = arith.constant dense<0.000000e+00> : vector<512x128xf32>
    %dot_general3A_5 = tpu.matmul %get3A_1, %get3A_4, %dot_general3A {dimension_numbers = #tpu.dot_dimension_numbers<[1], [0], [0], [1], [0, 0, 1, 1], [], []>, transpose_lhs_hint = false} : vector<512x128xf32>, vector<128x128xf32>, vector<512x128xf32> -> vector<512x128xf32>
    %swap3A = arith.constant 0 : index
    %swap3A_6 = arith.constant 0 : index
    %swap3A_7 = vector.load %arg5[%swap3A, %swap3A_6] : memref<512x128xf32, #tpu.memory_space<vmem>>, vector<512x128xf32>
    tpu.vector_store %arg5[%swap3A, %swap3A_6], %dot_general3A_5 {strides = array<i32>} : memref<512x128xf32, #tpu.memory_space<vmem>>, vector<512x128xf32>,
    %get3A_8 = arith.constant 0 : index
    %get3A_9 = arith.constant 0 : index
    %get3A_10 = vector.load %arg4[%get3A_8, %get3A_9] : memref<128x128xf32, #tpu.memory_space<vmem>>, vector<128x128xf32>
    %dot_general3A_11 = arith.constant dense<0.000000e+00> : vector<512x128xf32>
    %dot_general3A_12 = tpu.matmul %dot_general3A_5, %get3A_10, %dot_general3A_11 {dimension_numbers = #tpu.dot_dimension_numbers<[1], [0], [0], [1], [0, 0, 1, 1], [], []>, transpose_lhs_hint = false} : vector<512x128xf32>, vector<128x128xf32>, vector<512x128xf32> -> vector<512x128xf32>
    %swap3A_13 = arith.constant 0 : index
    %swap3A_14 = arith.constant 0 : index
    %swap3A_15 = vector.load %arg6[%swap3A_13, %swap3A_14] : memref<512x128xf32, #tpu.memory_space<vmem>>, vector<512x128xf32>
    tpu.vector_store %arg6[%swap3A_13, %swap3A_14], %dot_general3A_12 {strides = array<i32>} : memref<512x128xf32, #tpu.memory_space<vmem>>, vector<512x128xf32>,
    return
  }
  func.func @transform_0(%arg0: i32) -> (i32, i32) {
    %c0_i32 = arith.constant 0 : i32
    %c0_i32_0 = arith.constant 0 : i32
    return %arg0, %c0_i32 : i32, i32
  }
  func.func @transform_1(%arg0: i32) -> (i32, i32, i32) {
    %c0_i32 = arith.constant 0 : i32
    %c0_i32_0 = arith.constant 0 : i32
    %c0_i32_1 = arith.constant 0 : i32
    return %c0_i32, %arg0, %c0_i32_0 : i32, i32, i32
  }
  func.func @transform_2(%arg0: i32) -> (i32, i32) {
    %c0_i32 = arith.constant 0 : i32
    %c0_i32_0 = arith.constant 0 : i32
    %c0_i32_1 = arith.constant 0 : i32
    return %c0_i32, %c0_i32_0 : i32, i32
  }
  func.func @transform_3(%arg0: i32) -> (i32, i32) {
    %c0_i32 = arith.constant 0 : i32
    %c0_i32_0 = arith.constant 0 : i32
    %c0_i32_1 = arith.constant 0 : i32
    return %c0_i32, %c0_i32_0 : i32, i32
  }
  func.func @transform_4(%arg0: i32) -> (i32, i32) {
    %c0_i32 = arith.constant 0 : i32
    %c0_i32_0 = arith.constant 0 : i32
    return %arg0, %c0_i32 : i32, i32
  }
  func.func @transform_5(%arg0: i32) -> (i32, i32) {
    %c0_i32 = arith.constant 0 : i32
    %c0_i32_0 = arith.constant 0 : i32
    return %arg0, %c0_i32 : i32, i32
  }
}

module attributes {stable_mosaic.version = 14 : i64} {
  func.func @_dense_body(%arg0: i32, %arg1: memref<2x512x128xf32, #tpu.memory_space<vmem>>, %arg2: memref<2x512x128xf32, #tpu.memory_space<vmem>>, %arg3: memref<128x128xf32, #tpu.memory_space<vmem>>, %arg4: memref<128x128xf32, #tpu.memory_space<vmem>>, %arg5: memref<512x128xf32, #tpu.memory_space<vmem>>, %arg6: memref<512x128xf32, #tpu.memory_space<vmem>>) attributes {dimension_semantics = [#tpu.dimension_semantics<arbitrary>], iteration_bounds = array<i64: 20>, scalar_prefetch = 0 : i64, scratch_operands = 0 : i64, tpu.core_type = #tpu.core_type<tc>, window_params = [{transform_indices = @transform_0, window_bounds = array<i64: 2, 512, 128>}, {transform_indices = @transform_1, window_bounds = array<i64: 2, 512, 128>}, {pipeline_mode = #tpu.pipeline_mode<synchronous>, transform_indices = @transform_2, window_bounds = array<i64: 128, 128>}, {pipeline_mode = #tpu.pipeline_mode<synchronous>, transform_indices = @transform_3, window_bounds = array<i64: 128, 128>}, {transform_indices = @transform_4, window_bounds = array<i64: 512, 128>}, {transform_indices = @transform_5, window_bounds = array<i64: 512, 128>}]} {
    %get3A = arith.constant 0 : index
    %get3A_0 = arith.constant 0 : index
    %get3A_1 = arith.constant 0 : index
    %get3A_2 = vector.load %arg1[%get3A, %get3A_0, %get3A_1] : memref<2x512x128xf32, #tpu.memory_space<vmem>>, vector<2x512x128xf32>
    %slice3A = vector.extract_strided_slice %get3A_2 {offsets = [0, 0, 0], sizes = [1, 512, 128], strides = [1, 1, 1]} : vector<2x512x128xf32> to vector<1x512x128xf32>
    %squeeze3A = vector.shape_cast %slice3A : vector<1x512x128xf32> to vector<512x128xf32>
    %slice3A_3 = vector.extract_strided_slice %get3A_2 {offsets = [1, 0, 0], sizes = [1, 512, 128], strides = [1, 1, 1]} : vector<2x512x128xf32> to vector<1x512x128xf32>
    %squeeze3A_4 = vector.shape_cast %slice3A_3 : vector<1x512x128xf32> to vector<512x128xf32>
    %add3A = arith.addf %squeeze3A, %squeeze3A_4 : vector<512x128xf32>
    %get3A_5 = arith.constant 0 : index
    %get3A_6 = arith.constant 0 : index
    %get3A_7 = arith.constant 0 : index
    %get3A_8 = vector.load %arg2[%get3A_5, %get3A_6, %get3A_7] : memref<2x512x128xf32, #tpu.memory_space<vmem>>, vector<1x512x128xf32>
    %get3A_9 = vector.shape_cast %get3A_8 : vector<1x512x128xf32> to vector<512x128xf32>
    %get3A_10 = arith.constant 1 : index
    %get3A_11 = arith.constant 0 : index
    %get3A_12 = arith.constant 0 : index
    %get3A_13 = vector.load %arg2[%get3A_10, %get3A_11, %get3A_12] : memref<2x512x128xf32, #tpu.memory_space<vmem>>, vector<1x512x128xf32>
    %get3A_14 = vector.shape_cast %get3A_13 : vector<1x512x128xf32> to vector<512x128xf32>
    %add3A_15 = arith.addf %get3A_9, %get3A_14 : vector<512x128xf32>
    %add3A_16 = arith.constant 9.99999971E-10 : f32
    %add3A_17 = vector.broadcast %add3A_16 : f32 to vector<512x128xf32>
    %add3A_18 = arith.addf %add3A_15, %add3A_17 : vector<512x128xf32>
    %div3A = arith.divf %add3A, %add3A_18 : vector<512x128xf32>
    %gt3A = arith.constant 0.000000e+00 : f32
    %gt3A_19 = vector.broadcast %gt3A : f32 to vector<512x128xf32>
    %gt3A_20 = arith.cmpf ogt, %div3A, %gt3A_19 : vector<512x128xf32>
    %exp3A = math.exp %div3A : vector<512x128xf32>
    %sub3A = arith.constant 1.000000e+00 : f32
    %sub3A_21 = vector.broadcast %sub3A : f32 to vector<512x128xf32>
    %sub3A_22 = arith.subf %exp3A, %sub3A_21 : vector<512x128xf32>
    %select_n3A = arith.select %gt3A_20, %div3A, %sub3A_22 : vector<512x128xi1>, vector<512x128xf32>
    %get3A_23 = arith.constant 0 : index
    %get3A_24 = arith.constant 0 : index
    %get3A_25 = vector.load %arg3[%get3A_23, %get3A_24] : memref<128x128xf32, #tpu.memory_space<vmem>>, vector<128x128xf32>
    %dot_general3A = arith.constant dense<0.000000e+00> : vector<512x128xf32>
    %dot_general3A_26 = tpu.matmul %select_n3A, %get3A_25, %dot_general3A {dimension_numbers = #tpu.dot_dimension_numbers<[1], [0], [0], [1], [0, 0, 1, 1], [], []>, transpose_lhs_hint = false} : vector<512x128xf32>, vector<128x128xf32>, vector<512x128xf32> -> vector<512x128xf32>
    %swap3A = arith.constant 0 : index
    %swap3A_27 = arith.constant 0 : index
    %swap3A_28 = vector.load %arg5[%swap3A, %swap3A_27] : memref<512x128xf32, #tpu.memory_space<vmem>>, vector<512x128xf32>
    tpu.vector_store %arg5[%swap3A, %swap3A_27], %dot_general3A_26 {strides = array<i32>} : memref<512x128xf32, #tpu.memory_space<vmem>>, vector<512x128xf32>,
    %get3A_29 = arith.constant 0 : index
    %get3A_30 = arith.constant 0 : index
    %get3A_31 = vector.load %arg4[%get3A_29, %get3A_30] : memref<128x128xf32, #tpu.memory_space<vmem>>, vector<128x128xf32>
    %dot_general3A_32 = arith.constant dense<0.000000e+00> : vector<512x128xf32>
    %dot_general3A_33 = tpu.matmul %dot_general3A_26, %get3A_31, %dot_general3A_32 {dimension_numbers = #tpu.dot_dimension_numbers<[1], [0], [0], [1], [0, 0, 1, 1], [], []>, transpose_lhs_hint = false} : vector<512x128xf32>, vector<128x128xf32>, vector<512x128xf32> -> vector<512x128xf32>
    %swap3A_34 = arith.constant 0 : index
    %swap3A_35 = arith.constant 0 : index
    %swap3A_36 = vector.load %arg6[%swap3A_34, %swap3A_35] : memref<512x128xf32, #tpu.memory_space<vmem>>, vector<512x128xf32>
    tpu.vector_store %arg6[%swap3A_34, %swap3A_35], %dot_general3A_33 {strides = array<i32>} : memref<512x128xf32, #tpu.memory_space<vmem>>, vector<512x128xf32>,
    return
  }
  func.func @transform_0(%arg0: i32) -> (i32, i32, i32) {
    %c0_i32 = arith.constant 0 : i32
    %c0_i32_0 = arith.constant 0 : i32
    %c0_i32_1 = arith.constant 0 : i32
    return %c0_i32, %arg0, %c0_i32_0 : i32, i32, i32
  }
  func.func @transform_1(%arg0: i32) -> (i32, i32, i32) {
    %c0_i32 = arith.constant 0 : i32
    %c0_i32_0 = arith.constant 0 : i32
    %c0_i32_1 = arith.constant 0 : i32
    return %c0_i32, %arg0, %c0_i32_0 : i32, i32, i32
  }
  func.func @transform_2(%arg0: i32) -> (i32, i32) {
    %c0_i32 = arith.constant 0 : i32
    %c0_i32_0 = arith.constant 0 : i32
    %c0_i32_1 = arith.constant 0 : i32
    return %c0_i32, %c0_i32_0 : i32, i32
  }
  func.func @transform_3(%arg0: i32) -> (i32, i32) {
    %c0_i32 = arith.constant 0 : i32
    %c0_i32_0 = arith.constant 0 : i32
    %c0_i32_1 = arith.constant 0 : i32
    return %c0_i32, %c0_i32_0 : i32, i32
  }
  func.func @transform_4(%arg0: i32) -> (i32, i32) {
    %c0_i32 = arith.constant 0 : i32
    %c0_i32_0 = arith.constant 0 : i32
    return %arg0, %c0_i32 : i32, i32
  }
  func.func @transform_5(%arg0: i32) -> (i32, i32) {
    %c0_i32 = arith.constant 0 : i32
    %c0_i32_0 = arith.constant 0 : i32
    return %arg0, %c0_i32 : i32, i32
  }
}

module attributes {stable_mosaic.version = 14 : i64} {
  func.func @_combine_body(%arg0: i32, %arg1: memref<2x512x128xf32, #tpu.memory_space<vmem>>, %arg2: memref<2x512x128xf32, #tpu.memory_space<vmem>>, %arg3: memref<512x128xf32, #tpu.memory_space<vmem>>) attributes {dimension_semantics = [#tpu.dimension_semantics<arbitrary>], iteration_bounds = array<i64: 20>, scalar_prefetch = 0 : i64, scratch_operands = 0 : i64, tpu.core_type = #tpu.core_type<tc>, window_params = [{transform_indices = @transform_0, window_bounds = array<i64: 2, 512, 128>}, {transform_indices = @transform_1, window_bounds = array<i64: 2, 512, 128>}, {transform_indices = @transform_2, window_bounds = array<i64: 512, 128>}]} {
    %get3A = arith.constant 0 : index
    %get3A_0 = arith.constant 0 : index
    %get3A_1 = arith.constant 0 : index
    %get3A_2 = vector.load %arg1[%get3A, %get3A_0, %get3A_1] : memref<2x512x128xf32, #tpu.memory_space<vmem>>, vector<1x512x128xf32>
    %get3A_3 = vector.shape_cast %get3A_2 : vector<1x512x128xf32> to vector<512x128xf32>
    %get3A_4 = arith.constant 1 : index
    %get3A_5 = arith.constant 0 : index
    %get3A_6 = arith.constant 0 : index
    %get3A_7 = vector.load %arg1[%get3A_4, %get3A_5, %get3A_6] : memref<2x512x128xf32, #tpu.memory_space<vmem>>, vector<1x512x128xf32>
    %get3A_8 = vector.shape_cast %get3A_7 : vector<1x512x128xf32> to vector<512x128xf32>
    %add3A = arith.addf %get3A_3, %get3A_8 : vector<512x128xf32>
    %get3A_9 = arith.constant 0 : index
    %get3A_10 = arith.constant 0 : index
    %get3A_11 = arith.constant 0 : index
    %get3A_12 = vector.load %arg2[%get3A_9, %get3A_10, %get3A_11] : memref<2x512x128xf32, #tpu.memory_space<vmem>>, vector<1x512x128xf32>
    %get3A_13 = vector.shape_cast %get3A_12 : vector<1x512x128xf32> to vector<512x128xf32>
    %get3A_14 = arith.constant 1 : index
    %get3A_15 = arith.constant 0 : index
    %get3A_16 = arith.constant 0 : index
    %get3A_17 = vector.load %arg2[%get3A_14, %get3A_15, %get3A_16] : memref<2x512x128xf32, #tpu.memory_space<vmem>>, vector<1x512x128xf32>
    %get3A_18 = vector.shape_cast %get3A_17 : vector<1x512x128xf32> to vector<512x128xf32>
    %add3A_19 = arith.addf %get3A_13, %get3A_18 : vector<512x128xf32>
    %add3A_20 = arith.constant 9.99999971E-10 : f32
    %add3A_21 = vector.broadcast %add3A_20 : f32 to vector<512x128xf32>
    %add3A_22 = arith.addf %add3A_19, %add3A_21 : vector<512x128xf32>
    %div3A = arith.divf %add3A, %add3A_22 : vector<512x128xf32>
    %swap3A = arith.constant 0 : index
    %swap3A_23 = arith.constant 0 : index
    %swap3A_24 = vector.load %arg3[%swap3A, %swap3A_23] : memref<512x128xf32, #tpu.memory_space<vmem>>, vector<512x128xf32>
    tpu.vector_store %arg3[%swap3A, %swap3A_23], %div3A {strides = array<i32>} : memref<512x128xf32, #tpu.memory_space<vmem>>, vector<512x128xf32>,
    return
  }
  func.func @transform_0(%arg0: i32) -> (i32, i32, i32) {
    %c0_i32 = arith.constant 0 : i32
    %c0_i32_0 = arith.constant 0 : i32
    %c0_i32_1 = arith.constant 0 : i32
    return %c0_i32, %arg0, %c0_i32_0 : i32, i32, i32
  }
  func.func @transform_1(%arg0: i32) -> (i32, i32, i32) {
    %c0_i32 = arith.constant 0 : i32
    %c0_i32_0 = arith.constant 0 : i32
    %c0_i32_1 = arith.constant 0 : i32
    return %c0_i32, %arg0, %c0_i32_0 : i32, i32, i32
  }
  func.func @transform_2(%arg0: i32) -> (i32, i32) {
    %c0_i32 = arith.constant 0 : i32
    %c0_i32_0 = arith.constant 0 : i32
    return %arg0, %c0_i32 : i32, i32
  }
}

</mosaic_0001>

<sc_bundles>
// kernel: kernel.12.cloned.1.call-start
scs
__scs_entry_jumppad:
0x0: {  	(pc) =	sbr.rel $0x88, $3  }
0x1: {  	(tag) =	ssettag $0x0;
	lr =	simm.s32 $0x1  }
0x2: {  	[smem:$0x3F96] =	sst lr;
	_ =	strace $0xD0000000  }
0x3: {  	_ = 	snop  }
0x4: {  	_ = 	snop  }
0x5: {  	_ = 	snop  }
0x6: {  	_ = 	snop  }
0x7: {  	_ = 	snop  }
__scs_overlays_trampoline_lowered:
0x8: {  	[smem:$0x3FA5] =	sst s0  }
0x9: {  	[smem:$0x3FA6] =	sst s1  }
0xa: {  	[smem:$0x3FA7] =	sst s2  }
0xb: {  	[smem:$0x3FA8] =	sst s3  }
0xc: {  	[smem:$0x3FA9] =	sst s4  }
0xd: {  	[smem:$0x3FAA] =	sst s5  }
0xe: {  	[smem:$0x3FAB] =	sst s6  }
0xf: {  	[smem:$0x3FAC] =	sst s7  }
0x10: {  	[smem:$0x3FAD] =	sst s8  }
0x11: {  	[smem:$0x3FAE] =	sst s9;
	s0 =	simm.s32 @!p0 $0x0  }
0x12: {  	s1 =	sld [smem:$0x3F94];
	s0 =	simm.s32 @p0 $0x1  }
0x13: {  	[smem:$0x3FAF] =	sst s0;
	s0 =	simm.s32 @!p1 $0x0  }
0x14: {  	s2 =	sld [smem:$0x3F93];
	s0 =	simm.s32 @p1 $0x1  }
0x15: {  	[smem:$0x3FB0] =	sst s0;
	s0 =	simm.s32 @!p2 $0x0  }
0x16: {  	s3 =	sld [smem:$0x3FDB];
	s0 =	simm.s32 @p2 $0x1  }
0x17: {  	s4 =	simm.s32 $0x1BF5;
	[smem:$0x3FB2] =	sst s0  }
0x18: {  	s0 =	sld [smem:$0x3F95];
	_ =	swait.ge [sflag:s4], $0x0  }
0x19: {  	s7 =	sld [smem:$0x3F96]  }
0x1a: {  	s8 =	sadd.s32 $0xFFFFE003, lr  }
0x1b: {  	s9 =	sadd.s32 $0xFFFFFEF7, lr;
	s5 =	simm.s32 $0xFFFFFFFF;
	p2 =	slt.u32 s8, $0xFFFFF086  }
0x1c: {  	p1 =	slt.u32 s9, $0xF7A;
	s5 =	simm.s32 @!p2 $0x0  }
0x1d: {  	s5 =	simm.s32 @p1 $0x1;
	p0 =	seq.s32 s7, s2  }
0x1e: {  	s7 =	smul.u32 @!p0 $0xF7A, s2;
	p2 =	seq.s32 @!p0 s5, $0x0  }
0x1f: {  	s9 =	smul.u32 $0xF7A, s1;
	s8 =	simm.s32 @!p0 $0x1BF5;
	p2 =	por !p2, p0  }
0x20: {  	[sflag:s8] =	ssyncset.s32 @!p0 $0xFFFFF086;
	s6 =	sadd.s32 @!p0 s3, s7;
	s7 =	simm.s32 @!p0 $0x108  }
0x21: {  	s3 =	sadd.s32 s3, s9;
	s6 =	sadd.s32 @!p0 $0x88, s6;
	s7 =	simm.s32 @p2 $0x1082  }
0x22: {  	[simem:s7], [sflag:s8] =	dma.local @!p0 [hbm:s6], $0xF7A  }
0x23: {  	s9 =	sor.u32 $0xD0000000, s2;
	s6 =	simm.s32 $0x108;
	_ =	swait.ge @!p0 [sflag:s8], $0x0  }
0x24: {  	s3 =	sadd.s32 $0x88, s3;
	s6 =	simm.s32 @!p1 $0x1082;
	[sflag:s4] =	ssyncset.s32 $0xFFFFF086  }
0x25: {  	[simem:s6], [sflag:s4] =	dma.local [hbm:s3], $0xF7A  }
0x26: {  	[smem:$0x3F96] =	sst s1;
	(tag) =	ssettag s2;
	_ =	strace s9  }
0x27: {  	s1 =	sld [smem:$0x3FA6]  }
0x28: {  	s2 =	sld [smem:$0x3FA7]  }
0x29: {  	s4 =	sld [smem:$0x3FA9]  }
0x2a: {  	p0 =	seq.s32 s5, $0x0;
	s5 =	sld [smem:$0x3FAA]  }
0x2b: {  	s6 =	sld [smem:$0x3FAB]  }
0x2c: {  	s7 =	sld [smem:$0x3FAC]  }
0x2d: {  	s3 =	simm.s32 $0x108;
	s8 =	sld [smem:$0x3FAD]  }
0x2e: {  	s3 =	simm.s32 @!p0 $0x1082;
	s9 =	sld [smem:$0x3FAE]  }
0x2f: {  	lr =	sadd.s32 s0, s3;
	s0 =	sld [smem:$0x3FA5]  }
0x30: {  	s3 =	sld [smem:$0x3FA8]  }
0x31: {  	[smem:$0x3FB1] =	sst s10  }
0x32: {  	s10 =	sld [smem:$0x3FAF];
	_ =	sdelay $0x3  }
0x33: {  	p0 =	seq.s32 s10, $0x1;
	s10 =	sld [smem:$0x3FB1];
	_ =	sdelay $0x3  }
0x34: {  	[smem:$0x3FB1] =	sst s10  }
0x35: {  	s10 =	sld [smem:$0x3FB0];
	_ =	sdelay $0x3  }
0x36: {  	p1 =	seq.s32 s10, $0x1;
	s10 =	sld [smem:$0x3FB1];
	_ =	sdelay $0x3  }
0x37: {  	[smem:$0x3FB1] =	sst s10  }
0x38: {  	s10 =	sld [smem:$0x3FB2]  }
0x39: {  	_ = 	snop;
	(pc) =	sbr.ind lr, $3  }
0x3a: {  	_ = 	snop  }
0x3b: {  	_ = 	snop  }
0x3c: {  	p2 =	seq.s32 s10, $0x1;
	s10 =	sld [smem:$0x3FB1]  }
0x3d: {  	_ =	shalt  }
0x3e: {  	_ =	shalt  }
0x3f: {  	_ =	shalt  }
0x40: {  	_ =	shalt  }
0x41: {  	_ =	shalt  }
0x42: {  	_ =	shalt  }
0x43: {  	_ =	shalt  }
0x44: {  	_ =	shalt  }
0x45: {  	_ =	shalt  }
0x46: {  	_ =	shalt  }
0x47: {  	_ =	shalt  }
0x48: {  	_ =	shalt  }
0x49: {  	_ =	shalt  }
0x4a: {  	_ =	shalt  }
0x4b: {  	_ =	shalt  }
0x4c: {  	_ =	shalt  }
0x4d: {  	_ =	shalt  }
0x4e: {  	_ =	shalt  }
0x4f: {  	_ =	shalt  }
0x50: {  	_ =	shalt  }
0x51: {  	_ =	shalt  }
0x52: {  	_ =	shalt  }
0x53: {  	_ =	shalt  }
0x54: {  	_ =	shalt  }
0x55: {  	_ =	shalt  }
0x56: {  	_ =	shalt  }
0x57: {  	_ =	shalt  }
0x58: {  	_ =	shalt  }
0x59: {  	_ =	shalt  }
0x5a: {  	_ =	shalt  }
0x5b: {  	_ =	shalt  }
0x5c: {  	_ =	shalt  }
0x5d: {  	_ =	shalt  }
0x5e: {  	_ =	shalt  }
0x5f: {  	_ =	shalt  }
0x60: {  	_ =	shalt  }
0x61: {  	_ =	shalt  }
0x62: {  	_ =	shalt  }
0x63: {  	_ =	shalt  }
0x64: {  	_ =	shalt  }
0x65: {  	_ =	shalt  }
0x66: {  	_ =	shalt  }
0x67: {  	_ =	shalt  }
0x68: {  	_ =	shalt  }
0x69: {  	_ =	shalt  }
0x6a: {  	_ =	shalt  }
0x6b: {  	_ =	shalt  }
0x6c: {  	_ =	shalt  }
0x6d: {  	_ =	shalt  }
0x6e: {  	_ =	shalt  }
0x6f: {  	_ =	shalt  }
0x70: {  	_ =	shalt  }
0x71: {  	_ =	shalt  }
0x72: {  	_ =	shalt  }
0x73: {  	_ =	shalt  }
0x74: {  	_ =	shalt  }
0x75: {  	_ =	shalt  }
0x76: {  	_ =	shalt  }
0x77: {  	_ =	shalt  }
0x78: {  	_ =	shalt  }
0x79: {  	_ =	shalt  }
0x7a: {  	_ =	shalt  }
0x7b: {  	_ =	shalt  }
0x7c: {  	_ =	shalt  }
0x7d: {  	_ =	shalt  }
0x7e: {  	_ =	shalt  }
0x7f: {  	_ =	shalt  }
0x80: {  	_ =	shalt  }
0x81: {  	_ =	shalt  }
0x82: {  	_ =	shalt  }
0x83: {  	_ =	shalt  }
0x84: {  	_ =	shalt  }
0x85: {  	_ =	shalt  }
0x86: {  	_ =	shalt  }
0x87: {  	_ =	shalt  }
.Lfunc_end0:
.L_simem_size_0:
called_computation_lowered:
.L_overlay_start_0:
0x88: {  	s2 =	sld [smem:$0x3FD9]  }
0x89: {  	s3 =	sld [smem:$0x3FFE];
	_ =	sdelay $0x1  }
0x8a: {  	s1 =	srdreg.scid  }
0x8b: {  	s0 =	sand.u32 $0x1, s1  }
0x8c: {  	s17 =	sshll.u32 s0, $0xA;
	s2 =	sadd.s32 s3, s2  }
0x8d: {  	s2 =	sadd.s32 s2, s17  }
0x8e: {  	[smem:$0x3FBD] =	sst s2  }
0x8f: {  	_ = 	snop  }
0x90: {  	s2 =	sld [smem:$0x3FD0];
	(tm) =	ssettm $0x1  }
0x91: {  	s18 =	sld [smem:$0x3FFB];
	_ =	sdelay $0x3  }
0x92: {  	_ =	strace s18  }
0x93: {  	s3 =	sld [smem:$0x3FFC];
	_ =	sdelay $0x3  }
0x94: {  	_ =	strace s3  }
0x95: {  	s3 =	sld [smem:$0x3FFD];
	_ =	sdelay $0x3  }
0x96: {  	_ =	strace s3  }
0x97: {  	_ =	strace $0x8FFFFFFF  }
0x98: {  	s19 =	sld [smem:$0x3FDB];
	_ =	sdelay $0x1  }
0x99: {  	s4 =	simm.s32 $_scs_section_size  }
0x9a: {  	s5 =	simm.s32 $_size__tile_overlayer_lowered;
	s6 =	simm.s32 $_tile_overlayer_lowered  }
0x9b: {  	s22 =	simm.s32 $0x1BFF;
	s21 =	sshll.u32 s6, $0x1;
	s3 =	sadd.s32 s4, s19  }
0x9c: {  	s7 =	simm.s32 $0x0;
	s20 =	sshll.u32 s5, $0x1;
	s5 =	sadd.s32 s21, s3  }
0x9d: {  	[timem:s7], [sflag:s22] =	dma.local [hbm:s5], s20  }
0x9e: {  	_ =	swait.ge [sflag:s22], s20  }
0x9f: {  	s4 =	ssub.s32 $0x0, s20;
	[sflag:s22] =	ssyncset.done $0x0  }
0xa0: {  	[sflag:s22] =	ssyncadd.s32 s4;
	_ =	sdelay $0x1  }
0xa1: {  	s23 =	simm.s32 $0x1B8B  }
0xa2: {  	_ =	swait.ge [sflag:s23], $0x1  }
0xa3: {  	[sflag:s23] =	ssyncset.done $0x0  }
0xa4: {  	s25 =	simm.s32 $0x1B8E;
	s24 =	sld [smem:$0x3FFE];
	[sflag:s23] =	ssyncadd.s32 $0xFFFFFFFF  }
0xa5: {  	s26 =	simm.s32 $execute0_lowered;
	[smem:$0x3FD2] =	sst s25  }
0xa6: {  	s5 =	sshll.u32 s26, $0x1;
	_ =	strace $0x80000046;
	[dreg:$0x1] =	wrdreg $0xFFFFFFFF  }
0xa7: {  	s28 =	simm.s32 $_size_execute0_lowered;
	s3 =	sadd.s32 s3, s5;
	[dreg:$0x0] =	wrdreg $0x0  }
0xa8: {  	s5 =	sshll.u32 s28, $0x1;
	[dreg:$0x2] =	wrdreg s3  }
0xa9: {  	[dreg:$0x3] =	wrdreg s5  }
0xaa: {  	[dreg:$0x4] =	wrdreg $0xC0  }
0xab: {  	_ =	task [dreg:s7], $0x5FFFF  }
0xac: {  	[dreg:$0x1] =	wrdreg $0xFFFFFFFF  }
0xad: {  	[dreg:$0x0] =	wrdreg $0x60  }
0xae: {  	[dreg:$0x2] =	wrdreg s24  }
0xaf: {  	[dreg:$0x3] =	wrdreg s2  }
0xb0: {  	[dreg:$0x4] =	wrdreg $0xBE000  }
0xb1: {  	[dreg:$0x5] =	wrdreg $0x9  }
0xb2: {  	_ =	task.clear_ibuf [dreg:s7], $0x6FFFF;
	_ =	strace $0x90000046  }
0xb3: {  	s29 =	simm.s32 $0x9;
	_ =	strace $0x80000048  }
0xb4: {  	_ =	swait.ge [sflag:s29], $0x1  }
0xb5: {  	[sflag:s29] =	ssyncadd.s32 $0xFFFFFFFF  }
0xb6: {  	_ =	strace $0x90000048  }
0xb7: {  	_ =	sfence  }
0xb8: {  	s30 =	sld [smem:$0x0];
	_ =	sdelay $0x2  }
0xb9: {  	s31 =	sshll.u32 s1, $0xD;
	s1 =	sshrl.u32 s1, $0x2  }
0xba: {  	s3 =	sand.u32 $0x4000, s31;
	s1 =	sadd.s32 s1, s30  }
0xbb: {  	s0 =	sor.u32 s3, s0;
	s1 =	sshll.u32 s1, $0x11  }
0xbc: {  	s0 =	sor.u32 s1, s0  }
0xbd: {  	s0 =	sadd.s32 $0x8F2B, s0  }
0xbe: {  	[sflag:s0] =	ssyncadd.remote.s32 $0x1  }
0xbf: {  	_ =	sfence.sel $0xFFFF  }
0xc0: {  	[dreg:$0x0] =	wrdreg $0xFFFFFFFF;
	(pc) =	sbr.abs _section_cstart, $3  }
0xc1: {  	[dreg:$0x1] =	wrdreg $0xFFFFFFFF  }
0xc2: {  	_ =	task.clear_ibuf [dreg:s7], $0x2FFFF;
	_ =	strace $0x9FFFFFFF  }
0xc3: {  	(tm) =	ssettm $0x7FFFFFFF  }
tec
execute0_lowered:
.L_overlay_start_1:
0x0: {  	(tag) =	ssettag $0x1  }
0x1: {  	s0 =	rddreg [dreg:$0x0]  }
0x2: {  	s1 =	rddreg [dreg:$0x1]  }
0x3: {  	s2 =	rddreg [dreg:$0x2]  }
0x4: {  	s3 =	srdreg.scid;
	s4 =	simm.s32 $0x0;
	s11 =	stileid.u32  }
0x5: {  	s16 =	simm.s32 $0x7E00;
	s17 =	simm.s32 $0x1;
	s18 =	simm.s32 $0x80  }
0x6: {  	s19 =	simm.s32 $0x50;
	s20 =	simm.s32 $0x100;
	s21 =	simm.s32 $0x2900  }
0x7: {  	s22 =	simm.s32 $0x5100;
	s23 =	simm.s32 $0x5600;
	s24 =	simm.s32 $0x0  }
0x8: {  	s3 =	sand.u32 $0x1, s3;
	[smem:$0x7FF] =	sst s4;
	s8 =	smul.u32 $0x14000, s11  }
0x9: {  	s5 =	sadd.s32 $0xCE00, s0;
	s6 =	sadd.s32 $0x3000, s0;
	s9 =	smul.u32 $0x50000, s11  }
0xa: {  	s7 =	smul.u32 $0x140000, s3;
	s30 =	ssub.s32 $0x2, s3;
	s3 =	sshll.u32 s3, $0x4  }
0xb: {  	_ =	strace $0x80000047;
	s10 =	sshrl.u32 s30, $0x1;
	s3 =	sor.u32 s11, s3  }
0xc: {  	s9 =	sshrl.u32 s9, $0x2;
	s8 =	sadd.s32 s8, s7;
	s7 =	sadd.s32 $0x5CE00, s0  }
0xd: {  	s10 =	ssub.s32 s30, s10;
	s9 =	sadd.s32 s9, s2;
	s8 =	sshrl.u32 s8, $0x3  }
0xe: {  	s31 =	sadd.s32 $0x4000, s9;
	s11 =	sadd.s32 $0x8000, s9;
	s12 =	sadd.s32 $0xC000, s9  }
0xf: {  	s13 =	sadd.s32 $0x10000, s9;
	s15 =	smax.u32 s10, $0x1;
	s0 =	sadd.s32 s8, s0  }
0x10: {  	v0 =	vimm.f32 $0.0e+00;
	vm0 =	vmmov $0xff;
	s8 =	smul.u32 $0x2710, s3;
	[dreg:$0x4] =	wrdreg s31;
	s14 =	sadd.s32 $0xF9200, s0  }
.LBB2_1:
0x11: {  	s0 =	simm.s32 $0x7E40  }
0x12: {  	[tilespmem:s0+$0xFFFFFFC0] =	vst v0  }
0x13: {  	[tilespmem:s0+$0x30] =	vst v0  }
0x14: {  	[tilespmem:s0+$0x20] =	vst v0  }
0x15: {  	[tilespmem:s0+$0x10] =	vst v0  }
0x16: {  	[tilespmem:s0+$0x0] =	vst v0  }
0x17: {  	[tilespmem:s0+$0xFFFFFFF0] =	vst v0  }
0x18: {  	s3 =	simm.s32 $0x0;
	[tilespmem:s0+$0xFFFFFFE0] =	vst v0  }
.LBB2_2:
0x19: {  	s3 =	sadd.s32 $0x8, s3;
	[tilespmem:s0+$0xFFFFFFD0] =	vst v0;
	s0 =	sadd.s32 $0x80, s0  }
0x1a: {  	[tilespmem:s0+$0xFFFFFFC0] =	vst v0;
	p0 =	slt.u32 s3, $0x3F8  }
0x1b: {  	[tilespmem:s0+$0x30] =	vst v0  }
.Ltmp0:
0x1c: {  	[tilespmem:s0+$0x20] =	vst v0;
	(pc) =	sbr.rel @p0 .LBB2_2-.Ltmp0, $4  }
0x1d: {  	[tilespmem:s0+$0x10] =	vst v0  }
0x1e: {  	[tilespmem:s0+$0x0] =	vst v0  }
0x1f: {  	[tilespmem:s0+$0xFFFFFFF0] =	vst v0  }
0x20: {  	[tilespmem:s0+$0xFFFFFFE0] =	vst v0  }
0x21: {  	[tilespmem:s0+$0xFFFFFFD0] =	vst v0  }
0x22: {  	[spmem:s9] =	stream.linear.scatter [tilespmem:s16], [sflag:$0x1], $0x4000, $0x38;
	[tilespmem:$0x1FE00] =	vst v63  }
0x23: {  	_ =	swait.ge [sflag:s17], $0x4000  }
0x24: {  	[sflag:s17] =	ssyncset.done $0x0  }
0x25: {  	s31 =	rddreg [dreg:$0x4];
	[sflag:s17] =	ssyncadd.s32 $0xFFFFC000  }
0x26: {  	[spmem:s31] =	stream.linear.scatter [tilespmem:s16], [sflag:$0x1], $0x4000, $0x38;
	[tilespmem:$0x1FE00] =	vst v63  }
0x27: {  	_ =	swait.ge [sflag:s17], $0x4000  }
0x28: {  	[sflag:s17] =	ssyncset.done $0x0  }
0x29: {  	[sflag:s17] =	ssyncadd.s32 $0xFFFFC000  }
0x2a: {  	[spmem:s11] =	stream.linear.scatter [tilespmem:s16], [sflag:$0x1], $0x4000, $0x38;
	[tilespmem:$0x1FE00] =	vst v63  }
0x2b: {  	_ =	swait.ge [sflag:s17], $0x4000  }
0x2c: {  	[sflag:s17] =	ssyncset.done $0x0  }
0x2d: {  	[sflag:s17] =	ssyncadd.s32 $0xFFFFC000  }
0x2e: {  	[spmem:s12] =	stream.linear.scatter [tilespmem:s16], [sflag:$0x1], $0x4000, $0x38;
	[tilespmem:$0x1FE00] =	vst v63  }
0x2f: {  	_ =	swait.ge [sflag:s17], $0x4000  }
0x30: {  	[sflag:s17] =	ssyncset.done $0x0  }
0x31: {  	[sflag:s17] =	ssyncadd.s32 $0xFFFFC000  }
0x32: {  	[spmem:s13] =	stream.linear.scatter [tilespmem:s16], [sflag:$0x1], $0x4000, $0x38;
	[tilespmem:$0x1FE00] =	vst v63  }
0x33: {  	_ =	swait.ge [sflag:s17], $0x4000  }
0x34: {  	[sflag:s17] =	ssyncset.done $0x0  }
0x35: {  	[sflag:s17] =	ssyncadd.s32 $0xFFFFC000  }
0x36: {  	s25 =	simm.s32 $0x0;
	[bflag:$0x0] =	sbarrier.arrive $0xFFFF  }
.LBB2_4:
0x37: {  	s0 =	smul.u32 $0x50, s25;
	_ =	sdelay $0x1  }
0x38: {  	s26 =	sadd.s32 s8, s0  }
0x39: {  	s0 =	sshrl.u32 s26, $0x3  }
0x3a: {  	s3 =	sadd.s32 s6, s0  }
0x3b: {  	[tilespmem:s4], [sflag:$0x1] =	stream.linear.gather [hbm4b:s3+s4], $0x50, $0x38;
	[tilespmem:$0x1FE00] =	vst v63  }
0x3c: {  	_ =	swait.ge [sflag:s17], $0x50  }
0x3d: {  	[sflag:s17] =	ssyncset.done $0x0  }
0x3e: {  	s0 =	sadd.s32 s1, s0;
	[sflag:s17] =	ssyncadd.s32 $0xFFFFFFB0  }
0x3f: {  	[tilespmem:s18], [sflag:$0x1] =	stream.linear.gather [hbm4b:s0+s4], $0x50, $0x38;
	[tilespmem:$0x1FE00] =	vst v63  }
0x40: {  	_ =	swait.ge [sflag:s17], $0x50  }
0x41: {  	[sflag:s17] =	ssyncset.done $0x0  }
0x42: {  	[sflag:s17] =	ssyncadd.s32 $0xFFFFFFB0  }
0x43: {  	[tilespmem:s20], [sflag:$0x1] =	stream.indirect.gather [hbm4b:s5+s19], $0x80, s4, s19, $0xb8;
	[tilespmem:$0x1FE00] =	vst v63  }
0x44: {  	_ =	swait.ge [sflag:s17], $0x2800  }
0x45: {  	[sflag:s17] =	ssyncset.done $0x0  }
0x46: {  	[sflag:s17] =	ssyncadd.s32 $0xFFFFD800  }
0x47: {  	[tilespmem:s21], [sflag:$0x1] =	stream.indirect.gather [hbm4b:s5+s19], $0x80, s18, s19, $0xb8;
	[tilespmem:$0x1FE00] =	vst v63  }
0x48: {  	_ =	swait.ge [sflag:s17], $0x2800  }
0x49: {  	[sflag:s17] =	ssyncset.done $0x0  }
0x4a: {  	s3 =	simm.s32 $0x2A10;
	[sflag:s17] =	ssyncadd.s32 $0xFFFFD800  }
0x4b: {  	v1 =	vld [tilespmem:s3+$0xFFFFFF00]  }
0x4c: {  	s10 =	simm.s32 $0x200;
	v2 =	vld [tilespmem:s3+$0x0]  }
0x4d: {  	v3 =	vld [tilespmem:s10+$0x80]  }
0x4e: {  	v4 =	vld [tilespmem:s3+$0x80]  }
0x4f: {  	v5 =	vld [tilespmem:s10+$0x0]  }
0x50: {  	v6 =	vld [tilespmem:s10+$0xFFFFFF00];
	_ =	sdelay $0x2  }
0x51: {  	v3 =	vadd.f32 v4, v3  }
0x52: {  	v2 =	vadd.f32 v2, v5  }
0x53: {  	v1 =	vadd.f32 v1, v6;
	v4 =	vmul.f32 $2.000000030e-01, v3  }
0x54: {  	v7 =	vld [tilespmem:s10+$0xFFFFFF80];
	v6 =	vmul.f32 $2.000000030e-01, v2  }
0x55: {  	v5 =	vld [tilespmem:s3+$0xFFFFFF80];
	v8 =	vmul.f32 $2.000000030e-01, v1;
	v3 =	vmax.f32 v3, v4  }
0x56: {  	v2 =	vmax.f32 v2, v6;
	v3 =	vmul.f32 $1.442695020e+00, v3  }
0x57: {  	v1 =	vmax.f32 v1, v8;
	v2 =	vmul.f32 $1.442695020e+00, v2  }
0x58: {  	v1 =	vmul.f32 $1.442695020e+00, v1;
	(erf) = vpow2.f32 v3  }
0x59: {  	(erf) = vpow2.f32 v2  }
0x5a: {  	v2 =	vadd.f32 v5, v7;
	(erf) = vpow2.f32 v1;
	_ =	sdelay $0x1  }
0x5b: {  	v1 =	vmul.f32 $2.000000030e-01, v2;
	_ =	sdelay $0x1  }
0x5c: {  	v1 =	vmax.f32 v2, v1  }
0x5d: {  	v1 =	vmul.f32 $1.442695020e+00, v1;
	_ =	sdelay $0x1  }
0x5e: {  	(erf) = vpow2.f32 v1;
	v3 =	vpop (erf)  }
0x5f: {  	s29 =	simm.s32 $0x5120;
	v1 =	vnsel vm0, $0x0, v3;
	v7 =	vbroadcast v3, $0x4;
	v10 =	vbroadcast v3, $0x6;
	v4 =	vpop (erf)  }
0x60: {  	v8 =	vbroadcast v3, $0x0;
	v16 =	vbroadcast v3, $0x2;
	v2 =	vnsel vm0, $0x0, v4;
	[tilespmem:s29+$0x10] =	vst v1;
	v9 =	vpop (erf)  }
0x61: {  	v5 =	vbroadcast v4, $0x6;
	v11 =	vbroadcast v4, $0x4;
	v1 =	vnsel vm0, $0x0, v9;
	[tilespmem:s29+$0x0] =	vst v2  }
0x62: {  	s28 =	simm.s32 $0x5700;
	v14 =	vbroadcast v4, $0x3;
	v12 =	vbroadcast v4, $0x5;
	[tilespmem:s29+$0xFFFFFFE0] =	vst v1  }
0x63: {  	v6 =	vbroadcast v9, $0x2;
	v1 =	vbroadcast v9, $0x1;
	[tilespmem:s28+$0x60] =	vst v5  }
0x64: {  	v13 =	vbroadcast v9, $0x5;
	v2 =	vbroadcast v4, $0x0;
	[tilespmem:s28+$0x40] =	vst v11  }
0x65: {  	v18 =	vbroadcast v9, $0x4;
	v15 =	vbroadcast v9, $0x0;
	[tilespmem:s28+$0xFFFFFF20] =	vst v6  }
0x66: {  	v19 =	vbroadcast v9, $0x7;
	v17 =	vbroadcast v9, $0x6;
	[tilespmem:s28+$0xFFFFFF50] =	vst v13  }
0x67: {  	s31 =	simm.s32 $0x0;
	s30 =	simm.s32 $0x5120;
	v5 =	vbroadcast v4, $0x1;
	v6 =	vbroadcast v4, $0x2;
	[tilespmem:s28+$0xFFFFFF10] =	vst v1;
	v1 =	vpop (erf)  }
0x68: {  	s0 =	simm.s32 $0x2C10;
	s10 =	simm.s32 $0x5700;
	s3 =	simm.s32 $0x400;
	[tilespmem:s28+$0xFFFFFF00] =	vst v15;
	v15 =	vbroadcast v3, $0x3;
	v13 =	vnsel vm0, $0x0, v1;
	v11 =	vbroadcast v1, $0x4  }
.LBB2_5:
0x69: {  	v20 =	vld [tilespmem:s0+$0xFFFFFF00];
	s31 =	sadd.s32 $0x4, s31;
	[tilespmem:s28+$0xFFFFFF70] =	vst v19;
	v19 =	vbroadcast v3, $0x1;
	s29 =	sadd.s32 $0x40, s29;
	s10 =	sadd.s32 $0x200, s10  }
0x6a: {  	v21 =	vld [tilespmem:s0+$0xFFFFFF80];
	p0 =	slt.u32 s31, $0x4C;
	[tilespmem:s28+$0xE0] =	vst v10  }
0x6b: {  	v10 =	vld [tilespmem:s0+$0x0];
	[tilespmem:s28+$0xFFFFFF40] =	vst v18;
	v18 =	vbroadcast v3, $0x5  }
0x6c: {  	v23 =	vbroadcast v1, $0x0;
	v24 =	vbroadcast v1, $0x5;
	v22 =	vld [tilespmem:s3+$0x80];
	[tilespmem:s28+$0x30] =	vst v14  }
0x6d: {  	v14 =	vld [tilespmem:s0+$0x80];
	[tilespmem:s28+$0x90] =	vst v19  }
0x6e: {  	v19 =	vld [tilespmem:s3+$0x0];
	[tilespmem:s28+$0xC0] =	vst v7  }
0x6f: {  	v7 =	vld [tilespmem:s3+$0xFFFFFF00];
	[tilespmem:s28+$0xD0] =	vst v18  }
0x70: {  	v9 =	vbroadcast v9, $0x3;
	v18 =	vld [tilespmem:s3+$0xFFFFFF80];
	[tilespmem:s28+$0x80] =	vst v8  }
0x71: {  	[tilespmem:s28+$0xFFFFFF60] =	vst v17  }
0x72: {  	v8 =	vadd.f32 v14, v22;
	[tilespmem:s28+$0x50] =	vst v12  }
0x73: {  	v10 =	vadd.f32 v10, v19;
	[tilespmem:s28+$0xA0] =	vst v16  }
0x74: {  	v3 =	vbroadcast v3, $0x7;
	v7 =	vadd.f32 v20, v7;
	v12 =	vmul.f32 $2.000000030e-01, v8;
	[tilespmem:s28+$0xFFFFFF30] =	vst v9  }
0x75: {  	v9 =	vadd.f32 v21, v18;
	v14 =	vmul.f32 $2.000000030e-01, v10;
	[tilespmem:s28+$0xB0] =	vst v15  }
0x76: {  	v4 =	vbroadcast v4, $0x7;
	v15 =	vmul.f32 $2.000000030e-01, v7;
	v8 =	vmax.f32 v8, v12;
	[tilespmem:s28+$0xF0] =	vst v3  }
0x77: {  	v3 =	vmul.f32 $2.000000030e-01, v9;
	v10 =	vmax.f32 v10, v14;
	v8 =	vmul.f32 $1.442695020e+00, v8;
	[tilespmem:s30+$0xFFFFFFF0] =	vst v13;
	s30 =	smov.u32 s29  }
0x78: {  	v12 =	vbroadcast v1, $0x3;
	v7 =	vmax.f32 v7, v15;
	v10 =	vmul.f32 $1.442695020e+00, v10;
	[tilespmem:s28+$0xFFFFFFC0] =	vst v11  }
0x79: {  	v7 =	vmul.f32 $1.442695020e+00, v7;
	v3 =	vmax.f32 v9, v3;
	(erf) = vpow2.f32 v8;
	[tilespmem:s28+$0x70] =	vst v4  }
0x7a: {  	v3 =	vmul.f32 $1.442695020e+00, v3;
	(erf) = vpow2.f32 v10;
	[tilespmem:s28+$0xFFFFFFD0] =	vst v24  }
0x7b: {  	(erf) = vpow2.f32 v7;
	[tilespmem:s28+$0x20] =	vst v6  }
0x7c: {  	(erf) = vpow2.f32 v3;
	[tilespmem:s28+$0xFFFFFFB0] =	vst v12;
	v3 =	vbroadcast v1, $0x6  }
0x7d: {  	[tilespmem:s28+$0x0] =	vst v2  }
0x7e: {  	v2 =	vbroadcast v1, $0x2;
	[tilespmem:s28+$0xFFFFFFE0] =	vst v3  }
0x7f: {  	[tilespmem:s28+$0x10] =	vst v5  }
0x80: {  	v5 =	vbroadcast v1, $0x1;
	v1 =	vbroadcast v1, $0x7;
	[tilespmem:s28+$0xFFFFFFA0] =	vst v2  }
0x81: {  	[tilespmem:s28+$0xFFFFFF80] =	vst v23  }
0x82: {  	v3 =	vpop (erf);
	[tilespmem:s28+$0xFFFFFF90] =	vst v5  }
0x83: {  	v2 =	vnsel vm0, $0x0, v3;
	v7 =	vbroadcast v3, $0x4;
	v10 =	vbroadcast v3, $0x6;
	v4 =	vpop (erf);
	[tilespmem:s28+$0xFFFFFFF0] =	vst v1;
	s28 =	smov.u32 s10  }
0x84: {  	v8 =	vbroadcast v3, $0x0;
	v12 =	vnsel vm0, $0x0, v4;
	v5 =	vbroadcast v4, $0x6;
	[tilespmem:s29+$0x10] =	vst v2;
	v9 =	vpop (erf)  }
0x85: {  	v11 =	vbroadcast v4, $0x4;
	v2 =	vnsel vm0, $0x0, v9;
	v6 =	vbroadcast v9, $0x2;
	[tilespmem:s29+$0x0] =	vst v12;
	v1 =	vpop (erf)  }
0x86: {  	v14 =	vbroadcast v4, $0x3;
	v12 =	vbroadcast v9, $0x1;
	[tilespmem:s29+$0xFFFFFFE0] =	vst v2  }
0x87: {  	v13 =	vbroadcast v9, $0x5;
	v2 =	vbroadcast v4, $0x0;
	[tilespmem:s10+$0xFFFFFF20] =	vst v6  }
.Ltmp1:
0x88: {  	v18 =	vbroadcast v9, $0x4;
	[tilespmem:s10+$0xFFFFFF10] =	vst v12;
	v12 =	vbroadcast v4, $0x5;
	(pc) =	sbr.rel @p0 .LBB2_5-.Ltmp1, $4  }
0x89: {  	v15 =	vbroadcast v9, $0x0;
	v6 =	vbroadcast v4, $0x2;
	[tilespmem:s10+$0x60] =	vst v5  }
0x8a: {  	v19 =	vbroadcast v9, $0x7;
	v5 =	vbroadcast v4, $0x1;
	[tilespmem:s10+$0xFFFFFF50] =	vst v13  }
0x8b: {  	v16 =	vbroadcast v3, $0x2;
	v17 =	vbroadcast v9, $0x6;
	[tilespmem:s10+$0x40] =	vst v11  }
0x8c: {  	s0 =	sadd.s32 $0x200, s0;
	s3 =	sadd.s32 $0x200, s3;
	v13 =	vnsel vm0, $0x0, v1;
	v11 =	vbroadcast v1, $0x4;
	[tilespmem:s10+$0xFFFFFF00] =	vst v15;
	v15 =	vbroadcast v3, $0x3  }
0x8d: {  	[tilespmem:s28+$0xFFFFFF70] =	vst v19  }
0x8e: {  	[tilespmem:s28+$0xE0] =	vst v10  }
0x8f: {  	[tilespmem:s28+$0xFFFFFF40] =	vst v18  }
0x90: {  	[tilespmem:s28+$0x30] =	vst v14  }
0x91: {  	[tilespmem:s28+$0xC0] =	vst v7  }
0x92: {  	[tilespmem:s28+$0x80] =	vst v8  }
0x93: {  	[tilespmem:s28+$0xFFFFFF60] =	vst v17  }
0x94: {  	[tilespmem:s28+$0x50] =	vst v12  }
0x95: {  	[tilespmem:s28+$0xA0] =	vst v16  }
0x96: {  	[tilespmem:s30+$0xFFFFFFF0] =	vst v13  }
0x97: {  	[tilespmem:s28+$0x20] =	vst v6  }
0x98: {  	[tilespmem:s28+$0x0] =	vst v2  }
0x99: {  	[tilespmem:s28+$0x10] =	vst v5  }
0x9a: {  	v59 =	vbroadcast v3, $0x1;
	[tilespmem:s28+$0xB0] =	vst v15  }
0x9b: {  	v60 =	vbroadcast v3, $0x5;
	[tilespmem:s28+$0xFFFFFFC0] =	vst v11  }
0x9c: {  	v3 =	vbroadcast v3, $0x7;
	[tilespmem:s28+$0x90] =	vst v59  }
0x9d: {  	v61 =	vbroadcast v9, $0x3;
	[tilespmem:s28+$0xD0] =	vst v60  }
0x9e: {  	[tilespmem:s28+$0xF0] =	vst v3;
	v3 =	vbroadcast v4, $0x7  }
0x9f: {  	v62 =	vbroadcast v1, $0x5;
	[tilespmem:s28+$0xFFFFFF30] =	vst v61  }
0xa0: {  	[tilespmem:s28+$0x70] =	vst v3;
	v3 =	vbroadcast v1, $0x3  }
0xa1: {  	v2 =	vbroadcast v1, $0x2;
	[tilespmem:s28+$0xFFFFFFD0] =	vst v62  }
0xa2: {  	[tilespmem:s28+$0xFFFFFFB0] =	vst v3;
	v3 =	vbroadcast v1, $0x6  }
0xa3: {  	v63 =	vbroadcast v1, $0x1;
	[tilespmem:s28+$0xFFFFFFA0] =	vst v2  }
0xa4: {  	[tilespmem:s28+$0xFFFFFFE0] =	vst v3;
	v3 =	vbroadcast v1, $0x0  }
0xa5: {  	[tilespmem:s28+$0xFFFFFF90] =	vst v63;
	v1 =	vbroadcast v1, $0x7  }
0xa6: {  	s0 =	sshll.u32 s26, $0x1;
	[tilespmem:s28+$0xFFFFFF80] =	vst v3  }
0xa7: {  	s0 =	sadd.s32 s7, s0;
	[tilespmem:s28+$0xFFFFFFF0] =	vst v1  }
0xa8: {  	[hbm4b:s0+s4] =	stream.linear.scatter [tilespmem:s22], [sflag:$0x1], $0x500, $0x38;
	[tilespmem:$0x1FE00] =	vst v63  }
0xa9: {  	s25 =	sadd.s32 $0x1, s25;
	_ =	swait.ge [sflag:s17], $0x500  }
0xaa: {  	p0 =	sne.s32 s25, $0x7D;
	[sflag:s17] =	ssyncset.done $0x0  }
.Ltmp2:
0xab: {  	[sflag:s17] =	ssyncadd.s32 $0xFFFFFB00;
	(pc) =	sbr.rel @p0 .LBB2_4-.Ltmp2, $4  }
0xac: {  	[spmem:s2] =	stream.indirect.scatter.add.f32 [tilespmem:s23], [sflag:$0x1], $0x80, s18, s19, $0xb8;
	[tilespmem:$0x1FE00] =	vst v63  }
0xad: {  	_ =	swait.ge [sflag:s17], $0x2800  }
0xae: {  	[sflag:s17] =	ssyncset.done $0x0  }
0xaf: {  	[sflag:s17] =	ssyncadd.s32 $0xFFFFD800  }
0xb0: {  	s0 =	stileid.u32;
	s24 =	sadd.s32 $0x1, s24  }
0xb1: {  	[bflag:$0x0] =	sbarrier.arrive $0xFFFF;
	s0 =	sshll.u32 s0, $0x6;
	p0 =	sne.s32 s24, s15  }
.Ltmp3:
0xb2: {  	s3 =	sshrl.u32 s9, $0x3;
	s0 =	sor.u32 $0x1C01, s0;
	(pc) =	sbr.rel @p0 .LBB2_1-.Ltmp3, $4  }
0xb3: {  	[hbm:s14], [sflag:s0] =	dma.local [spmem:s3], $0x2800  }
0xb4: {  	_ =	swait.ge [sflag:s17], $0x2800  }
0xb5: {  	[sflag:s17] =	ssyncset.done $0x0  }
0xb6: {  	[sflag:s17] =	ssyncadd.s32 $0xFFFFD800  }
0xb7: {  	_ =	sfence.sel $0x180000  }
0xb8: {  	[bflag:$0x0] =	sbarrier.arrive $0xFFFF  }
0xb9: {  	_ =	strace $0x90000047  }
0xba: {  	s0 =	stileid.u32;
	[bflag:$0x2] =	sbarrier.arrive $0xFFFF  }
0xbb: {  	p0 =	sne.s32 s0, $0x0;
	s0 =	rddreg [dreg:$0x3]  }
0xbc: {  	s0 =	sadd.s32 @!p0 $0x100000, s0  }
0xbd: {  	[sflag:s0] =	ssyncadd.tile.s32 @!p0 $0x1;
	_ =	shalt  }
.Lfunc_end2:
_tile_overlayer_lowered:
.L_overlay_start_2:
0xbe: {  	(tag) =	ssettag $0x2  }
0xbf: {  	s0 =	rddreg [dreg:$0x0];
	s2 =	stileid.u32  }
0xc0: {  	s1 =	rddreg [dreg:$0x1];
	p0 =	sne.s32 s2, $0x0  }
0xc1: {  	s3 =	rddreg [dreg:$0x2];
	[bflag:$0x3] =	sbarrier.arrive $0xFFFF;
	s2 =	simm.s32 @!p0 $0x1C01  }
0xc2: {  	[timem:s3], [sflag:s2] =	dma.local @!p0 [hbm:s0], s1  }
0xc3: {  	s0 =	simm.s32 @!p0 $0x1  }
0xc4: {  	_ =	swait.ge @!p0 [sflag:s0], s1  }
0xc5: {  	s1 =	ssub.s32 @!p0 $0x0, s1;
	[sflag:s0] =	ssyncset.done @!p0 $0x0  }
0xc6: {  	[sflag:s0] =	ssyncadd.s32 @!p0 s1  }
0xc7: {  	[bflag:$0x3] =	sbarrier.arrive $0xFFFF  }
0xc8: {  	_ =	shalt  }

// kernel: kernel.15.cloned.1.call-start
scs
__scs_entry_jumppad:
0x0: {  	(pc) =	sbr.rel $0x88, $3  }
0x1: {  	(tag) =	ssettag $0x0;
	lr =	simm.s32 $0x1  }
0x2: {  	[smem:$0x3F96] =	sst lr;
	_ =	strace $0xD0000000  }
0x3: {  	_ = 	snop  }
0x4: {  	_ = 	snop  }
0x5: {  	_ = 	snop  }
0x6: {  	_ = 	snop  }
0x7: {  	_ = 	snop  }
__scs_overlays_trampoline_lowered:
0x8: {  	[smem:$0x3FA5] =	sst s0  }
0x9: {  	[smem:$0x3FA6] =	sst s1  }
0xa: {  	[smem:$0x3FA7] =	sst s2  }
0xb: {  	[smem:$0x3FA8] =	sst s3  }
0xc: {  	[smem:$0x3FA9] =	sst s4  }
0xd: {  	[smem:$0x3FAA] =	sst s5  }
0xe: {  	[smem:$0x3FAB] =	sst s6  }
0xf: {  	[smem:$0x3FAC] =	sst s7  }
0x10: {  	[smem:$0x3FAD] =	sst s8  }
0x11: {  	[smem:$0x3FAE] =	sst s9;
	s0 =	simm.s32 @!p0 $0x0  }
0x12: {  	s1 =	sld [smem:$0x3F94];
	s0 =	simm.s32 @p0 $0x1  }
0x13: {  	[smem:$0x3FAF] =	sst s0;
	s0 =	simm.s32 @!p1 $0x0  }
0x14: {  	s2 =	sld [smem:$0x3F93];
	s0 =	simm.s32 @p1 $0x1  }
0x15: {  	[smem:$0x3FB0] =	sst s0;
	s0 =	simm.s32 @!p2 $0x0  }
0x16: {  	s3 =	sld [smem:$0x3FDB];
	s0 =	simm.s32 @p2 $0x1  }
0x17: {  	s4 =	simm.s32 $0x1BF5;
	[smem:$0x3FB2] =	sst s0  }
0x18: {  	s0 =	sld [smem:$0x3F95];
	_ =	swait.ge [sflag:s4], $0x0  }
0x19: {  	s7 =	sld [smem:$0x3F96]  }
0x1a: {  	s8 =	sadd.s32 $0xFFFFE003, lr  }
0x1b: {  	s9 =	sadd.s32 $0xFFFFFEF7, lr;
	s5 =	simm.s32 $0xFFFFFFFF;
	p2 =	slt.u32 s8, $0xFFFFF086  }
0x1c: {  	p1 =	slt.u32 s9, $0xF7A;
	s5 =	simm.s32 @!p2 $0x0  }
0x1d: {  	s5 =	simm.s32 @p1 $0x1;
	p0 =	seq.s32 s7, s2  }
0x1e: {  	s7 =	smul.u32 @!p0 $0xF7A, s2;
	p2 =	seq.s32 @!p0 s5, $0x0  }
0x1f: {  	s9 =	smul.u32 $0xF7A, s1;
	s8 =	simm.s32 @!p0 $0x1BF5;
	p2 =	por !p2, p0  }
0x20: {  	[sflag:s8] =	ssyncset.s32 @!p0 $0xFFFFF086;
	s6 =	sadd.s32 @!p0 s3, s7;
	s7 =	simm.s32 @!p0 $0x108  }
0x21: {  	s3 =	sadd.s32 s3, s9;
	s6 =	sadd.s32 @!p0 $0x88, s6;
	s7 =	simm.s32 @p2 $0x1082  }
0x22: {  	[simem:s7], [sflag:s8] =	dma.local @!p0 [hbm:s6], $0xF7A  }
0x23: {  	s9 =	sor.u32 $0xD0000000, s2;
	s6 =	simm.s32 $0x108;
	_ =	swait.ge @!p0 [sflag:s8], $0x0  }
0x24: {  	s3 =	sadd.s32 $0x88, s3;
	s6 =	simm.s32 @!p1 $0x1082;
	[sflag:s4] =	ssyncset.s32 $0xFFFFF086  }
0x25: {  	[simem:s6], [sflag:s4] =	dma.local [hbm:s3], $0xF7A  }
0x26: {  	[smem:$0x3F96] =	sst s1;
	(tag) =	ssettag s2;
	_ =	strace s9  }
0x27: {  	s1 =	sld [smem:$0x3FA6]  }
0x28: {  	s2 =	sld [smem:$0x3FA7]  }
0x29: {  	s4 =	sld [smem:$0x3FA9]  }
0x2a: {  	p0 =	seq.s32 s5, $0x0;
	s5 =	sld [smem:$0x3FAA]  }
0x2b: {  	s6 =	sld [smem:$0x3FAB]  }
0x2c: {  	s7 =	sld [smem:$0x3FAC]  }
0x2d: {  	s3 =	simm.s32 $0x108;
	s8 =	sld [smem:$0x3FAD]  }
0x2e: {  	s3 =	simm.s32 @!p0 $0x1082;
	s9 =	sld [smem:$0x3FAE]  }
0x2f: {  	lr =	sadd.s32 s0, s3;
	s0 =	sld [smem:$0x3FA5]  }
0x30: {  	s3 =	sld [smem:$0x3FA8]  }
0x31: {  	[smem:$0x3FB1] =	sst s10  }
0x32: {  	s10 =	sld [smem:$0x3FAF];
	_ =	sdelay $0x3  }
0x33: {  	p0 =	seq.s32 s10, $0x1;
	s10 =	sld [smem:$0x3FB1];
	_ =	sdelay $0x3  }
0x34: {  	[smem:$0x3FB1] =	sst s10  }
0x35: {  	s10 =	sld [smem:$0x3FB0];
	_ =	sdelay $0x3  }
0x36: {  	p1 =	seq.s32 s10, $0x1;
	s10 =	sld [smem:$0x3FB1];
	_ =	sdelay $0x3  }
0x37: {  	[smem:$0x3FB1] =	sst s10  }
0x38: {  	s10 =	sld [smem:$0x3FB2]  }
0x39: {  	_ = 	snop;
	(pc) =	sbr.ind lr, $3  }
0x3a: {  	_ = 	snop  }
0x3b: {  	_ = 	snop  }
0x3c: {  	p2 =	seq.s32 s10, $0x1;
	s10 =	sld [smem:$0x3FB1]  }
0x3d: {  	_ =	shalt  }
0x3e: {  	_ =	shalt  }
0x3f: {  	_ =	shalt  }
0x40: {  	_ =	shalt  }
0x41: {  	_ =	shalt  }
0x42: {  	_ =	shalt  }
0x43: {  	_ =	shalt  }
0x44: {  	_ =	shalt  }
0x45: {  	_ =	shalt  }
0x46: {  	_ =	shalt  }
0x47: {  	_ =	shalt  }
0x48: {  	_ =	shalt  }
0x49: {  	_ =	shalt  }
0x4a: {  	_ =	shalt  }
0x4b: {  	_ =	shalt  }
0x4c: {  	_ =	shalt  }
0x4d: {  	_ =	shalt  }
0x4e: {  	_ =	shalt  }
0x4f: {  	_ =	shalt  }
0x50: {  	_ =	shalt  }
0x51: {  	_ =	shalt  }
0x52: {  	_ =	shalt  }
0x53: {  	_ =	shalt  }
0x54: {  	_ =	shalt  }
0x55: {  	_ =	shalt  }
0x56: {  	_ =	shalt  }
0x57: {  	_ =	shalt  }
0x58: {  	_ =	shalt  }
0x59: {  	_ =	shalt  }
0x5a: {  	_ =	shalt  }
0x5b: {  	_ =	shalt  }
0x5c: {  	_ =	shalt  }
0x5d: {  	_ =	shalt  }
0x5e: {  	_ =	shalt  }
0x5f: {  	_ =	shalt  }
0x60: {  	_ =	shalt  }
0x61: {  	_ =	shalt  }
0x62: {  	_ =	shalt  }
0x63: {  	_ =	shalt  }
0x64: {  	_ =	shalt  }
0x65: {  	_ =	shalt  }
0x66: {  	_ =	shalt  }
0x67: {  	_ =	shalt  }
0x68: {  	_ =	shalt  }
0x69: {  	_ =	shalt  }
0x6a: {  	_ =	shalt  }
0x6b: {  	_ =	shalt  }
0x6c: {  	_ =	shalt  }
0x6d: {  	_ =	shalt  }
0x6e: {  	_ =	shalt  }
0x6f: {  	_ =	shalt  }
0x70: {  	_ =	shalt  }
0x71: {  	_ =	shalt  }
0x72: {  	_ =	shalt  }
0x73: {  	_ =	shalt  }
0x74: {  	_ =	shalt  }
0x75: {  	_ =	shalt  }
0x76: {  	_ =	shalt  }
0x77: {  	_ =	shalt  }
0x78: {  	_ =	shalt  }
0x79: {  	_ =	shalt  }
0x7a: {  	_ =	shalt  }
0x7b: {  	_ =	shalt  }
0x7c: {  	_ =	shalt  }
0x7d: {  	_ =	shalt  }
0x7e: {  	_ =	shalt  }
0x7f: {  	_ =	shalt  }
0x80: {  	_ =	shalt  }
0x81: {  	_ =	shalt  }
0x82: {  	_ =	shalt  }
0x83: {  	_ =	shalt  }
0x84: {  	_ =	shalt  }
0x85: {  	_ =	shalt  }
0x86: {  	_ =	shalt  }
0x87: {  	_ =	shalt  }
.Lfunc_end0:
.L_simem_size_0:
called_computation.1_lowered:
.L_overlay_start_0:
0x88: {  	s2 =	sld [smem:$0x3FD9]  }
0x89: {  	s3 =	sld [smem:$0x3FFE];
	_ =	sdelay $0x1  }
0x8a: {  	s1 =	srdreg.scid  }
0x8b: {  	s0 =	sand.u32 $0x1, s1  }
0x8c: {  	s17 =	sshll.u32 s0, $0xA;
	s2 =	sadd.s32 s3, s2  }
0x8d: {  	s2 =	sadd.s32 s2, s17  }
0x8e: {  	[smem:$0x3FBD] =	sst s2  }
0x8f: {  	_ = 	snop  }
0x90: {  	s2 =	sld [smem:$0x3FD0];
	(tm) =	ssettm $0x1  }
0x91: {  	s18 =	sld [smem:$0x3FFB];
	_ =	sdelay $0x3  }
0x92: {  	_ =	strace s18  }
0x93: {  	s3 =	sld [smem:$0x3FFC];
	_ =	sdelay $0x3  }
0x94: {  	_ =	strace s3  }
0x95: {  	s3 =	sld [smem:$0x3FFD];
	_ =	sdelay $0x3  }
0x96: {  	_ =	strace s3  }
0x97: {  	_ =	strace $0x8FFFFFFF  }
0x98: {  	s19 =	sld [smem:$0x3FDB];
	_ =	sdelay $0x1  }
0x99: {  	s4 =	simm.s32 $_scs_section_size  }
0x9a: {  	s5 =	simm.s32 $_size__tile_overlayer_lowered;
	s6 =	simm.s32 $_tile_overlayer_lowered  }
0x9b: {  	s22 =	simm.s32 $0x1BFF;
	s21 =	sshll.u32 s6, $0x1;
	s3 =	sadd.s32 s4, s19  }
0x9c: {  	s7 =	simm.s32 $0x0;
	s20 =	sshll.u32 s5, $0x1;
	s5 =	sadd.s32 s21, s3  }
0x9d: {  	[timem:s7], [sflag:s22] =	dma.local [hbm:s5], s20  }
0x9e: {  	_ =	swait.ge [sflag:s22], s20  }
0x9f: {  	s4 =	ssub.s32 $0x0, s20;
	[sflag:s22] =	ssyncset.done $0x0  }
0xa0: {  	[sflag:s22] =	ssyncadd.s32 s4;
	_ =	sdelay $0x1  }
0xa1: {  	s23 =	simm.s32 $0x1B8B  }
0xa2: {  	_ =	swait.ge [sflag:s23], $0x1  }
0xa3: {  	[sflag:s23] =	ssyncset.done $0x0  }
0xa4: {  	s25 =	simm.s32 $0x1B8E;
	s24 =	sld [smem:$0x3FFE];
	[sflag:s23] =	ssyncadd.s32 $0xFFFFFFFF  }
0xa5: {  	s26 =	simm.s32 $execute0_lowered;
	[smem:$0x3FD2] =	sst s25  }
0xa6: {  	s5 =	sshll.u32 s26, $0x1;
	_ =	strace $0x80000049;
	[dreg:$0x1] =	wrdreg $0xFFFFFFFF  }
0xa7: {  	s28 =	simm.s32 $_size_execute0_lowered;
	s3 =	sadd.s32 s3, s5;
	[dreg:$0x0] =	wrdreg $0x0  }
0xa8: {  	s5 =	sshll.u32 s28, $0x1;
	[dreg:$0x2] =	wrdreg s3  }
0xa9: {  	[dreg:$0x3] =	wrdreg s5  }
0xaa: {  	[dreg:$0x4] =	wrdreg $0xC0  }
0xab: {  	_ =	task [dreg:s7], $0x5FFFF  }
0xac: {  	[dreg:$0x1] =	wrdreg $0xFFFFFFFF  }
0xad: {  	[dreg:$0x0] =	wrdreg $0x60  }
0xae: {  	[dreg:$0x2] =	wrdreg s24  }
0xaf: {  	[dreg:$0x3] =	wrdreg s2  }
0xb0: {  	[dreg:$0x4] =	wrdreg $0x6E000  }
0xb1: {  	[dreg:$0x5] =	wrdreg $0x9  }
0xb2: {  	_ =	task.clear_ibuf [dreg:s7], $0x6FFFF;
	_ =	strace $0x90000049  }
0xb3: {  	s29 =	simm.s32 $0x9;
	_ =	strace $0x8000004B  }
0xb4: {  	_ =	swait.ge [sflag:s29], $0x1  }
0xb5: {  	[sflag:s29] =	ssyncadd.s32 $0xFFFFFFFF  }
0xb6: {  	_ =	strace $0x9000004B  }
0xb7: {  	_ =	sfence  }
0xb8: {  	s30 =	sld [smem:$0x0];
	_ =	sdelay $0x2  }
0xb9: {  	s31 =	sshll.u32 s1, $0xD;
	s1 =	sshrl.u32 s1, $0x2  }
0xba: {  	s3 =	sand.u32 $0x4000, s31;
	s1 =	sadd.s32 s1, s30  }
0xbb: {  	s0 =	sor.u32 s3, s0;
	s1 =	sshll.u32 s1, $0x11  }
0xbc: {  	s0 =	sor.u32 s1, s0  }
0xbd: {  	s0 =	sadd.s32 $0x8F2B, s0  }
0xbe: {  	[sflag:s0] =	ssyncadd.remote.s32 $0x1  }
0xbf: {  	_ =	sfence.sel $0xFFFF  }
0xc0: {  	[dreg:$0x0] =	wrdreg $0xFFFFFFFF;
	(pc) =	sbr.abs _section_cstart, $3  }
0xc1: {  	[dreg:$0x1] =	wrdreg $0xFFFFFFFF  }
0xc2: {  	_ =	task.clear_ibuf [dreg:s7], $0x2FFFF;
	_ =	strace $0x9FFFFFFF  }
0xc3: {  	(tm) =	ssettm $0x7FFFFFFF  }
tec
execute0_lowered:
.L_overlay_start_1:
0x0: {  	(tag) =	ssettag $0x1  }
0x1: {  	s8 =	rddreg [dreg:$0x0]  }
0x2: {  	s2 =	rddreg [dreg:$0x1]  }
0x3: {  	s0 =	srdreg.scid;
	s3 =	rddreg [dreg:$0x2]  }
0x4: {  	s1 =	stileid.u32;
	s4 =	simm.s32 $0x0;
	s16 =	simm.s32 $0x2E00  }
0x5: {  	s17 =	simm.s32 $0x1;
	s18 =	simm.s32 $0x80;
	s19 =	simm.s32 $0x50  }
0x6: {  	s20 =	simm.s32 $0x100;
	s21 =	simm.s32 $0x2900;
	s22 =	simm.s32 $0x0  }
0x7: {  	s9 =	sand.u32 $0x1, s0;
	s0 =	rddreg [dreg:$0x3];
	s6 =	smul.u32 $0x14000, s1  }
0x8: {  	[smem:$0x7FF] =	sst s4;
	s11 =	smul.u32 $0x50000, s1;
	s7 =	sadd.s32 $0x3000, s8  }
0x9: {  	s5 =	smul.u32 $0x140000, s9;
	_ =	strace $0x8000004A;
	s28 =	ssub.s32 $0x2, s9  }
0xa: {  	s29 =	sshll.u32 s9, $0x4;
	s30 =	sshrl.u32 s11, $0x2;
	s31 =	sshrl.u32 s28, $0x1  }
0xb: {  	s12 =	sor.u32 s1, s29;
	s6 =	sadd.s32 s6, s5;
	s5 =	sadd.s32 $0x34E00, s8  }
0xc: {  	s15 =	ssub.s32 s28, s31;
	s9 =	smul.u32 $0x2710, s12;
	s10 =	sshrl.u32 s6, $0x3  }
0xd: {  	s6 =	sadd.s32 $0x5CE00, s8;
	s14 =	sadd.s32 s10, s8;
	s8 =	sadd.s32 s30, s3  }
0xe: {  	s15 =	smax.u32 s15, $0x1;
	s10 =	sadd.s32 $0x4000, s8;
	s11 =	sadd.s32 $0x8000, s8  }
0xf: {  	v0 =	vimm.f32 $0.0e+00;
	s12 =	sadd.s32 $0xC000, s8;
	s13 =	sadd.s32 $0x10000, s8;
	s14 =	sadd.s32 $0x149200, s14  }
.LBB2_1:
0x10: {  	s23 =	simm.s32 $0x2E40  }
0x11: {  	[tilespmem:s23+$0xFFFFFFC0] =	vst v0  }
0x12: {  	[tilespmem:s23+$0x30] =	vst v0  }
0x13: {  	[tilespmem:s23+$0x20] =	vst v0  }
0x14: {  	[tilespmem:s23+$0x10] =	vst v0  }
0x15: {  	[tilespmem:s23+$0x0] =	vst v0  }
0x16: {  	[tilespmem:s23+$0xFFFFFFF0] =	vst v0  }
0x17: {  	s24 =	simm.s32 $0x0;
	[tilespmem:s23+$0xFFFFFFE0] =	vst v0  }
.LBB2_2:
0x18: {  	s24 =	sadd.s32 $0x8, s24;
	[tilespmem:s23+$0xFFFFFFD0] =	vst v0;
	s23 =	sadd.s32 $0x80, s23  }
0x19: {  	[tilespmem:s23+$0xFFFFFFC0] =	vst v0;
	p0 =	slt.u32 s24, $0x3F8  }
0x1a: {  	[tilespmem:s23+$0x30] =	vst v0  }
.Ltmp0:
0x1b: {  	[tilespmem:s23+$0x20] =	vst v0;
	(pc) =	sbr.rel @p0 .LBB2_2-.Ltmp0, $4  }
0x1c: {  	[tilespmem:s23+$0x10] =	vst v0  }
0x1d: {  	[tilespmem:s23+$0x0] =	vst v0  }
0x1e: {  	[tilespmem:s23+$0xFFFFFFF0] =	vst v0  }
0x1f: {  	[tilespmem:s23+$0xFFFFFFE0] =	vst v0  }
0x20: {  	[tilespmem:s23+$0xFFFFFFD0] =	vst v0  }
0x21: {  	[spmem:s8] =	stream.linear.scatter [tilespmem:s16], [sflag:$0x1], $0x4000, $0x38;
	[tilespmem:$0x1AE00] =	vst v63  }
0x22: {  	_ =	swait.ge [sflag:s17], $0x4000  }
0x23: {  	[sflag:s17] =	ssyncset.done $0x0  }
0x24: {  	[sflag:s17] =	ssyncadd.s32 $0xFFFFC000  }
0x25: {  	[spmem:s10] =	stream.linear.scatter [tilespmem:s16], [sflag:$0x1], $0x4000, $0x38;
	[tilespmem:$0x1AE00] =	vst v63  }
0x26: {  	_ =	swait.ge [sflag:s17], $0x4000  }
0x27: {  	[sflag:s17] =	ssyncset.done $0x0  }
0x28: {  	[sflag:s17] =	ssyncadd.s32 $0xFFFFC000  }
0x29: {  	[spmem:s11] =	stream.linear.scatter [tilespmem:s16], [sflag:$0x1], $0x4000, $0x38;
	[tilespmem:$0x1AE00] =	vst v63  }
0x2a: {  	_ =	swait.ge [sflag:s17], $0x4000  }
0x2b: {  	[sflag:s17] =	ssyncset.done $0x0  }
0x2c: {  	[sflag:s17] =	ssyncadd.s32 $0xFFFFC000  }
0x2d: {  	[spmem:s12] =	stream.linear.scatter [tilespmem:s16], [sflag:$0x1], $0x4000, $0x38;
	[tilespmem:$0x1AE00] =	vst v63  }
0x2e: {  	_ =	swait.ge [sflag:s17], $0x4000  }
0x2f: {  	[sflag:s17] =	ssyncset.done $0x0  }
0x30: {  	[sflag:s17] =	ssyncadd.s32 $0xFFFFC000  }
0x31: {  	[spmem:s13] =	stream.linear.scatter [tilespmem:s16], [sflag:$0x1], $0x4000, $0x38;
	[tilespmem:$0x1AE00] =	vst v63  }
0x32: {  	_ =	swait.ge [sflag:s17], $0x4000  }
0x33: {  	[sflag:s17] =	ssyncset.done $0x0  }
0x34: {  	[sflag:s17] =	ssyncadd.s32 $0xFFFFC000  }
0x35: {  	s23 =	simm.s32 $0x0;
	[bflag:$0x0] =	sbarrier.arrive $0xFFFF  }
.LBB2_4:
0x36: {  	s24 =	smul.u32 $0x50, s23;
	_ =	sdelay $0x1  }
0x37: {  	s24 =	sadd.s32 s9, s24  }
0x38: {  	s25 =	sshrl.u32 s24, $0x3  }
0x39: {  	s26 =	sadd.s32 s7, s25  }
0x3a: {  	[tilespmem:s4], [sflag:$0x1] =	stream.linear.gather [hbm4b:s26+s4], $0x50, $0x38;
	[tilespmem:$0x1AE00] =	vst v63  }
0x3b: {  	_ =	swait.ge [sflag:s17], $0x50  }
0x3c: {  	[sflag:s17] =	ssyncset.done $0x0  }
0x3d: {  	s25 =	sadd.s32 s2, s25;
	[sflag:s17] =	ssyncadd.s32 $0xFFFFFFB0  }
0x3e: {  	[tilespmem:s18], [sflag:$0x1] =	stream.linear.gather [hbm4b:s25+s4], $0x50, $0x38;
	[tilespmem:$0x1AE00] =	vst v63  }
0x3f: {  	_ =	swait.ge [sflag:s17], $0x50  }
0x40: {  	[sflag:s17] =	ssyncset.done $0x0  }
0x41: {  	[sflag:s17] =	ssyncadd.s32 $0xFFFFFFB0  }
0x42: {  	[tilespmem:s20], [sflag:$0x1] =	stream.indirect.gather [hbm4b:s5+s19], $0x80, s4, s19, $0xb8;
	[tilespmem:$0x1AE00] =	vst v63  }
0x43: {  	_ =	swait.ge [sflag:s17], $0x2800  }
0x44: {  	s24 =	sshll.u32 s24, $0x1;
	[sflag:s17] =	ssyncset.done $0x0  }
0x45: {  	s24 =	sadd.s32 s6, s24;
	[sflag:s17] =	ssyncadd.s32 $0xFFFFD800  }
0x46: {  	[tilespmem:s21], [sflag:$0x1] =	stream.linear.gather [hbm4b:s24+s4], $0x500, $0x38;
	[tilespmem:$0x1AE00] =	vst v63  }
0x47: {  	_ =	swait.ge [sflag:s17], $0x500  }
0x48: {  	[sflag:s17] =	ssyncset.done $0x0  }
0x49: {  	s31 =	simm.s32 $0x2920;
	[sflag:s17] =	ssyncadd.s32 $0xFFFFFB00  }
0x4a: {  	v4 =	vld [tilespmem:s31+$0x10]  }
0x4b: {  	s24 =	simm.s32 $0x200;
	v1 =	vld [tilespmem:s31+$0xFFFFFFF0]  }
0x4c: {  	v2 =	vld [tilespmem:s24+$0xF0]  }
0x4d: {  	v3 =	vld [tilespmem:s31+$0x0]  }
0x4e: {  	v5 =	vld [tilespmem:s31+$0xFFFFFFE0]  }
0x4f: {  	v6 =	vld [tilespmem:s24+$0xFFFFFF00]  }
0x50: {  	v7 =	vld [tilespmem:s24+$0xFFFFFF10];
	v8 =	vbroadcast v4, $0x0  }
0x51: {  	v11 =	vld [tilespmem:s24+$0xFFFFFF20];
	v9 =	vbroadcast v4, $0x7;
	v10 =	vbroadcast v1, $0x0  }
0x52: {  	v14 =	vld [tilespmem:s24+$0xFFFFFF30];
	v12 =	vbroadcast v1, $0x1;
	v13 =	vbroadcast v1, $0x2  }
0x53: {  	v16 =	vld [tilespmem:s24+$0xFFFFFF40];
	v15 =	vbroadcast v1, $0x3;
	v17 =	vbroadcast v1, $0x4  }
0x54: {  	v19 =	vld [tilespmem:s24+$0xFFFFFF50];
	v18 =	vbroadcast v5, $0x0;
	v20 =	vbroadcast v5, $0x1  }
0x55: {  	v22 =	vld [tilespmem:s24+$0xFFFFFF60];
	v21 =	vbroadcast v5, $0x2;
	v23 =	vbroadcast v5, $0x3  }
0x56: {  	v25 =	vld [tilespmem:s24+$0xFFFFFF70];
	v24 =	vbroadcast v5, $0x4;
	v26 =	vbroadcast v5, $0x5  }
0x57: {  	v28 =	vld [tilespmem:s24+$0xFFFFFF80];
	v27 =	vbroadcast v5, $0x6;
	v29 =	vbroadcast v5, $0x7  }
0x58: {  	v31 =	vld [tilespmem:s24+$0xFFFFFF90];
	v30 =	vbroadcast v1, $0x5;
	v32 =	vbroadcast v1, $0x6  }
0x59: {  	v34 =	vld [tilespmem:s24+$0xFFFFFFA0];
	v33 =	vbroadcast v1, $0x7;
	v35 =	vbroadcast v3, $0x0  }
0x5a: {  	v37 =	vld [tilespmem:s24+$0xFFFFFFB0];
	v36 =	vbroadcast v3, $0x1;
	v38 =	vbroadcast v3, $0x2  }
0x5b: {  	v40 =	vld [tilespmem:s24+$0xFFFFFFC0];
	v39 =	vbroadcast v3, $0x3;
	v41 =	vbroadcast v3, $0x4  }
0x5c: {  	v43 =	vld [tilespmem:s24+$0xFFFFFFD0];
	v42 =	vbroadcast v3, $0x5;
	v44 =	vbroadcast v3, $0x6  }
0x5d: {  	v46 =	vld [tilespmem:s24+$0xFFFFFFE0];
	v45 =	vbroadcast v3, $0x7;
	v47 =	vbroadcast v4, $0x1  }
0x5e: {  	v48 =	vld [tilespmem:s24+$0xFFFFFFF0];
	v5 =	vbroadcast v4, $0x2;
	v9 =	vmul.f32 v2, v9  }
0x5f: {  	v49 =	vld [tilespmem:s24+$0x0];
	v3 =	vbroadcast v4, $0x4;
	v6 =	vmul.f32 v18, v6  }
0x60: {  	v60 =	vld [tilespmem:s24+$0x70];
	v1 =	vbroadcast v4, $0x5;
	v7 =	vmul.f32 v7, v20;
	[tilespmem:s24+$0xF0] =	vst v9  }
0x61: {  	v62 =	vld [tilespmem:s24+$0x80];
	v2 =	vbroadcast v4, $0x3;
	v11 =	vmul.f32 v11, v21;
	[tilespmem:s24+$0xFFFFFF00] =	vst v6  }
0x62: {  	v63 =	vld [tilespmem:s24+$0x90];
	v4 =	vbroadcast v4, $0x6;
	v14 =	vmul.f32 v14, v23;
	[tilespmem:s24+$0xFFFFFF10] =	vst v7  }
0x63: {  	v16 =	vmul.f32 v16, v24;
	v20 =	vmul.f32 v22, v27;
	v22 =	vld [tilespmem:s24+$0x50];
	[tilespmem:s24+$0xFFFFFF20] =	vst v11  }
0x64: {  	v18 =	vmul.f32 v19, v26;
	v21 =	vmul.f32 v25, v29;
	v9 =	vld [tilespmem:s24+$0x10];
	[tilespmem:s24+$0xFFFFFF30] =	vst v14  }
0x65: {  	v10 =	vmul.f32 v10, v28;
	v12 =	vmul.f32 v31, v12;
	v6 =	vld [tilespmem:s24+$0x20];
	[tilespmem:s24+$0xFFFFFF40] =	vst v16  }
0x66: {  	v58 =	vmul.f32 v34, v13;
	v59 =	vmul.f32 v37, v15;
	v11 =	vld [tilespmem:s24+$0x40];
	[tilespmem:s24+$0xFFFFFF50] =	vst v18  }
0x67: {  	v61 =	vmul.f32 v40, v17;
	v19 =	vmul.f32 v43, v30;
	v7 =	vld [tilespmem:s24+$0x30];
	[tilespmem:s24+$0xFFFFFF60] =	vst v20  }
0x68: {  	v23 =	vld [tilespmem:s24+$0x60];
	v17 =	vmul.f32 v48, v33;
	v15 =	vmul.f32 v35, v49;
	[tilespmem:s24+$0xFFFFFF70] =	vst v21  }
0x69: {  	v18 =	vmul.f32 v46, v32;
	[tilespmem:s24+$0xFFFFFF80] =	vst v10;
	v20 =	vld [tilespmem:s24+$0xA0];
	v10 =	vmul.f32 v8, v62  }
0x6a: {  	[tilespmem:s24+$0xFFFFFF90] =	vst v12;
	v21 =	vld [tilespmem:s24+$0xB0];
	v8 =	vmul.f32 v63, v47;
	v16 =	vmul.f32 v9, v36  }
0x6b: {  	[tilespmem:s24+$0xFFFFFFA0] =	vst v58;
	v12 =	vmul.f32 v11, v41;
	v11 =	vmul.f32 v22, v42;
	v22 =	vld [tilespmem:s24+$0xC0]  }
0x6c: {  	[tilespmem:s24+$0xFFFFFFB0] =	vst v59;
	v14 =	vmul.f32 v6, v38;
	v13 =	vmul.f32 v7, v39;
	v6 =	vld [tilespmem:s24+$0xD0]  }
0x6d: {  	s28 =	simm.s32 $0x2960;
	s26 =	simm.s32 $0x0;
	s25 =	simm.s32 $0x200;
	[tilespmem:s24+$0xFFFFFFC0] =	vst v61;
	v9 =	vmul.f32 v23, v44;
	v7 =	vmul.f32 v60, v45;
	v23 =	vld [tilespmem:s24+$0xE0]  }
.LBB2_5:
0x6e: {  	v24 =	vld [tilespmem:s28+$0x10];
	s26 =	sadd.s32 $0x4, s26;
	[tilespmem:s24+$0xFFFFFFD0] =	vst v19;
	v5 =	vmul.f32 v20, v5  }
0x6f: {  	s24 =	sadd.s32 $0x200, s24;
	v19 =	vld [tilespmem:s28+$0xFFFFFFF0];
	p0 =	slt.u32 s26, $0x4C;
	[tilespmem:s25+$0xFFFFFFE0] =	vst v18;
	v2 =	vmul.f32 v21, v2  }
0x70: {  	v18 =	vld [tilespmem:s24+$0xF0];
	[tilespmem:s25+$0xFFFFFFF0] =	vst v17;
	v3 =	vmul.f32 v22, v3  }
0x71: {  	v17 =	vld [tilespmem:s28+$0x0];
	[tilespmem:s25+$0x0] =	vst v15;
	v1 =	vmul.f32 v6, v1  }
0x72: {  	v15 =	vld [tilespmem:s28+$0xFFFFFFE0];
	[tilespmem:s25+$0x10] =	vst v16;
	v4 =	vmul.f32 v23, v4  }
0x73: {  	v16 =	vld [tilespmem:s24+$0xFFFFFF00];
	v6 =	vbroadcast v24, $0x0;
	v20 =	vbroadcast v24, $0x7;
	[tilespmem:s25+$0x20] =	vst v14  }
0x74: {  	v14 =	vld [tilespmem:s24+$0xFFFFFF10];
	v21 =	vbroadcast v19, $0x0;
	v22 =	vbroadcast v19, $0x1;
	[tilespmem:s25+$0x30] =	vst v13  }
0x75: {  	v23 =	vbroadcast v19, $0x2;
	v13 =	vld [tilespmem:s24+$0xFFFFFF20];
	v18 =	vmul.f32 v18, v20;
	[tilespmem:s25+$0x40] =	vst v12  }
0x76: {  	v25 =	vbroadcast v19, $0x4;
	v20 =	vbroadcast v19, $0x3;
	v12 =	vld [tilespmem:s24+$0xFFFFFF30];
	[tilespmem:s25+$0x50] =	vst v11  }
0x77: {  	v11 =	vbroadcast v15, $0x0;
	v26 =	vbroadcast v15, $0x1;
	v27 =	vld [tilespmem:s24+$0xFFFFFF40];
	[tilespmem:s24+$0xF0] =	vst v18  }
0x78: {  	v18 =	vbroadcast v15, $0x2;
	v28 =	vbroadcast v15, $0x3;
	v29 =	vld [tilespmem:s24+$0xFFFFFF50];
	[tilespmem:s25+$0x60] =	vst v9  }
0x79: {  	v30 =	vbroadcast v15, $0x5;
	v9 =	vbroadcast v15, $0x4;
	v31 =	vld [tilespmem:s24+$0xFFFFFF60];
	[tilespmem:s25+$0x70] =	vst v7  }
0x7a: {  	v7 =	vbroadcast v15, $0x6;
	v15 =	vbroadcast v15, $0x7;
	v32 =	vld [tilespmem:s24+$0xFFFFFF70];
	[tilespmem:s25+$0x80] =	vst v10  }
0x7b: {  	v33 =	vbroadcast v19, $0x5;
	v34 =	vbroadcast v19, $0x6;
	v10 =	vld [tilespmem:s24+$0xFFFFFF80];
	[tilespmem:s25+$0x90] =	vst v8  }
0x7c: {  	v35 =	vbroadcast v19, $0x7;
	v36 =	vbroadcast v17, $0x0;
	v8 =	vld [tilespmem:s24+$0xFFFFFF90];
	[tilespmem:s25+$0xA0] =	vst v5  }
0x7d: {  	v37 =	vbroadcast v17, $0x1;
	v38 =	vbroadcast v17, $0x2;
	v19 =	vld [tilespmem:s24+$0xFFFFFFA0];
	[tilespmem:s25+$0xB0] =	vst v2  }
0x7e: {  	v40 =	vbroadcast v17, $0x3;
	v41 =	vbroadcast v17, $0x4;
	v39 =	vld [tilespmem:s24+$0xFFFFFFB0];
	[tilespmem:s25+$0xC0] =	vst v3  }
0x7f: {  	v43 =	vbroadcast v17, $0x5;
	v44 =	vbroadcast v17, $0x6;
	v42 =	vld [tilespmem:s24+$0xFFFFFFC0];
	[tilespmem:s25+$0xD0] =	vst v1  }
0x80: {  	v47 =	vbroadcast v24, $0x1;
	v46 =	vbroadcast v17, $0x7;
	v45 =	vld [tilespmem:s24+$0xFFFFFFD0];
	[tilespmem:s25+$0xE0] =	vst v4;
	s25 =	smov.u32 s24  }
0x81: {  	v5 =	vbroadcast v24, $0x2;
	v2 =	vbroadcast v24, $0x3;
	v17 =	vld [tilespmem:s24+$0xFFFFFFE0]  }
0x82: {  	v3 =	vbroadcast v24, $0x4;
	v1 =	vbroadcast v24, $0x5;
	v48 =	vld [tilespmem:s24+$0xFFFFFFF0]  }
0x83: {  	v11 =	vmul.f32 v11, v16;
	v4 =	vbroadcast v24, $0x6;
	v16 =	vld [tilespmem:s24+$0x0]  }
0x84: {  	v14 =	vmul.f32 v14, v26;
	v13 =	vmul.f32 v13, v18;
	v24 =	vld [tilespmem:s24+$0x10]  }
0x85: {  	v9 =	vmul.f32 v27, v9;
	[tilespmem:s24+$0xFFFFFF00] =	vst v11;
	v11 =	vmul.f32 v12, v28;
	v12 =	vld [tilespmem:s24+$0x20]  }
0x86: {  	v7 =	vmul.f32 v31, v7;
	[tilespmem:s24+$0xFFFFFF10] =	vst v14;
	v14 =	vmul.f32 v29, v30;
	v26 =	vld [tilespmem:s24+$0x30]  }
0x87: {  	v10 =	vmul.f32 v21, v10;
	[tilespmem:s24+$0xFFFFFF20] =	vst v13;
	v13 =	vmul.f32 v32, v15;
	v21 =	vld [tilespmem:s24+$0x40]  }
0x88: {  	v8 =	vmul.f32 v8, v22;
	v22 =	vmul.f32 v19, v23;
	[tilespmem:s24+$0xFFFFFF30] =	vst v11;
	v11 =	vld [tilespmem:s24+$0x50]  }
0x89: {  	v23 =	vmul.f32 v39, v20;
	v25 =	vmul.f32 v42, v25;
	[tilespmem:s24+$0xFFFFFF40] =	vst v9;
	v9 =	vld [tilespmem:s24+$0x60]  }
0x8a: {  	v19 =	vmul.f32 v45, v33;
	v18 =	vmul.f32 v17, v34;
	[tilespmem:s24+$0xFFFFFF50] =	vst v14;
	v27 =	vld [tilespmem:s24+$0x70]  }
0x8b: {  	v17 =	vmul.f32 v48, v35;
	v15 =	vmul.f32 v36, v16;
	[tilespmem:s24+$0xFFFFFF60] =	vst v7;
	v28 =	vld [tilespmem:s24+$0x80]  }
0x8c: {  	v16 =	vmul.f32 v24, v37;
	v14 =	vmul.f32 v12, v38;
	[tilespmem:s24+$0xFFFFFF70] =	vst v13;
	v24 =	vld [tilespmem:s24+$0x90]  }
.Ltmp1:
0x8d: {  	v13 =	vmul.f32 v26, v40;
	v12 =	vmul.f32 v21, v41;
	[tilespmem:s24+$0xFFFFFF80] =	vst v10;
	v20 =	vld [tilespmem:s24+$0xA0];
	(pc) =	sbr.rel @p0 .LBB2_5-.Ltmp1, $4  }
0x8e: {  	v11 =	vmul.f32 v11, v43;
	[tilespmem:s24+$0xFFFFFF90] =	vst v8;
	v9 =	vmul.f32 v9, v44;
	v21 =	vld [tilespmem:s24+$0xB0]  }
0x8f: {  	[tilespmem:s24+$0xFFFFFFA0] =	vst v22;
	v7 =	vmul.f32 v27, v46;
	v22 =	vld [tilespmem:s24+$0xC0]  }
0x90: {  	[tilespmem:s24+$0xFFFFFFB0] =	vst v23;
	v10 =	vmul.f32 v6, v28;
	v6 =	vld [tilespmem:s24+$0xD0]  }
0x91: {  	s28 =	sadd.s32 $0x40, s28;
	[tilespmem:s24+$0xFFFFFFC0] =	vst v25;
	v8 =	vmul.f32 v24, v47;
	v23 =	vld [tilespmem:s24+$0xE0]  }
0x92: {  	[tilespmem:s24+$0xFFFFFFD0] =	vst v19  }
0x93: {  	[tilespmem:s25+$0x0] =	vst v15  }
0x94: {  	[tilespmem:s25+$0x10] =	vst v16  }
0x95: {  	[tilespmem:s25+$0x20] =	vst v14  }
0x96: {  	[tilespmem:s25+$0x30] =	vst v13  }
0x97: {  	[tilespmem:s25+$0x40] =	vst v12  }
0x98: {  	[tilespmem:s25+$0x50] =	vst v11  }
0x99: {  	[tilespmem:s25+$0x60] =	vst v9  }
0x9a: {  	[tilespmem:s25+$0x70] =	vst v7  }
0x9b: {  	[tilespmem:s25+$0x80] =	vst v10  }
0x9c: {  	[tilespmem:s25+$0xFFFFFFE0] =	vst v18  }
0x9d: {  	v5 =	vmul.f32 v20, v5;
	[tilespmem:s25+$0xFFFFFFF0] =	vst v17  }
0x9e: {  	v2 =	vmul.f32 v21, v2;
	[tilespmem:s25+$0x90] =	vst v8  }
0x9f: {  	v3 =	vmul.f32 v22, v3;
	[tilespmem:s25+$0xA0] =	vst v5  }
0xa0: {  	v1 =	vmul.f32 v6, v1;
	[tilespmem:s25+$0xB0] =	vst v2  }
0xa1: {  	s23 =	sadd.s32 $0x1, s23;
	v2 =	vmul.f32 v23, v4;
	[tilespmem:s25+$0xC0] =	vst v3  }
0xa2: {  	p0 =	sne.s32 s23, $0x7D;
	[tilespmem:s25+$0xD0] =	vst v1  }
.Ltmp2:
0xa3: {  	[tilespmem:s25+$0xE0] =	vst v2;
	(pc) =	sbr.rel @p0 .LBB2_4-.Ltmp2, $4  }
0xa4: {  	[spmem:s3] =	stream.indirect.scatter.add.f32 [tilespmem:s20], [sflag:$0x1], $0x80, s18, s19, $0xb8;
	[tilespmem:$0x1AE00] =	vst v63  }
0xa5: {  	_ =	swait.ge [sflag:s17], $0x2800  }
0xa6: {  	[sflag:s17] =	ssyncset.done $0x0  }
0xa7: {  	[sflag:s17] =	ssyncadd.s32 $0xFFFFD800  }
0xa8: {  	s22 =	sadd.s32 $0x1, s22  }
0xa9: {  	s23 =	sshll.u32 s1, $0x6;
	[bflag:$0x0] =	sbarrier.arrive $0xFFFF;
	p0 =	sne.s32 s22, s15  }
.Ltmp3:
0xaa: {  	s24 =	sshrl.u32 s8, $0x3;
	s23 =	sor.u32 $0x1C01, s23;
	(pc) =	sbr.rel @p0 .LBB2_1-.Ltmp3, $4  }
0xab: {  	[hbm:s14], [sflag:s23] =	dma.local [spmem:s24], $0x2800  }
0xac: {  	_ =	swait.ge [sflag:s17], $0x2800  }
0xad: {  	[sflag:s17] =	ssyncset.done $0x0  }
0xae: {  	[sflag:s17] =	ssyncadd.s32 $0xFFFFD800  }
0xaf: {  	_ =	sfence.sel $0x180000  }
0xb0: {  	[bflag:$0x0] =	sbarrier.arrive $0xFFFF  }
0xb1: {  	p0 =	sne.s32 s1, $0x0;
	_ =	strace $0x9000004A  }
0xb2: {  	s0 =	sadd.s32 @!p0 $0x100000, s0;
	[bflag:$0x2] =	sbarrier.arrive $0xFFFF  }
0xb3: {  	[sflag:s0] =	ssyncadd.tile.s32 @!p0 $0x1;
	_ =	shalt  }
.Lfunc_end2:
_tile_overlayer_lowered:
.L_overlay_start_2:
0xb4: {  	(tag) =	ssettag $0x2  }
0xb5: {  	s0 =	rddreg [dreg:$0x0];
	s2 =	stileid.u32  }
0xb6: {  	s1 =	rddreg [dreg:$0x1];
	p0 =	sne.s32 s2, $0x0  }
0xb7: {  	s3 =	rddreg [dreg:$0x2];
	[bflag:$0x3] =	sbarrier.arrive $0xFFFF;
	s2 =	simm.s32 @!p0 $0x1C01  }
0xb8: {  	[timem:s3], [sflag:s2] =	dma.local @!p0 [hbm:s0], s1  }
0xb9: {  	s0 =	simm.s32 @!p0 $0x1  }
0xba: {  	_ =	swait.ge @!p0 [sflag:s0], s1  }
0xbb: {  	s1 =	ssub.s32 @!p0 $0x0, s1;
	[sflag:s0] =	ssyncset.done @!p0 $0x0  }
0xbc: {  	[sflag:s0] =	ssyncadd.s32 @!p0 s1  }
0xbd: {  	[bflag:$0x3] =	sbarrier.arrive $0xFFFF  }
0xbe: {  	_ =	shalt  }

// kernel: kernel.18.cloned.1.call-start
scs
__scs_entry_jumppad:
0x0: {  	(pc) =	sbr.rel $0x88, $3  }
0x1: {  	(tag) =	ssettag $0x0;
	lr =	simm.s32 $0x1  }
0x2: {  	[smem:$0x3F96] =	sst lr;
	_ =	strace $0xD0000000  }
0x3: {  	_ = 	snop  }
0x4: {  	_ = 	snop  }
0x5: {  	_ = 	snop  }
0x6: {  	_ = 	snop  }
0x7: {  	_ = 	snop  }
__scs_overlays_trampoline_lowered:
0x8: {  	[smem:$0x3FA5] =	sst s0  }
0x9: {  	[smem:$0x3FA6] =	sst s1  }
0xa: {  	[smem:$0x3FA7] =	sst s2  }
0xb: {  	[smem:$0x3FA8] =	sst s3  }
0xc: {  	[smem:$0x3FA9] =	sst s4  }
0xd: {  	[smem:$0x3FAA] =	sst s5  }
0xe: {  	[smem:$0x3FAB] =	sst s6  }
0xf: {  	[smem:$0x3FAC] =	sst s7  }
0x10: {  	[smem:$0x3FAD] =	sst s8  }
0x11: {  	[smem:$0x3FAE] =	sst s9;
	s0 =	simm.s32 @!p0 $0x0  }
0x12: {  	s1 =	sld [smem:$0x3F94];
	s0 =	simm.s32 @p0 $0x1  }
0x13: {  	[smem:$0x3FAF] =	sst s0;
	s0 =	simm.s32 @!p1 $0x0  }
0x14: {  	s2 =	sld [smem:$0x3F93];
	s0 =	simm.s32 @p1 $0x1  }
0x15: {  	[smem:$0x3FB0] =	sst s0;
	s0 =	simm.s32 @!p2 $0x0  }
0x16: {  	s3 =	sld [smem:$0x3FDB];
	s0 =	simm.s32 @p2 $0x1  }
0x17: {  	s4 =	simm.s32 $0x1BF5;
	[smem:$0x3FB2] =	sst s0  }
0x18: {  	s0 =	sld [smem:$0x3F95];
	_ =	swait.ge [sflag:s4], $0x0  }
0x19: {  	s7 =	sld [smem:$0x3F96]  }
0x1a: {  	s8 =	sadd.s32 $0xFFFFE003, lr  }
0x1b: {  	s9 =	sadd.s32 $0xFFFFFEF7, lr;
	s5 =	simm.s32 $0xFFFFFFFF;
	p2 =	slt.u32 s8, $0xFFFFF086  }
0x1c: {  	p1 =	slt.u32 s9, $0xF7A;
	s5 =	simm.s32 @!p2 $0x0  }
0x1d: {  	s5 =	simm.s32 @p1 $0x1;
	p0 =	seq.s32 s7, s2  }
0x1e: {  	s7 =	smul.u32 @!p0 $0xF7A, s2;
	p2 =	seq.s32 @!p0 s5, $0x0  }
0x1f: {  	s9 =	smul.u32 $0xF7A, s1;
	s8 =	simm.s32 @!p0 $0x1BF5;
	p2 =	por !p2, p0  }
0x20: {  	[sflag:s8] =	ssyncset.s32 @!p0 $0xFFFFF086;
	s6 =	sadd.s32 @!p0 s3, s7;
	s7 =	simm.s32 @!p0 $0x108  }
0x21: {  	s3 =	sadd.s32 s3, s9;
	s6 =	sadd.s32 @!p0 $0x88, s6;
	s7 =	simm.s32 @p2 $0x1082  }
0x22: {  	[simem:s7], [sflag:s8] =	dma.local @!p0 [hbm:s6], $0xF7A  }
0x23: {  	s9 =	sor.u32 $0xD0000000, s2;
	s6 =	simm.s32 $0x108;
	_ =	swait.ge @!p0 [sflag:s8], $0x0  }
0x24: {  	s3 =	sadd.s32 $0x88, s3;
	s6 =	simm.s32 @!p1 $0x1082;
	[sflag:s4] =	ssyncset.s32 $0xFFFFF086  }
0x25: {  	[simem:s6], [sflag:s4] =	dma.local [hbm:s3], $0xF7A  }
0x26: {  	[smem:$0x3F96] =	sst s1;
	(tag) =	ssettag s2;
	_ =	strace s9  }
0x27: {  	s1 =	sld [smem:$0x3FA6]  }
0x28: {  	s2 =	sld [smem:$0x3FA7]  }
0x29: {  	s4 =	sld [smem:$0x3FA9]  }
0x2a: {  	p0 =	seq.s32 s5, $0x0;
	s5 =	sld [smem:$0x3FAA]  }
0x2b: {  	s6 =	sld [smem:$0x3FAB]  }
0x2c: {  	s7 =	sld [smem:$0x3FAC]  }
0x2d: {  	s3 =	simm.s32 $0x108;
	s8 =	sld [smem:$0x3FAD]  }
0x2e: {  	s3 =	simm.s32 @!p0 $0x1082;
	s9 =	sld [smem:$0x3FAE]  }
0x2f: {  	lr =	sadd.s32 s0, s3;
	s0 =	sld [smem:$0x3FA5]  }
0x30: {  	s3 =	sld [smem:$0x3FA8]  }
0x31: {  	[smem:$0x3FB1] =	sst s10  }
0x32: {  	s10 =	sld [smem:$0x3FAF];
	_ =	sdelay $0x3  }
0x33: {  	p0 =	seq.s32 s10, $0x1;
	s10 =	sld [smem:$0x3FB1];
	_ =	sdelay $0x3  }
0x34: {  	[smem:$0x3FB1] =	sst s10  }
0x35: {  	s10 =	sld [smem:$0x3FB0];
	_ =	sdelay $0x3  }
0x36: {  	p1 =	seq.s32 s10, $0x1;
	s10 =	sld [smem:$0x3FB1];
	_ =	sdelay $0x3  }
0x37: {  	[smem:$0x3FB1] =	sst s10  }
0x38: {  	s10 =	sld [smem:$0x3FB2]  }
0x39: {  	_ = 	snop;
	(pc) =	sbr.ind lr, $3  }
0x3a: {  	_ = 	snop  }
0x3b: {  	_ = 	snop  }
0x3c: {  	p2 =	seq.s32 s10, $0x1;
	s10 =	sld [smem:$0x3FB1]  }
0x3d: {  	_ =	shalt  }
0x3e: {  	_ =	shalt  }
0x3f: {  	_ =	shalt  }
0x40: {  	_ =	shalt  }
0x41: {  	_ =	shalt  }
0x42: {  	_ =	shalt  }
0x43: {  	_ =	shalt  }
0x44: {  	_ =	shalt  }
0x45: {  	_ =	shalt  }
0x46: {  	_ =	shalt  }
0x47: {  	_ =	shalt  }
0x48: {  	_ =	shalt  }
0x49: {  	_ =	shalt  }
0x4a: {  	_ =	shalt  }
0x4b: {  	_ =	shalt  }
0x4c: {  	_ =	shalt  }
0x4d: {  	_ =	shalt  }
0x4e: {  	_ =	shalt  }
0x4f: {  	_ =	shalt  }
0x50: {  	_ =	shalt  }
0x51: {  	_ =	shalt  }
0x52: {  	_ =	shalt  }
0x53: {  	_ =	shalt  }
0x54: {  	_ =	shalt  }
0x55: {  	_ =	shalt  }
0x56: {  	_ =	shalt  }
0x57: {  	_ =	shalt  }
0x58: {  	_ =	shalt  }
0x59: {  	_ =	shalt  }
0x5a: {  	_ =	shalt  }
0x5b: {  	_ =	shalt  }
0x5c: {  	_ =	shalt  }
0x5d: {  	_ =	shalt  }
0x5e: {  	_ =	shalt  }
0x5f: {  	_ =	shalt  }
0x60: {  	_ =	shalt  }
0x61: {  	_ =	shalt  }
0x62: {  	_ =	shalt  }
0x63: {  	_ =	shalt  }
0x64: {  	_ =	shalt  }
0x65: {  	_ =	shalt  }
0x66: {  	_ =	shalt  }
0x67: {  	_ =	shalt  }
0x68: {  	_ =	shalt  }
0x69: {  	_ =	shalt  }
0x6a: {  	_ =	shalt  }
0x6b: {  	_ =	shalt  }
0x6c: {  	_ =	shalt  }
0x6d: {  	_ =	shalt  }
0x6e: {  	_ =	shalt  }
0x6f: {  	_ =	shalt  }
0x70: {  	_ =	shalt  }
0x71: {  	_ =	shalt  }
0x72: {  	_ =	shalt  }
0x73: {  	_ =	shalt  }
0x74: {  	_ =	shalt  }
0x75: {  	_ =	shalt  }
0x76: {  	_ =	shalt  }
0x77: {  	_ =	shalt  }
0x78: {  	_ =	shalt  }
0x79: {  	_ =	shalt  }
0x7a: {  	_ =	shalt  }
0x7b: {  	_ =	shalt  }
0x7c: {  	_ =	shalt  }
0x7d: {  	_ =	shalt  }
0x7e: {  	_ =	shalt  }
0x7f: {  	_ =	shalt  }
0x80: {  	_ =	shalt  }
0x81: {  	_ =	shalt  }
0x82: {  	_ =	shalt  }
0x83: {  	_ =	shalt  }
0x84: {  	_ =	shalt  }
0x85: {  	_ =	shalt  }
0x86: {  	_ =	shalt  }
0x87: {  	_ =	shalt  }
.Lfunc_end0:
.L_simem_size_0:
called_computation.2_lowered:
.L_overlay_start_0:
0x88: {  	s2 =	sld [smem:$0x3FD9]  }
0x89: {  	s3 =	sld [smem:$0x3FFE];
	_ =	sdelay $0x1  }
0x8a: {  	s1 =	srdreg.scid  }
0x8b: {  	s0 =	sand.u32 $0x1, s1  }
0x8c: {  	s17 =	sshll.u32 s0, $0xA;
	s2 =	sadd.s32 s3, s2  }
0x8d: {  	s2 =	sadd.s32 s2, s17  }
0x8e: {  	[smem:$0x3FBD] =	sst s2  }
0x8f: {  	_ = 	snop  }
0x90: {  	s2 =	sld [smem:$0x3FD0];
	(tm) =	ssettm $0x1  }
0x91: {  	s18 =	sld [smem:$0x3FFB];
	_ =	sdelay $0x3  }
0x92: {  	_ =	strace s18  }
0x93: {  	s3 =	sld [smem:$0x3FFC];
	_ =	sdelay $0x3  }
0x94: {  	_ =	strace s3  }
0x95: {  	s3 =	sld [smem:$0x3FFD];
	_ =	sdelay $0x3  }
0x96: {  	_ =	strace s3  }
0x97: {  	_ =	strace $0x8FFFFFFF  }
0x98: {  	s19 =	sld [smem:$0x3FDB];
	_ =	sdelay $0x1  }
0x99: {  	s4 =	simm.s32 $_scs_section_size  }
0x9a: {  	s5 =	simm.s32 $_size__tile_overlayer_lowered;
	s6 =	simm.s32 $_tile_overlayer_lowered  }
0x9b: {  	s22 =	simm.s32 $0x1BFF;
	s21 =	sshll.u32 s6, $0x1;
	s3 =	sadd.s32 s4, s19  }
0x9c: {  	s7 =	simm.s32 $0x0;
	s20 =	sshll.u32 s5, $0x1;
	s5 =	sadd.s32 s21, s3  }
0x9d: {  	[timem:s7], [sflag:s22] =	dma.local [hbm:s5], s20  }
0x9e: {  	_ =	swait.ge [sflag:s22], s20  }
0x9f: {  	s4 =	ssub.s32 $0x0, s20;
	[sflag:s22] =	ssyncset.done $0x0  }
0xa0: {  	[sflag:s22] =	ssyncadd.s32 s4;
	_ =	sdelay $0x1  }
0xa1: {  	s23 =	simm.s32 $0x1B8B  }
0xa2: {  	_ =	swait.ge [sflag:s23], $0x1  }
0xa3: {  	[sflag:s23] =	ssyncset.done $0x0  }
0xa4: {  	s25 =	simm.s32 $0x1B8E;
	s24 =	sld [smem:$0x3FFE];
	[sflag:s23] =	ssyncadd.s32 $0xFFFFFFFF  }
0xa5: {  	s26 =	simm.s32 $execute0_lowered;
	[smem:$0x3FD2] =	sst s25  }
0xa6: {  	s5 =	sshll.u32 s26, $0x1;
	_ =	strace $0x8000004C;
	[dreg:$0x1] =	wrdreg $0xFFFFFFFF  }
0xa7: {  	s28 =	simm.s32 $_size_execute0_lowered;
	s3 =	sadd.s32 s3, s5;
	[dreg:$0x0] =	wrdreg $0x0  }
0xa8: {  	s5 =	sshll.u32 s28, $0x1;
	[dreg:$0x2] =	wrdreg s3  }
0xa9: {  	[dreg:$0x3] =	wrdreg s5  }
0xaa: {  	[dreg:$0x4] =	wrdreg $0xC0  }
0xab: {  	_ =	task [dreg:s7], $0x5FFFF  }
0xac: {  	[dreg:$0x1] =	wrdreg $0xFFFFFFFF  }
0xad: {  	[dreg:$0x0] =	wrdreg $0x60  }
0xae: {  	[dreg:$0x2] =	wrdreg s24  }
0xaf: {  	[dreg:$0x3] =	wrdreg s2  }
0xb0: {  	[dreg:$0x4] =	wrdreg $0xBE000  }
0xb1: {  	[dreg:$0x5] =	wrdreg $0x9  }
0xb2: {  	_ =	task.clear_ibuf [dreg:s7], $0x6FFFF;
	_ =	strace $0x9000004C  }
0xb3: {  	s29 =	simm.s32 $0x9;
	_ =	strace $0x8000004E  }
0xb4: {  	_ =	swait.ge [sflag:s29], $0x1  }
0xb5: {  	[sflag:s29] =	ssyncadd.s32 $0xFFFFFFFF  }
0xb6: {  	_ =	strace $0x9000004E  }
0xb7: {  	_ =	sfence  }
0xb8: {  	s30 =	sld [smem:$0x0];
	_ =	sdelay $0x2  }
0xb9: {  	s31 =	sshll.u32 s1, $0xD;
	s1 =	sshrl.u32 s1, $0x2  }
0xba: {  	s3 =	sand.u32 $0x4000, s31;
	s1 =	sadd.s32 s1, s30  }
0xbb: {  	s0 =	sor.u32 s3, s0;
	s1 =	sshll.u32 s1, $0x11  }
0xbc: {  	s0 =	sor.u32 s1, s0  }
0xbd: {  	s0 =	sadd.s32 $0x8F2B, s0  }
0xbe: {  	[sflag:s0] =	ssyncadd.remote.s32 $0x1  }
0xbf: {  	_ =	sfence.sel $0xFFFF  }
0xc0: {  	[dreg:$0x0] =	wrdreg $0xFFFFFFFF;
	(pc) =	sbr.abs _section_cstart, $3  }
0xc1: {  	[dreg:$0x1] =	wrdreg $0xFFFFFFFF  }
0xc2: {  	_ =	task.clear_ibuf [dreg:s7], $0x2FFFF;
	_ =	strace $0x9FFFFFFF  }
0xc3: {  	(tm) =	ssettm $0x7FFFFFFF  }
tec
execute0_lowered:
.L_overlay_start_1:
0x0: {  	(tag) =	ssettag $0x1  }
0x1: {  	s0 =	rddreg [dreg:$0x0]  }
0x2: {  	s1 =	rddreg [dreg:$0x1]  }
0x3: {  	s2 =	rddreg [dreg:$0x2]  }
0x4: {  	s3 =	srdreg.scid;
	s4 =	simm.s32 $0x0;
	s11 =	stileid.u32  }
0x5: {  	s16 =	simm.s32 $0x7E00;
	s17 =	simm.s32 $0x1;
	s18 =	simm.s32 $0x80  }
0x6: {  	s19 =	simm.s32 $0x50;
	s20 =	simm.s32 $0x100;
	s21 =	simm.s32 $0x2900  }
0x7: {  	s22 =	simm.s32 $0x5100;
	s23 =	simm.s32 $0x5600;
	s24 =	simm.s32 $0x0  }
0x8: {  	s3 =	sand.u32 $0x1, s3;
	[smem:$0x7FF] =	sst s4;
	s8 =	smul.u32 $0x14000, s11  }
0x9: {  	s5 =	sadd.s32 $0xCE00, s0;
	s6 =	sadd.s32 $0x3000, s0;
	s9 =	smul.u32 $0x50000, s11  }
0xa: {  	s7 =	smul.u32 $0x140000, s3;
	s30 =	ssub.s32 $0x2, s3;
	s3 =	sshll.u32 s3, $0x4  }
0xb: {  	_ =	strace $0x8000004D;
	s10 =	sshrl.u32 s30, $0x1;
	s3 =	sor.u32 s11, s3  }
0xc: {  	s9 =	sshrl.u32 s9, $0x2;
	s8 =	sadd.s32 s8, s7;
	s7 =	sadd.s32 $0x5CE00, s0  }
0xd: {  	s10 =	ssub.s32 s30, s10;
	s9 =	sadd.s32 s9, s2;
	s8 =	sshrl.u32 s8, $0x3  }
0xe: {  	s31 =	sadd.s32 $0x4000, s9;
	s11 =	sadd.s32 $0x8000, s9;
	s12 =	sadd.s32 $0xC000, s9  }
0xf: {  	s13 =	sadd.s32 $0x10000, s9;
	s15 =	smax.u32 s10, $0x1;
	s0 =	sadd.s32 s8, s0  }
0x10: {  	v0 =	vimm.f32 $0.0e+00;
	vm0 =	vmmov $0xff;
	s8 =	smul.u32 $0x2710, s3;
	[dreg:$0x4] =	wrdreg s31;
	s14 =	sadd.s32 $0xF9200, s0  }
.LBB2_1:
0x11: {  	s0 =	simm.s32 $0x7E40  }
0x12: {  	[tilespmem:s0+$0xFFFFFFC0] =	vst v0  }
0x13: {  	[tilespmem:s0+$0x30] =	vst v0  }
0x14: {  	[tilespmem:s0+$0x20] =	vst v0  }
0x15: {  	[tilespmem:s0+$0x10] =	vst v0  }
0x16: {  	[tilespmem:s0+$0x0] =	vst v0  }
0x17: {  	[tilespmem:s0+$0xFFFFFFF0] =	vst v0  }
0x18: {  	s3 =	simm.s32 $0x0;
	[tilespmem:s0+$0xFFFFFFE0] =	vst v0  }
.LBB2_2:
0x19: {  	s3 =	sadd.s32 $0x8, s3;
	[tilespmem:s0+$0xFFFFFFD0] =	vst v0;
	s0 =	sadd.s32 $0x80, s0  }
0x1a: {  	[tilespmem:s0+$0xFFFFFFC0] =	vst v0;
	p0 =	slt.u32 s3, $0x3F8  }
0x1b: {  	[tilespmem:s0+$0x30] =	vst v0  }
.Ltmp0:
0x1c: {  	[tilespmem:s0+$0x20] =	vst v0;
	(pc) =	sbr.rel @p0 .LBB2_2-.Ltmp0, $4  }
0x1d: {  	[tilespmem:s0+$0x10] =	vst v0  }
0x1e: {  	[tilespmem:s0+$0x0] =	vst v0  }
0x1f: {  	[tilespmem:s0+$0xFFFFFFF0] =	vst v0  }
0x20: {  	[tilespmem:s0+$0xFFFFFFE0] =	vst v0  }
0x21: {  	[tilespmem:s0+$0xFFFFFFD0] =	vst v0  }
0x22: {  	[spmem:s9] =	stream.linear.scatter [tilespmem:s16], [sflag:$0x1], $0x4000, $0x38;
	[tilespmem:$0x1FE00] =	vst v63  }
0x23: {  	_ =	swait.ge [sflag:s17], $0x4000  }
0x24: {  	[sflag:s17] =	ssyncset.done $0x0  }
0x25: {  	s31 =	rddreg [dreg:$0x4];
	[sflag:s17] =	ssyncadd.s32 $0xFFFFC000  }
0x26: {  	[spmem:s31] =	stream.linear.scatter [tilespmem:s16], [sflag:$0x1], $0x4000, $0x38;
	[tilespmem:$0x1FE00] =	vst v63  }
0x27: {  	_ =	swait.ge [sflag:s17], $0x4000  }
0x28: {  	[sflag:s17] =	ssyncset.done $0x0  }
0x29: {  	[sflag:s17] =	ssyncadd.s32 $0xFFFFC000  }
0x2a: {  	[spmem:s11] =	stream.linear.scatter [tilespmem:s16], [sflag:$0x1], $0x4000, $0x38;
	[tilespmem:$0x1FE00] =	vst v63  }
0x2b: {  	_ =	swait.ge [sflag:s17], $0x4000  }
0x2c: {  	[sflag:s17] =	ssyncset.done $0x0  }
0x2d: {  	[sflag:s17] =	ssyncadd.s32 $0xFFFFC000  }
0x2e: {  	[spmem:s12] =	stream.linear.scatter [tilespmem:s16], [sflag:$0x1], $0x4000, $0x38;
	[tilespmem:$0x1FE00] =	vst v63  }
0x2f: {  	_ =	swait.ge [sflag:s17], $0x4000  }
0x30: {  	[sflag:s17] =	ssyncset.done $0x0  }
0x31: {  	[sflag:s17] =	ssyncadd.s32 $0xFFFFC000  }
0x32: {  	[spmem:s13] =	stream.linear.scatter [tilespmem:s16], [sflag:$0x1], $0x4000, $0x38;
	[tilespmem:$0x1FE00] =	vst v63  }
0x33: {  	_ =	swait.ge [sflag:s17], $0x4000  }
0x34: {  	[sflag:s17] =	ssyncset.done $0x0  }
0x35: {  	[sflag:s17] =	ssyncadd.s32 $0xFFFFC000  }
0x36: {  	s25 =	simm.s32 $0x0;
	[bflag:$0x0] =	sbarrier.arrive $0xFFFF  }
.LBB2_4:
0x37: {  	s0 =	smul.u32 $0x50, s25;
	_ =	sdelay $0x1  }
0x38: {  	s26 =	sadd.s32 s8, s0  }
0x39: {  	s0 =	sshrl.u32 s26, $0x3  }
0x3a: {  	s3 =	sadd.s32 s6, s0  }
0x3b: {  	[tilespmem:s4], [sflag:$0x1] =	stream.linear.gather [hbm4b:s3+s4], $0x50, $0x38;
	[tilespmem:$0x1FE00] =	vst v63  }
0x3c: {  	_ =	swait.ge [sflag:s17], $0x50  }
0x3d: {  	[sflag:s17] =	ssyncset.done $0x0  }
0x3e: {  	s0 =	sadd.s32 s1, s0;
	[sflag:s17] =	ssyncadd.s32 $0xFFFFFFB0  }
0x3f: {  	[tilespmem:s18], [sflag:$0x1] =	stream.linear.gather [hbm4b:s0+s4], $0x50, $0x38;
	[tilespmem:$0x1FE00] =	vst v63  }
0x40: {  	_ =	swait.ge [sflag:s17], $0x50  }
0x41: {  	[sflag:s17] =	ssyncset.done $0x0  }
0x42: {  	[sflag:s17] =	ssyncadd.s32 $0xFFFFFFB0  }
0x43: {  	[tilespmem:s20], [sflag:$0x1] =	stream.indirect.gather [hbm4b:s5+s19], $0x80, s4, s19, $0xb8;
	[tilespmem:$0x1FE00] =	vst v63  }
0x44: {  	_ =	swait.ge [sflag:s17], $0x2800  }
0x45: {  	[sflag:s17] =	ssyncset.done $0x0  }
0x46: {  	[sflag:s17] =	ssyncadd.s32 $0xFFFFD800  }
0x47: {  	[tilespmem:s21], [sflag:$0x1] =	stream.indirect.gather [hbm4b:s5+s19], $0x80, s18, s19, $0xb8;
	[tilespmem:$0x1FE00] =	vst v63  }
0x48: {  	_ =	swait.ge [sflag:s17], $0x2800  }
0x49: {  	[sflag:s17] =	ssyncset.done $0x0  }
0x4a: {  	s3 =	simm.s32 $0x2A10;
	[sflag:s17] =	ssyncadd.s32 $0xFFFFD800  }
0x4b: {  	v1 =	vld [tilespmem:s3+$0xFFFFFF00]  }
0x4c: {  	s10 =	simm.s32 $0x200;
	v2 =	vld [tilespmem:s3+$0x0]  }
0x4d: {  	v3 =	vld [tilespmem:s10+$0x80]  }
0x4e: {  	v4 =	vld [tilespmem:s3+$0x80]  }
0x4f: {  	v5 =	vld [tilespmem:s10+$0x0]  }
0x50: {  	v6 =	vld [tilespmem:s10+$0xFFFFFF00];
	_ =	sdelay $0x2  }
0x51: {  	v3 =	vadd.f32 v4, v3  }
0x52: {  	v2 =	vadd.f32 v2, v5  }
0x53: {  	v1 =	vadd.f32 v1, v6;
	v4 =	vmul.f32 $2.000000030e-01, v3  }
0x54: {  	v7 =	vld [tilespmem:s10+$0xFFFFFF80];
	v6 =	vmul.f32 $2.000000030e-01, v2  }
0x55: {  	v5 =	vld [tilespmem:s3+$0xFFFFFF80];
	v8 =	vmul.f32 $2.000000030e-01, v1;
	v3 =	vmax.f32 v3, v4  }
0x56: {  	v2 =	vmax.f32 v2, v6;
	v3 =	vmul.f32 $1.442695020e+00, v3  }
0x57: {  	v1 =	vmax.f32 v1, v8;
	v2 =	vmul.f32 $1.442695020e+00, v2  }
0x58: {  	v1 =	vmul.f32 $1.442695020e+00, v1;
	(erf) = vpow2.f32 v3  }
0x59: {  	(erf) = vpow2.f32 v2  }
0x5a: {  	v2 =	vadd.f32 v5, v7;
	(erf) = vpow2.f32 v1;
	_ =	sdelay $0x1  }
0x5b: {  	v1 =	vmul.f32 $2.000000030e-01, v2;
	_ =	sdelay $0x1  }
0x5c: {  	v1 =	vmax.f32 v2, v1  }
0x5d: {  	v1 =	vmul.f32 $1.442695020e+00, v1;
	_ =	sdelay $0x1  }
0x5e: {  	(erf) = vpow2.f32 v1;
	v3 =	vpop (erf)  }
0x5f: {  	s29 =	simm.s32 $0x5120;
	v1 =	vnsel vm0, $0x0, v3;
	v7 =	vbroadcast v3, $0x4;
	v10 =	vbroadcast v3, $0x6;
	v4 =	vpop (erf)  }
0x60: {  	v8 =	vbroadcast v3, $0x0;
	v16 =	vbroadcast v3, $0x2;
	v2 =	vnsel vm0, $0x0, v4;
	[tilespmem:s29+$0x10] =	vst v1;
	v9 =	vpop (erf)  }
0x61: {  	v5 =	vbroadcast v4, $0x6;
	v11 =	vbroadcast v4, $0x4;
	v1 =	vnsel vm0, $0x0, v9;
	[tilespmem:s29+$0x0] =	vst v2  }
0x62: {  	s28 =	simm.s32 $0x5700;
	v14 =	vbroadcast v4, $0x3;
	v12 =	vbroadcast v4, $0x5;
	[tilespmem:s29+$0xFFFFFFE0] =	vst v1  }
0x63: {  	v6 =	vbroadcast v9, $0x2;
	v1 =	vbroadcast v9, $0x1;
	[tilespmem:s28+$0x60] =	vst v5  }
0x64: {  	v13 =	vbroadcast v9, $0x5;
	v2 =	vbroadcast v4, $0x0;
	[tilespmem:s28+$0x40] =	vst v11  }
0x65: {  	v18 =	vbroadcast v9, $0x4;
	v15 =	vbroadcast v9, $0x0;
	[tilespmem:s28+$0xFFFFFF20] =	vst v6  }
0x66: {  	v19 =	vbroadcast v9, $0x7;
	v17 =	vbroadcast v9, $0x6;
	[tilespmem:s28+$0xFFFFFF50] =	vst v13  }
0x67: {  	s31 =	simm.s32 $0x0;
	s30 =	simm.s32 $0x5120;
	v5 =	vbroadcast v4, $0x1;
	v6 =	vbroadcast v4, $0x2;
	[tilespmem:s28+$0xFFFFFF10] =	vst v1;
	v1 =	vpop (erf)  }
0x68: {  	s0 =	simm.s32 $0x2C10;
	s10 =	simm.s32 $0x5700;
	s3 =	simm.s32 $0x400;
	[tilespmem:s28+$0xFFFFFF00] =	vst v15;
	v15 =	vbroadcast v3, $0x3;
	v13 =	vnsel vm0, $0x0, v1;
	v11 =	vbroadcast v1, $0x4  }
.LBB2_5:
0x69: {  	v20 =	vld [tilespmem:s0+$0xFFFFFF00];
	s31 =	sadd.s32 $0x4, s31;
	[tilespmem:s28+$0xFFFFFF70] =	vst v19;
	v19 =	vbroadcast v3, $0x1;
	s29 =	sadd.s32 $0x40, s29;
	s10 =	sadd.s32 $0x200, s10  }
0x6a: {  	v21 =	vld [tilespmem:s0+$0xFFFFFF80];
	p0 =	slt.u32 s31, $0x4C;
	[tilespmem:s28+$0xE0] =	vst v10  }
0x6b: {  	v10 =	vld [tilespmem:s0+$0x0];
	[tilespmem:s28+$0xFFFFFF40] =	vst v18;
	v18 =	vbroadcast v3, $0x5  }
0x6c: {  	v23 =	vbroadcast v1, $0x0;
	v24 =	vbroadcast v1, $0x5;
	v22 =	vld [tilespmem:s3+$0x80];
	[tilespmem:s28+$0x30] =	vst v14  }
0x6d: {  	v14 =	vld [tilespmem:s0+$0x80];
	[tilespmem:s28+$0x90] =	vst v19  }
0x6e: {  	v19 =	vld [tilespmem:s3+$0x0];
	[tilespmem:s28+$0xC0] =	vst v7  }
0x6f: {  	v7 =	vld [tilespmem:s3+$0xFFFFFF00];
	[tilespmem:s28+$0xD0] =	vst v18  }
0x70: {  	v9 =	vbroadcast v9, $0x3;
	v18 =	vld [tilespmem:s3+$0xFFFFFF80];
	[tilespmem:s28+$0x80] =	vst v8  }
0x71: {  	[tilespmem:s28+$0xFFFFFF60] =	vst v17  }
0x72: {  	v8 =	vadd.f32 v14, v22;
	[tilespmem:s28+$0x50] =	vst v12  }
0x73: {  	v10 =	vadd.f32 v10, v19;
	[tilespmem:s28+$0xA0] =	vst v16  }
0x74: {  	v3 =	vbroadcast v3, $0x7;
	v7 =	vadd.f32 v20, v7;
	v12 =	vmul.f32 $2.000000030e-01, v8;
	[tilespmem:s28+$0xFFFFFF30] =	vst v9  }
0x75: {  	v9 =	vadd.f32 v21, v18;
	v14 =	vmul.f32 $2.000000030e-01, v10;
	[tilespmem:s28+$0xB0] =	vst v15  }
0x76: {  	v4 =	vbroadcast v4, $0x7;
	v15 =	vmul.f32 $2.000000030e-01, v7;
	v8 =	vmax.f32 v8, v12;
	[tilespmem:s28+$0xF0] =	vst v3  }
0x77: {  	v3 =	vmul.f32 $2.000000030e-01, v9;
	v10 =	vmax.f32 v10, v14;
	v8 =	vmul.f32 $1.442695020e+00, v8;
	[tilespmem:s30+$0xFFFFFFF0] =	vst v13;
	s30 =	smov.u32 s29  }
0x78: {  	v12 =	vbroadcast v1, $0x3;
	v7 =	vmax.f32 v7, v15;
	v10 =	vmul.f32 $1.442695020e+00, v10;
	[tilespmem:s28+$0xFFFFFFC0] =	vst v11  }
0x79: {  	v7 =	vmul.f32 $1.442695020e+00, v7;
	v3 =	vmax.f32 v9, v3;
	(erf) = vpow2.f32 v8;
	[tilespmem:s28+$0x70] =	vst v4  }
0x7a: {  	v3 =	vmul.f32 $1.442695020e+00, v3;
	(erf) = vpow2.f32 v10;
	[tilespmem:s28+$0xFFFFFFD0] =	vst v24  }
0x7b: {  	(erf) = vpow2.f32 v7;
	[tilespmem:s28+$0x20] =	vst v6  }
0x7c: {  	(erf) = vpow2.f32 v3;
	[tilespmem:s28+$0xFFFFFFB0] =	vst v12;
	v3 =	vbroadcast v1, $0x6  }
0x7d: {  	[tilespmem:s28+$0x0] =	vst v2  }
0x7e: {  	v2 =	vbroadcast v1, $0x2;
	[tilespmem:s28+$0xFFFFFFE0] =	vst v3  }
0x7f: {  	[tilespmem:s28+$0x10] =	vst v5  }
0x80: {  	v5 =	vbroadcast v1, $0x1;
	v1 =	vbroadcast v1, $0x7;
	[tilespmem:s28+$0xFFFFFFA0] =	vst v2  }
0x81: {  	[tilespmem:s28+$0xFFFFFF80] =	vst v23  }
0x82: {  	v3 =	vpop (erf);
	[tilespmem:s28+$0xFFFFFF90] =	vst v5  }
0x83: {  	v2 =	vnsel vm0, $0x0, v3;
	v7 =	vbroadcast v3, $0x4;
	v10 =	vbroadcast v3, $0x6;
	v4 =	vpop (erf);
	[tilespmem:s28+$0xFFFFFFF0] =	vst v1;
	s28 =	smov.u32 s10  }
0x84: {  	v8 =	vbroadcast v3, $0x0;
	v12 =	vnsel vm0, $0x0, v4;
	v5 =	vbroadcast v4, $0x6;
	[tilespmem:s29+$0x10] =	vst v2;
	v9 =	vpop (erf)  }
0x85: {  	v11 =	vbroadcast v4, $0x4;
	v2 =	vnsel vm0, $0x0, v9;
	v6 =	vbroadcast v9, $0x2;
	[tilespmem:s29+$0x0] =	vst v12;
	v1 =	vpop (erf)  }
0x86: {  	v14 =	vbroadcast v4, $0x3;
	v12 =	vbroadcast v9, $0x1;
	[tilespmem:s29+$0xFFFFFFE0] =	vst v2  }
0x87: {  	v13 =	vbroadcast v9, $0x5;
	v2 =	vbroadcast v4, $0x0;
	[tilespmem:s10+$0xFFFFFF20] =	vst v6  }
.Ltmp1:
0x88: {  	v18 =	vbroadcast v9, $0x4;
	[tilespmem:s10+$0xFFFFFF10] =	vst v12;
	v12 =	vbroadcast v4, $0x5;
	(pc) =	sbr.rel @p0 .LBB2_5-.Ltmp1, $4  }
0x89: {  	v15 =	vbroadcast v9, $0x0;
	v6 =	vbroadcast v4, $0x2;
	[tilespmem:s10+$0x60] =	vst v5  }
0x8a: {  	v19 =	vbroadcast v9, $0x7;
	v5 =	vbroadcast v4, $0x1;
	[tilespmem:s10+$0xFFFFFF50] =	vst v13  }
0x8b: {  	v16 =	vbroadcast v3, $0x2;
	v17 =	vbroadcast v9, $0x6;
	[tilespmem:s10+$0x40] =	vst v11  }
0x8c: {  	s0 =	sadd.s32 $0x200, s0;
	s3 =	sadd.s32 $0x200, s3;
	v13 =	vnsel vm0, $0x0, v1;
	v11 =	vbroadcast v1, $0x4;
	[tilespmem:s10+$0xFFFFFF00] =	vst v15;
	v15 =	vbroadcast v3, $0x3  }
0x8d: {  	[tilespmem:s28+$0xFFFFFF70] =	vst v19  }
0x8e: {  	[tilespmem:s28+$0xE0] =	vst v10  }
0x8f: {  	[tilespmem:s28+$0xFFFFFF40] =	vst v18  }
0x90: {  	[tilespmem:s28+$0x30] =	vst v14  }
0x91: {  	[tilespmem:s28+$0xC0] =	vst v7  }
0x92: {  	[tilespmem:s28+$0x80] =	vst v8  }
0x93: {  	[tilespmem:s28+$0xFFFFFF60] =	vst v17  }
0x94: {  	[tilespmem:s28+$0x50] =	vst v12  }
0x95: {  	[tilespmem:s28+$0xA0] =	vst v16  }
0x96: {  	[tilespmem:s30+$0xFFFFFFF0] =	vst v13  }
0x97: {  	[tilespmem:s28+$0x20] =	vst v6  }
0x98: {  	[tilespmem:s28+$0x0] =	vst v2  }
0x99: {  	[tilespmem:s28+$0x10] =	vst v5  }
0x9a: {  	v59 =	vbroadcast v3, $0x1;
	[tilespmem:s28+$0xB0] =	vst v15  }
0x9b: {  	v60 =	vbroadcast v3, $0x5;
	[tilespmem:s28+$0xFFFFFFC0] =	vst v11  }
0x9c: {  	v3 =	vbroadcast v3, $0x7;
	[tilespmem:s28+$0x90] =	vst v59  }
0x9d: {  	v61 =	vbroadcast v9, $0x3;
	[tilespmem:s28+$0xD0] =	vst v60  }
0x9e: {  	[tilespmem:s28+$0xF0] =	vst v3;
	v3 =	vbroadcast v4, $0x7  }
0x9f: {  	v62 =	vbroadcast v1, $0x5;
	[tilespmem:s28+$0xFFFFFF30] =	vst v61  }
0xa0: {  	[tilespmem:s28+$0x70] =	vst v3;
	v3 =	vbroadcast v1, $0x3  }
0xa1: {  	v2 =	vbroadcast v1, $0x2;
	[tilespmem:s28+$0xFFFFFFD0] =	vst v62  }
0xa2: {  	[tilespmem:s28+$0xFFFFFFB0] =	vst v3;
	v3 =	vbroadcast v1, $0x6  }
0xa3: {  	v63 =	vbroadcast v1, $0x1;
	[tilespmem:s28+$0xFFFFFFA0] =	vst v2  }
0xa4: {  	[tilespmem:s28+$0xFFFFFFE0] =	vst v3;
	v3 =	vbroadcast v1, $0x0  }
0xa5: {  	[tilespmem:s28+$0xFFFFFF90] =	vst v63;
	v1 =	vbroadcast v1, $0x7  }
0xa6: {  	s0 =	sshll.u32 s26, $0x1;
	[tilespmem:s28+$0xFFFFFF80] =	vst v3  }
0xa7: {  	s0 =	sadd.s32 s7, s0;
	[tilespmem:s28+$0xFFFFFFF0] =	vst v1  }
0xa8: {  	[hbm4b:s0+s4] =	stream.linear.scatter [tilespmem:s22], [sflag:$0x1], $0x500, $0x38;
	[tilespmem:$0x1FE00] =	vst v63  }
0xa9: {  	s25 =	sadd.s32 $0x1, s25;
	_ =	swait.ge [sflag:s17], $0x500  }
0xaa: {  	p0 =	sne.s32 s25, $0x7D;
	[sflag:s17] =	ssyncset.done $0x0  }
.Ltmp2:
0xab: {  	[sflag:s17] =	ssyncadd.s32 $0xFFFFFB00;
	(pc) =	sbr.rel @p0 .LBB2_4-.Ltmp2, $4  }
0xac: {  	[spmem:s2] =	stream.indirect.scatter.add.f32 [tilespmem:s23], [sflag:$0x1], $0x80, s18, s19, $0xb8;
	[tilespmem:$0x1FE00] =	vst v63  }
0xad: {  	_ =	swait.ge [sflag:s17], $0x2800  }
0xae: {  	[sflag:s17] =	ssyncset.done $0x0  }
0xaf: {  	[sflag:s17] =	ssyncadd.s32 $0xFFFFD800  }
0xb0: {  	s0 =	stileid.u32;
	s24 =	sadd.s32 $0x1, s24  }
0xb1: {  	[bflag:$0x0] =	sbarrier.arrive $0xFFFF;
	s0 =	sshll.u32 s0, $0x6;
	p0 =	sne.s32 s24, s15  }
.Ltmp3:
0xb2: {  	s3 =	sshrl.u32 s9, $0x3;
	s0 =	sor.u32 $0x1C01, s0;
	(pc) =	sbr.rel @p0 .LBB2_1-.Ltmp3, $4  }
0xb3: {  	[hbm:s14], [sflag:s0] =	dma.local [spmem:s3], $0x2800  }
0xb4: {  	_ =	swait.ge [sflag:s17], $0x2800  }
0xb5: {  	[sflag:s17] =	ssyncset.done $0x0  }
0xb6: {  	[sflag:s17] =	ssyncadd.s32 $0xFFFFD800  }
0xb7: {  	_ =	sfence.sel $0x180000  }
0xb8: {  	[bflag:$0x0] =	sbarrier.arrive $0xFFFF  }
0xb9: {  	_ =	strace $0x9000004D  }
0xba: {  	s0 =	stileid.u32;
	[bflag:$0x2] =	sbarrier.arrive $0xFFFF  }
0xbb: {  	p0 =	sne.s32 s0, $0x0;
	s0 =	rddreg [dreg:$0x3]  }
0xbc: {  	s0 =	sadd.s32 @!p0 $0x100000, s0  }
0xbd: {  	[sflag:s0] =	ssyncadd.tile.s32 @!p0 $0x1;
	_ =	shalt  }
.Lfunc_end2:
_tile_overlayer_lowered:
.L_overlay_start_2:
0xbe: {  	(tag) =	ssettag $0x2  }
0xbf: {  	s0 =	rddreg [dreg:$0x0];
	s2 =	stileid.u32  }
0xc0: {  	s1 =	rddreg [dreg:$0x1];
	p0 =	sne.s32 s2, $0x0  }
0xc1: {  	s3 =	rddreg [dreg:$0x2];
	[bflag:$0x3] =	sbarrier.arrive $0xFFFF;
	s2 =	simm.s32 @!p0 $0x1C01  }
0xc2: {  	[timem:s3], [sflag:s2] =	dma.local @!p0 [hbm:s0], s1  }
0xc3: {  	s0 =	simm.s32 @!p0 $0x1  }
0xc4: {  	_ =	swait.ge @!p0 [sflag:s0], s1  }
0xc5: {  	s1 =	ssub.s32 @!p0 $0x0, s1;
	[sflag:s0] =	ssyncset.done @!p0 $0x0  }
0xc6: {  	[sflag:s0] =	ssyncadd.s32 @!p0 s1  }
0xc7: {  	[bflag:$0x3] =	sbarrier.arrive $0xFFFF  }
0xc8: {  	_ =	shalt  }

// kernel: kernel.21.cloned.1.call-start
scs
__scs_entry_jumppad:
0x0: {  	(pc) =	sbr.rel $0x88, $3  }
0x1: {  	(tag) =	ssettag $0x0;
	lr =	simm.s32 $0x1  }
0x2: {  	[smem:$0x3F96] =	sst lr;
	_ =	strace $0xD0000000  }
0x3: {  	_ = 	snop  }
0x4: {  	_ = 	snop  }
0x5: {  	_ = 	snop  }
0x6: {  	_ = 	snop  }
0x7: {  	_ = 	snop  }
__scs_overlays_trampoline_lowered:
0x8: {  	[smem:$0x3FA5] =	sst s0  }
0x9: {  	[smem:$0x3FA6] =	sst s1  }
0xa: {  	[smem:$0x3FA7] =	sst s2  }
0xb: {  	[smem:$0x3FA8] =	sst s3  }
0xc: {  	[smem:$0x3FA9] =	sst s4  }
0xd: {  	[smem:$0x3FAA] =	sst s5  }
0xe: {  	[smem:$0x3FAB] =	sst s6  }
0xf: {  	[smem:$0x3FAC] =	sst s7  }
0x10: {  	[smem:$0x3FAD] =	sst s8  }
0x11: {  	[smem:$0x3FAE] =	sst s9;
	s0 =	simm.s32 @!p0 $0x0  }
0x12: {  	s1 =	sld [smem:$0x3F94];
	s0 =	simm.s32 @p0 $0x1  }
0x13: {  	[smem:$0x3FAF] =	sst s0;
	s0 =	simm.s32 @!p1 $0x0  }
0x14: {  	s2 =	sld [smem:$0x3F93];
	s0 =	simm.s32 @p1 $0x1  }
0x15: {  	[smem:$0x3FB0] =	sst s0;
	s0 =	simm.s32 @!p2 $0x0  }
0x16: {  	s3 =	sld [smem:$0x3FDB];
	s0 =	simm.s32 @p2 $0x1  }
0x17: {  	s4 =	simm.s32 $0x1BF5;
	[smem:$0x3FB2] =	sst s0  }
0x18: {  	s0 =	sld [smem:$0x3F95];
	_ =	swait.ge [sflag:s4], $0x0  }
0x19: {  	s7 =	sld [smem:$0x3F96]  }
0x1a: {  	s8 =	sadd.s32 $0xFFFFE003, lr  }
0x1b: {  	s9 =	sadd.s32 $0xFFFFFEF7, lr;
	s5 =	simm.s32 $0xFFFFFFFF;
	p2 =	slt.u32 s8, $0xFFFFF086  }
0x1c: {  	p1 =	slt.u32 s9, $0xF7A;
	s5 =	simm.s32 @!p2 $0x0  }
0x1d: {  	s5 =	simm.s32 @p1 $0x1;
	p0 =	seq.s32 s7, s2  }
0x1e: {  	s7 =	smul.u32 @!p0 $0xF7A, s2;
	p2 =	seq.s32 @!p0 s5, $0x0  }
0x1f: {  	s9 =	smul.u32 $0xF7A, s1;
	s8 =	simm.s32 @!p0 $0x1BF5;
	p2 =	por !p2, p0  }
0x20: {  	[sflag:s8] =	ssyncset.s32 @!p0 $0xFFFFF086;
	s6 =	sadd.s32 @!p0 s3, s7;
	s7 =	simm.s32 @!p0 $0x108  }
0x21: {  	s3 =	sadd.s32 s3, s9;
	s6 =	sadd.s32 @!p0 $0x88, s6;
	s7 =	simm.s32 @p2 $0x1082  }
0x22: {  	[simem:s7], [sflag:s8] =	dma.local @!p0 [hbm:s6], $0xF7A  }
0x23: {  	s9 =	sor.u32 $0xD0000000, s2;
	s6 =	simm.s32 $0x108;
	_ =	swait.ge @!p0 [sflag:s8], $0x0  }
0x24: {  	s3 =	sadd.s32 $0x88, s3;
	s6 =	simm.s32 @!p1 $0x1082;
	[sflag:s4] =	ssyncset.s32 $0xFFFFF086  }
0x25: {  	[simem:s6], [sflag:s4] =	dma.local [hbm:s3], $0xF7A  }
0x26: {  	[smem:$0x3F96] =	sst s1;
	(tag) =	ssettag s2;
	_ =	strace s9  }
0x27: {  	s1 =	sld [smem:$0x3FA6]  }
0x28: {  	s2 =	sld [smem:$0x3FA7]  }
0x29: {  	s4 =	sld [smem:$0x3FA9]  }
0x2a: {  	p0 =	seq.s32 s5, $0x0;
	s5 =	sld [smem:$0x3FAA]  }
0x2b: {  	s6 =	sld [smem:$0x3FAB]  }
0x2c: {  	s7 =	sld [smem:$0x3FAC]  }
0x2d: {  	s3 =	simm.s32 $0x108;
	s8 =	sld [smem:$0x3FAD]  }
0x2e: {  	s3 =	simm.s32 @!p0 $0x1082;
	s9 =	sld [smem:$0x3FAE]  }
0x2f: {  	lr =	sadd.s32 s0, s3;
	s0 =	sld [smem:$0x3FA5]  }
0x30: {  	s3 =	sld [smem:$0x3FA8]  }
0x31: {  	[smem:$0x3FB1] =	sst s10  }
0x32: {  	s10 =	sld [smem:$0x3FAF];
	_ =	sdelay $0x3  }
0x33: {  	p0 =	seq.s32 s10, $0x1;
	s10 =	sld [smem:$0x3FB1];
	_ =	sdelay $0x3  }
0x34: {  	[smem:$0x3FB1] =	sst s10  }
0x35: {  	s10 =	sld [smem:$0x3FB0];
	_ =	sdelay $0x3  }
0x36: {  	p1 =	seq.s32 s10, $0x1;
	s10 =	sld [smem:$0x3FB1];
	_ =	sdelay $0x3  }
0x37: {  	[smem:$0x3FB1] =	sst s10  }
0x38: {  	s10 =	sld [smem:$0x3FB2]  }
0x39: {  	_ = 	snop;
	(pc) =	sbr.ind lr, $3  }
0x3a: {  	_ = 	snop  }
0x3b: {  	_ = 	snop  }
0x3c: {  	p2 =	seq.s32 s10, $0x1;
	s10 =	sld [smem:$0x3FB1]  }
0x3d: {  	_ =	shalt  }
0x3e: {  	_ =	shalt  }
0x3f: {  	_ =	shalt  }
0x40: {  	_ =	shalt  }
0x41: {  	_ =	shalt  }
0x42: {  	_ =	shalt  }
0x43: {  	_ =	shalt  }
0x44: {  	_ =	shalt  }
0x45: {  	_ =	shalt  }
0x46: {  	_ =	shalt  }
0x47: {  	_ =	shalt  }
0x48: {  	_ =	shalt  }
0x49: {  	_ =	shalt  }
0x4a: {  	_ =	shalt  }
0x4b: {  	_ =	shalt  }
0x4c: {  	_ =	shalt  }
0x4d: {  	_ =	shalt  }
0x4e: {  	_ =	shalt  }
0x4f: {  	_ =	shalt  }
0x50: {  	_ =	shalt  }
0x51: {  	_ =	shalt  }
0x52: {  	_ =	shalt  }
0x53: {  	_ =	shalt  }
0x54: {  	_ =	shalt  }
0x55: {  	_ =	shalt  }
0x56: {  	_ =	shalt  }
0x57: {  	_ =	shalt  }
0x58: {  	_ =	shalt  }
0x59: {  	_ =	shalt  }
0x5a: {  	_ =	shalt  }
0x5b: {  	_ =	shalt  }
0x5c: {  	_ =	shalt  }
0x5d: {  	_ =	shalt  }
0x5e: {  	_ =	shalt  }
0x5f: {  	_ =	shalt  }
0x60: {  	_ =	shalt  }
0x61: {  	_ =	shalt  }
0x62: {  	_ =	shalt  }
0x63: {  	_ =	shalt  }
0x64: {  	_ =	shalt  }
0x65: {  	_ =	shalt  }
0x66: {  	_ =	shalt  }
0x67: {  	_ =	shalt  }
0x68: {  	_ =	shalt  }
0x69: {  	_ =	shalt  }
0x6a: {  	_ =	shalt  }
0x6b: {  	_ =	shalt  }
0x6c: {  	_ =	shalt  }
0x6d: {  	_ =	shalt  }
0x6e: {  	_ =	shalt  }
0x6f: {  	_ =	shalt  }
0x70: {  	_ =	shalt  }
0x71: {  	_ =	shalt  }
0x72: {  	_ =	shalt  }
0x73: {  	_ =	shalt  }
0x74: {  	_ =	shalt  }
0x75: {  	_ =	shalt  }
0x76: {  	_ =	shalt  }
0x77: {  	_ =	shalt  }
0x78: {  	_ =	shalt  }
0x79: {  	_ =	shalt  }
0x7a: {  	_ =	shalt  }
0x7b: {  	_ =	shalt  }
0x7c: {  	_ =	shalt  }
0x7d: {  	_ =	shalt  }
0x7e: {  	_ =	shalt  }
0x7f: {  	_ =	shalt  }
0x80: {  	_ =	shalt  }
0x81: {  	_ =	shalt  }
0x82: {  	_ =	shalt  }
0x83: {  	_ =	shalt  }
0x84: {  	_ =	shalt  }
0x85: {  	_ =	shalt  }
0x86: {  	_ =	shalt  }
0x87: {  	_ =	shalt  }
.Lfunc_end0:
.L_simem_size_0:
called_computation.3_lowered:
.L_overlay_start_0:
0x88: {  	s2 =	sld [smem:$0x3FD9]  }
0x89: {  	s3 =	sld [smem:$0x3FFE];
	_ =	sdelay $0x1  }
0x8a: {  	s1 =	srdreg.scid  }
0x8b: {  	s0 =	sand.u32 $0x1, s1  }
0x8c: {  	s17 =	sshll.u32 s0, $0xA;
	s2 =	sadd.s32 s3, s2  }
0x8d: {  	s2 =	sadd.s32 s2, s17  }
0x8e: {  	[smem:$0x3FBD] =	sst s2  }
0x8f: {  	_ = 	snop  }
0x90: {  	s2 =	sld [smem:$0x3FD0];
	(tm) =	ssettm $0x1  }
0x91: {  	s18 =	sld [smem:$0x3FFB];
	_ =	sdelay $0x3  }
0x92: {  	_ =	strace s18  }
0x93: {  	s3 =	sld [smem:$0x3FFC];
	_ =	sdelay $0x3  }
0x94: {  	_ =	strace s3  }
0x95: {  	s3 =	sld [smem:$0x3FFD];
	_ =	sdelay $0x3  }
0x96: {  	_ =	strace s3  }
0x97: {  	_ =	strace $0x8FFFFFFF  }
0x98: {  	s19 =	sld [smem:$0x3FDB];
	_ =	sdelay $0x1  }
0x99: {  	s4 =	simm.s32 $_scs_section_size  }
0x9a: {  	s5 =	simm.s32 $_size__tile_overlayer_lowered;
	s6 =	simm.s32 $_tile_overlayer_lowered  }
0x9b: {  	s22 =	simm.s32 $0x1BFF;
	s21 =	sshll.u32 s6, $0x1;
	s3 =	sadd.s32 s4, s19  }
0x9c: {  	s7 =	simm.s32 $0x0;
	s20 =	sshll.u32 s5, $0x1;
	s5 =	sadd.s32 s21, s3  }
0x9d: {  	[timem:s7], [sflag:s22] =	dma.local [hbm:s5], s20  }
0x9e: {  	_ =	swait.ge [sflag:s22], s20  }
0x9f: {  	s4 =	ssub.s32 $0x0, s20;
	[sflag:s22] =	ssyncset.done $0x0  }
0xa0: {  	[sflag:s22] =	ssyncadd.s32 s4;
	_ =	sdelay $0x1  }
0xa1: {  	s23 =	simm.s32 $0x1B8B  }
0xa2: {  	_ =	swait.ge [sflag:s23], $0x1  }
0xa3: {  	[sflag:s23] =	ssyncset.done $0x0  }
0xa4: {  	s25 =	simm.s32 $0x1B8E;
	s24 =	sld [smem:$0x3FFE];
	[sflag:s23] =	ssyncadd.s32 $0xFFFFFFFF  }
0xa5: {  	s26 =	simm.s32 $execute0_lowered;
	[smem:$0x3FD2] =	sst s25  }
0xa6: {  	s5 =	sshll.u32 s26, $0x1;
	_ =	strace $0x8000004F;
	[dreg:$0x1] =	wrdreg $0xFFFFFFFF  }
0xa7: {  	s28 =	simm.s32 $_size_execute0_lowered;
	s3 =	sadd.s32 s3, s5;
	[dreg:$0x0] =	wrdreg $0x0  }
0xa8: {  	s5 =	sshll.u32 s28, $0x1;
	[dreg:$0x2] =	wrdreg s3  }
0xa9: {  	[dreg:$0x3] =	wrdreg s5  }
0xaa: {  	[dreg:$0x4] =	wrdreg $0xC0  }
0xab: {  	_ =	task [dreg:s7], $0x5FFFF  }
0xac: {  	[dreg:$0x1] =	wrdreg $0xFFFFFFFF  }
0xad: {  	[dreg:$0x0] =	wrdreg $0x60  }
0xae: {  	[dreg:$0x2] =	wrdreg s24  }
0xaf: {  	[dreg:$0x3] =	wrdreg s2  }
0xb0: {  	[dreg:$0x4] =	wrdreg $0x6E000  }
0xb1: {  	[dreg:$0x5] =	wrdreg $0x9  }
0xb2: {  	_ =	task.clear_ibuf [dreg:s7], $0x6FFFF;
	_ =	strace $0x9000004F  }
0xb3: {  	s29 =	simm.s32 $0x9;
	_ =	strace $0x80000051  }
0xb4: {  	_ =	swait.ge [sflag:s29], $0x1  }
0xb5: {  	[sflag:s29] =	ssyncadd.s32 $0xFFFFFFFF  }
0xb6: {  	_ =	strace $0x90000051  }
0xb7: {  	_ =	sfence  }
0xb8: {  	s30 =	sld [smem:$0x0];
	_ =	sdelay $0x2  }
0xb9: {  	s31 =	sshll.u32 s1, $0xD;
	s1 =	sshrl.u32 s1, $0x2  }
0xba: {  	s3 =	sand.u32 $0x4000, s31;
	s1 =	sadd.s32 s1, s30  }
0xbb: {  	s0 =	sor.u32 s3, s0;
	s1 =	sshll.u32 s1, $0x11  }
0xbc: {  	s0 =	sor.u32 s1, s0  }
0xbd: {  	s0 =	sadd.s32 $0x8F2B, s0  }
0xbe: {  	[sflag:s0] =	ssyncadd.remote.s32 $0x1  }
0xbf: {  	_ =	sfence.sel $0xFFFF  }
0xc0: {  	[dreg:$0x0] =	wrdreg $0xFFFFFFFF;
	(pc) =	sbr.abs _section_cstart, $3  }
0xc1: {  	[dreg:$0x1] =	wrdreg $0xFFFFFFFF  }
0xc2: {  	_ =	task.clear_ibuf [dreg:s7], $0x2FFFF;
	_ =	strace $0x9FFFFFFF  }
0xc3: {  	(tm) =	ssettm $0x7FFFFFFF  }
tec
execute0_lowered:
.L_overlay_start_1:
0x0: {  	(tag) =	ssettag $0x1  }
0x1: {  	s8 =	rddreg [dreg:$0x0]  }
0x2: {  	s2 =	rddreg [dreg:$0x1]  }
0x3: {  	s0 =	srdreg.scid;
	s3 =	rddreg [dreg:$0x2]  }
0x4: {  	s1 =	stileid.u32;
	s4 =	simm.s32 $0x0;
	s16 =	simm.s32 $0x2E00  }
0x5: {  	s17 =	simm.s32 $0x1;
	s18 =	simm.s32 $0x80;
	s19 =	simm.s32 $0x50  }
0x6: {  	s20 =	simm.s32 $0x100;
	s21 =	simm.s32 $0x2900;
	s22 =	simm.s32 $0x0  }
0x7: {  	s9 =	sand.u32 $0x1, s0;
	s0 =	rddreg [dreg:$0x3];
	s6 =	smul.u32 $0x14000, s1  }
0x8: {  	[smem:$0x7FF] =	sst s4;
	s11 =	smul.u32 $0x50000, s1;
	s7 =	sadd.s32 $0x3000, s8  }
0x9: {  	s5 =	smul.u32 $0x140000, s9;
	_ =	strace $0x80000050;
	s28 =	ssub.s32 $0x2, s9  }
0xa: {  	s29 =	sshll.u32 s9, $0x4;
	s30 =	sshrl.u32 s11, $0x2;
	s31 =	sshrl.u32 s28, $0x1  }
0xb: {  	s12 =	sor.u32 s1, s29;
	s6 =	sadd.s32 s6, s5;
	s5 =	sadd.s32 $0x34E00, s8  }
0xc: {  	s15 =	ssub.s32 s28, s31;
	s9 =	smul.u32 $0x2710, s12;
	s10 =	sshrl.u32 s6, $0x3  }
0xd: {  	s6 =	sadd.s32 $0x5CE00, s8;
	s14 =	sadd.s32 s10, s8;
	s8 =	sadd.s32 s30, s3  }
0xe: {  	s15 =	smax.u32 s15, $0x1;
	s10 =	sadd.s32 $0x4000, s8;
	s11 =	sadd.s32 $0x8000, s8  }
0xf: {  	v0 =	vimm.f32 $0.0e+00;
	s12 =	sadd.s32 $0xC000, s8;
	s13 =	sadd.s32 $0x10000, s8;
	s14 =	sadd.s32 $0x149200, s14  }
.LBB2_1:
0x10: {  	s23 =	simm.s32 $0x2E40  }
0x11: {  	[tilespmem:s23+$0xFFFFFFC0] =	vst v0  }
0x12: {  	[tilespmem:s23+$0x30] =	vst v0  }
0x13: {  	[tilespmem:s23+$0x20] =	vst v0  }
0x14: {  	[tilespmem:s23+$0x10] =	vst v0  }
0x15: {  	[tilespmem:s23+$0x0] =	vst v0  }
0x16: {  	[tilespmem:s23+$0xFFFFFFF0] =	vst v0  }
0x17: {  	s24 =	simm.s32 $0x0;
	[tilespmem:s23+$0xFFFFFFE0] =	vst v0  }
.LBB2_2:
0x18: {  	s24 =	sadd.s32 $0x8, s24;
	[tilespmem:s23+$0xFFFFFFD0] =	vst v0;
	s23 =	sadd.s32 $0x80, s23  }
0x19: {  	[tilespmem:s23+$0xFFFFFFC0] =	vst v0;
	p0 =	slt.u32 s24, $0x3F8  }
0x1a: {  	[tilespmem:s23+$0x30] =	vst v0  }
.Ltmp0:
0x1b: {  	[tilespmem:s23+$0x20] =	vst v0;
	(pc) =	sbr.rel @p0 .LBB2_2-.Ltmp0, $4  }
0x1c: {  	[tilespmem:s23+$0x10] =	vst v0  }
0x1d: {  	[tilespmem:s23+$0x0] =	vst v0  }
0x1e: {  	[tilespmem:s23+$0xFFFFFFF0] =	vst v0  }
0x1f: {  	[tilespmem:s23+$0xFFFFFFE0] =	vst v0  }
0x20: {  	[tilespmem:s23+$0xFFFFFFD0] =	vst v0  }
0x21: {  	[spmem:s8] =	stream.linear.scatter [tilespmem:s16], [sflag:$0x1], $0x4000, $0x38;
	[tilespmem:$0x1AE00] =	vst v63  }
0x22: {  	_ =	swait.ge [sflag:s17], $0x4000  }
0x23: {  	[sflag:s17] =	ssyncset.done $0x0  }
0x24: {  	[sflag:s17] =	ssyncadd.s32 $0xFFFFC000  }
0x25: {  	[spmem:s10] =	stream.linear.scatter [tilespmem:s16], [sflag:$0x1], $0x4000, $0x38;
	[tilespmem:$0x1AE00] =	vst v63  }
0x26: {  	_ =	swait.ge [sflag:s17], $0x4000  }
0x27: {  	[sflag:s17] =	ssyncset.done $0x0  }
0x28: {  	[sflag:s17] =	ssyncadd.s32 $0xFFFFC000  }
0x29: {  	[spmem:s11] =	stream.linear.scatter [tilespmem:s16], [sflag:$0x1], $0x4000, $0x38;
	[tilespmem:$0x1AE00] =	vst v63  }
0x2a: {  	_ =	swait.ge [sflag:s17], $0x4000  }
0x2b: {  	[sflag:s17] =	ssyncset.done $0x0  }
0x2c: {  	[sflag:s17] =	ssyncadd.s32 $0xFFFFC000  }
0x2d: {  	[spmem:s12] =	stream.linear.scatter [tilespmem:s16], [sflag:$0x1], $0x4000, $0x38;
	[tilespmem:$0x1AE00] =	vst v63  }
0x2e: {  	_ =	swait.ge [sflag:s17], $0x4000  }
0x2f: {  	[sflag:s17] =	ssyncset.done $0x0  }
0x30: {  	[sflag:s17] =	ssyncadd.s32 $0xFFFFC000  }
0x31: {  	[spmem:s13] =	stream.linear.scatter [tilespmem:s16], [sflag:$0x1], $0x4000, $0x38;
	[tilespmem:$0x1AE00] =	vst v63  }
0x32: {  	_ =	swait.ge [sflag:s17], $0x4000  }
0x33: {  	[sflag:s17] =	ssyncset.done $0x0  }
0x34: {  	[sflag:s17] =	ssyncadd.s32 $0xFFFFC000  }
0x35: {  	s23 =	simm.s32 $0x0;
	[bflag:$0x0] =	sbarrier.arrive $0xFFFF  }
.LBB2_4:
0x36: {  	s24 =	smul.u32 $0x50, s23;
	_ =	sdelay $0x1  }
0x37: {  	s24 =	sadd.s32 s9, s24  }
0x38: {  	s25 =	sshrl.u32 s24, $0x3  }
0x39: {  	s26 =	sadd.s32 s7, s25  }
0x3a: {  	[tilespmem:s4], [sflag:$0x1] =	stream.linear.gather [hbm4b:s26+s4], $0x50, $0x38;
	[tilespmem:$0x1AE00] =	vst v63  }
0x3b: {  	_ =	swait.ge [sflag:s17], $0x50  }
0x3c: {  	[sflag:s17] =	ssyncset.done $0x0  }
0x3d: {  	s25 =	sadd.s32 s2, s25;
	[sflag:s17] =	ssyncadd.s32 $0xFFFFFFB0  }
0x3e: {  	[tilespmem:s18], [sflag:$0x1] =	stream.linear.gather [hbm4b:s25+s4], $0x50, $0x38;
	[tilespmem:$0x1AE00] =	vst v63  }
0x3f: {  	_ =	swait.ge [sflag:s17], $0x50  }
0x40: {  	[sflag:s17] =	ssyncset.done $0x0  }
0x41: {  	[sflag:s17] =	ssyncadd.s32 $0xFFFFFFB0  }
0x42: {  	[tilespmem:s20], [sflag:$0x1] =	stream.indirect.gather [hbm4b:s5+s19], $0x80, s4, s19, $0xb8;
	[tilespmem:$0x1AE00] =	vst v63  }
0x43: {  	_ =	swait.ge [sflag:s17], $0x2800  }
0x44: {  	s24 =	sshll.u32 s24, $0x1;
	[sflag:s17] =	ssyncset.done $0x0  }
0x45: {  	s24 =	sadd.s32 s6, s24;
	[sflag:s17] =	ssyncadd.s32 $0xFFFFD800  }
0x46: {  	[tilespmem:s21], [sflag:$0x1] =	stream.linear.gather [hbm4b:s24+s4], $0x500, $0x38;
	[tilespmem:$0x1AE00] =	vst v63  }
0x47: {  	_ =	swait.ge [sflag:s17], $0x500  }
0x48: {  	[sflag:s17] =	ssyncset.done $0x0  }
0x49: {  	s31 =	simm.s32 $0x2920;
	[sflag:s17] =	ssyncadd.s32 $0xFFFFFB00  }
0x4a: {  	v4 =	vld [tilespmem:s31+$0x10]  }
0x4b: {  	s24 =	simm.s32 $0x200;
	v1 =	vld [tilespmem:s31+$0xFFFFFFF0]  }
0x4c: {  	v2 =	vld [tilespmem:s24+$0xF0]  }
0x4d: {  	v3 =	vld [tilespmem:s31+$0x0]  }
0x4e: {  	v5 =	vld [tilespmem:s31+$0xFFFFFFE0]  }
0x4f: {  	v6 =	vld [tilespmem:s24+$0xFFFFFF00]  }
0x50: {  	v7 =	vld [tilespmem:s24+$0xFFFFFF10];
	v8 =	vbroadcast v4, $0x0  }
0x51: {  	v11 =	vld [tilespmem:s24+$0xFFFFFF20];
	v9 =	vbroadcast v4, $0x7;
	v10 =	vbroadcast v1, $0x0  }
0x52: {  	v14 =	vld [tilespmem:s24+$0xFFFFFF30];
	v12 =	vbroadcast v1, $0x1;
	v13 =	vbroadcast v1, $0x2  }
0x53: {  	v16 =	vld [tilespmem:s24+$0xFFFFFF40];
	v15 =	vbroadcast v1, $0x3;
	v17 =	vbroadcast v1, $0x4  }
0x54: {  	v19 =	vld [tilespmem:s24+$0xFFFFFF50];
	v18 =	vbroadcast v5, $0x0;
	v20 =	vbroadcast v5, $0x1  }
0x55: {  	v22 =	vld [tilespmem:s24+$0xFFFFFF60];
	v21 =	vbroadcast v5, $0x2;
	v23 =	vbroadcast v5, $0x3  }
0x56: {  	v25 =	vld [tilespmem:s24+$0xFFFFFF70];
	v24 =	vbroadcast v5, $0x4;
	v26 =	vbroadcast v5, $0x5  }
0x57: {  	v28 =	vld [tilespmem:s24+$0xFFFFFF80];
	v27 =	vbroadcast v5, $0x6;
	v29 =	vbroadcast v5, $0x7  }
0x58: {  	v31 =	vld [tilespmem:s24+$0xFFFFFF90];
	v30 =	vbroadcast v1, $0x5;
	v32 =	vbroadcast v1, $0x6  }
0x59: {  	v34 =	vld [tilespmem:s24+$0xFFFFFFA0];
	v33 =	vbroadcast v1, $0x7;
	v35 =	vbroadcast v3, $0x0  }
0x5a: {  	v37 =	vld [tilespmem:s24+$0xFFFFFFB0];
	v36 =	vbroadcast v3, $0x1;
	v38 =	vbroadcast v3, $0x2  }
0x5b: {  	v40 =	vld [tilespmem:s24+$0xFFFFFFC0];
	v39 =	vbroadcast v3, $0x3;
	v41 =	vbroadcast v3, $0x4  }
0x5c: {  	v43 =	vld [tilespmem:s24+$0xFFFFFFD0];
	v42 =	vbroadcast v3, $0x5;
	v44 =	vbroadcast v3, $0x6  }
0x5d: {  	v46 =	vld [tilespmem:s24+$0xFFFFFFE0];
	v45 =	vbroadcast v3, $0x7;
	v47 =	vbroadcast v4, $0x1  }
0x5e: {  	v48 =	vld [tilespmem:s24+$0xFFFFFFF0];
	v5 =	vbroadcast v4, $0x2;
	v9 =	vmul.f32 v2, v9  }
0x5f: {  	v49 =	vld [tilespmem:s24+$0x0];
	v3 =	vbroadcast v4, $0x4;
	v6 =	vmul.f32 v18, v6  }
0x60: {  	v60 =	vld [tilespmem:s24+$0x70];
	v1 =	vbroadcast v4, $0x5;
	v7 =	vmul.f32 v7, v20;
	[tilespmem:s24+$0xF0] =	vst v9  }
0x61: {  	v62 =	vld [tilespmem:s24+$0x80];
	v2 =	vbroadcast v4, $0x3;
	v11 =	vmul.f32 v11, v21;
	[tilespmem:s24+$0xFFFFFF00] =	vst v6  }
0x62: {  	v63 =	vld [tilespmem:s24+$0x90];
	v4 =	vbroadcast v4, $0x6;
	v14 =	vmul.f32 v14, v23;
	[tilespmem:s24+$0xFFFFFF10] =	vst v7  }
0x63: {  	v16 =	vmul.f32 v16, v24;
	v20 =	vmul.f32 v22, v27;
	v22 =	vld [tilespmem:s24+$0x50];
	[tilespmem:s24+$0xFFFFFF20] =	vst v11  }
0x64: {  	v18 =	vmul.f32 v19, v26;
	v21 =	vmul.f32 v25, v29;
	v9 =	vld [tilespmem:s24+$0x10];
	[tilespmem:s24+$0xFFFFFF30] =	vst v14  }
0x65: {  	v10 =	vmul.f32 v10, v28;
	v12 =	vmul.f32 v31, v12;
	v6 =	vld [tilespmem:s24+$0x20];
	[tilespmem:s24+$0xFFFFFF40] =	vst v16  }
0x66: {  	v58 =	vmul.f32 v34, v13;
	v59 =	vmul.f32 v37, v15;
	v11 =	vld [tilespmem:s24+$0x40];
	[tilespmem:s24+$0xFFFFFF50] =	vst v18  }
0x67: {  	v61 =	vmul.f32 v40, v17;
	v19 =	vmul.f32 v43, v30;
	v7 =	vld [tilespmem:s24+$0x30];
	[tilespmem:s24+$0xFFFFFF60] =	vst v20  }
0x68: {  	v23 =	vld [tilespmem:s24+$0x60];
	v17 =	vmul.f32 v48, v33;
	v15 =	vmul.f32 v35, v49;
	[tilespmem:s24+$0xFFFFFF70] =	vst v21  }
0x69: {  	v18 =	vmul.f32 v46, v32;
	[tilespmem:s24+$0xFFFFFF80] =	vst v10;
	v20 =	vld [tilespmem:s24+$0xA0];
	v10 =	vmul.f32 v8, v62  }
0x6a: {  	[tilespmem:s24+$0xFFFFFF90] =	vst v12;
	v21 =	vld [tilespmem:s24+$0xB0];
	v8 =	vmul.f32 v63, v47;
	v16 =	vmul.f32 v9, v36  }
0x6b: {  	[tilespmem:s24+$0xFFFFFFA0] =	vst v58;
	v12 =	vmul.f32 v11, v41;
	v11 =	vmul.f32 v22, v42;
	v22 =	vld [tilespmem:s24+$0xC0]  }
0x6c: {  	[tilespmem:s24+$0xFFFFFFB0] =	vst v59;
	v14 =	vmul.f32 v6, v38;
	v13 =	vmul.f32 v7, v39;
	v6 =	vld [tilespmem:s24+$0xD0]  }
0x6d: {  	s28 =	simm.s32 $0x2960;
	s26 =	simm.s32 $0x0;
	s25 =	simm.s32 $0x200;
	[tilespmem:s24+$0xFFFFFFC0] =	vst v61;
	v9 =	vmul.f32 v23, v44;
	v7 =	vmul.f32 v60, v45;
	v23 =	vld [tilespmem:s24+$0xE0]  }
.LBB2_5:
0x6e: {  	v24 =	vld [tilespmem:s28+$0x10];
	s26 =	sadd.s32 $0x4, s26;
	[tilespmem:s24+$0xFFFFFFD0] =	vst v19;
	v5 =	vmul.f32 v20, v5  }
0x6f: {  	s24 =	sadd.s32 $0x200, s24;
	v19 =	vld [tilespmem:s28+$0xFFFFFFF0];
	p0 =	slt.u32 s26, $0x4C;
	[tilespmem:s25+$0xFFFFFFE0] =	vst v18;
	v2 =	vmul.f32 v21, v2  }
0x70: {  	v18 =	vld [tilespmem:s24+$0xF0];
	[tilespmem:s25+$0xFFFFFFF0] =	vst v17;
	v3 =	vmul.f32 v22, v3  }
0x71: {  	v17 =	vld [tilespmem:s28+$0x0];
	[tilespmem:s25+$0x0] =	vst v15;
	v1 =	vmul.f32 v6, v1  }
0x72: {  	v15 =	vld [tilespmem:s28+$0xFFFFFFE0];
	[tilespmem:s25+$0x10] =	vst v16;
	v4 =	vmul.f32 v23, v4  }
0x73: {  	v16 =	vld [tilespmem:s24+$0xFFFFFF00];
	v6 =	vbroadcast v24, $0x0;
	v20 =	vbroadcast v24, $0x7;
	[tilespmem:s25+$0x20] =	vst v14  }
0x74: {  	v14 =	vld [tilespmem:s24+$0xFFFFFF10];
	v21 =	vbroadcast v19, $0x0;
	v22 =	vbroadcast v19, $0x1;
	[tilespmem:s25+$0x30] =	vst v13  }
0x75: {  	v23 =	vbroadcast v19, $0x2;
	v13 =	vld [tilespmem:s24+$0xFFFFFF20];
	v18 =	vmul.f32 v18, v20;
	[tilespmem:s25+$0x40] =	vst v12  }
0x76: {  	v25 =	vbroadcast v19, $0x4;
	v20 =	vbroadcast v19, $0x3;
	v12 =	vld [tilespmem:s24+$0xFFFFFF30];
	[tilespmem:s25+$0x50] =	vst v11  }
0x77: {  	v11 =	vbroadcast v15, $0x0;
	v26 =	vbroadcast v15, $0x1;
	v27 =	vld [tilespmem:s24+$0xFFFFFF40];
	[tilespmem:s24+$0xF0] =	vst v18  }
0x78: {  	v18 =	vbroadcast v15, $0x2;
	v28 =	vbroadcast v15, $0x3;
	v29 =	vld [tilespmem:s24+$0xFFFFFF50];
	[tilespmem:s25+$0x60] =	vst v9  }
0x79: {  	v30 =	vbroadcast v15, $0x5;
	v9 =	vbroadcast v15, $0x4;
	v31 =	vld [tilespmem:s24+$0xFFFFFF60];
	[tilespmem:s25+$0x70] =	vst v7  }
0x7a: {  	v7 =	vbroadcast v15, $0x6;
	v15 =	vbroadcast v15, $0x7;
	v32 =	vld [tilespmem:s24+$0xFFFFFF70];
	[tilespmem:s25+$0x80] =	vst v10  }
0x7b: {  	v33 =	vbroadcast v19, $0x5;
	v34 =	vbroadcast v19, $0x6;
	v10 =	vld [tilespmem:s24+$0xFFFFFF80];
	[tilespmem:s25+$0x90] =	vst v8  }
0x7c: {  	v35 =	vbroadcast v19, $0x7;
	v36 =	vbroadcast v17, $0x0;
	v8 =	vld [tilespmem:s24+$0xFFFFFF90];
	[tilespmem:s25+$0xA0] =	vst v5  }
0x7d: {  	v37 =	vbroadcast v17, $0x1;
	v38 =	vbroadcast v17, $0x2;
	v19 =	vld [tilespmem:s24+$0xFFFFFFA0];
	[tilespmem:s25+$0xB0] =	vst v2  }
0x7e: {  	v40 =	vbroadcast v17, $0x3;
	v41 =	vbroadcast v17, $0x4;
	v39 =	vld [tilespmem:s24+$0xFFFFFFB0];
	[tilespmem:s25+$0xC0] =	vst v3  }
0x7f: {  	v43 =	vbroadcast v17, $0x5;
	v44 =	vbroadcast v17, $0x6;
	v42 =	vld [tilespmem:s24+$0xFFFFFFC0];
	[tilespmem:s25+$0xD0] =	vst v1  }
0x80: {  	v47 =	vbroadcast v24, $0x1;
	v46 =	vbroadcast v17, $0x7;
	v45 =	vld [tilespmem:s24+$0xFFFFFFD0];
	[tilespmem:s25+$0xE0] =	vst v4;
	s25 =	smov.u32 s24  }
0x81: {  	v5 =	vbroadcast v24, $0x2;
	v2 =	vbroadcast v24, $0x3;
	v17 =	vld [tilespmem:s24+$0xFFFFFFE0]  }
0x82: {  	v3 =	vbroadcast v24, $0x4;
	v1 =	vbroadcast v24, $0x5;
	v48 =	vld [tilespmem:s24+$0xFFFFFFF0]  }
0x83: {  	v11 =	vmul.f32 v11, v16;
	v4 =	vbroadcast v24, $0x6;
	v16 =	vld [tilespmem:s24+$0x0]  }
0x84: {  	v14 =	vmul.f32 v14, v26;
	v13 =	vmul.f32 v13, v18;
	v24 =	vld [tilespmem:s24+$0x10]  }
0x85: {  	v9 =	vmul.f32 v27, v9;
	[tilespmem:s24+$0xFFFFFF00] =	vst v11;
	v11 =	vmul.f32 v12, v28;
	v12 =	vld [tilespmem:s24+$0x20]  }
0x86: {  	v7 =	vmul.f32 v31, v7;
	[tilespmem:s24+$0xFFFFFF10] =	vst v14;
	v14 =	vmul.f32 v29, v30;
	v26 =	vld [tilespmem:s24+$0x30]  }
0x87: {  	v10 =	vmul.f32 v21, v10;
	[tilespmem:s24+$0xFFFFFF20] =	vst v13;
	v13 =	vmul.f32 v32, v15;
	v21 =	vld [tilespmem:s24+$0x40]  }
0x88: {  	v8 =	vmul.f32 v8, v22;
	v22 =	vmul.f32 v19, v23;
	[tilespmem:s24+$0xFFFFFF30] =	vst v11;
	v11 =	vld [tilespmem:s24+$0x50]  }
0x89: {  	v23 =	vmul.f32 v39, v20;
	v25 =	vmul.f32 v42, v25;
	[tilespmem:s24+$0xFFFFFF40] =	vst v9;
	v9 =	vld [tilespmem:s24+$0x60]  }
0x8a: {  	v19 =	vmul.f32 v45, v33;
	v18 =	vmul.f32 v17, v34;
	[tilespmem:s24+$0xFFFFFF50] =	vst v14;
	v27 =	vld [tilespmem:s24+$0x70]  }
0x8b: {  	v17 =	vmul.f32 v48, v35;
	v15 =	vmul.f32 v36, v16;
	[tilespmem:s24+$0xFFFFFF60] =	vst v7;
	v28 =	vld [tilespmem:s24+$0x80]  }
0x8c: {  	v16 =	vmul.f32 v24, v37;
	v14 =	vmul.f32 v12, v38;
	[tilespmem:s24+$0xFFFFFF70] =	vst v13;
	v24 =	vld [tilespmem:s24+$0x90]  }
.Ltmp1:
0x8d: {  	v13 =	vmul.f32 v26, v40;
	v12 =	vmul.f32 v21, v41;
	[tilespmem:s24+$0xFFFFFF80] =	vst v10;
	v20 =	vld [tilespmem:s24+$0xA0];
	(pc) =	sbr.rel @p0 .LBB2_5-.Ltmp1, $4  }
0x8e: {  	v11 =	vmul.f32 v11, v43;
	[tilespmem:s24+$0xFFFFFF90] =	vst v8;
	v9 =	vmul.f32 v9, v44;
	v21 =	vld [tilespmem:s24+$0xB0]  }
0x8f: {  	[tilespmem:s24+$0xFFFFFFA0] =	vst v22;
	v7 =	vmul.f32 v27, v46;
	v22 =	vld [tilespmem:s24+$0xC0]  }
0x90: {  	[tilespmem:s24+$0xFFFFFFB0] =	vst v23;
	v10 =	vmul.f32 v6, v28;
	v6 =	vld [tilespmem:s24+$0xD0]  }
0x91: {  	s28 =	sadd.s32 $0x40, s28;
	[tilespmem:s24+$0xFFFFFFC0] =	vst v25;
	v8 =	vmul.f32 v24, v47;
	v23 =	vld [tilespmem:s24+$0xE0]  }
0x92: {  	[tilespmem:s24+$0xFFFFFFD0] =	vst v19  }
0x93: {  	[tilespmem:s25+$0x0] =	vst v15  }
0x94: {  	[tilespmem:s25+$0x10] =	vst v16  }
0x95: {  	[tilespmem:s25+$0x20] =	vst v14  }
0x96: {  	[tilespmem:s25+$0x30] =	vst v13  }
0x97: {  	[tilespmem:s25+$0x40] =	vst v12  }
0x98: {  	[tilespmem:s25+$0x50] =	vst v11  }
0x99: {  	[tilespmem:s25+$0x60] =	vst v9  }
0x9a: {  	[tilespmem:s25+$0x70] =	vst v7  }
0x9b: {  	[tilespmem:s25+$0x80] =	vst v10  }
0x9c: {  	[tilespmem:s25+$0xFFFFFFE0] =	vst v18  }
0x9d: {  	v5 =	vmul.f32 v20, v5;
	[tilespmem:s25+$0xFFFFFFF0] =	vst v17  }
0x9e: {  	v2 =	vmul.f32 v21, v2;
	[tilespmem:s25+$0x90] =	vst v8  }
0x9f: {  	v3 =	vmul.f32 v22, v3;
	[tilespmem:s25+$0xA0] =	vst v5  }
0xa0: {  	v1 =	vmul.f32 v6, v1;
	[tilespmem:s25+$0xB0] =	vst v2  }
0xa1: {  	s23 =	sadd.s32 $0x1, s23;
	v2 =	vmul.f32 v23, v4;
	[tilespmem:s25+$0xC0] =	vst v3  }
0xa2: {  	p0 =	sne.s32 s23, $0x7D;
	[tilespmem:s25+$0xD0] =	vst v1  }
.Ltmp2:
0xa3: {  	[tilespmem:s25+$0xE0] =	vst v2;
	(pc) =	sbr.rel @p0 .LBB2_4-.Ltmp2, $4  }
0xa4: {  	[spmem:s3] =	stream.indirect.scatter.add.f32 [tilespmem:s20], [sflag:$0x1], $0x80, s18, s19, $0xb8;
	[tilespmem:$0x1AE00] =	vst v63  }
0xa5: {  	_ =	swait.ge [sflag:s17], $0x2800  }
0xa6: {  	[sflag:s17] =	ssyncset.done $0x0  }
0xa7: {  	[sflag:s17] =	ssyncadd.s32 $0xFFFFD800  }
0xa8: {  	s22 =	sadd.s32 $0x1, s22  }
0xa9: {  	s23 =	sshll.u32 s1, $0x6;
	[bflag:$0x0] =	sbarrier.arrive $0xFFFF;
	p0 =	sne.s32 s22, s15  }
.Ltmp3:
0xaa: {  	s24 =	sshrl.u32 s8, $0x3;
	s23 =	sor.u32 $0x1C01, s23;
	(pc) =	sbr.rel @p0 .LBB2_1-.Ltmp3, $4  }
0xab: {  	[hbm:s14], [sflag:s23] =	dma.local [spmem:s24], $0x2800  }
0xac: {  	_ =	swait.ge [sflag:s17], $0x2800  }
0xad: {  	[sflag:s17] =	ssyncset.done $0x0  }
0xae: {  	[sflag:s17] =	ssyncadd.s32 $0xFFFFD800  }
0xaf: {  	_ =	sfence.sel $0x180000  }
0xb0: {  	[bflag:$0x0] =	sbarrier.arrive $0xFFFF  }
0xb1: {  	p0 =	sne.s32 s1, $0x0;
	_ =	strace $0x90000050  }
0xb2: {  	s0 =	sadd.s32 @!p0 $0x100000, s0;
	[bflag:$0x2] =	sbarrier.arrive $0xFFFF  }
0xb3: {  	[sflag:s0] =	ssyncadd.tile.s32 @!p0 $0x1;
	_ =	shalt  }
.Lfunc_end2:
_tile_overlayer_lowered:
.L_overlay_start_2:
0xb4: {  	(tag) =	ssettag $0x2  }
0xb5: {  	s0 =	rddreg [dreg:$0x0];
	s2 =	stileid.u32  }
0xb6: {  	s1 =	rddreg [dreg:$0x1];
	p0 =	sne.s32 s2, $0x0  }
0xb7: {  	s3 =	rddreg [dreg:$0x2];
	[bflag:$0x3] =	sbarrier.arrive $0xFFFF;
	s2 =	simm.s32 @!p0 $0x1C01  }
0xb8: {  	[timem:s3], [sflag:s2] =	dma.local @!p0 [hbm:s0], s1  }
0xb9: {  	s0 =	simm.s32 @!p0 $0x1  }
0xba: {  	_ =	swait.ge @!p0 [sflag:s0], s1  }
0xbb: {  	s1 =	ssub.s32 @!p0 $0x0, s1;
	[sflag:s0] =	ssyncset.done @!p0 $0x0  }
0xbc: {  	[sflag:s0] =	ssyncadd.s32 @!p0 s1  }
0xbd: {  	[bflag:$0x3] =	sbarrier.arrive $0xFFFF  }
0xbe: {  	_ =	shalt  }

// kernel: kernel.24.cloned.1.call-start
scs
__scs_entry_jumppad:
0x0: {  	(pc) =	sbr.rel $0x88, $3  }
0x1: {  	(tag) =	ssettag $0x0;
	lr =	simm.s32 $0x1  }
0x2: {  	[smem:$0x3F96] =	sst lr;
	_ =	strace $0xD0000000  }
0x3: {  	_ = 	snop  }
0x4: {  	_ = 	snop  }
0x5: {  	_ = 	snop  }
0x6: {  	_ = 	snop  }
0x7: {  	_ = 	snop  }
__scs_overlays_trampoline_lowered:
0x8: {  	[smem:$0x3FA5] =	sst s0  }
0x9: {  	[smem:$0x3FA6] =	sst s1  }
0xa: {  	[smem:$0x3FA7] =	sst s2  }
0xb: {  	[smem:$0x3FA8] =	sst s3  }
0xc: {  	[smem:$0x3FA9] =	sst s4  }
0xd: {  	[smem:$0x3FAA] =	sst s5  }
0xe: {  	[smem:$0x3FAB] =	sst s6  }
0xf: {  	[smem:$0x3FAC] =	sst s7  }
0x10: {  	[smem:$0x3FAD] =	sst s8  }
0x11: {  	[smem:$0x3FAE] =	sst s9;
	s0 =	simm.s32 @!p0 $0x0  }
0x12: {  	s1 =	sld [smem:$0x3F94];
	s0 =	simm.s32 @p0 $0x1  }
0x13: {  	[smem:$0x3FAF] =	sst s0;
	s0 =	simm.s32 @!p1 $0x0  }
0x14: {  	s2 =	sld [smem:$0x3F93];
	s0 =	simm.s32 @p1 $0x1  }
0x15: {  	[smem:$0x3FB0] =	sst s0;
	s0 =	simm.s32 @!p2 $0x0  }
0x16: {  	s3 =	sld [smem:$0x3FDB];
	s0 =	simm.s32 @p2 $0x1  }
0x17: {  	s4 =	simm.s32 $0x1BF5;
	[smem:$0x3FB2] =	sst s0  }
0x18: {  	s0 =	sld [smem:$0x3F95];
	_ =	swait.ge [sflag:s4], $0x0  }
0x19: {  	s7 =	sld [smem:$0x3F96]  }
0x1a: {  	s8 =	sadd.s32 $0xFFFFE003, lr  }
0x1b: {  	s9 =	sadd.s32 $0xFFFFFEF7, lr;
	s5 =	simm.s32 $0xFFFFFFFF;
	p2 =	slt.u32 s8, $0xFFFFF086  }
0x1c: {  	p1 =	slt.u32 s9, $0xF7A;
	s5 =	simm.s32 @!p2 $0x0  }
0x1d: {  	s5 =	simm.s32 @p1 $0x1;
	p0 =	seq.s32 s7, s2  }
0x1e: {  	s7 =	smul.u32 @!p0 $0xF7A, s2;
	p2 =	seq.s32 @!p0 s5, $0x0  }
0x1f: {  	s9 =	smul.u32 $0xF7A, s1;
	s8 =	simm.s32 @!p0 $0x1BF5;
	p2 =	por !p2, p0  }
0x20: {  	[sflag:s8] =	ssyncset.s32 @!p0 $0xFFFFF086;
	s6 =	sadd.s32 @!p0 s3, s7;
	s7 =	simm.s32 @!p0 $0x108  }
0x21: {  	s3 =	sadd.s32 s3, s9;
	s6 =	sadd.s32 @!p0 $0x88, s6;
	s7 =	simm.s32 @p2 $0x1082  }
0x22: {  	[simem:s7], [sflag:s8] =	dma.local @!p0 [hbm:s6], $0xF7A  }
0x23: {  	s9 =	sor.u32 $0xD0000000, s2;
	s6 =	simm.s32 $0x108;
	_ =	swait.ge @!p0 [sflag:s8], $0x0  }
0x24: {  	s3 =	sadd.s32 $0x88, s3;
	s6 =	simm.s32 @!p1 $0x1082;
	[sflag:s4] =	ssyncset.s32 $0xFFFFF086  }
0x25: {  	[simem:s6], [sflag:s4] =	dma.local [hbm:s3], $0xF7A  }
0x26: {  	[smem:$0x3F96] =	sst s1;
	(tag) =	ssettag s2;
	_ =	strace s9  }
0x27: {  	s1 =	sld [smem:$0x3FA6]  }
0x28: {  	s2 =	sld [smem:$0x3FA7]  }
0x29: {  	s4 =	sld [smem:$0x3FA9]  }
0x2a: {  	p0 =	seq.s32 s5, $0x0;
	s5 =	sld [smem:$0x3FAA]  }
0x2b: {  	s6 =	sld [smem:$0x3FAB]  }
0x2c: {  	s7 =	sld [smem:$0x3FAC]  }
0x2d: {  	s3 =	simm.s32 $0x108;
	s8 =	sld [smem:$0x3FAD]  }
0x2e: {  	s3 =	simm.s32 @!p0 $0x1082;
	s9 =	sld [smem:$0x3FAE]  }
0x2f: {  	lr =	sadd.s32 s0, s3;
	s0 =	sld [smem:$0x3FA5]  }
0x30: {  	s3 =	sld [smem:$0x3FA8]  }
0x31: {  	[smem:$0x3FB1] =	sst s10  }
0x32: {  	s10 =	sld [smem:$0x3FAF];
	_ =	sdelay $0x3  }
0x33: {  	p0 =	seq.s32 s10, $0x1;
	s10 =	sld [smem:$0x3FB1];
	_ =	sdelay $0x3  }
0x34: {  	[smem:$0x3FB1] =	sst s10  }
0x35: {  	s10 =	sld [smem:$0x3FB0];
	_ =	sdelay $0x3  }
0x36: {  	p1 =	seq.s32 s10, $0x1;
	s10 =	sld [smem:$0x3FB1];
	_ =	sdelay $0x3  }
0x37: {  	[smem:$0x3FB1] =	sst s10  }
0x38: {  	s10 =	sld [smem:$0x3FB2]  }
0x39: {  	_ = 	snop;
	(pc) =	sbr.ind lr, $3  }
0x3a: {  	_ = 	snop  }
0x3b: {  	_ = 	snop  }
0x3c: {  	p2 =	seq.s32 s10, $0x1;
	s10 =	sld [smem:$0x3FB1]  }
0x3d: {  	_ =	shalt  }
0x3e: {  	_ =	shalt  }
0x3f: {  	_ =	shalt  }
0x40: {  	_ =	shalt  }
0x41: {  	_ =	shalt  }
0x42: {  	_ =	shalt  }
0x43: {  	_ =	shalt  }
0x44: {  	_ =	shalt  }
0x45: {  	_ =	shalt  }
0x46: {  	_ =	shalt  }
0x47: {  	_ =	shalt  }
0x48: {  	_ =	shalt  }
0x49: {  	_ =	shalt  }
0x4a: {  	_ =	shalt  }
0x4b: {  	_ =	shalt  }
0x4c: {  	_ =	shalt  }
0x4d: {  	_ =	shalt  }
0x4e: {  	_ =	shalt  }
0x4f: {  	_ =	shalt  }
0x50: {  	_ =	shalt  }
0x51: {  	_ =	shalt  }
0x52: {  	_ =	shalt  }
0x53: {  	_ =	shalt  }
0x54: {  	_ =	shalt  }
0x55: {  	_ =	shalt  }
0x56: {  	_ =	shalt  }
0x57: {  	_ =	shalt  }
0x58: {  	_ =	shalt  }
0x59: {  	_ =	shalt  }
0x5a: {  	_ =	shalt  }
0x5b: {  	_ =	shalt  }
0x5c: {  	_ =	shalt  }
0x5d: {  	_ =	shalt  }
0x5e: {  	_ =	shalt  }
0x5f: {  	_ =	shalt  }
0x60: {  	_ =	shalt  }
0x61: {  	_ =	shalt  }
0x62: {  	_ =	shalt  }
0x63: {  	_ =	shalt  }
0x64: {  	_ =	shalt  }
0x65: {  	_ =	shalt  }
0x66: {  	_ =	shalt  }
0x67: {  	_ =	shalt  }
0x68: {  	_ =	shalt  }
0x69: {  	_ =	shalt  }
0x6a: {  	_ =	shalt  }
0x6b: {  	_ =	shalt  }
0x6c: {  	_ =	shalt  }
0x6d: {  	_ =	shalt  }
0x6e: {  	_ =	shalt  }
0x6f: {  	_ =	shalt  }
0x70: {  	_ =	shalt  }
0x71: {  	_ =	shalt  }
0x72: {  	_ =	shalt  }
0x73: {  	_ =	shalt  }
0x74: {  	_ =	shalt  }
0x75: {  	_ =	shalt  }
0x76: {  	_ =	shalt  }
0x77: {  	_ =	shalt  }
0x78: {  	_ =	shalt  }
0x79: {  	_ =	shalt  }
0x7a: {  	_ =	shalt  }
0x7b: {  	_ =	shalt  }
0x7c: {  	_ =	shalt  }
0x7d: {  	_ =	shalt  }
0x7e: {  	_ =	shalt  }
0x7f: {  	_ =	shalt  }
0x80: {  	_ =	shalt  }
0x81: {  	_ =	shalt  }
0x82: {  	_ =	shalt  }
0x83: {  	_ =	shalt  }
0x84: {  	_ =	shalt  }
0x85: {  	_ =	shalt  }
0x86: {  	_ =	shalt  }
0x87: {  	_ =	shalt  }
.Lfunc_end0:
.L_simem_size_0:
called_computation.4_lowered:
.L_overlay_start_0:
0x88: {  	s2 =	sld [smem:$0x3FD9]  }
0x89: {  	s3 =	sld [smem:$0x3FFE];
	_ =	sdelay $0x1  }
0x8a: {  	s1 =	srdreg.scid  }
0x8b: {  	s0 =	sand.u32 $0x1, s1  }
0x8c: {  	s17 =	sshll.u32 s0, $0xA;
	s2 =	sadd.s32 s3, s2  }
0x8d: {  	s2 =	sadd.s32 s2, s17  }
0x8e: {  	[smem:$0x3FBD] =	sst s2  }
0x8f: {  	_ = 	snop  }
0x90: {  	s2 =	sld [smem:$0x3FD0];
	(tm) =	ssettm $0x1  }
0x91: {  	s18 =	sld [smem:$0x3FFB];
	_ =	sdelay $0x3  }
0x92: {  	_ =	strace s18  }
0x93: {  	s3 =	sld [smem:$0x3FFC];
	_ =	sdelay $0x3  }
0x94: {  	_ =	strace s3  }
0x95: {  	s3 =	sld [smem:$0x3FFD];
	_ =	sdelay $0x3  }
0x96: {  	_ =	strace s3  }
0x97: {  	_ =	strace $0x8FFFFFFF  }
0x98: {  	s19 =	sld [smem:$0x3FDB];
	_ =	sdelay $0x1  }
0x99: {  	s4 =	simm.s32 $_scs_section_size  }
0x9a: {  	s5 =	simm.s32 $_size__tile_overlayer_lowered;
	s6 =	simm.s32 $_tile_overlayer_lowered  }
0x9b: {  	s22 =	simm.s32 $0x1BFF;
	s21 =	sshll.u32 s6, $0x1;
	s3 =	sadd.s32 s4, s19  }
0x9c: {  	s7 =	simm.s32 $0x0;
	s20 =	sshll.u32 s5, $0x1;
	s5 =	sadd.s32 s21, s3  }
0x9d: {  	[timem:s7], [sflag:s22] =	dma.local [hbm:s5], s20  }
0x9e: {  	_ =	swait.ge [sflag:s22], s20  }
0x9f: {  	s4 =	ssub.s32 $0x0, s20;
	[sflag:s22] =	ssyncset.done $0x0  }
0xa0: {  	[sflag:s22] =	ssyncadd.s32 s4;
	_ =	sdelay $0x1  }
0xa1: {  	s23 =	simm.s32 $0x1B8B  }
0xa2: {  	_ =	swait.ge [sflag:s23], $0x1  }
0xa3: {  	[sflag:s23] =	ssyncset.done $0x0  }
0xa4: {  	s25 =	simm.s32 $0x1B8E;
	s24 =	sld [smem:$0x3FFE];
	[sflag:s23] =	ssyncadd.s32 $0xFFFFFFFF  }
0xa5: {  	s26 =	simm.s32 $execute0_lowered;
	[smem:$0x3FD2] =	sst s25  }
0xa6: {  	s5 =	sshll.u32 s26, $0x1;
	_ =	strace $0x80000052;
	[dreg:$0x1] =	wrdreg $0xFFFFFFFF  }
0xa7: {  	s28 =	simm.s32 $_size_execute0_lowered;
	s3 =	sadd.s32 s3, s5;
	[dreg:$0x0] =	wrdreg $0x0  }
0xa8: {  	s5 =	sshll.u32 s28, $0x1;
	[dreg:$0x2] =	wrdreg s3  }
0xa9: {  	[dreg:$0x3] =	wrdreg s5  }
0xaa: {  	[dreg:$0x4] =	wrdreg $0xC0  }
0xab: {  	_ =	task [dreg:s7], $0x5FFFF  }
0xac: {  	[dreg:$0x1] =	wrdreg $0xFFFFFFFF  }
0xad: {  	[dreg:$0x0] =	wrdreg $0x60  }
0xae: {  	[dreg:$0x2] =	wrdreg s24  }
0xaf: {  	[dreg:$0x3] =	wrdreg s2  }
0xb0: {  	[dreg:$0x4] =	wrdreg $0xBE000  }
0xb1: {  	[dreg:$0x5] =	wrdreg $0x9  }
0xb2: {  	_ =	task.clear_ibuf [dreg:s7], $0x6FFFF;
	_ =	strace $0x90000052  }
0xb3: {  	s29 =	simm.s32 $0x9;
	_ =	strace $0x80000054  }
0xb4: {  	_ =	swait.ge [sflag:s29], $0x1  }
0xb5: {  	[sflag:s29] =	ssyncadd.s32 $0xFFFFFFFF  }
0xb6: {  	_ =	strace $0x90000054  }
0xb7: {  	_ =	sfence  }
0xb8: {  	s30 =	sld [smem:$0x0];
	_ =	sdelay $0x2  }
0xb9: {  	s31 =	sshll.u32 s1, $0xD;
	s1 =	sshrl.u32 s1, $0x2  }
0xba: {  	s3 =	sand.u32 $0x4000, s31;
	s1 =	sadd.s32 s1, s30  }
0xbb: {  	s0 =	sor.u32 s3, s0;
	s1 =	sshll.u32 s1, $0x11  }
0xbc: {  	s0 =	sor.u32 s1, s0  }
0xbd: {  	s0 =	sadd.s32 $0x8F2B, s0  }
0xbe: {  	[sflag:s0] =	ssyncadd.remote.s32 $0x1  }
0xbf: {  	_ =	sfence.sel $0xFFFF  }
0xc0: {  	[dreg:$0x0] =	wrdreg $0xFFFFFFFF;
	(pc) =	sbr.abs _section_cstart, $3  }
0xc1: {  	[dreg:$0x1] =	wrdreg $0xFFFFFFFF  }
0xc2: {  	_ =	task.clear_ibuf [dreg:s7], $0x2FFFF;
	_ =	strace $0x9FFFFFFF  }
0xc3: {  	(tm) =	ssettm $0x7FFFFFFF  }
tec
execute0_lowered:
.L_overlay_start_1:
0x0: {  	(tag) =	ssettag $0x1  }
0x1: {  	s0 =	rddreg [dreg:$0x0]  }
0x2: {  	s1 =	rddreg [dreg:$0x1]  }
0x3: {  	s2 =	rddreg [dreg:$0x2]  }
0x4: {  	s3 =	srdreg.scid;
	s4 =	simm.s32 $0x0;
	s11 =	stileid.u32  }
0x5: {  	s16 =	simm.s32 $0x7E00;
	s17 =	simm.s32 $0x1;
	s18 =	simm.s32 $0x80  }
0x6: {  	s19 =	simm.s32 $0x50;
	s20 =	simm.s32 $0x100;
	s21 =	simm.s32 $0x2900  }
0x7: {  	s22 =	simm.s32 $0x5100;
	s23 =	simm.s32 $0x5600;
	s24 =	simm.s32 $0x0  }
0x8: {  	s3 =	sand.u32 $0x1, s3;
	[smem:$0x7FF] =	sst s4;
	s8 =	smul.u32 $0x14000, s11  }
0x9: {  	s5 =	sadd.s32 $0xCE00, s0;
	s6 =	sadd.s32 $0x3000, s0;
	s9 =	smul.u32 $0x50000, s11  }
0xa: {  	s7 =	smul.u32 $0x140000, s3;
	s30 =	ssub.s32 $0x2, s3;
	s3 =	sshll.u32 s3, $0x4  }
0xb: {  	_ =	strace $0x80000053;
	s10 =	sshrl.u32 s30, $0x1;
	s3 =	sor.u32 s11, s3  }
0xc: {  	s9 =	sshrl.u32 s9, $0x2;
	s8 =	sadd.s32 s8, s7;
	s7 =	sadd.s32 $0x5CE00, s0  }
0xd: {  	s10 =	ssub.s32 s30, s10;
	s9 =	sadd.s32 s9, s2;
	s8 =	sshrl.u32 s8, $0x3  }
0xe: {  	s31 =	sadd.s32 $0x4000, s9;
	s11 =	sadd.s32 $0x8000, s9;
	s12 =	sadd.s32 $0xC000, s9  }
0xf: {  	s13 =	sadd.s32 $0x10000, s9;
	s15 =	smax.u32 s10, $0x1;
	s0 =	sadd.s32 s8, s0  }
0x10: {  	v0 =	vimm.f32 $0.0e+00;
	vm0 =	vmmov $0x1;
	s8 =	smul.u32 $0x2710, s3;
	[dreg:$0x4] =	wrdreg s31;
	s14 =	sadd.s32 $0xF9200, s0  }
.LBB2_1:
0x11: {  	s0 =	simm.s32 $0x7E40  }
0x12: {  	[tilespmem:s0+$0xFFFFFFC0] =	vst v0  }
0x13: {  	[tilespmem:s0+$0x30] =	vst v0  }
0x14: {  	[tilespmem:s0+$0x20] =	vst v0  }
0x15: {  	[tilespmem:s0+$0x10] =	vst v0  }
0x16: {  	[tilespmem:s0+$0x0] =	vst v0  }
0x17: {  	[tilespmem:s0+$0xFFFFFFF0] =	vst v0  }
0x18: {  	s3 =	simm.s32 $0x0;
	[tilespmem:s0+$0xFFFFFFE0] =	vst v0  }
.LBB2_2:
0x19: {  	s3 =	sadd.s32 $0x8, s3;
	[tilespmem:s0+$0xFFFFFFD0] =	vst v0;
	s0 =	sadd.s32 $0x80, s0  }
0x1a: {  	[tilespmem:s0+$0xFFFFFFC0] =	vst v0;
	p0 =	slt.u32 s3, $0x3F8  }
0x1b: {  	[tilespmem:s0+$0x30] =	vst v0  }
.Ltmp0:
0x1c: {  	[tilespmem:s0+$0x20] =	vst v0;
	(pc) =	sbr.rel @p0 .LBB2_2-.Ltmp0, $4  }
0x1d: {  	[tilespmem:s0+$0x10] =	vst v0  }
0x1e: {  	[tilespmem:s0+$0x0] =	vst v0  }
0x1f: {  	[tilespmem:s0+$0xFFFFFFF0] =	vst v0  }
0x20: {  	[tilespmem:s0+$0xFFFFFFE0] =	vst v0  }
0x21: {  	[tilespmem:s0+$0xFFFFFFD0] =	vst v0  }
0x22: {  	[spmem:s9] =	stream.linear.scatter [tilespmem:s16], [sflag:$0x1], $0x4000, $0x38;
	[tilespmem:$0x1FE00] =	vst v63  }
0x23: {  	_ =	swait.ge [sflag:s17], $0x4000  }
0x24: {  	[sflag:s17] =	ssyncset.done $0x0  }
0x25: {  	s31 =	rddreg [dreg:$0x4];
	[sflag:s17] =	ssyncadd.s32 $0xFFFFC000  }
0x26: {  	[spmem:s31] =	stream.linear.scatter [tilespmem:s16], [sflag:$0x1], $0x4000, $0x38;
	[tilespmem:$0x1FE00] =	vst v63  }
0x27: {  	_ =	swait.ge [sflag:s17], $0x4000  }
0x28: {  	[sflag:s17] =	ssyncset.done $0x0  }
0x29: {  	[sflag:s17] =	ssyncadd.s32 $0xFFFFC000  }
0x2a: {  	[spmem:s11] =	stream.linear.scatter [tilespmem:s16], [sflag:$0x1], $0x4000, $0x38;
	[tilespmem:$0x1FE00] =	vst v63  }
0x2b: {  	_ =	swait.ge [sflag:s17], $0x4000  }
0x2c: {  	[sflag:s17] =	ssyncset.done $0x0  }
0x2d: {  	[sflag:s17] =	ssyncadd.s32 $0xFFFFC000  }
0x2e: {  	[spmem:s12] =	stream.linear.scatter [tilespmem:s16], [sflag:$0x1], $0x4000, $0x38;
	[tilespmem:$0x1FE00] =	vst v63  }
0x2f: {  	_ =	swait.ge [sflag:s17], $0x4000  }
0x30: {  	[sflag:s17] =	ssyncset.done $0x0  }
0x31: {  	[sflag:s17] =	ssyncadd.s32 $0xFFFFC000  }
0x32: {  	[spmem:s13] =	stream.linear.scatter [tilespmem:s16], [sflag:$0x1], $0x4000, $0x38;
	[tilespmem:$0x1FE00] =	vst v63  }
0x33: {  	_ =	swait.ge [sflag:s17], $0x4000  }
0x34: {  	[sflag:s17] =	ssyncset.done $0x0  }
0x35: {  	[sflag:s17] =	ssyncadd.s32 $0xFFFFC000  }
0x36: {  	s25 =	simm.s32 $0x0;
	[bflag:$0x0] =	sbarrier.arrive $0xFFFF  }
.LBB2_4:
0x37: {  	s0 =	smul.u32 $0x50, s25;
	_ =	sdelay $0x1  }
0x38: {  	s26 =	sadd.s32 s8, s0  }
0x39: {  	s0 =	sshrl.u32 s26, $0x3  }
0x3a: {  	s3 =	sadd.s32 s6, s0  }
0x3b: {  	[tilespmem:s4], [sflag:$0x1] =	stream.linear.gather [hbm4b:s3+s4], $0x50, $0x38;
	[tilespmem:$0x1FE00] =	vst v63  }
0x3c: {  	_ =	swait.ge [sflag:s17], $0x50  }
0x3d: {  	[sflag:s17] =	ssyncset.done $0x0  }
0x3e: {  	s0 =	sadd.s32 s1, s0;
	[sflag:s17] =	ssyncadd.s32 $0xFFFFFFB0  }
0x3f: {  	[tilespmem:s18], [sflag:$0x1] =	stream.linear.gather [hbm4b:s0+s4], $0x50, $0x38;
	[tilespmem:$0x1FE00] =	vst v63  }
0x40: {  	_ =	swait.ge [sflag:s17], $0x50  }
0x41: {  	[sflag:s17] =	ssyncset.done $0x0  }
0x42: {  	[sflag:s17] =	ssyncadd.s32 $0xFFFFFFB0  }
0x43: {  	[tilespmem:s20], [sflag:$0x1] =	stream.indirect.gather [hbm4b:s5+s19], $0x80, s4, s19, $0xb8;
	[tilespmem:$0x1FE00] =	vst v63  }
0x44: {  	_ =	swait.ge [sflag:s17], $0x2800  }
0x45: {  	[sflag:s17] =	ssyncset.done $0x0  }
0x46: {  	[sflag:s17] =	ssyncadd.s32 $0xFFFFD800  }
0x47: {  	[tilespmem:s21], [sflag:$0x1] =	stream.indirect.gather [hbm4b:s5+s19], $0x80, s18, s19, $0xb8;
	[tilespmem:$0x1FE00] =	vst v63  }
0x48: {  	_ =	swait.ge [sflag:s17], $0x2800  }
0x49: {  	[sflag:s17] =	ssyncset.done $0x0  }
0x4a: {  	s0 =	simm.s32 $0x200;
	[sflag:s17] =	ssyncadd.s32 $0xFFFFD800  }
0x4b: {  	s10 =	simm.s32 $0x2A10;
	v1 =	vld [tilespmem:s0+$0xFFFFFF00]  }
0x4c: {  	v2 =	vld [tilespmem:s10+$0x0]  }
0x4d: {  	v3 =	vld [tilespmem:s0+$0x80]  }
0x4e: {  	v4 =	vld [tilespmem:s0+$0x0]  }
0x4f: {  	v5 =	vld [tilespmem:s10+$0xFFFFFF00]  }
0x50: {  	v6 =	vld [tilespmem:s10+$0x80];
	_ =	sdelay $0x2  }
0x51: {  	v2 =	vadd.f32 v2, v4  }
0x52: {  	v1 =	vadd.f32 v5, v1  }
0x53: {  	v7 =	vld [tilespmem:s0+$0xFFFFFF80];
	v3 =	vadd.f32 v6, v3;
	v4 =	vmul.f32 $2.000000030e-01, v2  }
0x54: {  	v6 =	vld [tilespmem:s10+$0xFFFFFF80];
	v5 =	vmul.f32 $2.000000030e-01, v1  }
0x55: {  	v2 =	vmax.f32 v2, v4;
	v4 =	vmul.f32 $2.000000030e-01, v3  }
0x56: {  	v1 =	vmax.f32 v1, v5;
	v2 =	vmul.f32 $1.442695020e+00, v2  }
0x57: {  	v1 =	vmul.f32 $1.442695020e+00, v1;
	v3 =	vmax.f32 v3, v4  }
0x58: {  	v3 =	vmul.f32 $1.442695020e+00, v3;
	(erf) = vpow2.f32 v2  }
0x59: {  	(erf) = vpow2.f32 v1;
	v1 =	vadd.f32 v6, v7  }
0x5a: {  	(erf) = vpow2.f32 v3  }
0x5b: {  	v2 =	vmul.f32 $2.000000030e-01, v1;
	_ =	sdelay $0x1  }
0x5c: {  	v1 =	vmax.f32 v1, v2  }
0x5d: {  	v1 =	vmul.f32 $1.442695020e+00, v1;
	_ =	sdelay $0x2  }
0x5e: {  	v2 =	vpop (erf)  }
0x5f: {  	(erf) = vpow2.f32 v1;
	v1 =	vpop (erf)  }
0x60: {  	s29 =	simm.s32 $0x5120;
	v3 =	vnsel vm0, $0x0, v1;
	v4 =	vpop (erf)  }
0x61: {  	v1 =	vbroadcast v1, $0x0;
	[tilespmem:s29+$0xFFFFFFE0] =	vst v3;
	v3 =	vnsel vm0, $0x0, v4  }
0x62: {  	s28 =	simm.s32 $0x5700;
	v5 =	vbroadcast v4, $0x0;
	[tilespmem:s29+$0x10] =	vst v3  }
0x63: {  	[tilespmem:s28+$0xFFFFFF70] =	vst v1  }
0x64: {  	[tilespmem:s28+$0x80] =	vst v5  }
0x65: {  	v3 =	vnsel vm0, $0x0, v2;
	[tilespmem:s28+$0x90] =	vst v5  }
0x66: {  	v2 =	vbroadcast v2, $0x0;
	[tilespmem:s29+$0x0] =	vst v3  }
0x67: {  	[tilespmem:s28+$0xF0] =	vst v5  }
0x68: {  	s31 =	simm.s32 $0x0;
	s30 =	simm.s32 $0x5120;
	[tilespmem:s28+$0x70] =	vst v2;
	v3 =	vpop (erf)  }
0x69: {  	s3 =	simm.s32 $0x400;
	s0 =	simm.s32 $0x2C10;
	s10 =	simm.s32 $0x5700;
	[tilespmem:s28+$0x60] =	vst v2;
	v4 =	vnsel vm0, $0x0, v3  }
.LBB2_5:
0x6a: {  	v6 =	vld [tilespmem:s3+$0xFFFFFF00];
	s31 =	sadd.s32 $0x4, s31;
	[tilespmem:s28+$0xFFFFFF60] =	vst v1;
	s29 =	sadd.s32 $0x40, s29;
	s10 =	sadd.s32 $0x200, s10  }
0x6b: {  	v7 =	vld [tilespmem:s0+$0x0];
	p0 =	slt.u32 s31, $0x4C;
	[tilespmem:s28+$0xFFFFFF50] =	vst v1  }
0x6c: {  	v8 =	vld [tilespmem:s3+$0x80];
	[tilespmem:s28+$0xD0] =	vst v5  }
0x6d: {  	v9 =	vld [tilespmem:s3+$0x0];
	[tilespmem:s28+$0xFFFFFF40] =	vst v1  }
0x6e: {  	v10 =	vld [tilespmem:s0+$0xFFFFFF00];
	[tilespmem:s28+$0xC0] =	vst v5  }
0x6f: {  	v11 =	vld [tilespmem:s0+$0x80];
	[tilespmem:s28+$0xFFFFFF30] =	vst v1  }
0x70: {  	v12 =	vld [tilespmem:s0+$0xFFFFFF80];
	[tilespmem:s28+$0x20] =	vst v2  }
0x71: {  	v13 =	vld [tilespmem:s3+$0xFFFFFF80];
	[tilespmem:s28+$0xFFFFFF20] =	vst v1  }
0x72: {  	v7 =	vadd.f32 v7, v9;
	[tilespmem:s28+$0xB0] =	vst v5  }
0x73: {  	v6 =	vadd.f32 v10, v6;
	[tilespmem:s28+$0xFFFFFF10] =	vst v1  }
0x74: {  	v9 =	vmul.f32 $2.000000030e-01, v7;
	v8 =	vadd.f32 v11, v8;
	[tilespmem:s28+$0xA0] =	vst v5  }
0x75: {  	v10 =	vmul.f32 $2.000000030e-01, v6;
	[tilespmem:s28+$0xE0] =	vst v5  }
0x76: {  	v5 =	vadd.f32 v12, v13;
	v7 =	vmax.f32 v7, v9;
	v9 =	vmul.f32 $2.000000030e-01, v8;
	[tilespmem:s28+$0x50] =	vst v2  }
0x77: {  	v6 =	vmax.f32 v6, v10;
	v7 =	vmul.f32 $1.442695020e+00, v7;
	[tilespmem:s28+$0x30] =	vst v2  }
0x78: {  	v6 =	vmul.f32 $1.442695020e+00, v6;
	v10 =	vmul.f32 $2.000000030e-01, v5;
	v8 =	vmax.f32 v8, v9;
	[tilespmem:s28+$0x10] =	vst v2  }
0x79: {  	v8 =	vmul.f32 $1.442695020e+00, v8;
	(erf) = vpow2.f32 v7;
	[tilespmem:s28+$0x0] =	vst v2  }
0x7a: {  	v3 =	vbroadcast v3, $0x0;
	v5 =	vmax.f32 v5, v10;
	(erf) = vpow2.f32 v6;
	[tilespmem:s28+$0x40] =	vst v2  }
0x7b: {  	v2 =	vmul.f32 $1.442695020e+00, v5;
	(erf) = vpow2.f32 v8;
	[tilespmem:s30+$0xFFFFFFF0] =	vst v4;
	s30 =	smov.u32 s29  }
0x7c: {  	[tilespmem:s28+$0xFFFFFF80] =	vst v3  }
0x7d: {  	(erf) = vpow2.f32 v2;
	[tilespmem:s28+$0xFFFFFF90] =	vst v3  }
0x7e: {  	[tilespmem:s28+$0xFFFFFFA0] =	vst v3  }
0x7f: {  	[tilespmem:s28+$0xFFFFFFB0] =	vst v3  }
0x80: {  	[tilespmem:s28+$0xFFFFFF00] =	vst v1  }
0x81: {  	[tilespmem:s28+$0xFFFFFFC0] =	vst v3  }
0x82: {  	v2 =	vpop (erf);
	[tilespmem:s28+$0xFFFFFFD0] =	vst v3  }
0x83: {  	v1 =	vpop (erf);
	[tilespmem:s28+$0xFFFFFFE0] =	vst v3  }
0x84: {  	v4 =	vnsel vm0, $0x0, v1;
	v1 =	vbroadcast v1, $0x0;
	v5 =	vpop (erf);
	[tilespmem:s28+$0xFFFFFFF0] =	vst v3;
	s28 =	smov.u32 s10  }
0x85: {  	[tilespmem:s29+$0xFFFFFFE0] =	vst v4;
	v4 =	vnsel vm0, $0x0, v5;
	v5 =	vbroadcast v5, $0x0  }
0x86: {  	[tilespmem:s29+$0x10] =	vst v4;
	v3 =	vpop (erf)  }
0x87: {  	[tilespmem:s10+$0x80] =	vst v5  }
0x88: {  	v4 =	vnsel vm0, $0x0, v2;
	v2 =	vbroadcast v2, $0x0;
	[tilespmem:s10+$0x90] =	vst v5  }
.Ltmp1:
0x89: {  	[tilespmem:s29+$0x0] =	vst v4;
	(pc) =	sbr.rel @p0 .LBB2_5-.Ltmp1, $4  }
0x8a: {  	[tilespmem:s10+$0x70] =	vst v2  }
0x8b: {  	[tilespmem:s10+$0xFFFFFF70] =	vst v1  }
0x8c: {  	v4 =	vnsel vm0, $0x0, v3;
	[tilespmem:s10+$0x60] =	vst v2  }
0x8d: {  	s0 =	sadd.s32 $0x200, s0;
	s3 =	sadd.s32 $0x200, s3;
	[tilespmem:s10+$0xF0] =	vst v5  }
0x8e: {  	[tilespmem:s28+$0xFFFFFF60] =	vst v1  }
0x8f: {  	[tilespmem:s28+$0xFFFFFF50] =	vst v1  }
0x90: {  	[tilespmem:s28+$0xD0] =	vst v5  }
0x91: {  	[tilespmem:s28+$0xFFFFFF40] =	vst v1  }
0x92: {  	[tilespmem:s28+$0xC0] =	vst v5  }
0x93: {  	[tilespmem:s28+$0xFFFFFF30] =	vst v1  }
0x94: {  	[tilespmem:s28+$0x20] =	vst v2  }
0x95: {  	[tilespmem:s28+$0xFFFFFF20] =	vst v1  }
0x96: {  	[tilespmem:s28+$0xB0] =	vst v5  }
0x97: {  	[tilespmem:s28+$0xFFFFFF10] =	vst v1  }
0x98: {  	[tilespmem:s28+$0xA0] =	vst v5  }
0x99: {  	[tilespmem:s28+$0xE0] =	vst v5  }
0x9a: {  	[tilespmem:s28+$0x50] =	vst v2  }
0x9b: {  	[tilespmem:s28+$0x30] =	vst v2  }
0x9c: {  	[tilespmem:s28+$0x10] =	vst v2  }
0x9d: {  	[tilespmem:s28+$0x0] =	vst v2  }
0x9e: {  	[tilespmem:s28+$0x40] =	vst v2  }
0x9f: {  	v3 =	vbroadcast v3, $0x0;
	[tilespmem:s30+$0xFFFFFFF0] =	vst v4  }
0xa0: {  	[tilespmem:s28+$0xFFFFFF00] =	vst v1  }
0xa1: {  	[tilespmem:s28+$0xFFFFFF80] =	vst v3  }
0xa2: {  	[tilespmem:s28+$0xFFFFFF90] =	vst v3  }
0xa3: {  	[tilespmem:s28+$0xFFFFFFA0] =	vst v3  }
0xa4: {  	[tilespmem:s28+$0xFFFFFFB0] =	vst v3  }
0xa5: {  	[tilespmem:s28+$0xFFFFFFC0] =	vst v3  }
0xa6: {  	[tilespmem:s28+$0xFFFFFFD0] =	vst v3  }
0xa7: {  	s0 =	sshll.u32 s26, $0x1;
	[tilespmem:s28+$0xFFFFFFE0] =	vst v3  }
0xa8: {  	s0 =	sadd.s32 s7, s0;
	[tilespmem:s28+$0xFFFFFFF0] =	vst v3  }
0xa9: {  	[hbm4b:s0+s4] =	stream.linear.scatter [tilespmem:s22], [sflag:$0x1], $0x500, $0x38;
	[tilespmem:$0x1FE00] =	vst v63  }
0xaa: {  	s25 =	sadd.s32 $0x1, s25;
	_ =	swait.ge [sflag:s17], $0x500  }
0xab: {  	p0 =	sne.s32 s25, $0x7D;
	[sflag:s17] =	ssyncset.done $0x0  }
.Ltmp2:
0xac: {  	[sflag:s17] =	ssyncadd.s32 $0xFFFFFB00;
	(pc) =	sbr.rel @p0 .LBB2_4-.Ltmp2, $4  }
0xad: {  	[spmem:s2] =	stream.indirect.scatter.add.f32 [tilespmem:s23], [sflag:$0x1], $0x80, s18, s19, $0xb8;
	[tilespmem:$0x1FE00] =	vst v63  }
0xae: {  	_ =	swait.ge [sflag:s17], $0x2800  }
0xaf: {  	[sflag:s17] =	ssyncset.done $0x0  }
0xb0: {  	[sflag:s17] =	ssyncadd.s32 $0xFFFFD800  }
0xb1: {  	s0 =	stileid.u32;
	s24 =	sadd.s32 $0x1, s24  }
0xb2: {  	[bflag:$0x0] =	sbarrier.arrive $0xFFFF;
	s0 =	sshll.u32 s0, $0x6;
	p0 =	sne.s32 s24, s15  }
.Ltmp3:
0xb3: {  	s3 =	sshrl.u32 s9, $0x3;
	s0 =	sor.u32 $0x1C01, s0;
	(pc) =	sbr.rel @p0 .LBB2_1-.Ltmp3, $4  }
0xb4: {  	[hbm:s14], [sflag:s0] =	dma.local [spmem:s3], $0x2800  }
0xb5: {  	_ =	swait.ge [sflag:s17], $0x2800  }
0xb6: {  	[sflag:s17] =	ssyncset.done $0x0  }
0xb7: {  	[sflag:s17] =	ssyncadd.s32 $0xFFFFD800  }
0xb8: {  	_ =	sfence.sel $0x180000  }
0xb9: {  	[bflag:$0x0] =	sbarrier.arrive $0xFFFF  }
0xba: {  	_ =	strace $0x90000053  }
0xbb: {  	s0 =	stileid.u32;
	[bflag:$0x2] =	sbarrier.arrive $0xFFFF  }
0xbc: {  	p0 =	sne.s32 s0, $0x0;
	s0 =	rddreg [dreg:$0x3]  }
0xbd: {  	s0 =	sadd.s32 @!p0 $0x100000, s0  }
0xbe: {  	[sflag:s0] =	ssyncadd.tile.s32 @!p0 $0x1;
	_ =	shalt  }
.Lfunc_end2:
_tile_overlayer_lowered:
.L_overlay_start_2:
0xbf: {  	(tag) =	ssettag $0x2  }
0xc0: {  	s0 =	rddreg [dreg:$0x0];
	s2 =	stileid.u32  }
0xc1: {  	s1 =	rddreg [dreg:$0x1];
	p0 =	sne.s32 s2, $0x0  }
0xc2: {  	s3 =	rddreg [dreg:$0x2];
	[bflag:$0x3] =	sbarrier.arrive $0xFFFF;
	s2 =	simm.s32 @!p0 $0x1C01  }
0xc3: {  	[timem:s3], [sflag:s2] =	dma.local @!p0 [hbm:s0], s1  }
0xc4: {  	s0 =	simm.s32 @!p0 $0x1  }
0xc5: {  	_ =	swait.ge @!p0 [sflag:s0], s1  }
0xc6: {  	s1 =	ssub.s32 @!p0 $0x0, s1;
	[sflag:s0] =	ssyncset.done @!p0 $0x0  }
0xc7: {  	[sflag:s0] =	ssyncadd.s32 @!p0 s1  }
0xc8: {  	[bflag:$0x3] =	sbarrier.arrive $0xFFFF  }
0xc9: {  	_ =	shalt  }

// kernel: kernel.27.cloned.1.call-start
scs
__scs_entry_jumppad:
0x0: {  	(pc) =	sbr.rel $0x88, $3  }
0x1: {  	(tag) =	ssettag $0x0;
	lr =	simm.s32 $0x1  }
0x2: {  	[smem:$0x3F96] =	sst lr;
	_ =	strace $0xD0000000  }
0x3: {  	_ = 	snop  }
0x4: {  	_ = 	snop  }
0x5: {  	_ = 	snop  }
0x6: {  	_ = 	snop  }
0x7: {  	_ = 	snop  }
__scs_overlays_trampoline_lowered:
0x8: {  	[smem:$0x3FA5] =	sst s0  }
0x9: {  	[smem:$0x3FA6] =	sst s1  }
0xa: {  	[smem:$0x3FA7] =	sst s2  }
0xb: {  	[smem:$0x3FA8] =	sst s3  }
0xc: {  	[smem:$0x3FA9] =	sst s4  }
0xd: {  	[smem:$0x3FAA] =	sst s5  }
0xe: {  	[smem:$0x3FAB] =	sst s6  }
0xf: {  	[smem:$0x3FAC] =	sst s7  }
0x10: {  	[smem:$0x3FAD] =	sst s8  }
0x11: {  	[smem:$0x3FAE] =	sst s9;
	s0 =	simm.s32 @!p0 $0x0  }
0x12: {  	s1 =	sld [smem:$0x3F94];
	s0 =	simm.s32 @p0 $0x1  }
0x13: {  	[smem:$0x3FAF] =	sst s0;
	s0 =	simm.s32 @!p1 $0x0  }
0x14: {  	s2 =	sld [smem:$0x3F93];
	s0 =	simm.s32 @p1 $0x1  }
0x15: {  	[smem:$0x3FB0] =	sst s0;
	s0 =	simm.s32 @!p2 $0x0  }
0x16: {  	s3 =	sld [smem:$0x3FDB];
	s0 =	simm.s32 @p2 $0x1  }
0x17: {  	s4 =	simm.s32 $0x1BF5;
	[smem:$0x3FB2] =	sst s0  }
0x18: {  	s0 =	sld [smem:$0x3F95];
	_ =	swait.ge [sflag:s4], $0x0  }
0x19: {  	s7 =	sld [smem:$0x3F96]  }
0x1a: {  	s8 =	sadd.s32 $0xFFFFE003, lr  }
0x1b: {  	s9 =	sadd.s32 $0xFFFFFEF7, lr;
	s5 =	simm.s32 $0xFFFFFFFF;
	p2 =	slt.u32 s8, $0xFFFFF086  }
0x1c: {  	p1 =	slt.u32 s9, $0xF7A;
	s5 =	simm.s32 @!p2 $0x0  }
0x1d: {  	s5 =	simm.s32 @p1 $0x1;
	p0 =	seq.s32 s7, s2  }
0x1e: {  	s7 =	smul.u32 @!p0 $0xF7A, s2;
	p2 =	seq.s32 @!p0 s5, $0x0  }
0x1f: {  	s9 =	smul.u32 $0xF7A, s1;
	s8 =	simm.s32 @!p0 $0x1BF5;
	p2 =	por !p2, p0  }
0x20: {  	[sflag:s8] =	ssyncset.s32 @!p0 $0xFFFFF086;
	s6 =	sadd.s32 @!p0 s3, s7;
	s7 =	simm.s32 @!p0 $0x108  }
0x21: {  	s3 =	sadd.s32 s3, s9;
	s6 =	sadd.s32 @!p0 $0x88, s6;
	s7 =	simm.s32 @p2 $0x1082  }
0x22: {  	[simem:s7], [sflag:s8] =	dma.local @!p0 [hbm:s6], $0xF7A  }
0x23: {  	s9 =	sor.u32 $0xD0000000, s2;
	s6 =	simm.s32 $0x108;
	_ =	swait.ge @!p0 [sflag:s8], $0x0  }
0x24: {  	s3 =	sadd.s32 $0x88, s3;
	s6 =	simm.s32 @!p1 $0x1082;
	[sflag:s4] =	ssyncset.s32 $0xFFFFF086  }
0x25: {  	[simem:s6], [sflag:s4] =	dma.local [hbm:s3], $0xF7A  }
0x26: {  	[smem:$0x3F96] =	sst s1;
	(tag) =	ssettag s2;
	_ =	strace s9  }
0x27: {  	s1 =	sld [smem:$0x3FA6]  }
0x28: {  	s2 =	sld [smem:$0x3FA7]  }
0x29: {  	s4 =	sld [smem:$0x3FA9]  }
0x2a: {  	p0 =	seq.s32 s5, $0x0;
	s5 =	sld [smem:$0x3FAA]  }
0x2b: {  	s6 =	sld [smem:$0x3FAB]  }
0x2c: {  	s7 =	sld [smem:$0x3FAC]  }
0x2d: {  	s3 =	simm.s32 $0x108;
	s8 =	sld [smem:$0x3FAD]  }
0x2e: {  	s3 =	simm.s32 @!p0 $0x1082;
	s9 =	sld [smem:$0x3FAE]  }
0x2f: {  	lr =	sadd.s32 s0, s3;
	s0 =	sld [smem:$0x3FA5]  }
0x30: {  	s3 =	sld [smem:$0x3FA8]  }
0x31: {  	[smem:$0x3FB1] =	sst s10  }
0x32: {  	s10 =	sld [smem:$0x3FAF];
	_ =	sdelay $0x3  }
0x33: {  	p0 =	seq.s32 s10, $0x1;
	s10 =	sld [smem:$0x3FB1];
	_ =	sdelay $0x3  }
0x34: {  	[smem:$0x3FB1] =	sst s10  }
0x35: {  	s10 =	sld [smem:$0x3FB0];
	_ =	sdelay $0x3  }
0x36: {  	p1 =	seq.s32 s10, $0x1;
	s10 =	sld [smem:$0x3FB1];
	_ =	sdelay $0x3  }
0x37: {  	[smem:$0x3FB1] =	sst s10  }
0x38: {  	s10 =	sld [smem:$0x3FB2]  }
0x39: {  	_ = 	snop;
	(pc) =	sbr.ind lr, $3  }
0x3a: {  	_ = 	snop  }
0x3b: {  	_ = 	snop  }
0x3c: {  	p2 =	seq.s32 s10, $0x1;
	s10 =	sld [smem:$0x3FB1]  }
0x3d: {  	_ =	shalt  }
0x3e: {  	_ =	shalt  }
0x3f: {  	_ =	shalt  }
0x40: {  	_ =	shalt  }
0x41: {  	_ =	shalt  }
0x42: {  	_ =	shalt  }
0x43: {  	_ =	shalt  }
0x44: {  	_ =	shalt  }
0x45: {  	_ =	shalt  }
0x46: {  	_ =	shalt  }
0x47: {  	_ =	shalt  }
0x48: {  	_ =	shalt  }
0x49: {  	_ =	shalt  }
0x4a: {  	_ =	shalt  }
0x4b: {  	_ =	shalt  }
0x4c: {  	_ =	shalt  }
0x4d: {  	_ =	shalt  }
0x4e: {  	_ =	shalt  }
0x4f: {  	_ =	shalt  }
0x50: {  	_ =	shalt  }
0x51: {  	_ =	shalt  }
0x52: {  	_ =	shalt  }
0x53: {  	_ =	shalt  }
0x54: {  	_ =	shalt  }
0x55: {  	_ =	shalt  }
0x56: {  	_ =	shalt  }
0x57: {  	_ =	shalt  }
0x58: {  	_ =	shalt  }
0x59: {  	_ =	shalt  }
0x5a: {  	_ =	shalt  }
0x5b: {  	_ =	shalt  }
0x5c: {  	_ =	shalt  }
0x5d: {  	_ =	shalt  }
0x5e: {  	_ =	shalt  }
0x5f: {  	_ =	shalt  }
0x60: {  	_ =	shalt  }
0x61: {  	_ =	shalt  }
0x62: {  	_ =	shalt  }
0x63: {  	_ =	shalt  }
0x64: {  	_ =	shalt  }
0x65: {  	_ =	shalt  }
0x66: {  	_ =	shalt  }
0x67: {  	_ =	shalt  }
0x68: {  	_ =	shalt  }
0x69: {  	_ =	shalt  }
0x6a: {  	_ =	shalt  }
0x6b: {  	_ =	shalt  }
0x6c: {  	_ =	shalt  }
0x6d: {  	_ =	shalt  }
0x6e: {  	_ =	shalt  }
0x6f: {  	_ =	shalt  }
0x70: {  	_ =	shalt  }
0x71: {  	_ =	shalt  }
0x72: {  	_ =	shalt  }
0x73: {  	_ =	shalt  }
0x74: {  	_ =	shalt  }
0x75: {  	_ =	shalt  }
0x76: {  	_ =	shalt  }
0x77: {  	_ =	shalt  }
0x78: {  	_ =	shalt  }
0x79: {  	_ =	shalt  }
0x7a: {  	_ =	shalt  }
0x7b: {  	_ =	shalt  }
0x7c: {  	_ =	shalt  }
0x7d: {  	_ =	shalt  }
0x7e: {  	_ =	shalt  }
0x7f: {  	_ =	shalt  }
0x80: {  	_ =	shalt  }
0x81: {  	_ =	shalt  }
0x82: {  	_ =	shalt  }
0x83: {  	_ =	shalt  }
0x84: {  	_ =	shalt  }
0x85: {  	_ =	shalt  }
0x86: {  	_ =	shalt  }
0x87: {  	_ =	shalt  }
.Lfunc_end0:
.L_simem_size_0:
called_computation.5_lowered:
.L_overlay_start_0:
0x88: {  	s2 =	sld [smem:$0x3FD9]  }
0x89: {  	s3 =	sld [smem:$0x3FFE];
	_ =	sdelay $0x1  }
0x8a: {  	s1 =	srdreg.scid  }
0x8b: {  	s0 =	sand.u32 $0x1, s1  }
0x8c: {  	s17 =	sshll.u32 s0, $0xA;
	s2 =	sadd.s32 s3, s2  }
0x8d: {  	s2 =	sadd.s32 s2, s17  }
0x8e: {  	[smem:$0x3FBD] =	sst s2  }
0x8f: {  	_ = 	snop  }
0x90: {  	s2 =	sld [smem:$0x3FD0];
	(tm) =	ssettm $0x1  }
0x91: {  	s18 =	sld [smem:$0x3FFB];
	_ =	sdelay $0x3  }
0x92: {  	_ =	strace s18  }
0x93: {  	s3 =	sld [smem:$0x3FFC];
	_ =	sdelay $0x3  }
0x94: {  	_ =	strace s3  }
0x95: {  	s3 =	sld [smem:$0x3FFD];
	_ =	sdelay $0x3  }
0x96: {  	_ =	strace s3  }
0x97: {  	_ =	strace $0x8FFFFFFF  }
0x98: {  	s19 =	sld [smem:$0x3FDB];
	_ =	sdelay $0x1  }
0x99: {  	s4 =	simm.s32 $_scs_section_size  }
0x9a: {  	s5 =	simm.s32 $_size__tile_overlayer_lowered;
	s6 =	simm.s32 $_tile_overlayer_lowered  }
0x9b: {  	s22 =	simm.s32 $0x1BFF;
	s21 =	sshll.u32 s6, $0x1;
	s3 =	sadd.s32 s4, s19  }
0x9c: {  	s7 =	simm.s32 $0x0;
	s20 =	sshll.u32 s5, $0x1;
	s5 =	sadd.s32 s21, s3  }
0x9d: {  	[timem:s7], [sflag:s22] =	dma.local [hbm:s5], s20  }
0x9e: {  	_ =	swait.ge [sflag:s22], s20  }
0x9f: {  	s4 =	ssub.s32 $0x0, s20;
	[sflag:s22] =	ssyncset.done $0x0  }
0xa0: {  	[sflag:s22] =	ssyncadd.s32 s4;
	_ =	sdelay $0x1  }
0xa1: {  	s23 =	simm.s32 $0x1B8B  }
0xa2: {  	_ =	swait.ge [sflag:s23], $0x1  }
0xa3: {  	[sflag:s23] =	ssyncset.done $0x0  }
0xa4: {  	s25 =	simm.s32 $0x1B8E;
	s24 =	sld [smem:$0x3FFE];
	[sflag:s23] =	ssyncadd.s32 $0xFFFFFFFF  }
0xa5: {  	s26 =	simm.s32 $execute0_lowered;
	[smem:$0x3FD2] =	sst s25  }
0xa6: {  	s5 =	sshll.u32 s26, $0x1;
	_ =	strace $0x80000055;
	[dreg:$0x1] =	wrdreg $0xFFFFFFFF  }
0xa7: {  	s28 =	simm.s32 $_size_execute0_lowered;
	s3 =	sadd.s32 s3, s5;
	[dreg:$0x0] =	wrdreg $0x0  }
0xa8: {  	s5 =	sshll.u32 s28, $0x1;
	[dreg:$0x2] =	wrdreg s3  }
0xa9: {  	[dreg:$0x3] =	wrdreg s5  }
0xaa: {  	[dreg:$0x4] =	wrdreg $0xC0  }
0xab: {  	_ =	task [dreg:s7], $0x5FFFF  }
0xac: {  	[dreg:$0x1] =	wrdreg $0xFFFFFFFF  }
0xad: {  	[dreg:$0x0] =	wrdreg $0x60  }
0xae: {  	[dreg:$0x2] =	wrdreg s24  }
0xaf: {  	[dreg:$0x3] =	wrdreg s2  }
0xb0: {  	[dreg:$0x4] =	wrdreg $0x6E000  }
0xb1: {  	[dreg:$0x5] =	wrdreg $0x9  }
0xb2: {  	_ =	task.clear_ibuf [dreg:s7], $0x6FFFF;
	_ =	strace $0x90000055  }
0xb3: {  	s29 =	simm.s32 $0x9;
	_ =	strace $0x80000057  }
0xb4: {  	_ =	swait.ge [sflag:s29], $0x1  }
0xb5: {  	[sflag:s29] =	ssyncadd.s32 $0xFFFFFFFF  }
0xb6: {  	_ =	strace $0x90000057  }
0xb7: {  	_ =	sfence  }
0xb8: {  	s30 =	sld [smem:$0x0];
	_ =	sdelay $0x2  }
0xb9: {  	s31 =	sshll.u32 s1, $0xD;
	s1 =	sshrl.u32 s1, $0x2  }
0xba: {  	s3 =	sand.u32 $0x4000, s31;
	s1 =	sadd.s32 s1, s30  }
0xbb: {  	s0 =	sor.u32 s3, s0;
	s1 =	sshll.u32 s1, $0x11  }
0xbc: {  	s0 =	sor.u32 s1, s0  }
0xbd: {  	s0 =	sadd.s32 $0x8F2B, s0  }
0xbe: {  	[sflag:s0] =	ssyncadd.remote.s32 $0x1  }
0xbf: {  	_ =	sfence.sel $0xFFFF  }
0xc0: {  	[dreg:$0x0] =	wrdreg $0xFFFFFFFF;
	(pc) =	sbr.abs _section_cstart, $3  }
0xc1: {  	[dreg:$0x1] =	wrdreg $0xFFFFFFFF  }
0xc2: {  	_ =	task.clear_ibuf [dreg:s7], $0x2FFFF;
	_ =	strace $0x9FFFFFFF  }
0xc3: {  	(tm) =	ssettm $0x7FFFFFFF  }
tec
execute0_lowered:
.L_overlay_start_1:
0x0: {  	(tag) =	ssettag $0x1  }
0x1: {  	s8 =	rddreg [dreg:$0x0]  }
0x2: {  	s2 =	rddreg [dreg:$0x1]  }
0x3: {  	s0 =	srdreg.scid;
	s3 =	rddreg [dreg:$0x2]  }
0x4: {  	s1 =	stileid.u32;
	s4 =	simm.s32 $0x0;
	s16 =	simm.s32 $0x2E00  }
0x5: {  	s17 =	simm.s32 $0x1;
	s18 =	simm.s32 $0x80;
	s19 =	simm.s32 $0x50  }
0x6: {  	s20 =	simm.s32 $0x100;
	s21 =	simm.s32 $0x2900;
	s22 =	simm.s32 $0x0  }
0x7: {  	s9 =	sand.u32 $0x1, s0;
	s0 =	rddreg [dreg:$0x3];
	s6 =	smul.u32 $0x14000, s1  }
0x8: {  	[smem:$0x7FF] =	sst s4;
	s11 =	smul.u32 $0x50000, s1;
	s7 =	sadd.s32 $0x3000, s8  }
0x9: {  	s5 =	smul.u32 $0x140000, s9;
	_ =	strace $0x80000056;
	s28 =	ssub.s32 $0x2, s9  }
0xa: {  	s29 =	sshll.u32 s9, $0x4;
	s30 =	sshrl.u32 s11, $0x2;
	s31 =	sshrl.u32 s28, $0x1  }
0xb: {  	s12 =	sor.u32 s1, s29;
	s6 =	sadd.s32 s6, s5;
	s5 =	sadd.s32 $0x34E00, s8  }
0xc: {  	s15 =	ssub.s32 s28, s31;
	s9 =	smul.u32 $0x2710, s12;
	s10 =	sshrl.u32 s6, $0x3  }
0xd: {  	s6 =	sadd.s32 $0x5CE00, s8;
	s14 =	sadd.s32 s10, s8;
	s8 =	sadd.s32 s30, s3  }
0xe: {  	s15 =	smax.u32 s15, $0x1;
	s10 =	sadd.s32 $0x4000, s8;
	s11 =	sadd.s32 $0x8000, s8  }
0xf: {  	v0 =	vimm.f32 $0.0e+00;
	s12 =	sadd.s32 $0xC000, s8;
	s13 =	sadd.s32 $0x10000, s8;
	s14 =	sadd.s32 $0x149200, s14  }
.LBB2_1:
0x10: {  	s23 =	simm.s32 $0x2E40  }
0x11: {  	[tilespmem:s23+$0xFFFFFFC0] =	vst v0  }
0x12: {  	[tilespmem:s23+$0x30] =	vst v0  }
0x13: {  	[tilespmem:s23+$0x20] =	vst v0  }
0x14: {  	[tilespmem:s23+$0x10] =	vst v0  }
0x15: {  	[tilespmem:s23+$0x0] =	vst v0  }
0x16: {  	[tilespmem:s23+$0xFFFFFFF0] =	vst v0  }
0x17: {  	s24 =	simm.s32 $0x0;
	[tilespmem:s23+$0xFFFFFFE0] =	vst v0  }
.LBB2_2:
0x18: {  	s24 =	sadd.s32 $0x8, s24;
	[tilespmem:s23+$0xFFFFFFD0] =	vst v0;
	s23 =	sadd.s32 $0x80, s23  }
0x19: {  	[tilespmem:s23+$0xFFFFFFC0] =	vst v0;
	p0 =	slt.u32 s24, $0x3F8  }
0x1a: {  	[tilespmem:s23+$0x30] =	vst v0  }
.Ltmp0:
0x1b: {  	[tilespmem:s23+$0x20] =	vst v0;
	(pc) =	sbr.rel @p0 .LBB2_2-.Ltmp0, $4  }
0x1c: {  	[tilespmem:s23+$0x10] =	vst v0  }
0x1d: {  	[tilespmem:s23+$0x0] =	vst v0  }
0x1e: {  	[tilespmem:s23+$0xFFFFFFF0] =	vst v0  }
0x1f: {  	[tilespmem:s23+$0xFFFFFFE0] =	vst v0  }
0x20: {  	[tilespmem:s23+$0xFFFFFFD0] =	vst v0  }
0x21: {  	[spmem:s8] =	stream.linear.scatter [tilespmem:s16], [sflag:$0x1], $0x4000, $0x38;
	[tilespmem:$0x1AE00] =	vst v63  }
0x22: {  	_ =	swait.ge [sflag:s17], $0x4000  }
0x23: {  	[sflag:s17] =	ssyncset.done $0x0  }
0x24: {  	[sflag:s17] =	ssyncadd.s32 $0xFFFFC000  }
0x25: {  	[spmem:s10] =	stream.linear.scatter [tilespmem:s16], [sflag:$0x1], $0x4000, $0x38;
	[tilespmem:$0x1AE00] =	vst v63  }
0x26: {  	_ =	swait.ge [sflag:s17], $0x4000  }
0x27: {  	[sflag:s17] =	ssyncset.done $0x0  }
0x28: {  	[sflag:s17] =	ssyncadd.s32 $0xFFFFC000  }
0x29: {  	[spmem:s11] =	stream.linear.scatter [tilespmem:s16], [sflag:$0x1], $0x4000, $0x38;
	[tilespmem:$0x1AE00] =	vst v63  }
0x2a: {  	_ =	swait.ge [sflag:s17], $0x4000  }
0x2b: {  	[sflag:s17] =	ssyncset.done $0x0  }
0x2c: {  	[sflag:s17] =	ssyncadd.s32 $0xFFFFC000  }
0x2d: {  	[spmem:s12] =	stream.linear.scatter [tilespmem:s16], [sflag:$0x1], $0x4000, $0x38;
	[tilespmem:$0x1AE00] =	vst v63  }
0x2e: {  	_ =	swait.ge [sflag:s17], $0x4000  }
0x2f: {  	[sflag:s17] =	ssyncset.done $0x0  }
0x30: {  	[sflag:s17] =	ssyncadd.s32 $0xFFFFC000  }
0x31: {  	[spmem:s13] =	stream.linear.scatter [tilespmem:s16], [sflag:$0x1], $0x4000, $0x38;
	[tilespmem:$0x1AE00] =	vst v63  }
0x32: {  	_ =	swait.ge [sflag:s17], $0x4000  }
0x33: {  	[sflag:s17] =	ssyncset.done $0x0  }
0x34: {  	[sflag:s17] =	ssyncadd.s32 $0xFFFFC000  }
0x35: {  	s23 =	simm.s32 $0x0;
	[bflag:$0x0] =	sbarrier.arrive $0xFFFF  }
.LBB2_4:
0x36: {  	s24 =	smul.u32 $0x50, s23;
	_ =	sdelay $0x1  }
0x37: {  	s24 =	sadd.s32 s9, s24  }
0x38: {  	s25 =	sshrl.u32 s24, $0x3  }
0x39: {  	s26 =	sadd.s32 s7, s25  }
0x3a: {  	[tilespmem:s4], [sflag:$0x1] =	stream.linear.gather [hbm4b:s26+s4], $0x50, $0x38;
	[tilespmem:$0x1AE00] =	vst v63  }
0x3b: {  	_ =	swait.ge [sflag:s17], $0x50  }
0x3c: {  	[sflag:s17] =	ssyncset.done $0x0  }
0x3d: {  	s25 =	sadd.s32 s2, s25;
	[sflag:s17] =	ssyncadd.s32 $0xFFFFFFB0  }
0x3e: {  	[tilespmem:s18], [sflag:$0x1] =	stream.linear.gather [hbm4b:s25+s4], $0x50, $0x38;
	[tilespmem:$0x1AE00] =	vst v63  }
0x3f: {  	_ =	swait.ge [sflag:s17], $0x50  }
0x40: {  	[sflag:s17] =	ssyncset.done $0x0  }
0x41: {  	[sflag:s17] =	ssyncadd.s32 $0xFFFFFFB0  }
0x42: {  	[tilespmem:s20], [sflag:$0x1] =	stream.indirect.gather [hbm4b:s5+s19], $0x80, s4, s19, $0xb8;
	[tilespmem:$0x1AE00] =	vst v63  }
0x43: {  	_ =	swait.ge [sflag:s17], $0x2800  }
0x44: {  	s24 =	sshll.u32 s24, $0x1;
	[sflag:s17] =	ssyncset.done $0x0  }
0x45: {  	s24 =	sadd.s32 s6, s24;
	[sflag:s17] =	ssyncadd.s32 $0xFFFFD800  }
0x46: {  	[tilespmem:s21], [sflag:$0x1] =	stream.linear.gather [hbm4b:s24+s4], $0x500, $0x38;
	[tilespmem:$0x1AE00] =	vst v63  }
0x47: {  	_ =	swait.ge [sflag:s17], $0x500  }
0x48: {  	[sflag:s17] =	ssyncset.done $0x0  }
0x49: {  	s31 =	simm.s32 $0x2920;
	[sflag:s17] =	ssyncadd.s32 $0xFFFFFB00  }
0x4a: {  	s24 =	simm.s32 $0x200;
	v2 =	vld.msk [tilespmem:s31+$0x10 ss:$0x0], $0xffff  }
0x4b: {  	v4 =	vld [tilespmem:s24+$0x90]  }
0x4c: {  	v3 =	vld.msk [tilespmem:s31+$0xFFFFFFF0 ss:$0x0], $0xffff  }
0x4d: {  	v1 =	vld.msk [tilespmem:s31+$0x0 ss:$0x0], $0xffff  }
0x4e: {  	v6 =	vld.msk [tilespmem:s31+$0xFFFFFFE0 ss:$0x0], $0xffff  }
0x4f: {  	v9 =	vld [tilespmem:s24+$0xFFFFFF00]  }
0x50: {  	v11 =	vld [tilespmem:s24+$0xFFFFFF10]  }
0x51: {  	v8 =	vld [tilespmem:s24+$0xFFFFFF80]  }
0x52: {  	v7 =	vld [tilespmem:s24+$0xFFFFFF90];
	v5 =	vmul.f32 v4, v2  }
0x53: {  	v4 =	vld [tilespmem:s24+$0x0]  }
0x54: {  	v10 =	vmul.f32 v6, v9;
	[tilespmem:s24+$0x90] =	vst v5;
	v5 =	vld [tilespmem:s24+$0x10]  }
0x55: {  	s28 =	simm.s32 $0x200;
	s26 =	simm.s32 $0x2960;
	s25 =	simm.s32 $0x0;
	v9 =	vmul.f32 v11, v6;
	v6 =	vld [tilespmem:s24+$0x80]  }
.LBB2_5:
0x56: {  	v11 =	vld.msk [tilespmem:s26+$0x10 ss:$0x0], $0xffff;
	s25 =	sadd.s32 $0x4, s25;
	[tilespmem:s24+$0xFFFFFF00] =	vst v10;
	v8 =	vmul.f32 v3, v8;
	s28 =	sadd.s32 $0x200, s28  }
0x57: {  	v10 =	vld [tilespmem:s28+$0x90];
	p0 =	slt.u32 s25, $0x4C;
	[tilespmem:s24+$0xFFFFFF10] =	vst v9;
	v7 =	vmul.f32 v7, v3  }
0x58: {  	v3 =	vld.msk [tilespmem:s26+$0xFFFFFFF0 ss:$0x0], $0xffff;
	[tilespmem:s24+$0xFFFFFF80] =	vst v8;
	v4 =	vmul.f32 v1, v4  }
0x59: {  	[tilespmem:s24+$0xFFFFFF90] =	vst v7;
	v5 =	vmul.f32 v5, v1;
	v1 =	vld.msk [tilespmem:s26+$0x0 ss:$0x0], $0xffff  }
0x5a: {  	v9 =	vld.msk [tilespmem:s26+$0xFFFFFFE0 ss:$0x0], $0xffff;
	[tilespmem:s24+$0x0] =	vst v4;
	v7 =	vmul.f32 v2, v6  }
0x5b: {  	v6 =	vld [tilespmem:s28+$0xFFFFFF00];
	[tilespmem:s24+$0x10] =	vst v5  }
0x5c: {  	v2 =	vmov v11;
	v12 =	vld [tilespmem:s28+$0xFFFFFF10];
	v4 =	vmul.f32 v10, v11;
	[tilespmem:s24+$0x80] =	vst v7;
	s24 =	smov.u32 s28  }
.Ltmp1:
0x5d: {  	v8 =	vld [tilespmem:s28+$0xFFFFFF80];
	(pc) =	sbr.rel @p0 .LBB2_5-.Ltmp1, $4  }
0x5e: {  	v7 =	vld [tilespmem:s28+$0xFFFFFF90];
	[tilespmem:s28+$0x90] =	vst v4  }
0x5f: {  	v4 =	vld [tilespmem:s28+$0x0]  }
0x60: {  	v10 =	vmul.f32 v9, v6;
	v5 =	vld [tilespmem:s28+$0x10]  }
0x61: {  	s26 =	sadd.s32 $0x40, s26;
	v9 =	vmul.f32 v12, v9;
	v6 =	vld [tilespmem:s28+$0x80]  }
0x62: {  	[tilespmem:s24+$0xFFFFFF00] =	vst v10;
	v8 =	vmul.f32 v3, v8  }
0x63: {  	[tilespmem:s24+$0xFFFFFF10] =	vst v9;
	v3 =	vmul.f32 v7, v3  }
0x64: {  	[tilespmem:s24+$0xFFFFFF80] =	vst v8;
	v4 =	vmul.f32 v1, v4  }
0x65: {  	[tilespmem:s24+$0xFFFFFF90] =	vst v3;
	v1 =	vmul.f32 v5, v1  }
0x66: {  	s23 =	sadd.s32 $0x1, s23;
	[tilespmem:s24+$0x0] =	vst v4;
	v2 =	vmul.f32 v2, v6  }
0x67: {  	p0 =	sne.s32 s23, $0x7D;
	[tilespmem:s24+$0x10] =	vst v1  }
.Ltmp2:
0x68: {  	[tilespmem:s24+$0x80] =	vst v2;
	(pc) =	sbr.rel @p0 .LBB2_4-.Ltmp2, $4  }
0x69: {  	[spmem:s3] =	stream.indirect.scatter.add.f32 [tilespmem:s20], [sflag:$0x1], $0x80, s18, s19, $0xb8;
	[tilespmem:$0x1AE00] =	vst v63  }
0x6a: {  	_ =	swait.ge [sflag:s17], $0x2800  }
0x6b: {  	[sflag:s17] =	ssyncset.done $0x0  }
0x6c: {  	[sflag:s17] =	ssyncadd.s32 $0xFFFFD800  }
0x6d: {  	s22 =	sadd.s32 $0x1, s22  }
0x6e: {  	s23 =	sshll.u32 s1, $0x6;
	[bflag:$0x0] =	sbarrier.arrive $0xFFFF;
	p0 =	sne.s32 s22, s15  }
.Ltmp3:
0x6f: {  	s24 =	sshrl.u32 s8, $0x3;
	s23 =	sor.u32 $0x1C01, s23;
	(pc) =	sbr.rel @p0 .LBB2_1-.Ltmp3, $4  }
0x70: {  	[hbm:s14], [sflag:s23] =	dma.local [spmem:s24], $0x2800  }
0x71: {  	_ =	swait.ge [sflag:s17], $0x2800  }
0x72: {  	[sflag:s17] =	ssyncset.done $0x0  }
0x73: {  	[sflag:s17] =	ssyncadd.s32 $0xFFFFD800  }
0x74: {  	_ =	sfence.sel $0x180000  }
0x75: {  	[bflag:$0x0] =	sbarrier.arrive $0xFFFF  }
0x76: {  	p0 =	sne.s32 s1, $0x0;
	_ =	strace $0x90000056  }
0x77: {  	s0 =	sadd.s32 @!p0 $0x100000, s0;
	[bflag:$0x2] =	sbarrier.arrive $0xFFFF  }
0x78: {  	[sflag:s0] =	ssyncadd.tile.s32 @!p0 $0x1;
	_ =	shalt  }
.Lfunc_end2:
_tile_overlayer_lowered:
.L_overlay_start_2:
0x79: {  	(tag) =	ssettag $0x2  }
0x7a: {  	s0 =	rddreg [dreg:$0x0];
	s2 =	stileid.u32  }
0x7b: {  	s1 =	rddreg [dreg:$0x1];
	p0 =	sne.s32 s2, $0x0  }
0x7c: {  	s3 =	rddreg [dreg:$0x2];
	[bflag:$0x3] =	sbarrier.arrive $0xFFFF;
	s2 =	simm.s32 @!p0 $0x1C01  }
0x7d: {  	[timem:s3], [sflag:s2] =	dma.local @!p0 [hbm:s0], s1  }
0x7e: {  	s0 =	simm.s32 @!p0 $0x1  }
0x7f: {  	_ =	swait.ge @!p0 [sflag:s0], s1  }
0x80: {  	s1 =	ssub.s32 @!p0 $0x0, s1;
	[sflag:s0] =	ssyncset.done @!p0 $0x0  }
0x81: {  	[sflag:s0] =	ssyncadd.s32 @!p0 s1  }
0x82: {  	[bflag:$0x3] =	sbarrier.arrive $0xFFFF  }
0x83: {  	_ =	shalt  }

</sc_bundles>
